<compile_context>
chip_gen: v7x
topology: tpu7x:2x2x1
jax: 0.10.2.dev20260603
libtpu: 0.0.44.dev20260713+nightly
codegen_flags: <defaults>
</compile_context>

<pallas_src>
import functools
import math

import jax
import jax.numpy as jnp
from jax import lax
from jax.experimental import pallas as pl
from jax.experimental.pallas import tpu as pltpu
from jax.experimental.pallas import tpu_sc as plsc

_CH = 128
_ZCH = 128
_K = 2
_LANES = 16
_NTILES = 32


def _sc_mesh():
    return plsc.VectorSubcoreMesh(core_axis_name="c", subcore_axis_name="s")


def _make_deg(n_acc, nch, ch, k):
    w = 8
    zch = n_acc // (16 * _ZCH)

    @functools.partial(
        pl.kernel,
        out_type=jax.ShapeDtypeStruct((2, n_acc, w), jnp.float32),
        mesh=_sc_mesh(),
        compiler_params=pltpu.CompilerParams(use_tc_tiling_on_sc=False),
        scratch_types=[
            pltpu.VMEM((nch, ch), jnp.int32),
            pltpu.VMEM((ch, w), jnp.float32),
            pltpu.VMEM((_ZCH, w), jnp.float32),
            pltpu.VMEM_SHARED((n_acc, w), jnp.float32),
            pltpu.SemaphoreType.DMA,
        ],
    )
    def deg_kernel(zeros_hbm, ones_hbm, dst_hbm, out_hbm, dst_i, ones_v,
                   zero_v, acc_sh, sem):
        c = lax.axis_index("c")
        s = lax.axis_index("s")
        wid = s * 2 + c
        pltpu.sync_copy(dst_hbm.at[wid], dst_i)
        pltpu.sync_copy(zeros_hbm, zero_v)
        pltpu.sync_copy(ones_hbm, ones_v)

        def zacc(i, carry):
            pltpu.sync_copy(zero_v,
                            acc_sh.at[pl.ds((s * zch + i) * _ZCH, _ZCH)])
            return carry
        lax.fori_loop(0, zch, zacc, 0)
        plsc.subcore_barrier()

        def body(i, carry):
            for b in range(k):
                pltpu.async_copy(ones_v, acc_sh.at[dst_i.at[i * k + b]],
                                 sem, add=True)
            for b in range(k):
                pltpu.make_async_copy(
                    ones_v, acc_sh.at[dst_i.at[i * k + b]], sem).wait()
            return carry
        lax.fori_loop(0, nch // k, body, 0)
        plsc.subcore_barrier()

        rpt = n_acc // 16
        pltpu.sync_copy(acc_sh.at[pl.ds(s * rpt, rpt)],
                        out_hbm.at[c].at[pl.ds(s * rpt, rpt)])

    return deg_kernel


def _make_prop(n_acc, nch, ch, f, k):
    zch = n_acc // (16 * _ZCH)
    nb = nch // k

    @functools.partial(
        pl.kernel,
        out_type=jax.ShapeDtypeStruct((2, n_acc, f), jnp.float32),
        mesh=_sc_mesh(),
        compiler_params=pltpu.CompilerParams(use_tc_tiling_on_sc=False),
        scratch_types=[
            pltpu.VMEM((nch, ch), jnp.int32),
            pltpu.VMEM((k, ch), jnp.int32),
            pltpu.VMEM((k, ch), jnp.int32),
            pltpu.VMEM((k * ch, f), jnp.float32),
            pltpu.VMEM((k * ch, f), jnp.float32),
            pltpu.VMEM_SHARED((n_acc, f), jnp.float32),
            pltpu.VMEM_SHARED((n_acc, f), jnp.float32),
            pltpu.SemaphoreType.DMA,
            pltpu.SemaphoreType.DMA,
            pltpu.SemaphoreType.DMA,
            pltpu.SemaphoreType.DMA,
            pltpu.SemaphoreType.DMA,
        ],
    )
    def prop_kernel(h_hbm, src_hbm, dst_hbm, out_hbm,
                    src_i, di0, di1, rows0, rows1, acc_sh, tab_sh,
                    g0, g1, s0, s1, isem):
        c = lax.axis_index("c")
        s = lax.axis_index("s")
        wid = s * 2 + c
        pltpu.sync_copy(src_hbm.at[wid], src_i)
        rpt = n_acc // 16
        pltpu.sync_copy(h_hbm.at[pl.ds(s * rpt, rpt)],
                        tab_sh.at[pl.ds(s * rpt, rpt)])

        def zrow(i, carry):
            for j in range(f // _LANES):
                rows0[i, pl.ds(j * _LANES, _LANES)] = jnp.zeros(
                    (_LANES,), jnp.float32)
            return carry
        lax.fori_loop(0, _ZCH, zrow, 0)

        def zacc(i, carry):
            pltpu.sync_copy(rows0.at[pl.ds(0, _ZCH)],
                            acc_sh.at[pl.ds((s * zch + i) * _ZCH, _ZCH)])
            return carry
        lax.fori_loop(0, zch, zacc, 0)
        plsc.subcore_barrier()

        def idx_load(t, di):
            pltpu.sync_copy(dst_hbm.at[wid].at[pl.ds(t * k, k)], di)

        def fire(t, rows, sem):
            for b in range(k):
                pltpu.async_copy(tab_sh.at[src_i.at[t * k + b]],
                                 rows.at[pl.ds(b * ch, ch)], sem)

        def wait_rows(rows, sem):
            for b in range(k):
                pltpu.make_async_copy(tab_sh.at[src_i.at[0]],
                                      rows.at[pl.ds(b * ch, ch)],
                                      sem).wait()

        def scat(t, rows, di, sem):
            for b in range(k):
                pltpu.async_copy(rows.at[pl.ds(b * ch, ch)],
                                 acc_sh.at[di.at[b]], sem, add=True)

        def wait_scat(rows, di, sem):
            for b in range(k):
                pltpu.make_async_copy(rows.at[pl.ds(b * ch, ch)],
                                      acc_sh.at[di.at[b]], sem).wait()

        idx_load(0, di0)
        fire(0, rows0, g0)
        fire(1, rows1, g1)

        def body(i, carry):
            t = 2 * i
            pltpu.async_copy(dst_hbm.at[wid].at[pl.ds((t + 1) * k, k)],
                             di1, isem)
            wait_rows(rows0, g0)
            scat(t, rows0, di0, s0)
            wait_scat(rows0, di0, s0)

            @pl.when(t + 2 < nb)
            def _():
                fire(t + 2, rows0, g0)

            pltpu.make_async_copy(dst_hbm.at[wid].at[pl.ds(0, k)],
                                  di1, isem).wait()
            wait_rows(rows1, g1)
            scat(t + 1, rows1, di1, s1)
            wait_scat(rows1, di1, s1)

            @pl.when(t + 3 < nb)
            def _():
                fire(t + 3, rows1, g1)

            @pl.when(t + 2 < nb)
            def _():
                idx_load(t + 2, di0)
            return carry
        lax.fori_loop(0, nb // 2, body, 0)
        plsc.subcore_barrier()

        pltpu.sync_copy(acc_sh.at[pl.ds(s * rpt, rpt)],
                        out_hbm.at[c].at[pl.ds(s * rpt, rpt)])

    return prop_kernel


def _tc_first(n, n_acc, f1):
    def body(feat_ref, w_ref, degp_ref, h_ref, dis_ref):
        deg = degp_ref[0, 0:n, 0:1] + degp_ref[1, 0:n, 0:1] + 1.0
        dis = lax.rsqrt(deg)
        h = jnp.dot(feat_ref[...], w_ref[...],
                    precision=lax.Precision.DEFAULT,
                    preferred_element_type=jnp.float32)
        h_ref[0:n, :] = h * dis
        h_ref[n:n_acc, :] = jnp.zeros((n_acc - n, h.shape[1]), jnp.float32)
        dis_ref[...] = dis

    return pl.pallas_call(
        body,
        out_shape=(jax.ShapeDtypeStruct((n_acc, f1), jnp.float32),
                   jax.ShapeDtypeStruct((n, 1), jnp.float32)))


def _tc_mid(n, n_acc, f_out):
    def body(p_ref, h_ref, dis_ref, b_ref, w_ref, o_ref):
        dis = dis_ref[...]
        prop = p_ref[0, 0:n, :] + p_ref[1, 0:n, :] + h_ref[0:n, :]
        x = jnp.maximum(prop * dis + b_ref[...], 0.0)
        o_ref[0:n, :] = jnp.dot(x, w_ref[...],
                                precision=lax.Precision.DEFAULT,
                                preferred_element_type=jnp.float32) * dis
        o_ref[n:n_acc, :] = jnp.zeros((n_acc - n, w_ref.shape[1]),
                                      jnp.float32)

    return pl.pallas_call(
        body, out_shape=jax.ShapeDtypeStruct((n_acc, f_out), jnp.float32))


def _tc_final(n, f3):
    def body(p_ref, h_ref, dis_ref, b_ref, aw_ref, abs_ref, pool_ref):
        abstract = ((p_ref[0, 0:n, :] + p_ref[1, 0:n, :] + h_ref[0:n, :])
                    * dis_ref[...] + b_ref[...])
        abs_ref[...] = abstract
        gc = jnp.mean(jnp.dot(abstract, aw_ref[...],
                              precision=lax.Precision.DEFAULT,
                              preferred_element_type=jnp.float32),
                      axis=0, keepdims=True)
        tg = jnp.tanh(gc)
        scores = jax.nn.sigmoid(jnp.sum(abstract * tg, axis=1, keepdims=True))
        pool_ref[...] = jnp.sum(abstract * scores, axis=0, keepdims=True)

    return pl.pallas_call(
        body,
        out_shape=(jax.ShapeDtypeStruct((n, f3), jnp.float32),
                   jax.ShapeDtypeStruct((1, f3), jnp.float32)))


def kernel(edge_index, features, W1, b1, W2, b2, W3, b3, att_W):
    n, _ = features.shape
    e = edge_index.shape[1]
    f1, f2, f3 = W1.shape[1], W2.shape[1], W3.shape[1]

    def _pick_ch(edges):
        per_tile = edges // _NTILES
        if edges % _NTILES == 0:
            for c in range(_CH, 15, -1):
                if per_tile % (c * 8) == 0:
                    return c, per_tile // c, 0
        quantum = _CH * 8
        ept = math.ceil(edges / (_NTILES * quantum)) * quantum
        return _CH, ept // _CH, ept * _NTILES - edges

    ch, nch, pad = _pick_ch(e)
    n_acc = math.ceil((n + 1) / (16 * _ZCH)) * (16 * _ZCH)

    if pad:
        src = jnp.concatenate(
            [edge_index[0], jnp.zeros((pad,), jnp.int32)])
        dst = jnp.concatenate(
            [edge_index[1], jnp.full((pad,), n, jnp.int32)])
    else:
        src, dst = edge_index[0], edge_index[1]
    src = src.reshape(_NTILES, nch, ch)
    dst = dst.reshape(_NTILES, nch, ch)

    z8 = jnp.zeros((_ZCH, 8), jnp.float32)
    o8 = jnp.ones((ch, 8), jnp.float32)
    degp = _make_deg(n_acc, nch, ch, 4)(z8, o8, dst)
    h1s, dis = _tc_first(n, n_acc, f1)(features, W1, degp)
    q = _make_prop(n_acc, nch, ch, f1, 2)(h1s, src, dst)
    h2s = _tc_mid(n, n_acc, f2)(q, h1s, dis, b1.reshape(1, f1), W2)
    r = _make_prop(n_acc, nch, ch, f2, 4)(h2s, src, dst)
    h3s = _tc_mid(n, n_acc, f3)(r, h2s, dis, b2.reshape(1, f2), W3)
    sp = _make_prop(n_acc, nch, ch, f3, 4)(h3s, src, dst)
    abstract, pooled = _tc_final(n, f3)(sp, h3s, dis,
                                        b3.reshape(1, f3), att_W)
    return abstract, pooled.reshape(f3, 1)

# --- scband reference (transcript-rebuilt; emitter-appended) ---
"""Pipeline reference for scband-graph-embedding-74612171866521 (READ-ONLY COPY).

The authoritative reference and input builder live on the scoring server;
editing this copy changes nothing except your own understanding.
"""

import jax, jax.numpy as jnp
import numpy as np

N = 10000
E = 320000
D = 128
F1, F2, F3 = 64, 32, 16


def setup_inputs(seed: int = 0) -> dict:
    key = jax.random.key(seed)
    ks = jax.random.split(key, 10)
    features = jax.random.normal(ks[0], (N, D), dtype=jnp.float32)
    edge_index = jax.random.randint(ks[1], (2, E), 0, N, dtype=jnp.int32)
    W1 = jax.random.normal(ks[2], (D, F1), dtype=jnp.float32) * (1.0 / np.sqrt(D))
    b1 = jnp.zeros((F1,), dtype=jnp.float32)
    W2 = jax.random.normal(ks[3], (F1, F2), dtype=jnp.float32) * (1.0 / np.sqrt(F1))
    b2 = jnp.zeros((F2,), dtype=jnp.float32)
    W3 = jax.random.normal(ks[4], (F2, F3), dtype=jnp.float32) * (1.0 / np.sqrt(F2))
    b3 = jnp.zeros((F3,), dtype=jnp.float32)
    att_W = jax.random.normal(ks[5], (F3, F3), dtype=jnp.float32) * (1.0 / np.sqrt(F3))
    return {"edge_index": edge_index, "features": features, "W1": W1, "b1": b1,
            "W2": W2, "b2": b2, "W3": W3, "b3": b3, "att_W": att_W}


def _gcn_layer(x, src, dst, norm, W, b):
    h = x @ W
    msgs = h[src] * norm[:, None]
    out = jnp.zeros((x.shape[0], W.shape[1]), dtype=h.dtype).at[dst].add(msgs)
    return out + b


def reference(edge_index, features, W1, b1, W2, b2, W3, b3, att_W):
    n = features.shape[0]
    loop = jnp.arange(n, dtype=edge_index.dtype)
    src = jnp.concatenate([edge_index[0], loop])
    dst = jnp.concatenate([edge_index[1], loop])
    # symmetric GCN normalization (PyG GCNConv default, add_self_loops=True)
    deg = jnp.zeros((n,), dtype=jnp.float32).at[dst].add(1.0)
    deg_inv_sqrt = jnp.where(deg > 0, 1.0 / jnp.sqrt(deg), 0.0)
    norm = deg_inv_sqrt[src] * deg_inv_sqrt[dst]

    h = _gcn_layer(features, src, dst, norm, W1, b1)
    h = jax.nn.relu(h)
    # dropout p=0.0 / eval mode -> identity
    h = _gcn_layer(h, src, dst, norm, W2, b2)
    h = jax.nn.relu(h)
    abstract = _gcn_layer(h, src, dst, norm, W3, b3)

    # SimGNN AttentionModule
    global_context = jnp.mean(abstract @ att_W, axis=0)
    transformed_global = jnp.tanh(global_context)
    sigmoid_scores = jax.nn.sigmoid(abstract @ transformed_global)
    pooled = abstract.T @ sigmoid_scores[:, None]
    return (abstract, pooled)

if __name__ == "__main__":
    import jax
    _d = setup_inputs()
    print(jax.jit(kernel)(*tuple(_d.values())))

</pallas_src>

<mosaic_0001>
#map = affine_map<(d0, d1) -> (0, 0)>
#map1 = affine_map<(d0, d1) -> (0, 0, 0)>
module attributes {stable_mosaic.version = 14 : i64} {
  func.func @prop_kernel(%arg0: i32, %arg1: i32, %arg2: memref<10240x32xf32, #tpu.memory_space<hbm>>, %arg3: memref<32x80x125xi32, #tpu.memory_space<hbm>>, %arg4: memref<32x80x125xi32, #tpu.memory_space<hbm>>, %arg5: memref<2x10240x32xf32, #tpu.memory_space<hbm>>, %arg6: memref<80x125xi32, #tpu.memory_space<vmem>>, %arg7: memref<4x125xi32, #tpu.memory_space<vmem>>, %arg8: memref<4x125xi32, #tpu.memory_space<vmem>>, %arg9: memref<500x32xf32, #tpu.memory_space<vmem>>, %arg10: memref<500x32xf32, #tpu.memory_space<vmem>>, %arg11: memref<10240x32xf32, #tpu.memory_space<vmem_shared>>, %arg12: memref<10240x32xf32, #tpu.memory_space<vmem_shared>>, %arg13: memref<!tpu.dma_semaphore, #tpu.memory_space<semaphore_mem>>, %arg14: memref<!tpu.dma_semaphore, #tpu.memory_space<semaphore_mem>>, %arg15: memref<!tpu.dma_semaphore, #tpu.memory_space<semaphore_mem>>, %arg16: memref<!tpu.dma_semaphore, #tpu.memory_space<semaphore_mem>>, %arg17: memref<!tpu.dma_semaphore, #tpu.memory_space<semaphore_mem>>) attributes {dimension_semantics = [#tpu.dimension_semantics<core_parallel>, #tpu.dimension_semantics<subcore_parallel>], iteration_bounds = array<i64: 2, 16>, scalar_prefetch = 0 : i64, scratch_operands = 12 : i64, tpu.core_type = #tpu.core_type<sc_vector_subcore>, window_params = [{transform_indices = #map}, {transform_indices = #map1}, {transform_indices = #map1}, {transform_indices = #map1}]} {
    %mul3A = arith.constant 2 : i32
    %mul3A_0 = arith.muli %arg1, %mul3A : i32
    %add3A = arith.addi %mul3A_0, %arg0 : i32
    "tpu.region"() ({
      %run_scoped3A = tpu.sem_alloc : memref<!tpu.dma_semaphore, #tpu.memory_space<semaphore_mem>>
      %dma_start3A_106 = arith.constant 0 : i32
      %dma_start3A_107 = arith.constant 0 : i32
      %dma_start3A_108 = tpu.memref_slice %arg3[%add3A, %dma_start3A_106, %dma_start3A_107] : memref<32x80x125xi32, #tpu.memory_space<hbm>> -> memref<1x80x125xi32, #tpu.memory_space<hbm>>
      %dma_start3A_109 = tpu.memref_squeeze %dma_start3A_108 : memref<1x80x125xi32, #tpu.memory_space<hbm>> -> memref<80x125xi32, #tpu.memory_space<hbm>>
      %dma_start3A_110 = arith.constant 0 : i32
      %dma_start3A_111 = arith.constant 0 : i32
      %dma_start3A_112 = tpu.memref_slice %arg3[%add3A, %dma_start3A_110, %dma_start3A_111] : memref<32x80x125xi32, #tpu.memory_space<hbm>> -> memref<1x80x125xi32, #tpu.memory_space<hbm>>
      %dma_start3A_113 = tpu.memref_squeeze %dma_start3A_112 : memref<1x80x125xi32, #tpu.memory_space<hbm>> -> memref<80x125xi32, #tpu.memory_space<hbm>>
      tpu.enqueue_dma source(%dma_start3A_113 : memref<80x125xi32, #tpu.memory_space<hbm>>) target(%arg6 : memref<80x125xi32, #tpu.memory_space<vmem>>) target_semaphore(%run_scoped3A : memref<!tpu.dma_semaphore, #tpu.memory_space<semaphore_mem>>)
      %dma_wait3A = arith.constant 0 : i32
      %dma_wait3A_114 = arith.constant 0 : i32
      %dma_wait3A_115 = tpu.memref_slice %arg3[%add3A, %dma_wait3A, %dma_wait3A_114] : memref<32x80x125xi32, #tpu.memory_space<hbm>> -> memref<1x80x125xi32, #tpu.memory_space<hbm>>
      %dma_wait3A_116 = tpu.memref_squeeze %dma_wait3A_115 : memref<1x80x125xi32, #tpu.memory_space<hbm>> -> memref<80x125xi32, #tpu.memory_space<hbm>>
      %dma_wait3A_117 = arith.constant 0 : i32
      %dma_wait3A_118 = arith.constant 0 : i32
      %dma_wait3A_119 = tpu.memref_slice %arg3[%add3A, %dma_wait3A_117, %dma_wait3A_118] : memref<32x80x125xi32, #tpu.memory_space<hbm>> -> memref<1x80x125xi32, #tpu.memory_space<hbm>>
      %dma_wait3A_120 = tpu.memref_squeeze %dma_wait3A_119 : memref<1x80x125xi32, #tpu.memory_space<hbm>> -> memref<80x125xi32, #tpu.memory_space<hbm>>
      tpu.wait_dma2 semaphore(%run_scoped3A : memref<!tpu.dma_semaphore, #tpu.memory_space<semaphore_mem>>) src(%dma_wait3A_120 : memref<80x125xi32, #tpu.memory_space<hbm>>) dst(%arg6 : memref<80x125xi32, #tpu.memory_space<vmem>>)
      tpu.yield
    }) : () -> ()
    %mul3A_1 = arith.constant 640 : i32
    %mul3A_2 = arith.muli %arg1, %mul3A_1 : i32
    %mul3A_3 = arith.constant 640 : i32
    %mul3A_4 = arith.muli %arg1, %mul3A_3 : i32
    "tpu.region"() ({
      %run_scoped3A = tpu.sem_alloc : memref<!tpu.dma_semaphore, #tpu.memory_space<semaphore_mem>>
      %dma_start3A_106 = arith.constant 0 : i32
      %dma_start3A_107 = tpu.memref_slice %arg12[%mul3A_4, %dma_start3A_106] : memref<10240x32xf32, #tpu.memory_space<vmem_shared>> -> memref<640x32xf32, #tpu.memory_space<vmem_shared>>
      %dma_start3A_108 = arith.constant 0 : i32
      %dma_start3A_109 = tpu.memref_slice %arg2[%mul3A_2, %dma_start3A_108] : memref<10240x32xf32, #tpu.memory_space<hbm>> -> memref<640x32xf32, #tpu.memory_space<hbm>>
      tpu.enqueue_dma source(%dma_start3A_109 : memref<640x32xf32, #tpu.memory_space<hbm>>) target(%dma_start3A_107 : memref<640x32xf32, #tpu.memory_space<vmem_shared>>) target_semaphore(%run_scoped3A : memref<!tpu.dma_semaphore, #tpu.memory_space<semaphore_mem>>)
      %dma_wait3A = arith.constant 0 : i32
      %dma_wait3A_110 = tpu.memref_slice %arg12[%mul3A_4, %dma_wait3A] : memref<10240x32xf32, #tpu.memory_space<vmem_shared>> -> memref<640x32xf32, #tpu.memory_space<vmem_shared>>
      %dma_wait3A_111 = arith.constant 0 : i32
      %dma_wait3A_112 = tpu.memref_slice %arg2[%mul3A_2, %dma_wait3A_111] : memref<10240x32xf32, #tpu.memory_space<hbm>> -> memref<640x32xf32, #tpu.memory_space<hbm>>
      tpu.wait_dma2 semaphore(%run_scoped3A : memref<!tpu.dma_semaphore, #tpu.memory_space<semaphore_mem>>) src(%dma_wait3A_112 : memref<640x32xf32, #tpu.memory_space<hbm>>) dst(%dma_wait3A_110 : memref<640x32xf32, #tpu.memory_space<vmem_shared>>)
      tpu.yield
    }) : () -> ()
    %scan3A = arith.constant 0 : i32
    %scan3A_5 = arith.constant 0 : i32
    %scan3A_6 = arith.constant 128 : i32
    %scan3A_7 = arith.addi %scan3A_5, %scan3A_6 : i32
    %scan3A_8 = arith.constant 1 : i32
    scf.for %scan3A_106 = %scan3A_5 to %scan3A_7 step %scan3A_8  : i32 {
      %broadcast_in_dim3A = arith.constant 0.000000e+00 : f32
      %broadcast_in_dim3A_107 = vector.broadcast %broadcast_in_dim3A : f32 to vector<16xf32>
      %swap3A = arith.index_cast %scan3A_106 : i32 to index
      %swap3A_108 = arith.constant 0 : index
      %swap3A_109 = tpu.vector_load %arg9[%swap3A, %swap3A_108] {strides = array<i32>} : memref<500x32xf32, #tpu.memory_space<vmem>>, vector<1x16xf32>,
      %swap3A_110 = vector.shape_cast %swap3A_109 : vector<1x16xf32> to vector<16xf32>
      %swap3A_111 = vector.shape_cast %broadcast_in_dim3A_107 : vector<16xf32> to vector<1x16xf32>
      tpu.vector_store %arg9[%swap3A, %swap3A_108], %swap3A_111 {strides = array<i32>} : memref<500x32xf32, #tpu.memory_space<vmem>>, vector<1x16xf32>,
      %broadcast_in_dim3A_112 = arith.constant 0.000000e+00 : f32
      %broadcast_in_dim3A_113 = vector.broadcast %broadcast_in_dim3A_112 : f32 to vector<16xf32>
      %swap3A_114 = arith.index_cast %scan3A_106 : i32 to index
      %swap3A_115 = arith.constant 16 : index
      %swap3A_116 = tpu.vector_load %arg9[%swap3A_114, %swap3A_115] {strides = array<i32>} : memref<500x32xf32, #tpu.memory_space<vmem>>, vector<1x16xf32>,
      %swap3A_117 = vector.shape_cast %swap3A_116 : vector<1x16xf32> to vector<16xf32>
      %swap3A_118 = vector.shape_cast %broadcast_in_dim3A_113 : vector<16xf32> to vector<1x16xf32>
      tpu.vector_store %arg9[%swap3A_114, %swap3A_115], %swap3A_118 {strides = array<i32>} : memref<500x32xf32, #tpu.memory_space<vmem>>, vector<1x16xf32>,
    }
    %scan3A_9 = arith.constant 128 : i32
    %scan3A_10 = arith.constant 0 : i32
    %scan3A_11 = arith.constant 0 : i32
    %scan3A_12 = arith.constant 5 : i32
    %scan3A_13 = arith.addi %scan3A_11, %scan3A_12 : i32
    %scan3A_14 = arith.constant 1 : i32
    scf.for %scan3A_106 = %scan3A_11 to %scan3A_13 step %scan3A_14  : i32 {
      %mul3A_107 = arith.constant 5 : i32
      %mul3A_108 = arith.muli %arg1, %mul3A_107 : i32
      %add3A_109 = arith.addi %mul3A_108, %scan3A_106 : i32
      %mul3A_110 = arith.constant 128 : i32
      %mul3A_111 = arith.muli %add3A_109, %mul3A_110 : i32
      "tpu.region"() ({
        %run_scoped3A = tpu.sem_alloc : memref<!tpu.dma_semaphore, #tpu.memory_space<semaphore_mem>>
        %dma_start3A_112 = arith.constant 0 : i32
        %dma_start3A_113 = arith.constant 0 : i32
        %dma_start3A_114 = tpu.memref_slice %arg9[%dma_start3A_112, %dma_start3A_113] : memref<500x32xf32, #tpu.memory_space<vmem>> -> memref<128x32xf32, #tpu.memory_space<vmem>>
        %dma_start3A_115 = arith.constant 0 : i32
        %dma_start3A_116 = tpu.memref_slice %arg11[%mul3A_111, %dma_start3A_115] : memref<10240x32xf32, #tpu.memory_space<vmem_shared>> -> memref<128x32xf32, #tpu.memory_space<vmem_shared>>
        %dma_start3A_117 = arith.constant 0 : i32
        %dma_start3A_118 = tpu.memref_slice %arg11[%mul3A_111, %dma_start3A_117] : memref<10240x32xf32, #tpu.memory_space<vmem_shared>> -> memref<128x32xf32, #tpu.memory_space<vmem_shared>>
        %dma_start3A_119 = arith.constant 0 : i32
        %dma_start3A_120 = arith.constant 0 : i32
        %dma_start3A_121 = tpu.memref_slice %arg9[%dma_start3A_119, %dma_start3A_120] : memref<500x32xf32, #tpu.memory_space<vmem>> -> memref<128x32xf32, #tpu.memory_space<vmem>>
        tpu.enqueue_dma source(%dma_start3A_121 : memref<128x32xf32, #tpu.memory_space<vmem>>) target(%dma_start3A_118 : memref<128x32xf32, #tpu.memory_space<vmem_shared>>) target_semaphore(%run_scoped3A : memref<!tpu.dma_semaphore, #tpu.memory_space<semaphore_mem>>)
        %dma_wait3A = arith.constant 0 : i32
        %dma_wait3A_122 = arith.constant 0 : i32
        %dma_wait3A_123 = tpu.memref_slice %arg9[%dma_wait3A, %dma_wait3A_122] : memref<500x32xf32, #tpu.memory_space<vmem>> -> memref<128x32xf32, #tpu.memory_space<vmem>>
        %dma_wait3A_124 = arith.constant 0 : i32
        %dma_wait3A_125 = tpu.memref_slice %arg11[%mul3A_111, %dma_wait3A_124] : memref<10240x32xf32, #tpu.memory_space<vmem_shared>> -> memref<128x32xf32, #tpu.memory_space<vmem_shared>>
        %dma_wait3A_126 = arith.constant 0 : i32
        %dma_wait3A_127 = tpu.memref_slice %arg11[%mul3A_111, %dma_wait3A_126] : memref<10240x32xf32, #tpu.memory_space<vmem_shared>> -> memref<128x32xf32, #tpu.memory_space<vmem_shared>>
        %dma_wait3A_128 = arith.constant 0 : i32
        %dma_wait3A_129 = arith.constant 0 : i32
        %dma_wait3A_130 = tpu.memref_slice %arg9[%dma_wait3A_128, %dma_wait3A_129] : memref<500x32xf32, #tpu.memory_space<vmem>> -> memref<128x32xf32, #tpu.memory_space<vmem>>
        tpu.wait_dma2 semaphore(%run_scoped3A : memref<!tpu.dma_semaphore, #tpu.memory_space<semaphore_mem>>) src(%dma_wait3A_130 : memref<128x32xf32, #tpu.memory_space<vmem>>) dst(%dma_wait3A_127 : memref<128x32xf32, #tpu.memory_space<vmem_shared>>)
        tpu.yield
      }) : () -> ()
    }
    %scan3A_15 = arith.constant 5 : i32
    %barrier3A = arith.constant 0 : index
    tpu.barrier barrier_id(%barrier3A)
    "tpu.region"() ({
      %run_scoped3A = tpu.sem_alloc : memref<!tpu.dma_semaphore, #tpu.memory_space<semaphore_mem>>
      %dma_start3A_106 = arith.constant 0 : i32
      %dma_start3A_107 = arith.constant 0 : i32
      %dma_start3A_108 = tpu.memref_slice %arg4[%add3A, %dma_start3A_106, %dma_start3A_107] : memref<32x80x125xi32, #tpu.memory_space<hbm>> -> memref<1x80x125xi32, #tpu.memory_space<hbm>>
      %dma_start3A_109 = tpu.memref_squeeze %dma_start3A_108 : memref<1x80x125xi32, #tpu.memory_space<hbm>> -> memref<80x125xi32, #tpu.memory_space<hbm>>
      %dma_start3A_110 = arith.constant 0 : i32
      %dma_start3A_111 = arith.constant 0 : i32
      %dma_start3A_112 = tpu.memref_slice %dma_start3A_109[%dma_start3A_110, %dma_start3A_111] : memref<80x125xi32, #tpu.memory_space<hbm>> -> memref<4x125xi32, #tpu.memory_space<hbm>>
      %dma_start3A_113 = arith.constant 0 : i32
      %dma_start3A_114 = arith.constant 0 : i32
      %dma_start3A_115 = tpu.memref_slice %arg4[%add3A, %dma_start3A_113, %dma_start3A_114] : memref<32x80x125xi32, #tpu.memory_space<hbm>> -> memref<1x80x125xi32, #tpu.memory_space<hbm>>
      %dma_start3A_116 = tpu.memref_squeeze %dma_start3A_115 : memref<1x80x125xi32, #tpu.memory_space<hbm>> -> memref<80x125xi32, #tpu.memory_space<hbm>>
      %dma_start3A_117 = arith.constant 0 : i32
      %dma_start3A_118 = arith.constant 0 : i32
      %dma_start3A_119 = tpu.memref_slice %dma_start3A_116[%dma_start3A_117, %dma_start3A_118] : memref<80x125xi32, #tpu.memory_space<hbm>> -> memref<4x125xi32, #tpu.memory_space<hbm>>
      tpu.enqueue_dma source(%dma_start3A_119 : memref<4x125xi32, #tpu.memory_space<hbm>>) target(%arg7 : memref<4x125xi32, #tpu.memory_space<vmem>>) target_semaphore(%run_scoped3A : memref<!tpu.dma_semaphore, #tpu.memory_space<semaphore_mem>>)
      %dma_wait3A = arith.constant 0 : i32
      %dma_wait3A_120 = arith.constant 0 : i32
      %dma_wait3A_121 = tpu.memref_slice %arg4[%add3A, %dma_wait3A, %dma_wait3A_120] : memref<32x80x125xi32, #tpu.memory_space<hbm>> -> memref<1x80x125xi32, #tpu.memory_space<hbm>>
      %dma_wait3A_122 = tpu.memref_squeeze %dma_wait3A_121 : memref<1x80x125xi32, #tpu.memory_space<hbm>> -> memref<80x125xi32, #tpu.memory_space<hbm>>
      %dma_wait3A_123 = arith.constant 0 : i32
      %dma_wait3A_124 = arith.constant 0 : i32
      %dma_wait3A_125 = tpu.memref_slice %dma_wait3A_122[%dma_wait3A_123, %dma_wait3A_124] : memref<80x125xi32, #tpu.memory_space<hbm>> -> memref<4x125xi32, #tpu.memory_space<hbm>>
      %dma_wait3A_126 = arith.constant 0 : i32
      %dma_wait3A_127 = arith.constant 0 : i32
      %dma_wait3A_128 = tpu.memref_slice %arg4[%add3A, %dma_wait3A_126, %dma_wait3A_127] : memref<32x80x125xi32, #tpu.memory_space<hbm>> -> memref<1x80x125xi32, #tpu.memory_space<hbm>>
      %dma_wait3A_129 = tpu.memref_squeeze %dma_wait3A_128 : memref<1x80x125xi32, #tpu.memory_space<hbm>> -> memref<80x125xi32, #tpu.memory_space<hbm>>
      %dma_wait3A_130 = arith.constant 0 : i32
      %dma_wait3A_131 = arith.constant 0 : i32
      %dma_wait3A_132 = tpu.memref_slice %dma_wait3A_129[%dma_wait3A_130, %dma_wait3A_131] : memref<80x125xi32, #tpu.memory_space<hbm>> -> memref<4x125xi32, #tpu.memory_space<hbm>>
      tpu.wait_dma2 semaphore(%run_scoped3A : memref<!tpu.dma_semaphore, #tpu.memory_space<semaphore_mem>>) src(%dma_wait3A_132 : memref<4x125xi32, #tpu.memory_space<hbm>>) dst(%arg7 : memref<4x125xi32, #tpu.memory_space<vmem>>)
      tpu.yield
    }) : () -> ()
    %dma_start3A = arith.constant 0 : i32
    %dma_start3A_16 = arith.constant 0 : i32
    %dma_start3A_17 = arith.constant 0 : i32
    %dma_start3A_18 = tpu.memref_slice %arg9[%dma_start3A_16, %dma_start3A_17] : memref<500x32xf32, #tpu.memory_space<vmem>> -> memref<125x32xf32, #tpu.memory_space<vmem>>
    %dma_start3A_19 = arith.constant 0 : i32
    %dma_start3A_20 = tpu.memref_slice %arg6[%dma_start3A, %dma_start3A_19] : memref<80x125xi32, #tpu.memory_space<vmem>> -> memref<1x125xi32, #tpu.memory_space<vmem>>
    %dma_start3A_21 = tpu.memref_squeeze %dma_start3A_20 : memref<1x125xi32, #tpu.memory_space<vmem>> -> memref<125xi32, #tpu.memory_space<vmem>>
    %dma_start3A_22 = arith.constant 0 : i32
    %dma_start3A_23 = arith.constant 0 : i32
    %dma_start3A_24 = tpu.memref_slice %arg12[%dma_start3A_22, %dma_start3A_23] : memref<10240x32xf32, #tpu.memory_space<vmem_shared>> -> memref<10240x32xf32, #tpu.memory_space<vmem_shared>>
    tpu.enqueue_indirect_dma source(%dma_start3A_24 : memref<10240x32xf32, #tpu.memory_space<vmem_shared>>) target(%dma_start3A_18 : memref<125x32xf32, #tpu.memory_space<vmem>>) offsets(%dma_start3A_21 : memref<125xi32, #tpu.memory_space<vmem>>) semaphore(%arg13 : memref<!tpu.dma_semaphore, #tpu.memory_space<semaphore_mem>>)
    %dma_start3A_25 = arith.constant 1 : i32
    %dma_start3A_26 = arith.constant 125 : i32
    %dma_start3A_27 = arith.constant 0 : i32
    %dma_start3A_28 = tpu.memref_slice %arg9[%dma_start3A_26, %dma_start3A_27] : memref<500x32xf32, #tpu.memory_space<vmem>> -> memref<125x32xf32, #tpu.memory_space<vmem>>
    %dma_start3A_29 = arith.constant 0 : i32
    %dma_start3A_30 = tpu.memref_slice %arg6[%dma_start3A_25, %dma_start3A_29] : memref<80x125xi32, #tpu.memory_space<vmem>> -> memref<1x125xi32, #tpu.memory_space<vmem>>
    %dma_start3A_31 = tpu.memref_squeeze %dma_start3A_30 : memref<1x125xi32, #tpu.memory_space<vmem>> -> memref<125xi32, #tpu.memory_space<vmem>>
    %dma_start3A_32 = arith.constant 0 : i32
    %dma_start3A_33 = arith.constant 0 : i32
    %dma_start3A_34 = tpu.memref_slice %arg12[%dma_start3A_32, %dma_start3A_33] : memref<10240x32xf32, #tpu.memory_space<vmem_shared>> -> memref<10240x32xf32, #tpu.memory_space<vmem_shared>>
    tpu.enqueue_indirect_dma source(%dma_start3A_34 : memref<10240x32xf32, #tpu.memory_space<vmem_shared>>) target(%dma_start3A_28 : memref<125x32xf32, #tpu.memory_space<vmem>>) offsets(%dma_start3A_31 : memref<125xi32, #tpu.memory_space<vmem>>) semaphore(%arg13 : memref<!tpu.dma_semaphore, #tpu.memory_space<semaphore_mem>>)
    %dma_start3A_35 = arith.constant 2 : i32
    %dma_start3A_36 = arith.constant 250 : i32
    %dma_start3A_37 = arith.constant 0 : i32
    %dma_start3A_38 = tpu.memref_slice %arg9[%dma_start3A_36, %dma_start3A_37] : memref<500x32xf32, #tpu.memory_space<vmem>> -> memref<125x32xf32, #tpu.memory_space<vmem>>
    %dma_start3A_39 = arith.constant 0 : i32
    %dma_start3A_40 = tpu.memref_slice %arg6[%dma_start3A_35, %dma_start3A_39] : memref<80x125xi32, #tpu.memory_space<vmem>> -> memref<1x125xi32, #tpu.memory_space<vmem>>
    %dma_start3A_41 = tpu.memref_squeeze %dma_start3A_40 : memref<1x125xi32, #tpu.memory_space<vmem>> -> memref<125xi32, #tpu.memory_space<vmem>>
    %dma_start3A_42 = arith.constant 0 : i32
    %dma_start3A_43 = arith.constant 0 : i32
    %dma_start3A_44 = tpu.memref_slice %arg12[%dma_start3A_42, %dma_start3A_43] : memref<10240x32xf32, #tpu.memory_space<vmem_shared>> -> memref<10240x32xf32, #tpu.memory_space<vmem_shared>>
    tpu.enqueue_indirect_dma source(%dma_start3A_44 : memref<10240x32xf32, #tpu.memory_space<vmem_shared>>) target(%dma_start3A_38 : memref<125x32xf32, #tpu.memory_space<vmem>>) offsets(%dma_start3A_41 : memref<125xi32, #tpu.memory_space<vmem>>) semaphore(%arg13 : memref<!tpu.dma_semaphore, #tpu.memory_space<semaphore_mem>>)
    %dma_start3A_45 = arith.constant 3 : i32
    %dma_start3A_46 = arith.constant 375 : i32
    %dma_start3A_47 = arith.constant 0 : i32
    %dma_start3A_48 = tpu.memref_slice %arg9[%dma_start3A_46, %dma_start3A_47] : memref<500x32xf32, #tpu.memory_space<vmem>> -> memref<125x32xf32, #tpu.memory_space<vmem>>
    %dma_start3A_49 = arith.constant 0 : i32
    %dma_start3A_50 = tpu.memref_slice %arg6[%dma_start3A_45, %dma_start3A_49] : memref<80x125xi32, #tpu.memory_space<vmem>> -> memref<1x125xi32, #tpu.memory_space<vmem>>
    %dma_start3A_51 = tpu.memref_squeeze %dma_start3A_50 : memref<1x125xi32, #tpu.memory_space<vmem>> -> memref<125xi32, #tpu.memory_space<vmem>>
    %dma_start3A_52 = arith.constant 0 : i32
    %dma_start3A_53 = arith.constant 0 : i32
    %dma_start3A_54 = tpu.memref_slice %arg12[%dma_start3A_52, %dma_start3A_53] : memref<10240x32xf32, #tpu.memory_space<vmem_shared>> -> memref<10240x32xf32, #tpu.memory_space<vmem_shared>>
    tpu.enqueue_indirect_dma source(%dma_start3A_54 : memref<10240x32xf32, #tpu.memory_space<vmem_shared>>) target(%dma_start3A_48 : memref<125x32xf32, #tpu.memory_space<vmem>>) offsets(%dma_start3A_51 : memref<125xi32, #tpu.memory_space<vmem>>) semaphore(%arg13 : memref<!tpu.dma_semaphore, #tpu.memory_space<semaphore_mem>>)
    %dma_start3A_55 = arith.constant 4 : i32
    %dma_start3A_56 = arith.constant 0 : i32
    %dma_start3A_57 = arith.constant 0 : i32
    %dma_start3A_58 = tpu.memref_slice %arg10[%dma_start3A_56, %dma_start3A_57] : memref<500x32xf32, #tpu.memory_space<vmem>> -> memref<125x32xf32, #tpu.memory_space<vmem>>
    %dma_start3A_59 = arith.constant 0 : i32
    %dma_start3A_60 = tpu.memref_slice %arg6[%dma_start3A_55, %dma_start3A_59] : memref<80x125xi32, #tpu.memory_space<vmem>> -> memref<1x125xi32, #tpu.memory_space<vmem>>
    %dma_start3A_61 = tpu.memref_squeeze %dma_start3A_60 : memref<1x125xi32, #tpu.memory_space<vmem>> -> memref<125xi32, #tpu.memory_space<vmem>>
    %dma_start3A_62 = arith.constant 0 : i32
    %dma_start3A_63 = arith.constant 0 : i32
    %dma_start3A_64 = tpu.memref_slice %arg12[%dma_start3A_62, %dma_start3A_63] : memref<10240x32xf32, #tpu.memory_space<vmem_shared>> -> memref<10240x32xf32, #tpu.memory_space<vmem_shared>>
    tpu.enqueue_indirect_dma source(%dma_start3A_64 : memref<10240x32xf32, #tpu.memory_space<vmem_shared>>) target(%dma_start3A_58 : memref<125x32xf32, #tpu.memory_space<vmem>>) offsets(%dma_start3A_61 : memref<125xi32, #tpu.memory_space<vmem>>) semaphore(%arg14 : memref<!tpu.dma_semaphore, #tpu.memory_space<semaphore_mem>>)
    %dma_start3A_65 = arith.constant 5 : i32
    %dma_start3A_66 = arith.constant 125 : i32
    %dma_start3A_67 = arith.constant 0 : i32
    %dma_start3A_68 = tpu.memref_slice %arg10[%dma_start3A_66, %dma_start3A_67] : memref<500x32xf32, #tpu.memory_space<vmem>> -> memref<125x32xf32, #tpu.memory_space<vmem>>
    %dma_start3A_69 = arith.constant 0 : i32
    %dma_start3A_70 = tpu.memref_slice %arg6[%dma_start3A_65, %dma_start3A_69] : memref<80x125xi32, #tpu.memory_space<vmem>> -> memref<1x125xi32, #tpu.memory_space<vmem>>
    %dma_start3A_71 = tpu.memref_squeeze %dma_start3A_70 : memref<1x125xi32, #tpu.memory_space<vmem>> -> memref<125xi32, #tpu.memory_space<vmem>>
    %dma_start3A_72 = arith.constant 0 : i32
    %dma_start3A_73 = arith.constant 0 : i32
    %dma_start3A_74 = tpu.memref_slice %arg12[%dma_start3A_72, %dma_start3A_73] : memref<10240x32xf32, #tpu.memory_space<vmem_shared>> -> memref<10240x32xf32, #tpu.memory_space<vmem_shared>>
    tpu.enqueue_indirect_dma source(%dma_start3A_74 : memref<10240x32xf32, #tpu.memory_space<vmem_shared>>) target(%dma_start3A_68 : memref<125x32xf32, #tpu.memory_space<vmem>>) offsets(%dma_start3A_71 : memref<125xi32, #tpu.memory_space<vmem>>) semaphore(%arg14 : memref<!tpu.dma_semaphore, #tpu.memory_space<semaphore_mem>>)
    %dma_start3A_75 = arith.constant 6 : i32
    %dma_start3A_76 = arith.constant 250 : i32
    %dma_start3A_77 = arith.constant 0 : i32
    %dma_start3A_78 = tpu.memref_slice %arg10[%dma_start3A_76, %dma_start3A_77] : memref<500x32xf32, #tpu.memory_space<vmem>> -> memref<125x32xf32, #tpu.memory_space<vmem>>
    %dma_start3A_79 = arith.constant 0 : i32
    %dma_start3A_80 = tpu.memref_slice %arg6[%dma_start3A_75, %dma_start3A_79] : memref<80x125xi32, #tpu.memory_space<vmem>> -> memref<1x125xi32, #tpu.memory_space<vmem>>
    %dma_start3A_81 = tpu.memref_squeeze %dma_start3A_80 : memref<1x125xi32, #tpu.memory_space<vmem>> -> memref<125xi32, #tpu.memory_space<vmem>>
    %dma_start3A_82 = arith.constant 0 : i32
    %dma_start3A_83 = arith.constant 0 : i32
    %dma_start3A_84 = tpu.memref_slice %arg12[%dma_start3A_82, %dma_start3A_83] : memref<10240x32xf32, #tpu.memory_space<vmem_shared>> -> memref<10240x32xf32, #tpu.memory_space<vmem_shared>>
    tpu.enqueue_indirect_dma source(%dma_start3A_84 : memref<10240x32xf32, #tpu.memory_space<vmem_shared>>) target(%dma_start3A_78 : memref<125x32xf32, #tpu.memory_space<vmem>>) offsets(%dma_start3A_81 : memref<125xi32, #tpu.memory_space<vmem>>) semaphore(%arg14 : memref<!tpu.dma_semaphore, #tpu.memory_space<semaphore_mem>>)
    %dma_start3A_85 = arith.constant 7 : i32
    %dma_start3A_86 = arith.constant 375 : i32
    %dma_start3A_87 = arith.constant 0 : i32
    %dma_start3A_88 = tpu.memref_slice %arg10[%dma_start3A_86, %dma_start3A_87] : memref<500x32xf32, #tpu.memory_space<vmem>> -> memref<125x32xf32, #tpu.memory_space<vmem>>
    %dma_start3A_89 = arith.constant 0 : i32
    %dma_start3A_90 = tpu.memref_slice %arg6[%dma_start3A_85, %dma_start3A_89] : memref<80x125xi32, #tpu.memory_space<vmem>> -> memref<1x125xi32, #tpu.memory_space<vmem>>
    %dma_start3A_91 = tpu.memref_squeeze %dma_start3A_90 : memref<1x125xi32, #tpu.memory_space<vmem>> -> memref<125xi32, #tpu.memory_space<vmem>>
    %dma_start3A_92 = arith.constant 0 : i32
    %dma_start3A_93 = arith.constant 0 : i32
    %dma_start3A_94 = tpu.memref_slice %arg12[%dma_start3A_92, %dma_start3A_93] : memref<10240x32xf32, #tpu.memory_space<vmem_shared>> -> memref<10240x32xf32, #tpu.memory_space<vmem_shared>>
    tpu.enqueue_indirect_dma source(%dma_start3A_94 : memref<10240x32xf32, #tpu.memory_space<vmem_shared>>) target(%dma_start3A_88 : memref<125x32xf32, #tpu.memory_space<vmem>>) offsets(%dma_start3A_91 : memref<125xi32, #tpu.memory_space<vmem>>) semaphore(%arg14 : memref<!tpu.dma_semaphore, #tpu.memory_space<semaphore_mem>>)
    %scan3A_95 = arith.constant 0 : i32
    %scan3A_96 = arith.constant 0 : i32
    %scan3A_97 = arith.constant 10 : i32
    %scan3A_98 = arith.addi %scan3A_96, %scan3A_97 : i32
    %scan3A_99 = arith.constant 1 : i32
    scf.for %scan3A_106 = %scan3A_96 to %scan3A_98 step %scan3A_99  : i32 {
      %mul3A_107 = arith.constant 2 : i32
      %mul3A_108 = arith.muli %mul3A_107, %scan3A_106 : i32
      %add3A_109 = arith.constant 1 : i32
      %add3A_110 = arith.addi %mul3A_108, %add3A_109 : i32
      %mul3A_111 = arith.constant 4 : i32
      %mul3A_112 = arith.muli %add3A_110, %mul3A_111 : i32
      %dma_start3A_113 = arith.constant 0 : i32
      %dma_start3A_114 = arith.constant 0 : i32
      %dma_start3A_115 = tpu.memref_slice %arg4[%add3A, %dma_start3A_113, %dma_start3A_114] : memref<32x80x125xi32, #tpu.memory_space<hbm>> -> memref<1x80x125xi32, #tpu.memory_space<hbm>>
      %dma_start3A_116 = tpu.memref_squeeze %dma_start3A_115 : memref<1x80x125xi32, #tpu.memory_space<hbm>> -> memref<80x125xi32, #tpu.memory_space<hbm>>
      %dma_start3A_117 = arith.constant 0 : i32
      %dma_start3A_118 = tpu.memref_slice %dma_start3A_116[%mul3A_112, %dma_start3A_117] : memref<80x125xi32, #tpu.memory_space<hbm>> -> memref<4x125xi32, #tpu.memory_space<hbm>>
      %dma_start3A_119 = arith.constant 0 : i32
      %dma_start3A_120 = arith.constant 0 : i32
      %dma_start3A_121 = tpu.memref_slice %arg4[%add3A, %dma_start3A_119, %dma_start3A_120] : memref<32x80x125xi32, #tpu.memory_space<hbm>> -> memref<1x80x125xi32, #tpu.memory_space<hbm>>
      %dma_start3A_122 = tpu.memref_squeeze %dma_start3A_121 : memref<1x80x125xi32, #tpu.memory_space<hbm>> -> memref<80x125xi32, #tpu.memory_space<hbm>>
      %dma_start3A_123 = arith.constant 0 : i32
      %dma_start3A_124 = tpu.memref_slice %dma_start3A_122[%mul3A_112, %dma_start3A_123] : memref<80x125xi32, #tpu.memory_space<hbm>> -> memref<4x125xi32, #tpu.memory_space<hbm>>
      tpu.enqueue_dma source(%dma_start3A_124 : memref<4x125xi32, #tpu.memory_space<hbm>>) target(%arg8 : memref<4x125xi32, #tpu.memory_space<vmem>>) target_semaphore(%arg17 : memref<!tpu.dma_semaphore, #tpu.memory_space<semaphore_mem>>)
      %dma_wait3A = arith.constant 0 : i32
      %dma_wait3A_125 = arith.constant 0 : i32
      %dma_wait3A_126 = arith.constant 0 : i32
      %dma_wait3A_127 = tpu.memref_slice %arg9[%dma_wait3A_125, %dma_wait3A_126] : memref<500x32xf32, #tpu.memory_space<vmem>> -> memref<125x32xf32, #tpu.memory_space<vmem>>
      %dma_wait3A_128 = arith.constant 0 : i32
      %dma_wait3A_129 = tpu.memref_slice %arg6[%dma_wait3A, %dma_wait3A_128] : memref<80x125xi32, #tpu.memory_space<vmem>> -> memref<1x125xi32, #tpu.memory_space<vmem>>
      %dma_wait3A_130 = tpu.memref_squeeze %dma_wait3A_129 : memref<1x125xi32, #tpu.memory_space<vmem>> -> memref<125xi32, #tpu.memory_space<vmem>>
      %dma_wait3A_131 = arith.constant 0 : i32
      %dma_wait3A_132 = arith.constant 0 : i32
      %dma_wait3A_133 = tpu.memref_slice %arg12[%dma_wait3A_131, %dma_wait3A_132] : memref<10240x32xf32, #tpu.memory_space<vmem_shared>> -> memref<10240x32xf32, #tpu.memory_space<vmem_shared>>
      tpu.wait_indirect_dma semaphore(%arg13 : memref<!tpu.dma_semaphore, #tpu.memory_space<semaphore_mem>>) src(%dma_wait3A_133 : memref<10240x32xf32, #tpu.memory_space<vmem_shared>>) dst(%dma_wait3A_127 : memref<125x32xf32, #tpu.memory_space<vmem>>)
      %dma_wait3A_134 = arith.constant 0 : i32
      %dma_wait3A_135 = arith.constant 125 : i32
      %dma_wait3A_136 = arith.constant 0 : i32
      %dma_wait3A_137 = tpu.memref_slice %arg9[%dma_wait3A_135, %dma_wait3A_136] : memref<500x32xf32, #tpu.memory_space<vmem>> -> memref<125x32xf32, #tpu.memory_space<vmem>>
      %dma_wait3A_138 = arith.constant 0 : i32
      %dma_wait3A_139 = tpu.memref_slice %arg6[%dma_wait3A_134, %dma_wait3A_138] : memref<80x125xi32, #tpu.memory_space<vmem>> -> memref<1x125xi32, #tpu.memory_space<vmem>>
      %dma_wait3A_140 = tpu.memref_squeeze %dma_wait3A_139 : memref<1x125xi32, #tpu.memory_space<vmem>> -> memref<125xi32, #tpu.memory_space<vmem>>
      %dma_wait3A_141 = arith.constant 0 : i32
      %dma_wait3A_142 = arith.constant 0 : i32
      %dma_wait3A_143 = tpu.memref_slice %arg12[%dma_wait3A_141, %dma_wait3A_142] : memref<10240x32xf32, #tpu.memory_space<vmem_shared>> -> memref<10240x32xf32, #tpu.memory_space<vmem_shared>>
      tpu.wait_indirect_dma semaphore(%arg13 : memref<!tpu.dma_semaphore, #tpu.memory_space<semaphore_mem>>) src(%dma_wait3A_143 : memref<10240x32xf32, #tpu.memory_space<vmem_shared>>) dst(%dma_wait3A_137 : memref<125x32xf32, #tpu.memory_space<vmem>>)
      %dma_wait3A_144 = arith.constant 0 : i32
      %dma_wait3A_145 = arith.constant 250 : i32
      %dma_wait3A_146 = arith.constant 0 : i32
      %dma_wait3A_147 = tpu.memref_slice %arg9[%dma_wait3A_145, %dma_wait3A_146] : memref<500x32xf32, #tpu.memory_space<vmem>> -> memref<125x32xf32, #tpu.memory_space<vmem>>
      %dma_wait3A_148 = arith.constant 0 : i32
      %dma_wait3A_149 = tpu.memref_slice %arg6[%dma_wait3A_144, %dma_wait3A_148] : memref<80x125xi32, #tpu.memory_space<vmem>> -> memref<1x125xi32, #tpu.memory_space<vmem>>
      %dma_wait3A_150 = tpu.memref_squeeze %dma_wait3A_149 : memref<1x125xi32, #tpu.memory_space<vmem>> -> memref<125xi32, #tpu.memory_space<vmem>>
      %dma_wait3A_151 = arith.constant 0 : i32
      %dma_wait3A_152 = arith.constant 0 : i32
      %dma_wait3A_153 = tpu.memref_slice %arg12[%dma_wait3A_151, %dma_wait3A_152] : memref<10240x32xf32, #tpu.memory_space<vmem_shared>> -> memref<10240x32xf32, #tpu.memory_space<vmem_shared>>
      tpu.wait_indirect_dma semaphore(%arg13 : memref<!tpu.dma_semaphore, #tpu.memory_space<semaphore_mem>>) src(%dma_wait3A_153 : memref<10240x32xf32, #tpu.memory_space<vmem_shared>>) dst(%dma_wait3A_147 : memref<125x32xf32, #tpu.memory_space<vmem>>)
      %dma_wait3A_154 = arith.constant 0 : i32
      %dma_wait3A_155 = arith.constant 375 : i32
      %dma_wait3A_156 = arith.constant 0 : i32
      %dma_wait3A_157 = tpu.memref_slice %arg9[%dma_wait3A_155, %dma_wait3A_156] : memref<500x32xf32, #tpu.memory_space<vmem>> -> memref<125x32xf32, #tpu.memory_space<vmem>>
      %dma_wait3A_158 = arith.constant 0 : i32
      %dma_wait3A_159 = tpu.memref_slice %arg6[%dma_wait3A_154, %dma_wait3A_158] : memref<80x125xi32, #tpu.memory_space<vmem>> -> memref<1x125xi32, #tpu.memory_space<vmem>>
      %dma_wait3A_160 = tpu.memref_squeeze %dma_wait3A_159 : memref<1x125xi32, #tpu.memory_space<vmem>> -> memref<125xi32, #tpu.memory_space<vmem>>
      %dma_wait3A_161 = arith.constant 0 : i32
      %dma_wait3A_162 = arith.constant 0 : i32
      %dma_wait3A_163 = tpu.memref_slice %arg12[%dma_wait3A_161, %dma_wait3A_162] : memref<10240x32xf32, #tpu.memory_space<vmem_shared>> -> memref<10240x32xf32, #tpu.memory_space<vmem_shared>>
      tpu.wait_indirect_dma semaphore(%arg13 : memref<!tpu.dma_semaphore, #tpu.memory_space<semaphore_mem>>) src(%dma_wait3A_163 : memref<10240x32xf32, #tpu.memory_space<vmem_shared>>) dst(%dma_wait3A_157 : memref<125x32xf32, #tpu.memory_space<vmem>>)
      %dma_start3A_164 = arith.constant 0 : i32
      %dma_start3A_165 = arith.constant 0 : i32
      %dma_start3A_166 = arith.constant 0 : i32
      %dma_start3A_167 = tpu.memref_slice %arg9[%dma_start3A_165, %dma_start3A_166] : memref<500x32xf32, #tpu.memory_space<vmem>> -> memref<125x32xf32, #tpu.memory_space<vmem>>
      %dma_start3A_168 = arith.constant 0 : i32
      %dma_start3A_169 = tpu.memref_slice %arg7[%dma_start3A_164, %dma_start3A_168] : memref<4x125xi32, #tpu.memory_space<vmem>> -> memref<1x125xi32, #tpu.memory_space<vmem>>
      %dma_start3A_170 = tpu.memref_squeeze %dma_start3A_169 : memref<1x125xi32, #tpu.memory_space<vmem>> -> memref<125xi32, #tpu.memory_space<vmem>>
      %dma_start3A_171 = arith.constant 0 : i32
      %dma_start3A_172 = arith.constant 0 : i32
      %dma_start3A_173 = tpu.memref_slice %arg11[%dma_start3A_171, %dma_start3A_172] : memref<10240x32xf32, #tpu.memory_space<vmem_shared>> -> memref<10240x32xf32, #tpu.memory_space<vmem_shared>>
      tpu.enqueue_indirect_dma source(%dma_start3A_167 : memref<125x32xf32, #tpu.memory_space<vmem>>) target(%dma_start3A_173 : memref<10240x32xf32, #tpu.memory_space<vmem_shared>>) offsets(%dma_start3A_170 : memref<125xi32, #tpu.memory_space<vmem>>) semaphore(%arg15 : memref<!tpu.dma_semaphore, #tpu.memory_space<semaphore_mem>>) {add = true}
      %dma_start3A_174 = arith.constant 1 : i32
      %dma_start3A_175 = arith.constant 125 : i32
      %dma_start3A_176 = arith.constant 0 : i32
      %dma_start3A_177 = tpu.memref_slice %arg9[%dma_start3A_175, %dma_start3A_176] : memref<500x32xf32, #tpu.memory_space<vmem>> -> memref<125x32xf32, #tpu.memory_space<vmem>>
      %dma_start3A_178 = arith.constant 0 : i32
      %dma_start3A_179 = tpu.memref_slice %arg7[%dma_start3A_174, %dma_start3A_178] : memref<4x125xi32, #tpu.memory_space<vmem>> -> memref<1x125xi32, #tpu.memory_space<vmem>>
      %dma_start3A_180 = tpu.memref_squeeze %dma_start3A_179 : memref<1x125xi32, #tpu.memory_space<vmem>> -> memref<125xi32, #tpu.memory_space<vmem>>
      %dma_start3A_181 = arith.constant 0 : i32
      %dma_start3A_182 = arith.constant 0 : i32
      %dma_start3A_183 = tpu.memref_slice %arg11[%dma_start3A_181, %dma_start3A_182] : memref<10240x32xf32, #tpu.memory_space<vmem_shared>> -> memref<10240x32xf32, #tpu.memory_space<vmem_shared>>
      tpu.enqueue_indirect_dma source(%dma_start3A_177 : memref<125x32xf32, #tpu.memory_space<vmem>>) target(%dma_start3A_183 : memref<10240x32xf32, #tpu.memory_space<vmem_shared>>) offsets(%dma_start3A_180 : memref<125xi32, #tpu.memory_space<vmem>>) semaphore(%arg15 : memref<!tpu.dma_semaphore, #tpu.memory_space<semaphore_mem>>) {add = true}
      %dma_start3A_184 = arith.constant 2 : i32
      %dma_start3A_185 = arith.constant 250 : i32
      %dma_start3A_186 = arith.constant 0 : i32
      %dma_start3A_187 = tpu.memref_slice %arg9[%dma_start3A_185, %dma_start3A_186] : memref<500x32xf32, #tpu.memory_space<vmem>> -> memref<125x32xf32, #tpu.memory_space<vmem>>
      %dma_start3A_188 = arith.constant 0 : i32
      %dma_start3A_189 = tpu.memref_slice %arg7[%dma_start3A_184, %dma_start3A_188] : memref<4x125xi32, #tpu.memory_space<vmem>> -> memref<1x125xi32, #tpu.memory_space<vmem>>
      %dma_start3A_190 = tpu.memref_squeeze %dma_start3A_189 : memref<1x125xi32, #tpu.memory_space<vmem>> -> memref<125xi32, #tpu.memory_space<vmem>>
      %dma_start3A_191 = arith.constant 0 : i32
      %dma_start3A_192 = arith.constant 0 : i32
      %dma_start3A_193 = tpu.memref_slice %arg11[%dma_start3A_191, %dma_start3A_192] : memref<10240x32xf32, #tpu.memory_space<vmem_shared>> -> memref<10240x32xf32, #tpu.memory_space<vmem_shared>>
      tpu.enqueue_indirect_dma source(%dma_start3A_187 : memref<125x32xf32, #tpu.memory_space<vmem>>) target(%dma_start3A_193 : memref<10240x32xf32, #tpu.memory_space<vmem_shared>>) offsets(%dma_start3A_190 : memref<125xi32, #tpu.memory_space<vmem>>) semaphore(%arg15 : memref<!tpu.dma_semaphore, #tpu.memory_space<semaphore_mem>>) {add = true}
      %dma_start3A_194 = arith.constant 3 : i32
      %dma_start3A_195 = arith.constant 375 : i32
      %dma_start3A_196 = arith.constant 0 : i32
      %dma_start3A_197 = tpu.memref_slice %arg9[%dma_start3A_195, %dma_start3A_196] : memref<500x32xf32, #tpu.memory_space<vmem>> -> memref<125x32xf32, #tpu.memory_space<vmem>>
      %dma_start3A_198 = arith.constant 0 : i32
      %dma_start3A_199 = tpu.memref_slice %arg7[%dma_start3A_194, %dma_start3A_198] : memref<4x125xi32, #tpu.memory_space<vmem>> -> memref<1x125xi32, #tpu.memory_space<vmem>>
      %dma_start3A_200 = tpu.memref_squeeze %dma_start3A_199 : memref<1x125xi32, #tpu.memory_space<vmem>> -> memref<125xi32, #tpu.memory_space<vmem>>
      %dma_start3A_201 = arith.constant 0 : i32
      %dma_start3A_202 = arith.constant 0 : i32
      %dma_start3A_203 = tpu.memref_slice %arg11[%dma_start3A_201, %dma_start3A_202] : memref<10240x32xf32, #tpu.memory_space<vmem_shared>> -> memref<10240x32xf32, #tpu.memory_space<vmem_shared>>
      tpu.enqueue_indirect_dma source(%dma_start3A_197 : memref<125x32xf32, #tpu.memory_space<vmem>>) target(%dma_start3A_203 : memref<10240x32xf32, #tpu.memory_space<vmem_shared>>) offsets(%dma_start3A_200 : memref<125xi32, #tpu.memory_space<vmem>>) semaphore(%arg15 : memref<!tpu.dma_semaphore, #tpu.memory_space<semaphore_mem>>) {add = true}
      %dma_wait3A_204 = arith.constant 0 : i32
      %dma_wait3A_205 = arith.constant 0 : i32
      %dma_wait3A_206 = arith.constant 0 : i32
      %dma_wait3A_207 = tpu.memref_slice %arg9[%dma_wait3A_205, %dma_wait3A_206] : memref<500x32xf32, #tpu.memory_space<vmem>> -> memref<125x32xf32, #tpu.memory_space<vmem>>
      %dma_wait3A_208 = arith.constant 0 : i32
      %dma_wait3A_209 = tpu.memref_slice %arg7[%dma_wait3A_204, %dma_wait3A_208] : memref<4x125xi32, #tpu.memory_space<vmem>> -> memref<1x125xi32, #tpu.memory_space<vmem>>
      %dma_wait3A_210 = tpu.memref_squeeze %dma_wait3A_209 : memref<1x125xi32, #tpu.memory_space<vmem>> -> memref<125xi32, #tpu.memory_space<vmem>>
      %dma_wait3A_211 = arith.constant 0 : i32
      %dma_wait3A_212 = arith.constant 0 : i32
      %dma_wait3A_213 = tpu.memref_slice %arg11[%dma_wait3A_211, %dma_wait3A_212] : memref<10240x32xf32, #tpu.memory_space<vmem_shared>> -> memref<10240x32xf32, #tpu.memory_space<vmem_shared>>
      tpu.wait_indirect_dma semaphore(%arg15 : memref<!tpu.dma_semaphore, #tpu.memory_space<semaphore_mem>>) src(%dma_wait3A_207 : memref<125x32xf32, #tpu.memory_space<vmem>>) dst(%dma_wait3A_213 : memref<10240x32xf32, #tpu.memory_space<vmem_shared>>)
      %dma_wait3A_214 = arith.constant 1 : i32
      %dma_wait3A_215 = arith.constant 125 : i32
      %dma_wait3A_216 = arith.constant 0 : i32
      %dma_wait3A_217 = tpu.memref_slice %arg9[%dma_wait3A_215, %dma_wait3A_216] : memref<500x32xf32, #tpu.memory_space<vmem>> -> memref<125x32xf32, #tpu.memory_space<vmem>>
      %dma_wait3A_218 = arith.constant 0 : i32
      %dma_wait3A_219 = tpu.memref_slice %arg7[%dma_wait3A_214, %dma_wait3A_218] : memref<4x125xi32, #tpu.memory_space<vmem>> -> memref<1x125xi32, #tpu.memory_space<vmem>>
      %dma_wait3A_220 = tpu.memref_squeeze %dma_wait3A_219 : memref<1x125xi32, #tpu.memory_space<vmem>> -> memref<125xi32, #tpu.memory_space<vmem>>
      %dma_wait3A_221 = arith.constant 0 : i32
      %dma_wait3A_222 = arith.constant 0 : i32
      %dma_wait3A_223 = tpu.memref_slice %arg11[%dma_wait3A_221, %dma_wait3A_222] : memref<10240x32xf32, #tpu.memory_space<vmem_shared>> -> memref<10240x32xf32, #tpu.memory_space<vmem_shared>>
      tpu.wait_indirect_dma semaphore(%arg15 : memref<!tpu.dma_semaphore, #tpu.memory_space<semaphore_mem>>) src(%dma_wait3A_217 : memref<125x32xf32, #tpu.memory_space<vmem>>) dst(%dma_wait3A_223 : memref<10240x32xf32, #tpu.memory_space<vmem_shared>>)
      %dma_wait3A_224 = arith.constant 2 : i32
      %dma_wait3A_225 = arith.constant 250 : i32
      %dma_wait3A_226 = arith.constant 0 : i32
      %dma_wait3A_227 = tpu.memref_slice %arg9[%dma_wait3A_225, %dma_wait3A_226] : memref<500x32xf32, #tpu.memory_space<vmem>> -> memref<125x32xf32, #tpu.memory_space<vmem>>
      %dma_wait3A_228 = arith.constant 0 : i32
      %dma_wait3A_229 = tpu.memref_slice %arg7[%dma_wait3A_224, %dma_wait3A_228] : memref<4x125xi32, #tpu.memory_space<vmem>> -> memref<1x125xi32, #tpu.memory_space<vmem>>
      %dma_wait3A_230 = tpu.memref_squeeze %dma_wait3A_229 : memref<1x125xi32, #tpu.memory_space<vmem>> -> memref<125xi32, #tpu.memory_space<vmem>>
      %dma_wait3A_231 = arith.constant 0 : i32
      %dma_wait3A_232 = arith.constant 0 : i32
      %dma_wait3A_233 = tpu.memref_slice %arg11[%dma_wait3A_231, %dma_wait3A_232] : memref<10240x32xf32, #tpu.memory_space<vmem_shared>> -> memref<10240x32xf32, #tpu.memory_space<vmem_shared>>
      tpu.wait_indirect_dma semaphore(%arg15 : memref<!tpu.dma_semaphore, #tpu.memory_space<semaphore_mem>>) src(%dma_wait3A_227 : memref<125x32xf32, #tpu.memory_space<vmem>>) dst(%dma_wait3A_233 : memref<10240x32xf32, #tpu.memory_space<vmem_shared>>)
      %dma_wait3A_234 = arith.constant 3 : i32
      %dma_wait3A_235 = arith.constant 375 : i32
      %dma_wait3A_236 = arith.constant 0 : i32
      %dma_wait3A_237 = tpu.memref_slice %arg9[%dma_wait3A_235, %dma_wait3A_236] : memref<500x32xf32, #tpu.memory_space<vmem>> -> memref<125x32xf32, #tpu.memory_space<vmem>>
      %dma_wait3A_238 = arith.constant 0 : i32
      %dma_wait3A_239 = tpu.memref_slice %arg7[%dma_wait3A_234, %dma_wait3A_238] : memref<4x125xi32, #tpu.memory_space<vmem>> -> memref<1x125xi32, #tpu.memory_space<vmem>>
      %dma_wait3A_240 = tpu.memref_squeeze %dma_wait3A_239 : memref<1x125xi32, #tpu.memory_space<vmem>> -> memref<125xi32, #tpu.memory_space<vmem>>
      %dma_wait3A_241 = arith.constant 0 : i32
      %dma_wait3A_242 = arith.constant 0 : i32
      %dma_wait3A_243 = tpu.memref_slice %arg11[%dma_wait3A_241, %dma_wait3A_242] : memref<10240x32xf32, #tpu.memory_space<vmem_shared>> -> memref<10240x32xf32, #tpu.memory_space<vmem_shared>>
      tpu.wait_indirect_dma semaphore(%arg15 : memref<!tpu.dma_semaphore, #tpu.memory_space<semaphore_mem>>) src(%dma_wait3A_237 : memref<125x32xf32, #tpu.memory_space<vmem>>) dst(%dma_wait3A_243 : memref<10240x32xf32, #tpu.memory_space<vmem_shared>>)
      %add3A_244 = arith.constant 2 : i32
      %add3A_245 = arith.addi %mul3A_108, %add3A_244 : i32
      %lt3A = arith.constant 20 : i32
      %lt3A_246 = arith.cmpi slt, %add3A_245, %lt3A : i32
      %convert_element_type3A = arith.extui %lt3A_246 : i1 to i32
      %cond3A = arith.constant 0 : i32
      %cond3A_247 = arith.cmpi ne, %convert_element_type3A, %cond3A : i32
      scf.if %cond3A_247 {
        %add3A_398 = arith.constant 2 : i32
        %add3A_399 = arith.addi %mul3A_108, %add3A_398 : i32
        %mul3A_400 = arith.constant 4 : i32
        %mul3A_401 = arith.muli %add3A_399, %mul3A_400 : i32
        %add3A_402 = arith.constant 0 : i32
        %add3A_403 = arith.addi %mul3A_401, %add3A_402 : i32
        %dma_start3A_404 = arith.constant 0 : i32
        %dma_start3A_405 = arith.constant 0 : i32
        %dma_start3A_406 = tpu.memref_slice %arg9[%dma_start3A_404, %dma_start3A_405] : memref<500x32xf32, #tpu.memory_space<vmem>> -> memref<125x32xf32, #tpu.memory_space<vmem>>
        %dma_start3A_407 = arith.constant 0 : i32
        %dma_start3A_408 = tpu.memref_slice %arg6[%add3A_403, %dma_start3A_407] : memref<80x125xi32, #tpu.memory_space<vmem>> -> memref<1x125xi32, #tpu.memory_space<vmem>>
        %dma_start3A_409 = tpu.memref_squeeze %dma_start3A_408 : memref<1x125xi32, #tpu.memory_space<vmem>> -> memref<125xi32, #tpu.memory_space<vmem>>
        %dma_start3A_410 = arith.constant 0 : i32
        %dma_start3A_411 = arith.constant 0 : i32
        %dma_start3A_412 = tpu.memref_slice %arg12[%dma_start3A_410, %dma_start3A_411] : memref<10240x32xf32, #tpu.memory_space<vmem_shared>> -> memref<10240x32xf32, #tpu.memory_space<vmem_shared>>
        tpu.enqueue_indirect_dma source(%dma_start3A_412 : memref<10240x32xf32, #tpu.memory_space<vmem_shared>>) target(%dma_start3A_406 : memref<125x32xf32, #tpu.memory_space<vmem>>) offsets(%dma_start3A_409 : memref<125xi32, #tpu.memory_space<vmem>>) semaphore(%arg13 : memref<!tpu.dma_semaphore, #tpu.memory_space<semaphore_mem>>)
        %mul3A_413 = arith.constant 4 : i32
        %mul3A_414 = arith.muli %add3A_399, %mul3A_413 : i32
        %add3A_415 = arith.constant 1 : i32
        %add3A_416 = arith.addi %mul3A_414, %add3A_415 : i32
        %dma_start3A_417 = arith.constant 125 : i32
        %dma_start3A_418 = arith.constant 0 : i32
        %dma_start3A_419 = tpu.memref_slice %arg9[%dma_start3A_417, %dma_start3A_418] : memref<500x32xf32, #tpu.memory_space<vmem>> -> memref<125x32xf32, #tpu.memory_space<vmem>>
        %dma_start3A_420 = arith.constant 0 : i32
        %dma_start3A_421 = tpu.memref_slice %arg6[%add3A_416, %dma_start3A_420] : memref<80x125xi32, #tpu.memory_space<vmem>> -> memref<1x125xi32, #tpu.memory_space<vmem>>
        %dma_start3A_422 = tpu.memref_squeeze %dma_start3A_421 : memref<1x125xi32, #tpu.memory_space<vmem>> -> memref<125xi32, #tpu.memory_space<vmem>>
        %dma_start3A_423 = arith.constant 0 : i32
        %dma_start3A_424 = arith.constant 0 : i32
        %dma_start3A_425 = tpu.memref_slice %arg12[%dma_start3A_423, %dma_start3A_424] : memref<10240x32xf32, #tpu.memory_space<vmem_shared>> -> memref<10240x32xf32, #tpu.memory_space<vmem_shared>>
        tpu.enqueue_indirect_dma source(%dma_start3A_425 : memref<10240x32xf32, #tpu.memory_space<vmem_shared>>) target(%dma_start3A_419 : memref<125x32xf32, #tpu.memory_space<vmem>>) offsets(%dma_start3A_422 : memref<125xi32, #tpu.memory_space<vmem>>) semaphore(%arg13 : memref<!tpu.dma_semaphore, #tpu.memory_space<semaphore_mem>>)
        %mul3A_426 = arith.constant 4 : i32
        %mul3A_427 = arith.muli %add3A_399, %mul3A_426 : i32
        %add3A_428 = arith.constant 2 : i32
        %add3A_429 = arith.addi %mul3A_427, %add3A_428 : i32
        %dma_start3A_430 = arith.constant 250 : i32
        %dma_start3A_431 = arith.constant 0 : i32
        %dma_start3A_432 = tpu.memref_slice %arg9[%dma_start3A_430, %dma_start3A_431] : memref<500x32xf32, #tpu.memory_space<vmem>> -> memref<125x32xf32, #tpu.memory_space<vmem>>
        %dma_start3A_433 = arith.constant 0 : i32
        %dma_start3A_434 = tpu.memref_slice %arg6[%add3A_429, %dma_start3A_433] : memref<80x125xi32, #tpu.memory_space<vmem>> -> memref<1x125xi32, #tpu.memory_space<vmem>>
        %dma_start3A_435 = tpu.memref_squeeze %dma_start3A_434 : memref<1x125xi32, #tpu.memory_space<vmem>> -> memref<125xi32, #tpu.memory_space<vmem>>
        %dma_start3A_436 = arith.constant 0 : i32
        %dma_start3A_437 = arith.constant 0 : i32
        %dma_start3A_438 = tpu.memref_slice %arg12[%dma_start3A_436, %dma_start3A_437] : memref<10240x32xf32, #tpu.memory_space<vmem_shared>> -> memref<10240x32xf32, #tpu.memory_space<vmem_shared>>
        tpu.enqueue_indirect_dma source(%dma_start3A_438 : memref<10240x32xf32, #tpu.memory_space<vmem_shared>>) target(%dma_start3A_432 : memref<125x32xf32, #tpu.memory_space<vmem>>) offsets(%dma_start3A_435 : memref<125xi32, #tpu.memory_space<vmem>>) semaphore(%arg13 : memref<!tpu.dma_semaphore, #tpu.memory_space<semaphore_mem>>)
        %mul3A_439 = arith.constant 4 : i32
        %mul3A_440 = arith.muli %add3A_399, %mul3A_439 : i32
        %add3A_441 = arith.constant 3 : i32
        %add3A_442 = arith.addi %mul3A_440, %add3A_441 : i32
        %dma_start3A_443 = arith.constant 375 : i32
        %dma_start3A_444 = arith.constant 0 : i32
        %dma_start3A_445 = tpu.memref_slice %arg9[%dma_start3A_443, %dma_start3A_444] : memref<500x32xf32, #tpu.memory_space<vmem>> -> memref<125x32xf32, #tpu.memory_space<vmem>>
        %dma_start3A_446 = arith.constant 0 : i32
        %dma_start3A_447 = tpu.memref_slice %arg6[%add3A_442, %dma_start3A_446] : memref<80x125xi32, #tpu.memory_space<vmem>> -> memref<1x125xi32, #tpu.memory_space<vmem>>
        %dma_start3A_448 = tpu.memref_squeeze %dma_start3A_447 : memref<1x125xi32, #tpu.memory_space<vmem>> -> memref<125xi32, #tpu.memory_space<vmem>>
        %dma_start3A_449 = arith.constant 0 : i32
        %dma_start3A_450 = arith.constant 0 : i32
        %dma_start3A_451 = tpu.memref_slice %arg12[%dma_start3A_449, %dma_start3A_450] : memref<10240x32xf32, #tpu.memory_space<vmem_shared>> -> memref<10240x32xf32, #tpu.memory_space<vmem_shared>>
        tpu.enqueue_indirect_dma source(%dma_start3A_451 : memref<10240x32xf32, #tpu.memory_space<vmem_shared>>) target(%dma_start3A_445 : memref<125x32xf32, #tpu.memory_space<vmem>>) offsets(%dma_start3A_448 : memref<125xi32, #tpu.memory_space<vmem>>) semaphore(%arg13 : memref<!tpu.dma_semaphore, #tpu.memory_space<semaphore_mem>>)
      } else {
      }
      %dma_wait3A_248 = arith.constant 0 : i32
      %dma_wait3A_249 = arith.constant 0 : i32
      %dma_wait3A_250 = tpu.memref_slice %arg4[%add3A, %dma_wait3A_248, %dma_wait3A_249] : memref<32x80x125xi32, #tpu.memory_space<hbm>> -> memref<1x80x125xi32, #tpu.memory_space<hbm>>
      %dma_wait3A_251 = tpu.memref_squeeze %dma_wait3A_250 : memref<1x80x125xi32, #tpu.memory_space<hbm>> -> memref<80x125xi32, #tpu.memory_space<hbm>>
      %dma_wait3A_252 = arith.constant 0 : i32
      %dma_wait3A_253 = arith.constant 0 : i32
      %dma_wait3A_254 = tpu.memref_slice %dma_wait3A_251[%dma_wait3A_252, %dma_wait3A_253] : memref<80x125xi32, #tpu.memory_space<hbm>> -> memref<4x125xi32, #tpu.memory_space<hbm>>
      %dma_wait3A_255 = arith.constant 0 : i32
      %dma_wait3A_256 = arith.constant 0 : i32
      %dma_wait3A_257 = tpu.memref_slice %arg4[%add3A, %dma_wait3A_255, %dma_wait3A_256] : memref<32x80x125xi32, #tpu.memory_space<hbm>> -> memref<1x80x125xi32, #tpu.memory_space<hbm>>
      %dma_wait3A_258 = tpu.memref_squeeze %dma_wait3A_257 : memref<1x80x125xi32, #tpu.memory_space<hbm>> -> memref<80x125xi32, #tpu.memory_space<hbm>>
      %dma_wait3A_259 = arith.constant 0 : i32
      %dma_wait3A_260 = arith.constant 0 : i32
      %dma_wait3A_261 = tpu.memref_slice %dma_wait3A_258[%dma_wait3A_259, %dma_wait3A_260] : memref<80x125xi32, #tpu.memory_space<hbm>> -> memref<4x125xi32, #tpu.memory_space<hbm>>
      tpu.wait_dma2 semaphore(%arg17 : memref<!tpu.dma_semaphore, #tpu.memory_space<semaphore_mem>>) src(%dma_wait3A_261 : memref<4x125xi32, #tpu.memory_space<hbm>>) dst(%arg8 : memref<4x125xi32, #tpu.memory_space<vmem>>)
      %dma_wait3A_262 = arith.constant 0 : i32
      %dma_wait3A_263 = arith.constant 0 : i32
      %dma_wait3A_264 = arith.constant 0 : i32
      %dma_wait3A_265 = tpu.memref_slice %arg10[%dma_wait3A_263, %dma_wait3A_264] : memref<500x32xf32, #tpu.memory_space<vmem>> -> memref<125x32xf32, #tpu.memory_space<vmem>>
      %dma_wait3A_266 = arith.constant 0 : i32
      %dma_wait3A_267 = tpu.memref_slice %arg6[%dma_wait3A_262, %dma_wait3A_266] : memref<80x125xi32, #tpu.memory_space<vmem>> -> memref<1x125xi32, #tpu.memory_space<vmem>>
      %dma_wait3A_268 = tpu.memref_squeeze %dma_wait3A_267 : memref<1x125xi32, #tpu.memory_space<vmem>> -> memref<125xi32, #tpu.memory_space<vmem>>
      %dma_wait3A_269 = arith.constant 0 : i32
      %dma_wait3A_270 = arith.constant 0 : i32
      %dma_wait3A_271 = tpu.memref_slice %arg12[%dma_wait3A_269, %dma_wait3A_270] : memref<10240x32xf32, #tpu.memory_space<vmem_shared>> -> memref<10240x32xf32, #tpu.memory_space<vmem_shared>>
      tpu.wait_indirect_dma semaphore(%arg14 : memref<!tpu.dma_semaphore, #tpu.memory_space<semaphore_mem>>) src(%dma_wait3A_271 : memref<10240x32xf32, #tpu.memory_space<vmem_shared>>) dst(%dma_wait3A_265 : memref<125x32xf32, #tpu.memory_space<vmem>>)
      %dma_wait3A_272 = arith.constant 0 : i32
      %dma_wait3A_273 = arith.constant 125 : i32
      %dma_wait3A_274 = arith.constant 0 : i32
      %dma_wait3A_275 = tpu.memref_slice %arg10[%dma_wait3A_273, %dma_wait3A_274] : memref<500x32xf32, #tpu.memory_space<vmem>> -> memref<125x32xf32, #tpu.memory_space<vmem>>
      %dma_wait3A_276 = arith.constant 0 : i32
      %dma_wait3A_277 = tpu.memref_slice %arg6[%dma_wait3A_272, %dma_wait3A_276] : memref<80x125xi32, #tpu.memory_space<vmem>> -> memref<1x125xi32, #tpu.memory_space<vmem>>
      %dma_wait3A_278 = tpu.memref_squeeze %dma_wait3A_277 : memref<1x125xi32, #tpu.memory_space<vmem>> -> memref<125xi32, #tpu.memory_space<vmem>>
      %dma_wait3A_279 = arith.constant 0 : i32
      %dma_wait3A_280 = arith.constant 0 : i32
      %dma_wait3A_281 = tpu.memref_slice %arg12[%dma_wait3A_279, %dma_wait3A_280] : memref<10240x32xf32, #tpu.memory_space<vmem_shared>> -> memref<10240x32xf32, #tpu.memory_space<vmem_shared>>
      tpu.wait_indirect_dma semaphore(%arg14 : memref<!tpu.dma_semaphore, #tpu.memory_space<semaphore_mem>>) src(%dma_wait3A_281 : memref<10240x32xf32, #tpu.memory_space<vmem_shared>>) dst(%dma_wait3A_275 : memref<125x32xf32, #tpu.memory_space<vmem>>)
      %dma_wait3A_282 = arith.constant 0 : i32
      %dma_wait3A_283 = arith.constant 250 : i32
      %dma_wait3A_284 = arith.constant 0 : i32
      %dma_wait3A_285 = tpu.memref_slice %arg10[%dma_wait3A_283, %dma_wait3A_284] : memref<500x32xf32, #tpu.memory_space<vmem>> -> memref<125x32xf32, #tpu.memory_space<vmem>>
      %dma_wait3A_286 = arith.constant 0 : i32
      %dma_wait3A_287 = tpu.memref_slice %arg6[%dma_wait3A_282, %dma_wait3A_286] : memref<80x125xi32, #tpu.memory_space<vmem>> -> memref<1x125xi32, #tpu.memory_space<vmem>>
      %dma_wait3A_288 = tpu.memref_squeeze %dma_wait3A_287 : memref<1x125xi32, #tpu.memory_space<vmem>> -> memref<125xi32, #tpu.memory_space<vmem>>
      %dma_wait3A_289 = arith.constant 0 : i32
      %dma_wait3A_290 = arith.constant 0 : i32
      %dma_wait3A_291 = tpu.memref_slice %arg12[%dma_wait3A_289, %dma_wait3A_290] : memref<10240x32xf32, #tpu.memory_space<vmem_shared>> -> memref<10240x32xf32, #tpu.memory_space<vmem_shared>>
      tpu.wait_indirect_dma semaphore(%arg14 : memref<!tpu.dma_semaphore, #tpu.memory_space<semaphore_mem>>) src(%dma_wait3A_291 : memref<10240x32xf32, #tpu.memory_space<vmem_shared>>) dst(%dma_wait3A_285 : memref<125x32xf32, #tpu.memory_space<vmem>>)
      %dma_wait3A_292 = arith.constant 0 : i32
      %dma_wait3A_293 = arith.constant 375 : i32
      %dma_wait3A_294 = arith.constant 0 : i32
      %dma_wait3A_295 = tpu.memref_slice %arg10[%dma_wait3A_293, %dma_wait3A_294] : memref<500x32xf32, #tpu.memory_space<vmem>> -> memref<125x32xf32, #tpu.memory_space<vmem>>
      %dma_wait3A_296 = arith.constant 0 : i32
      %dma_wait3A_297 = tpu.memref_slice %arg6[%dma_wait3A_292, %dma_wait3A_296] : memref<80x125xi32, #tpu.memory_space<vmem>> -> memref<1x125xi32, #tpu.memory_space<vmem>>
      %dma_wait3A_298 = tpu.memref_squeeze %dma_wait3A_297 : memref<1x125xi32, #tpu.memory_space<vmem>> -> memref<125xi32, #tpu.memory_space<vmem>>
      %dma_wait3A_299 = arith.constant 0 : i32
      %dma_wait3A_300 = arith.constant 0 : i32
      %dma_wait3A_301 = tpu.memref_slice %arg12[%dma_wait3A_299, %dma_wait3A_300] : memref<10240x32xf32, #tpu.memory_space<vmem_shared>> -> memref<10240x32xf32, #tpu.memory_space<vmem_shared>>
      tpu.wait_indirect_dma semaphore(%arg14 : memref<!tpu.dma_semaphore, #tpu.memory_space<semaphore_mem>>) src(%dma_wait3A_301 : memref<10240x32xf32, #tpu.memory_space<vmem_shared>>) dst(%dma_wait3A_295 : memref<125x32xf32, #tpu.memory_space<vmem>>)
      %add3A_302 = arith.constant 1 : i32
      %add3A_303 = arith.addi %mul3A_108, %add3A_302 : i32
      %dma_start3A_304 = arith.constant 0 : i32
      %dma_start3A_305 = arith.constant 0 : i32
      %dma_start3A_306 = arith.constant 0 : i32
      %dma_start3A_307 = tpu.memref_slice %arg10[%dma_start3A_305, %dma_start3A_306] : memref<500x32xf32, #tpu.memory_space<vmem>> -> memref<125x32xf32, #tpu.memory_space<vmem>>
      %dma_start3A_308 = arith.constant 0 : i32
      %dma_start3A_309 = tpu.memref_slice %arg8[%dma_start3A_304, %dma_start3A_308] : memref<4x125xi32, #tpu.memory_space<vmem>> -> memref<1x125xi32, #tpu.memory_space<vmem>>
      %dma_start3A_310 = tpu.memref_squeeze %dma_start3A_309 : memref<1x125xi32, #tpu.memory_space<vmem>> -> memref<125xi32, #tpu.memory_space<vmem>>
      %dma_start3A_311 = arith.constant 0 : i32
      %dma_start3A_312 = arith.constant 0 : i32
      %dma_start3A_313 = tpu.memref_slice %arg11[%dma_start3A_311, %dma_start3A_312] : memref<10240x32xf32, #tpu.memory_space<vmem_shared>> -> memref<10240x32xf32, #tpu.memory_space<vmem_shared>>
      tpu.enqueue_indirect_dma source(%dma_start3A_307 : memref<125x32xf32, #tpu.memory_space<vmem>>) target(%dma_start3A_313 : memref<10240x32xf32, #tpu.memory_space<vmem_shared>>) offsets(%dma_start3A_310 : memref<125xi32, #tpu.memory_space<vmem>>) semaphore(%arg16 : memref<!tpu.dma_semaphore, #tpu.memory_space<semaphore_mem>>) {add = true}
      %dma_start3A_314 = arith.constant 1 : i32
      %dma_start3A_315 = arith.constant 125 : i32
      %dma_start3A_316 = arith.constant 0 : i32
      %dma_start3A_317 = tpu.memref_slice %arg10[%dma_start3A_315, %dma_start3A_316] : memref<500x32xf32, #tpu.memory_space<vmem>> -> memref<125x32xf32, #tpu.memory_space<vmem>>
      %dma_start3A_318 = arith.constant 0 : i32
      %dma_start3A_319 = tpu.memref_slice %arg8[%dma_start3A_314, %dma_start3A_318] : memref<4x125xi32, #tpu.memory_space<vmem>> -> memref<1x125xi32, #tpu.memory_space<vmem>>
      %dma_start3A_320 = tpu.memref_squeeze %dma_start3A_319 : memref<1x125xi32, #tpu.memory_space<vmem>> -> memref<125xi32, #tpu.memory_space<vmem>>
      %dma_start3A_321 = arith.constant 0 : i32
      %dma_start3A_322 = arith.constant 0 : i32
      %dma_start3A_323 = tpu.memref_slice %arg11[%dma_start3A_321, %dma_start3A_322] : memref<10240x32xf32, #tpu.memory_space<vmem_shared>> -> memref<10240x32xf32, #tpu.memory_space<vmem_shared>>
      tpu.enqueue_indirect_dma source(%dma_start3A_317 : memref<125x32xf32, #tpu.memory_space<vmem>>) target(%dma_start3A_323 : memref<10240x32xf32, #tpu.memory_space<vmem_shared>>) offsets(%dma_start3A_320 : memref<125xi32, #tpu.memory_space<vmem>>) semaphore(%arg16 : memref<!tpu.dma_semaphore, #tpu.memory_space<semaphore_mem>>) {add = true}
      %dma_start3A_324 = arith.constant 2 : i32
      %dma_start3A_325 = arith.constant 250 : i32
      %dma_start3A_326 = arith.constant 0 : i32
      %dma_start3A_327 = tpu.memref_slice %arg10[%dma_start3A_325, %dma_start3A_326] : memref<500x32xf32, #tpu.memory_space<vmem>> -> memref<125x32xf32, #tpu.memory_space<vmem>>
      %dma_start3A_328 = arith.constant 0 : i32
      %dma_start3A_329 = tpu.memref_slice %arg8[%dma_start3A_324, %dma_start3A_328] : memref<4x125xi32, #tpu.memory_space<vmem>> -> memref<1x125xi32, #tpu.memory_space<vmem>>
      %dma_start3A_330 = tpu.memref_squeeze %dma_start3A_329 : memref<1x125xi32, #tpu.memory_space<vmem>> -> memref<125xi32, #tpu.memory_space<vmem>>
      %dma_start3A_331 = arith.constant 0 : i32
      %dma_start3A_332 = arith.constant 0 : i32
      %dma_start3A_333 = tpu.memref_slice %arg11[%dma_start3A_331, %dma_start3A_332] : memref<10240x32xf32, #tpu.memory_space<vmem_shared>> -> memref<10240x32xf32, #tpu.memory_space<vmem_shared>>
      tpu.enqueue_indirect_dma source(%dma_start3A_327 : memref<125x32xf32, #tpu.memory_space<vmem>>) target(%dma_start3A_333 : memref<10240x32xf32, #tpu.memory_space<vmem_shared>>) offsets(%dma_start3A_330 : memref<125xi32, #tpu.memory_space<vmem>>) semaphore(%arg16 : memref<!tpu.dma_semaphore, #tpu.memory_space<semaphore_mem>>) {add = true}
      %dma_start3A_334 = arith.constant 3 : i32
      %dma_start3A_335 = arith.constant 375 : i32
      %dma_start3A_336 = arith.constant 0 : i32
      %dma_start3A_337 = tpu.memref_slice %arg10[%dma_start3A_335, %dma_start3A_336] : memref<500x32xf32, #tpu.memory_space<vmem>> -> memref<125x32xf32, #tpu.memory_space<vmem>>
      %dma_start3A_338 = arith.constant 0 : i32
      %dma_start3A_339 = tpu.memref_slice %arg8[%dma_start3A_334, %dma_start3A_338] : memref<4x125xi32, #tpu.memory_space<vmem>> -> memref<1x125xi32, #tpu.memory_space<vmem>>
      %dma_start3A_340 = tpu.memref_squeeze %dma_start3A_339 : memref<1x125xi32, #tpu.memory_space<vmem>> -> memref<125xi32, #tpu.memory_space<vmem>>
      %dma_start3A_341 = arith.constant 0 : i32
      %dma_start3A_342 = arith.constant 0 : i32
      %dma_start3A_343 = tpu.memref_slice %arg11[%dma_start3A_341, %dma_start3A_342] : memref<10240x32xf32, #tpu.memory_space<vmem_shared>> -> memref<10240x32xf32, #tpu.memory_space<vmem_shared>>
      tpu.enqueue_indirect_dma source(%dma_start3A_337 : memref<125x32xf32, #tpu.memory_space<vmem>>) target(%dma_start3A_343 : memref<10240x32xf32, #tpu.memory_space<vmem_shared>>) offsets(%dma_start3A_340 : memref<125xi32, #tpu.memory_space<vmem>>) semaphore(%arg16 : memref<!tpu.dma_semaphore, #tpu.memory_space<semaphore_mem>>) {add = true}
      %dma_wait3A_344 = arith.constant 0 : i32
      %dma_wait3A_345 = arith.constant 0 : i32
      %dma_wait3A_346 = arith.constant 0 : i32
      %dma_wait3A_347 = tpu.memref_slice %arg10[%dma_wait3A_345, %dma_wait3A_346] : memref<500x32xf32, #tpu.memory_space<vmem>> -> memref<125x32xf32, #tpu.memory_space<vmem>>
      %dma_wait3A_348 = arith.constant 0 : i32
      %dma_wait3A_349 = tpu.memref_slice %arg8[%dma_wait3A_344, %dma_wait3A_348] : memref<4x125xi32, #tpu.memory_space<vmem>> -> memref<1x125xi32, #tpu.memory_space<vmem>>
      %dma_wait3A_350 = tpu.memref_squeeze %dma_wait3A_349 : memref<1x125xi32, #tpu.memory_space<vmem>> -> memref<125xi32, #tpu.memory_space<vmem>>
      %dma_wait3A_351 = arith.constant 0 : i32
      %dma_wait3A_352 = arith.constant 0 : i32
      %dma_wait3A_353 = tpu.memref_slice %arg11[%dma_wait3A_351, %dma_wait3A_352] : memref<10240x32xf32, #tpu.memory_space<vmem_shared>> -> memref<10240x32xf32, #tpu.memory_space<vmem_shared>>
      tpu.wait_indirect_dma semaphore(%arg16 : memref<!tpu.dma_semaphore, #tpu.memory_space<semaphore_mem>>) src(%dma_wait3A_347 : memref<125x32xf32, #tpu.memory_space<vmem>>) dst(%dma_wait3A_353 : memref<10240x32xf32, #tpu.memory_space<vmem_shared>>)
      %dma_wait3A_354 = arith.constant 1 : i32
      %dma_wait3A_355 = arith.constant 125 : i32
      %dma_wait3A_356 = arith.constant 0 : i32
      %dma_wait3A_357 = tpu.memref_slice %arg10[%dma_wait3A_355, %dma_wait3A_356] : memref<500x32xf32, #tpu.memory_space<vmem>> -> memref<125x32xf32, #tpu.memory_space<vmem>>
      %dma_wait3A_358 = arith.constant 0 : i32
      %dma_wait3A_359 = tpu.memref_slice %arg8[%dma_wait3A_354, %dma_wait3A_358] : memref<4x125xi32, #tpu.memory_space<vmem>> -> memref<1x125xi32, #tpu.memory_space<vmem>>
      %dma_wait3A_360 = tpu.memref_squeeze %dma_wait3A_359 : memref<1x125xi32, #tpu.memory_space<vmem>> -> memref<125xi32, #tpu.memory_space<vmem>>
      %dma_wait3A_361 = arith.constant 0 : i32
      %dma_wait3A_362 = arith.constant 0 : i32
      %dma_wait3A_363 = tpu.memref_slice %arg11[%dma_wait3A_361, %dma_wait3A_362] : memref<10240x32xf32, #tpu.memory_space<vmem_shared>> -> memref<10240x32xf32, #tpu.memory_space<vmem_shared>>
      tpu.wait_indirect_dma semaphore(%arg16 : memref<!tpu.dma_semaphore, #tpu.memory_space<semaphore_mem>>) src(%dma_wait3A_357 : memref<125x32xf32, #tpu.memory_space<vmem>>) dst(%dma_wait3A_363 : memref<10240x32xf32, #tpu.memory_space<vmem_shared>>)
      %dma_wait3A_364 = arith.constant 2 : i32
      %dma_wait3A_365 = arith.constant 250 : i32
      %dma_wait3A_366 = arith.constant 0 : i32
      %dma_wait3A_367 = tpu.memref_slice %arg10[%dma_wait3A_365, %dma_wait3A_366] : memref<500x32xf32, #tpu.memory_space<vmem>> -> memref<125x32xf32, #tpu.memory_space<vmem>>
      %dma_wait3A_368 = arith.constant 0 : i32
      %dma_wait3A_369 = tpu.memref_slice %arg8[%dma_wait3A_364, %dma_wait3A_368] : memref<4x125xi32, #tpu.memory_space<vmem>> -> memref<1x125xi32, #tpu.memory_space<vmem>>
      %dma_wait3A_370 = tpu.memref_squeeze %dma_wait3A_369 : memref<1x125xi32, #tpu.memory_space<vmem>> -> memref<125xi32, #tpu.memory_space<vmem>>
      %dma_wait3A_371 = arith.constant 0 : i32
      %dma_wait3A_372 = arith.constant 0 : i32
      %dma_wait3A_373 = tpu.memref_slice %arg11[%dma_wait3A_371, %dma_wait3A_372] : memref<10240x32xf32, #tpu.memory_space<vmem_shared>> -> memref<10240x32xf32, #tpu.memory_space<vmem_shared>>
      tpu.wait_indirect_dma semaphore(%arg16 : memref<!tpu.dma_semaphore, #tpu.memory_space<semaphore_mem>>) src(%dma_wait3A_367 : memref<125x32xf32, #tpu.memory_space<vmem>>) dst(%dma_wait3A_373 : memref<10240x32xf32, #tpu.memory_space<vmem_shared>>)
      %dma_wait3A_374 = arith.constant 3 : i32
      %dma_wait3A_375 = arith.constant 375 : i32
      %dma_wait3A_376 = arith.constant 0 : i32
      %dma_wait3A_377 = tpu.memref_slice %arg10[%dma_wait3A_375, %dma_wait3A_376] : memref<500x32xf32, #tpu.memory_space<vmem>> -> memref<125x32xf32, #tpu.memory_space<vmem>>
      %dma_wait3A_378 = arith.constant 0 : i32
      %dma_wait3A_379 = tpu.memref_slice %arg8[%dma_wait3A_374, %dma_wait3A_378] : memref<4x125xi32, #tpu.memory_space<vmem>> -> memref<1x125xi32, #tpu.memory_space<vmem>>
      %dma_wait3A_380 = tpu.memref_squeeze %dma_wait3A_379 : memref<1x125xi32, #tpu.memory_space<vmem>> -> memref<125xi32, #tpu.memory_space<vmem>>
      %dma_wait3A_381 = arith.constant 0 : i32
      %dma_wait3A_382 = arith.constant 0 : i32
      %dma_wait3A_383 = tpu.memref_slice %arg11[%dma_wait3A_381, %dma_wait3A_382] : memref<10240x32xf32, #tpu.memory_space<vmem_shared>> -> memref<10240x32xf32, #tpu.memory_space<vmem_shared>>
      tpu.wait_indirect_dma semaphore(%arg16 : memref<!tpu.dma_semaphore, #tpu.memory_space<semaphore_mem>>) src(%dma_wait3A_377 : memref<125x32xf32, #tpu.memory_space<vmem>>) dst(%dma_wait3A_383 : memref<10240x32xf32, #tpu.memory_space<vmem_shared>>)
      %add3A_384 = arith.constant 3 : i32
      %add3A_385 = arith.addi %mul3A_108, %add3A_384 : i32
      %lt3A_386 = arith.constant 20 : i32
      %lt3A_387 = arith.cmpi slt, %add3A_385, %lt3A_386 : i32
      %convert_element_type3A_388 = arith.extui %lt3A_387 : i1 to i32
      %cond3A_389 = arith.constant 0 : i32
      %cond3A_390 = arith.cmpi ne, %convert_element_type3A_388, %cond3A_389 : i32
      scf.if %cond3A_390 {
        %add3A_398 = arith.constant 3 : i32
        %add3A_399 = arith.addi %mul3A_108, %add3A_398 : i32
        %mul3A_400 = arith.constant 4 : i32
        %mul3A_401 = arith.muli %add3A_399, %mul3A_400 : i32
        %add3A_402 = arith.constant 0 : i32
        %add3A_403 = arith.addi %mul3A_401, %add3A_402 : i32
        %dma_start3A_404 = arith.constant 0 : i32
        %dma_start3A_405 = arith.constant 0 : i32
        %dma_start3A_406 = tpu.memref_slice %arg10[%dma_start3A_404, %dma_start3A_405] : memref<500x32xf32, #tpu.memory_space<vmem>> -> memref<125x32xf32, #tpu.memory_space<vmem>>
        %dma_start3A_407 = arith.constant 0 : i32
        %dma_start3A_408 = tpu.memref_slice %arg6[%add3A_403, %dma_start3A_407] : memref<80x125xi32, #tpu.memory_space<vmem>> -> memref<1x125xi32, #tpu.memory_space<vmem>>
        %dma_start3A_409 = tpu.memref_squeeze %dma_start3A_408 : memref<1x125xi32, #tpu.memory_space<vmem>> -> memref<125xi32, #tpu.memory_space<vmem>>
        %dma_start3A_410 = arith.constant 0 : i32
        %dma_start3A_411 = arith.constant 0 : i32
        %dma_start3A_412 = tpu.memref_slice %arg12[%dma_start3A_410, %dma_start3A_411] : memref<10240x32xf32, #tpu.memory_space<vmem_shared>> -> memref<10240x32xf32, #tpu.memory_space<vmem_shared>>
        tpu.enqueue_indirect_dma source(%dma_start3A_412 : memref<10240x32xf32, #tpu.memory_space<vmem_shared>>) target(%dma_start3A_406 : memref<125x32xf32, #tpu.memory_space<vmem>>) offsets(%dma_start3A_409 : memref<125xi32, #tpu.memory_space<vmem>>) semaphore(%arg14 : memref<!tpu.dma_semaphore, #tpu.memory_space<semaphore_mem>>)
        %mul3A_413 = arith.constant 4 : i32
        %mul3A_414 = arith.muli %add3A_399, %mul3A_413 : i32
        %add3A_415 = arith.constant 1 : i32
        %add3A_416 = arith.addi %mul3A_414, %add3A_415 : i32
        %dma_start3A_417 = arith.constant 125 : i32
        %dma_start3A_418 = arith.constant 0 : i32
        %dma_start3A_419 = tpu.memref_slice %arg10[%dma_start3A_417, %dma_start3A_418] : memref<500x32xf32, #tpu.memory_space<vmem>> -> memref<125x32xf32, #tpu.memory_space<vmem>>
        %dma_start3A_420 = arith.constant 0 : i32
        %dma_start3A_421 = tpu.memref_slice %arg6[%add3A_416, %dma_start3A_420] : memref<80x125xi32, #tpu.memory_space<vmem>> -> memref<1x125xi32, #tpu.memory_space<vmem>>
        %dma_start3A_422 = tpu.memref_squeeze %dma_start3A_421 : memref<1x125xi32, #tpu.memory_space<vmem>> -> memref<125xi32, #tpu.memory_space<vmem>>
        %dma_start3A_423 = arith.constant 0 : i32
        %dma_start3A_424 = arith.constant 0 : i32
        %dma_start3A_425 = tpu.memref_slice %arg12[%dma_start3A_423, %dma_start3A_424] : memref<10240x32xf32, #tpu.memory_space<vmem_shared>> -> memref<10240x32xf32, #tpu.memory_space<vmem_shared>>
        tpu.enqueue_indirect_dma source(%dma_start3A_425 : memref<10240x32xf32, #tpu.memory_space<vmem_shared>>) target(%dma_start3A_419 : memref<125x32xf32, #tpu.memory_space<vmem>>) offsets(%dma_start3A_422 : memref<125xi32, #tpu.memory_space<vmem>>) semaphore(%arg14 : memref<!tpu.dma_semaphore, #tpu.memory_space<semaphore_mem>>)
        %mul3A_426 = arith.constant 4 : i32
        %mul3A_427 = arith.muli %add3A_399, %mul3A_426 : i32
        %add3A_428 = arith.constant 2 : i32
        %add3A_429 = arith.addi %mul3A_427, %add3A_428 : i32
        %dma_start3A_430 = arith.constant 250 : i32
        %dma_start3A_431 = arith.constant 0 : i32
        %dma_start3A_432 = tpu.memref_slice %arg10[%dma_start3A_430, %dma_start3A_431] : memref<500x32xf32, #tpu.memory_space<vmem>> -> memref<125x32xf32, #tpu.memory_space<vmem>>
        %dma_start3A_433 = arith.constant 0 : i32
        %dma_start3A_434 = tpu.memref_slice %arg6[%add3A_429, %dma_start3A_433] : memref<80x125xi32, #tpu.memory_space<vmem>> -> memref<1x125xi32, #tpu.memory_space<vmem>>
        %dma_start3A_435 = tpu.memref_squeeze %dma_start3A_434 : memref<1x125xi32, #tpu.memory_space<vmem>> -> memref<125xi32, #tpu.memory_space<vmem>>
        %dma_start3A_436 = arith.constant 0 : i32
        %dma_start3A_437 = arith.constant 0 : i32
        %dma_start3A_438 = tpu.memref_slice %arg12[%dma_start3A_436, %dma_start3A_437] : memref<10240x32xf32, #tpu.memory_space<vmem_shared>> -> memref<10240x32xf32, #tpu.memory_space<vmem_shared>>
        tpu.enqueue_indirect_dma source(%dma_start3A_438 : memref<10240x32xf32, #tpu.memory_space<vmem_shared>>) target(%dma_start3A_432 : memref<125x32xf32, #tpu.memory_space<vmem>>) offsets(%dma_start3A_435 : memref<125xi32, #tpu.memory_space<vmem>>) semaphore(%arg14 : memref<!tpu.dma_semaphore, #tpu.memory_space<semaphore_mem>>)
        %mul3A_439 = arith.constant 4 : i32
        %mul3A_440 = arith.muli %add3A_399, %mul3A_439 : i32
        %add3A_441 = arith.constant 3 : i32
        %add3A_442 = arith.addi %mul3A_440, %add3A_441 : i32
        %dma_start3A_443 = arith.constant 375 : i32
        %dma_start3A_444 = arith.constant 0 : i32
        %dma_start3A_445 = tpu.memref_slice %arg10[%dma_start3A_443, %dma_start3A_444] : memref<500x32xf32, #tpu.memory_space<vmem>> -> memref<125x32xf32, #tpu.memory_space<vmem>>
        %dma_start3A_446 = arith.constant 0 : i32
        %dma_start3A_447 = tpu.memref_slice %arg6[%add3A_442, %dma_start3A_446] : memref<80x125xi32, #tpu.memory_space<vmem>> -> memref<1x125xi32, #tpu.memory_space<vmem>>
        %dma_start3A_448 = tpu.memref_squeeze %dma_start3A_447 : memref<1x125xi32, #tpu.memory_space<vmem>> -> memref<125xi32, #tpu.memory_space<vmem>>
        %dma_start3A_449 = arith.constant 0 : i32
        %dma_start3A_450 = arith.constant 0 : i32
        %dma_start3A_451 = tpu.memref_slice %arg12[%dma_start3A_449, %dma_start3A_450] : memref<10240x32xf32, #tpu.memory_space<vmem_shared>> -> memref<10240x32xf32, #tpu.memory_space<vmem_shared>>
        tpu.enqueue_indirect_dma source(%dma_start3A_451 : memref<10240x32xf32, #tpu.memory_space<vmem_shared>>) target(%dma_start3A_445 : memref<125x32xf32, #tpu.memory_space<vmem>>) offsets(%dma_start3A_448 : memref<125xi32, #tpu.memory_space<vmem>>) semaphore(%arg14 : memref<!tpu.dma_semaphore, #tpu.memory_space<semaphore_mem>>)
      } else {
      }
      %add3A_391 = arith.constant 2 : i32
      %add3A_392 = arith.addi %mul3A_108, %add3A_391 : i32
      %lt3A_393 = arith.constant 20 : i32
      %lt3A_394 = arith.cmpi slt, %add3A_392, %lt3A_393 : i32
      %convert_element_type3A_395 = arith.extui %lt3A_394 : i1 to i32
      %cond3A_396 = arith.constant 0 : i32
      %cond3A_397 = arith.cmpi ne, %convert_element_type3A_395, %cond3A_396 : i32
      scf.if %cond3A_397 {
        %add3A_398 = arith.constant 2 : i32
        %add3A_399 = arith.addi %mul3A_108, %add3A_398 : i32
        %mul3A_400 = arith.constant 4 : i32
        %mul3A_401 = arith.muli %add3A_399, %mul3A_400 : i32
        "tpu.region"() ({
          %run_scoped3A = tpu.sem_alloc : memref<!tpu.dma_semaphore, #tpu.memory_space<semaphore_mem>>
          %dma_start3A_402 = arith.constant 0 : i32
          %dma_start3A_403 = arith.constant 0 : i32
          %dma_start3A_404 = tpu.memref_slice %arg4[%add3A, %dma_start3A_402, %dma_start3A_403] : memref<32x80x125xi32, #tpu.memory_space<hbm>> -> memref<1x80x125xi32, #tpu.memory_space<hbm>>
          %dma_start3A_405 = tpu.memref_squeeze %dma_start3A_404 : memref<1x80x125xi32, #tpu.memory_space<hbm>> -> memref<80x125xi32, #tpu.memory_space<hbm>>
          %dma_start3A_406 = arith.constant 0 : i32
          %dma_start3A_407 = tpu.memref_slice %dma_start3A_405[%mul3A_401, %dma_start3A_406] : memref<80x125xi32, #tpu.memory_space<hbm>> -> memref<4x125xi32, #tpu.memory_space<hbm>>
          %dma_start3A_408 = arith.constant 0 : i32
          %dma_start3A_409 = arith.constant 0 : i32
          %dma_start3A_410 = tpu.memref_slice %arg4[%add3A, %dma_start3A_408, %dma_start3A_409] : memref<32x80x125xi32, #tpu.memory_space<hbm>> -> memref<1x80x125xi32, #tpu.memory_space<hbm>>
          %dma_start3A_411 = tpu.memref_squeeze %dma_start3A_410 : memref<1x80x125xi32, #tpu.memory_space<hbm>> -> memref<80x125xi32, #tpu.memory_space<hbm>>
          %dma_start3A_412 = arith.constant 0 : i32
          %dma_start3A_413 = tpu.memref_slice %dma_start3A_411[%mul3A_401, %dma_start3A_412] : memref<80x125xi32, #tpu.memory_space<hbm>> -> memref<4x125xi32, #tpu.memory_space<hbm>>
          tpu.enqueue_dma source(%dma_start3A_413 : memref<4x125xi32, #tpu.memory_space<hbm>>) target(%arg7 : memref<4x125xi32, #tpu.memory_space<vmem>>) target_semaphore(%run_scoped3A : memref<!tpu.dma_semaphore, #tpu.memory_space<semaphore_mem>>)
          %dma_wait3A_414 = arith.constant 0 : i32
          %dma_wait3A_415 = arith.constant 0 : i32
          %dma_wait3A_416 = tpu.memref_slice %arg4[%add3A, %dma_wait3A_414, %dma_wait3A_415] : memref<32x80x125xi32, #tpu.memory_space<hbm>> -> memref<1x80x125xi32, #tpu.memory_space<hbm>>
          %dma_wait3A_417 = tpu.memref_squeeze %dma_wait3A_416 : memref<1x80x125xi32, #tpu.memory_space<hbm>> -> memref<80x125xi32, #tpu.memory_space<hbm>>
          %dma_wait3A_418 = arith.constant 0 : i32
          %dma_wait3A_419 = tpu.memref_slice %dma_wait3A_417[%mul3A_401, %dma_wait3A_418] : memref<80x125xi32, #tpu.memory_space<hbm>> -> memref<4x125xi32, #tpu.memory_space<hbm>>
          %dma_wait3A_420 = arith.constant 0 : i32
          %dma_wait3A_421 = arith.constant 0 : i32
          %dma_wait3A_422 = tpu.memref_slice %arg4[%add3A, %dma_wait3A_420, %dma_wait3A_421] : memref<32x80x125xi32, #tpu.memory_space<hbm>> -> memref<1x80x125xi32, #tpu.memory_space<hbm>>
          %dma_wait3A_423 = tpu.memref_squeeze %dma_wait3A_422 : memref<1x80x125xi32, #tpu.memory_space<hbm>> -> memref<80x125xi32, #tpu.memory_space<hbm>>
          %dma_wait3A_424 = arith.constant 0 : i32
          %dma_wait3A_425 = tpu.memref_slice %dma_wait3A_423[%mul3A_401, %dma_wait3A_424] : memref<80x125xi32, #tpu.memory_space<hbm>> -> memref<4x125xi32, #tpu.memory_space<hbm>>
          tpu.wait_dma2 semaphore(%run_scoped3A : memref<!tpu.dma_semaphore, #tpu.memory_space<semaphore_mem>>) src(%dma_wait3A_425 : memref<4x125xi32, #tpu.memory_space<hbm>>) dst(%arg7 : memref<4x125xi32, #tpu.memory_space<vmem>>)
          tpu.yield
        }) : () -> ()
      } else {
      }
    }
    %scan3A_100 = arith.constant 10 : i32
    %barrier3A_101 = arith.constant 0 : index
    tpu.barrier barrier_id(%barrier3A_101)
    %mul3A_102 = arith.constant 640 : i32
    %mul3A_103 = arith.muli %arg1, %mul3A_102 : i32
    %mul3A_104 = arith.constant 640 : i32
    %mul3A_105 = arith.muli %arg1, %mul3A_104 : i32
    "tpu.region"() ({
      %run_scoped3A = tpu.sem_alloc : memref<!tpu.dma_semaphore, #tpu.memory_space<semaphore_mem>>
      %dma_start3A_106 = arith.constant 0 : i32
      %dma_start3A_107 = arith.constant 0 : i32
      %dma_start3A_108 = tpu.memref_slice %arg5[%arg0, %dma_start3A_106, %dma_start3A_107] : memref<2x10240x32xf32, #tpu.memory_space<hbm>> -> memref<1x10240x32xf32, #tpu.memory_space<hbm>>
      %dma_start3A_109 = tpu.memref_squeeze %dma_start3A_108 : memref<1x10240x32xf32, #tpu.memory_space<hbm>> -> memref<10240x32xf32, #tpu.memory_space<hbm>>
      %dma_start3A_110 = arith.constant 0 : i32
      %dma_start3A_111 = tpu.memref_slice %dma_start3A_109[%mul3A_105, %dma_start3A_110] : memref<10240x32xf32, #tpu.memory_space<hbm>> -> memref<640x32xf32, #tpu.memory_space<hbm>>
      %dma_start3A_112 = arith.constant 0 : i32
      %dma_start3A_113 = tpu.memref_slice %arg11[%mul3A_103, %dma_start3A_112] : memref<10240x32xf32, #tpu.memory_space<vmem_shared>> -> memref<640x32xf32, #tpu.memory_space<vmem_shared>>
      tpu.enqueue_dma source(%dma_start3A_113 : memref<640x32xf32, #tpu.memory_space<vmem_shared>>) target(%dma_start3A_111 : memref<640x32xf32, #tpu.memory_space<hbm>>) target_semaphore(%run_scoped3A : memref<!tpu.dma_semaphore, #tpu.memory_space<semaphore_mem>>)
      %dma_wait3A = arith.constant 0 : i32
      %dma_wait3A_114 = arith.constant 0 : i32
      %dma_wait3A_115 = tpu.memref_slice %arg5[%arg0, %dma_wait3A, %dma_wait3A_114] : memref<2x10240x32xf32, #tpu.memory_space<hbm>> -> memref<1x10240x32xf32, #tpu.memory_space<hbm>>
      %dma_wait3A_116 = tpu.memref_squeeze %dma_wait3A_115 : memref<1x10240x32xf32, #tpu.memory_space<hbm>> -> memref<10240x32xf32, #tpu.memory_space<hbm>>
      %dma_wait3A_117 = arith.constant 0 : i32
      %dma_wait3A_118 = tpu.memref_slice %dma_wait3A_116[%mul3A_105, %dma_wait3A_117] : memref<10240x32xf32, #tpu.memory_space<hbm>> -> memref<640x32xf32, #tpu.memory_space<hbm>>
      %dma_wait3A_119 = arith.constant 0 : i32
      %dma_wait3A_120 = tpu.memref_slice %arg11[%mul3A_103, %dma_wait3A_119] : memref<10240x32xf32, #tpu.memory_space<vmem_shared>> -> memref<640x32xf32, #tpu.memory_space<vmem_shared>>
      tpu.wait_dma2 semaphore(%run_scoped3A : memref<!tpu.dma_semaphore, #tpu.memory_space<semaphore_mem>>) src(%dma_wait3A_120 : memref<640x32xf32, #tpu.memory_space<vmem_shared>>) dst(%dma_wait3A_118 : memref<640x32xf32, #tpu.memory_space<hbm>>)
      tpu.yield
    }) : () -> ()
    return
  }
}

#map = affine_map<(d0, d1) -> (0, 0)>
#map1 = affine_map<(d0, d1) -> (0, 0, 0)>
module attributes {stable_mosaic.version = 14 : i64} {
  func.func @deg_kernel(%arg0: i32, %arg1: i32, %arg2: memref<128x8xf32, #tpu.memory_space<hbm>>, %arg3: memref<125x8xf32, #tpu.memory_space<hbm>>, %arg4: memref<32x80x125xi32, #tpu.memory_space<hbm>>, %arg5: memref<2x10240x8xf32, #tpu.memory_space<hbm>>, %arg6: memref<80x125xi32, #tpu.memory_space<vmem>>, %arg7: memref<125x8xf32, #tpu.memory_space<vmem>>, %arg8: memref<128x8xf32, #tpu.memory_space<vmem>>, %arg9: memref<10240x8xf32, #tpu.memory_space<vmem_shared>>, %arg10: memref<!tpu.dma_semaphore, #tpu.memory_space<semaphore_mem>>) attributes {dimension_semantics = [#tpu.dimension_semantics<core_parallel>, #tpu.dimension_semantics<subcore_parallel>], iteration_bounds = array<i64: 2, 16>, scalar_prefetch = 0 : i64, scratch_operands = 5 : i64, tpu.core_type = #tpu.core_type<sc_vector_subcore>, window_params = [{transform_indices = #map}, {transform_indices = #map}, {transform_indices = #map1}, {transform_indices = #map1}]} {
    %mul3A = arith.constant 2 : i32
    %mul3A_0 = arith.muli %arg1, %mul3A : i32
    %add3A = arith.addi %mul3A_0, %arg0 : i32
    "tpu.region"() ({
      %run_scoped3A = tpu.sem_alloc : memref<!tpu.dma_semaphore, #tpu.memory_space<semaphore_mem>>
      %dma_start3A = arith.constant 0 : i32
      %dma_start3A_17 = arith.constant 0 : i32
      %dma_start3A_18 = tpu.memref_slice %arg4[%add3A, %dma_start3A, %dma_start3A_17] : memref<32x80x125xi32, #tpu.memory_space<hbm>> -> memref<1x80x125xi32, #tpu.memory_space<hbm>>
      %dma_start3A_19 = tpu.memref_squeeze %dma_start3A_18 : memref<1x80x125xi32, #tpu.memory_space<hbm>> -> memref<80x125xi32, #tpu.memory_space<hbm>>
      %dma_start3A_20 = arith.constant 0 : i32
      %dma_start3A_21 = arith.constant 0 : i32
      %dma_start3A_22 = tpu.memref_slice %arg4[%add3A, %dma_start3A_20, %dma_start3A_21] : memref<32x80x125xi32, #tpu.memory_space<hbm>> -> memref<1x80x125xi32, #tpu.memory_space<hbm>>
      %dma_start3A_23 = tpu.memref_squeeze %dma_start3A_22 : memref<1x80x125xi32, #tpu.memory_space<hbm>> -> memref<80x125xi32, #tpu.memory_space<hbm>>
      tpu.enqueue_dma source(%dma_start3A_23 : memref<80x125xi32, #tpu.memory_space<hbm>>) target(%arg6 : memref<80x125xi32, #tpu.memory_space<vmem>>) target_semaphore(%run_scoped3A : memref<!tpu.dma_semaphore, #tpu.memory_space<semaphore_mem>>)
      %dma_wait3A = arith.constant 0 : i32
      %dma_wait3A_24 = arith.constant 0 : i32
      %dma_wait3A_25 = tpu.memref_slice %arg4[%add3A, %dma_wait3A, %dma_wait3A_24] : memref<32x80x125xi32, #tpu.memory_space<hbm>> -> memref<1x80x125xi32, #tpu.memory_space<hbm>>
      %dma_wait3A_26 = tpu.memref_squeeze %dma_wait3A_25 : memref<1x80x125xi32, #tpu.memory_space<hbm>> -> memref<80x125xi32, #tpu.memory_space<hbm>>
      %dma_wait3A_27 = arith.constant 0 : i32
      %dma_wait3A_28 = arith.constant 0 : i32
      %dma_wait3A_29 = tpu.memref_slice %arg4[%add3A, %dma_wait3A_27, %dma_wait3A_28] : memref<32x80x125xi32, #tpu.memory_space<hbm>> -> memref<1x80x125xi32, #tpu.memory_space<hbm>>
      %dma_wait3A_30 = tpu.memref_squeeze %dma_wait3A_29 : memref<1x80x125xi32, #tpu.memory_space<hbm>> -> memref<80x125xi32, #tpu.memory_space<hbm>>
      tpu.wait_dma2 semaphore(%run_scoped3A : memref<!tpu.dma_semaphore, #tpu.memory_space<semaphore_mem>>) src(%dma_wait3A_30 : memref<80x125xi32, #tpu.memory_space<hbm>>) dst(%arg6 : memref<80x125xi32, #tpu.memory_space<vmem>>)
      tpu.yield
    }) : () -> ()
    "tpu.region"() ({
      %run_scoped3A = tpu.sem_alloc : memref<!tpu.dma_semaphore, #tpu.memory_space<semaphore_mem>>
      tpu.enqueue_dma source(%arg2 : memref<128x8xf32, #tpu.memory_space<hbm>>) target(%arg8 : memref<128x8xf32, #tpu.memory_space<vmem>>) target_semaphore(%run_scoped3A : memref<!tpu.dma_semaphore, #tpu.memory_space<semaphore_mem>>)
      tpu.wait_dma2 semaphore(%run_scoped3A : memref<!tpu.dma_semaphore, #tpu.memory_space<semaphore_mem>>) src(%arg2 : memref<128x8xf32, #tpu.memory_space<hbm>>) dst(%arg8 : memref<128x8xf32, #tpu.memory_space<vmem>>)
      tpu.yield
    }) : () -> ()
    "tpu.region"() ({
      %run_scoped3A = tpu.sem_alloc : memref<!tpu.dma_semaphore, #tpu.memory_space<semaphore_mem>>
      tpu.enqueue_dma source(%arg3 : memref<125x8xf32, #tpu.memory_space<hbm>>) target(%arg7 : memref<125x8xf32, #tpu.memory_space<vmem>>) target_semaphore(%run_scoped3A : memref<!tpu.dma_semaphore, #tpu.memory_space<semaphore_mem>>)
      tpu.wait_dma2 semaphore(%run_scoped3A : memref<!tpu.dma_semaphore, #tpu.memory_space<semaphore_mem>>) src(%arg3 : memref<125x8xf32, #tpu.memory_space<hbm>>) dst(%arg7 : memref<125x8xf32, #tpu.memory_space<vmem>>)
      tpu.yield
    }) : () -> ()
    %scan3A = arith.constant 0 : i32
    %scan3A_1 = arith.constant 0 : i32
    %scan3A_2 = arith.constant 5 : i32
    %scan3A_3 = arith.addi %scan3A_1, %scan3A_2 : i32
    %scan3A_4 = arith.constant 1 : i32
    scf.for %scan3A_17 = %scan3A_1 to %scan3A_3 step %scan3A_4  : i32 {
      %mul3A_18 = arith.constant 5 : i32
      %mul3A_19 = arith.muli %arg1, %mul3A_18 : i32
      %add3A_20 = arith.addi %mul3A_19, %scan3A_17 : i32
      %mul3A_21 = arith.constant 128 : i32
      %mul3A_22 = arith.muli %add3A_20, %mul3A_21 : i32
      "tpu.region"() ({
        %run_scoped3A = tpu.sem_alloc : memref<!tpu.dma_semaphore, #tpu.memory_space<semaphore_mem>>
        %dma_start3A = arith.constant 0 : i32
        %dma_start3A_23 = tpu.memref_slice %arg9[%mul3A_22, %dma_start3A] : memref<10240x8xf32, #tpu.memory_space<vmem_shared>> -> memref<128x8xf32, #tpu.memory_space<vmem_shared>>
        %dma_start3A_24 = arith.constant 0 : i32
        %dma_start3A_25 = tpu.memref_slice %arg9[%mul3A_22, %dma_start3A_24] : memref<10240x8xf32, #tpu.memory_space<vmem_shared>> -> memref<128x8xf32, #tpu.memory_space<vmem_shared>>
        tpu.enqueue_dma source(%arg8 : memref<128x8xf32, #tpu.memory_space<vmem>>) target(%dma_start3A_25 : memref<128x8xf32, #tpu.memory_space<vmem_shared>>) target_semaphore(%run_scoped3A : memref<!tpu.dma_semaphore, #tpu.memory_space<semaphore_mem>>)
        %dma_wait3A = arith.constant 0 : i32
        %dma_wait3A_26 = tpu.memref_slice %arg9[%mul3A_22, %dma_wait3A] : memref<10240x8xf32, #tpu.memory_space<vmem_shared>> -> memref<128x8xf32, #tpu.memory_space<vmem_shared>>
        %dma_wait3A_27 = arith.constant 0 : i32
        %dma_wait3A_28 = tpu.memref_slice %arg9[%mul3A_22, %dma_wait3A_27] : memref<10240x8xf32, #tpu.memory_space<vmem_shared>> -> memref<128x8xf32, #tpu.memory_space<vmem_shared>>
        tpu.wait_dma2 semaphore(%run_scoped3A : memref<!tpu.dma_semaphore, #tpu.memory_space<semaphore_mem>>) src(%arg8 : memref<128x8xf32, #tpu.memory_space<vmem>>) dst(%dma_wait3A_28 : memref<128x8xf32, #tpu.memory_space<vmem_shared>>)
        tpu.yield
      }) : () -> ()
    }
    %scan3A_5 = arith.constant 5 : i32
    %barrier3A = arith.constant 0 : index
    tpu.barrier barrier_id(%barrier3A)
    %scan3A_6 = arith.constant 0 : i32
    %scan3A_7 = arith.constant 0 : i32
    %scan3A_8 = arith.constant 20 : i32
    %scan3A_9 = arith.addi %scan3A_7, %scan3A_8 : i32
    %scan3A_10 = arith.constant 1 : i32
    scf.for %scan3A_17 = %scan3A_7 to %scan3A_9 step %scan3A_10  : i32 {
      %mul3A_18 = arith.constant 4 : i32
      %mul3A_19 = arith.muli %scan3A_17, %mul3A_18 : i32
      %add3A_20 = arith.constant 0 : i32
      %add3A_21 = arith.addi %mul3A_19, %add3A_20 : i32
      %dma_start3A = arith.constant 0 : i32
      %dma_start3A_22 = tpu.memref_slice %arg6[%add3A_21, %dma_start3A] : memref<80x125xi32, #tpu.memory_space<vmem>> -> memref<1x125xi32, #tpu.memory_space<vmem>>
      %dma_start3A_23 = tpu.memref_squeeze %dma_start3A_22 : memref<1x125xi32, #tpu.memory_space<vmem>> -> memref<125xi32, #tpu.memory_space<vmem>>
      %dma_start3A_24 = arith.constant 0 : i32
      %dma_start3A_25 = arith.constant 0 : i32
      %dma_start3A_26 = tpu.memref_slice %arg9[%dma_start3A_24, %dma_start3A_25] : memref<10240x8xf32, #tpu.memory_space<vmem_shared>> -> memref<10240x8xf32, #tpu.memory_space<vmem_shared>>
      tpu.enqueue_indirect_dma source(%arg7 : memref<125x8xf32, #tpu.memory_space<vmem>>) target(%dma_start3A_26 : memref<10240x8xf32, #tpu.memory_space<vmem_shared>>) offsets(%dma_start3A_23 : memref<125xi32, #tpu.memory_space<vmem>>) semaphore(%arg10 : memref<!tpu.dma_semaphore, #tpu.memory_space<semaphore_mem>>) {add = true}
      %mul3A_27 = arith.constant 4 : i32
      %mul3A_28 = arith.muli %scan3A_17, %mul3A_27 : i32
      %add3A_29 = arith.constant 1 : i32
      %add3A_30 = arith.addi %mul3A_28, %add3A_29 : i32
      %dma_start3A_31 = arith.constant 0 : i32
      %dma_start3A_32 = tpu.memref_slice %arg6[%add3A_30, %dma_start3A_31] : memref<80x125xi32, #tpu.memory_space<vmem>> -> memref<1x125xi32, #tpu.memory_space<vmem>>
      %dma_start3A_33 = tpu.memref_squeeze %dma_start3A_32 : memref<1x125xi32, #tpu.memory_space<vmem>> -> memref<125xi32, #tpu.memory_space<vmem>>
      %dma_start3A_34 = arith.constant 0 : i32
      %dma_start3A_35 = arith.constant 0 : i32
      %dma_start3A_36 = tpu.memref_slice %arg9[%dma_start3A_34, %dma_start3A_35] : memref<10240x8xf32, #tpu.memory_space<vmem_shared>> -> memref<10240x8xf32, #tpu.memory_space<vmem_shared>>
      tpu.enqueue_indirect_dma source(%arg7 : memref<125x8xf32, #tpu.memory_space<vmem>>) target(%dma_start3A_36 : memref<10240x8xf32, #tpu.memory_space<vmem_shared>>) offsets(%dma_start3A_33 : memref<125xi32, #tpu.memory_space<vmem>>) semaphore(%arg10 : memref<!tpu.dma_semaphore, #tpu.memory_space<semaphore_mem>>) {add = true}
      %mul3A_37 = arith.constant 4 : i32
      %mul3A_38 = arith.muli %scan3A_17, %mul3A_37 : i32
      %add3A_39 = arith.constant 2 : i32
      %add3A_40 = arith.addi %mul3A_38, %add3A_39 : i32
      %dma_start3A_41 = arith.constant 0 : i32
      %dma_start3A_42 = tpu.memref_slice %arg6[%add3A_40, %dma_start3A_41] : memref<80x125xi32, #tpu.memory_space<vmem>> -> memref<1x125xi32, #tpu.memory_space<vmem>>
      %dma_start3A_43 = tpu.memref_squeeze %dma_start3A_42 : memref<1x125xi32, #tpu.memory_space<vmem>> -> memref<125xi32, #tpu.memory_space<vmem>>
      %dma_start3A_44 = arith.constant 0 : i32
      %dma_start3A_45 = arith.constant 0 : i32
      %dma_start3A_46 = tpu.memref_slice %arg9[%dma_start3A_44, %dma_start3A_45] : memref<10240x8xf32, #tpu.memory_space<vmem_shared>> -> memref<10240x8xf32, #tpu.memory_space<vmem_shared>>
      tpu.enqueue_indirect_dma source(%arg7 : memref<125x8xf32, #tpu.memory_space<vmem>>) target(%dma_start3A_46 : memref<10240x8xf32, #tpu.memory_space<vmem_shared>>) offsets(%dma_start3A_43 : memref<125xi32, #tpu.memory_space<vmem>>) semaphore(%arg10 : memref<!tpu.dma_semaphore, #tpu.memory_space<semaphore_mem>>) {add = true}
      %mul3A_47 = arith.constant 4 : i32
      %mul3A_48 = arith.muli %scan3A_17, %mul3A_47 : i32
      %add3A_49 = arith.constant 3 : i32
      %add3A_50 = arith.addi %mul3A_48, %add3A_49 : i32
      %dma_start3A_51 = arith.constant 0 : i32
      %dma_start3A_52 = tpu.memref_slice %arg6[%add3A_50, %dma_start3A_51] : memref<80x125xi32, #tpu.memory_space<vmem>> -> memref<1x125xi32, #tpu.memory_space<vmem>>
      %dma_start3A_53 = tpu.memref_squeeze %dma_start3A_52 : memref<1x125xi32, #tpu.memory_space<vmem>> -> memref<125xi32, #tpu.memory_space<vmem>>
      %dma_start3A_54 = arith.constant 0 : i32
      %dma_start3A_55 = arith.constant 0 : i32
      %dma_start3A_56 = tpu.memref_slice %arg9[%dma_start3A_54, %dma_start3A_55] : memref<10240x8xf32, #tpu.memory_space<vmem_shared>> -> memref<10240x8xf32, #tpu.memory_space<vmem_shared>>
      tpu.enqueue_indirect_dma source(%arg7 : memref<125x8xf32, #tpu.memory_space<vmem>>) target(%dma_start3A_56 : memref<10240x8xf32, #tpu.memory_space<vmem_shared>>) offsets(%dma_start3A_53 : memref<125xi32, #tpu.memory_space<vmem>>) semaphore(%arg10 : memref<!tpu.dma_semaphore, #tpu.memory_space<semaphore_mem>>) {add = true}
      %mul3A_57 = arith.constant 4 : i32
      %mul3A_58 = arith.muli %scan3A_17, %mul3A_57 : i32
      %add3A_59 = arith.constant 0 : i32
      %add3A_60 = arith.addi %mul3A_58, %add3A_59 : i32
      %dma_wait3A = arith.constant 0 : i32
      %dma_wait3A_61 = tpu.memref_slice %arg6[%add3A_60, %dma_wait3A] : memref<80x125xi32, #tpu.memory_space<vmem>> -> memref<1x125xi32, #tpu.memory_space<vmem>>
      %dma_wait3A_62 = tpu.memref_squeeze %dma_wait3A_61 : memref<1x125xi32, #tpu.memory_space<vmem>> -> memref<125xi32, #tpu.memory_space<vmem>>
      %dma_wait3A_63 = arith.constant 0 : i32
      %dma_wait3A_64 = arith.constant 0 : i32
      %dma_wait3A_65 = tpu.memref_slice %arg9[%dma_wait3A_63, %dma_wait3A_64] : memref<10240x8xf32, #tpu.memory_space<vmem_shared>> -> memref<10240x8xf32, #tpu.memory_space<vmem_shared>>
      tpu.wait_indirect_dma semaphore(%arg10 : memref<!tpu.dma_semaphore, #tpu.memory_space<semaphore_mem>>) src(%arg7 : memref<125x8xf32, #tpu.memory_space<vmem>>) dst(%dma_wait3A_65 : memref<10240x8xf32, #tpu.memory_space<vmem_shared>>)
      %mul3A_66 = arith.constant 4 : i32
      %mul3A_67 = arith.muli %scan3A_17, %mul3A_66 : i32
      %add3A_68 = arith.constant 1 : i32
      %add3A_69 = arith.addi %mul3A_67, %add3A_68 : i32
      %dma_wait3A_70 = arith.constant 0 : i32
      %dma_wait3A_71 = tpu.memref_slice %arg6[%add3A_69, %dma_wait3A_70] : memref<80x125xi32, #tpu.memory_space<vmem>> -> memref<1x125xi32, #tpu.memory_space<vmem>>
      %dma_wait3A_72 = tpu.memref_squeeze %dma_wait3A_71 : memref<1x125xi32, #tpu.memory_space<vmem>> -> memref<125xi32, #tpu.memory_space<vmem>>
      %dma_wait3A_73 = arith.constant 0 : i32
      %dma_wait3A_74 = arith.constant 0 : i32
      %dma_wait3A_75 = tpu.memref_slice %arg9[%dma_wait3A_73, %dma_wait3A_74] : memref<10240x8xf32, #tpu.memory_space<vmem_shared>> -> memref<10240x8xf32, #tpu.memory_space<vmem_shared>>
      tpu.wait_indirect_dma semaphore(%arg10 : memref<!tpu.dma_semaphore, #tpu.memory_space<semaphore_mem>>) src(%arg7 : memref<125x8xf32, #tpu.memory_space<vmem>>) dst(%dma_wait3A_75 : memref<10240x8xf32, #tpu.memory_space<vmem_shared>>)
      %mul3A_76 = arith.constant 4 : i32
      %mul3A_77 = arith.muli %scan3A_17, %mul3A_76 : i32
      %add3A_78 = arith.constant 2 : i32
      %add3A_79 = arith.addi %mul3A_77, %add3A_78 : i32
      %dma_wait3A_80 = arith.constant 0 : i32
      %dma_wait3A_81 = tpu.memref_slice %arg6[%add3A_79, %dma_wait3A_80] : memref<80x125xi32, #tpu.memory_space<vmem>> -> memref<1x125xi32, #tpu.memory_space<vmem>>
      %dma_wait3A_82 = tpu.memref_squeeze %dma_wait3A_81 : memref<1x125xi32, #tpu.memory_space<vmem>> -> memref<125xi32, #tpu.memory_space<vmem>>
      %dma_wait3A_83 = arith.constant 0 : i32
      %dma_wait3A_84 = arith.constant 0 : i32
      %dma_wait3A_85 = tpu.memref_slice %arg9[%dma_wait3A_83, %dma_wait3A_84] : memref<10240x8xf32, #tpu.memory_space<vmem_shared>> -> memref<10240x8xf32, #tpu.memory_space<vmem_shared>>
      tpu.wait_indirect_dma semaphore(%arg10 : memref<!tpu.dma_semaphore, #tpu.memory_space<semaphore_mem>>) src(%arg7 : memref<125x8xf32, #tpu.memory_space<vmem>>) dst(%dma_wait3A_85 : memref<10240x8xf32, #tpu.memory_space<vmem_shared>>)
      %mul3A_86 = arith.constant 4 : i32
      %mul3A_87 = arith.muli %scan3A_17, %mul3A_86 : i32
      %add3A_88 = arith.constant 3 : i32
      %add3A_89 = arith.addi %mul3A_87, %add3A_88 : i32
      %dma_wait3A_90 = arith.constant 0 : i32
      %dma_wait3A_91 = tpu.memref_slice %arg6[%add3A_89, %dma_wait3A_90] : memref<80x125xi32, #tpu.memory_space<vmem>> -> memref<1x125xi32, #tpu.memory_space<vmem>>
      %dma_wait3A_92 = tpu.memref_squeeze %dma_wait3A_91 : memref<1x125xi32, #tpu.memory_space<vmem>> -> memref<125xi32, #tpu.memory_space<vmem>>
      %dma_wait3A_93 = arith.constant 0 : i32
      %dma_wait3A_94 = arith.constant 0 : i32
      %dma_wait3A_95 = tpu.memref_slice %arg9[%dma_wait3A_93, %dma_wait3A_94] : memref<10240x8xf32, #tpu.memory_space<vmem_shared>> -> memref<10240x8xf32, #tpu.memory_space<vmem_shared>>
      tpu.wait_indirect_dma semaphore(%arg10 : memref<!tpu.dma_semaphore, #tpu.memory_space<semaphore_mem>>) src(%arg7 : memref<125x8xf32, #tpu.memory_space<vmem>>) dst(%dma_wait3A_95 : memref<10240x8xf32, #tpu.memory_space<vmem_shared>>)
    }
    %scan3A_11 = arith.constant 20 : i32
    %barrier3A_12 = arith.constant 0 : index
    tpu.barrier barrier_id(%barrier3A_12)
    %mul3A_13 = arith.constant 640 : i32
    %mul3A_14 = arith.muli %arg1, %mul3A_13 : i32
    %mul3A_15 = arith.constant 640 : i32
    %mul3A_16 = arith.muli %arg1, %mul3A_15 : i32
    "tpu.region"() ({
      %run_scoped3A = tpu.sem_alloc : memref<!tpu.dma_semaphore, #tpu.memory_space<semaphore_mem>>
      %dma_start3A = arith.constant 0 : i32
      %dma_start3A_17 = arith.constant 0 : i32
      %dma_start3A_18 = tpu.memref_slice %arg5[%arg0, %dma_start3A, %dma_start3A_17] : memref<2x10240x8xf32, #tpu.memory_space<hbm>> -> memref<1x10240x8xf32, #tpu.memory_space<hbm>>
      %dma_start3A_19 = tpu.memref_squeeze %dma_start3A_18 : memref<1x10240x8xf32, #tpu.memory_space<hbm>> -> memref<10240x8xf32, #tpu.memory_space<hbm>>
      %dma_start3A_20 = arith.constant 0 : i32
      %dma_start3A_21 = tpu.memref_slice %dma_start3A_19[%mul3A_16, %dma_start3A_20] : memref<10240x8xf32, #tpu.memory_space<hbm>> -> memref<640x8xf32, #tpu.memory_space<hbm>>
      %dma_start3A_22 = arith.constant 0 : i32
      %dma_start3A_23 = tpu.memref_slice %arg9[%mul3A_14, %dma_start3A_22] : memref<10240x8xf32, #tpu.memory_space<vmem_shared>> -> memref<640x8xf32, #tpu.memory_space<vmem_shared>>
      tpu.enqueue_dma source(%dma_start3A_23 : memref<640x8xf32, #tpu.memory_space<vmem_shared>>) target(%dma_start3A_21 : memref<640x8xf32, #tpu.memory_space<hbm>>) target_semaphore(%run_scoped3A : memref<!tpu.dma_semaphore, #tpu.memory_space<semaphore_mem>>)
      %dma_wait3A = arith.constant 0 : i32
      %dma_wait3A_24 = arith.constant 0 : i32
      %dma_wait3A_25 = tpu.memref_slice %arg5[%arg0, %dma_wait3A, %dma_wait3A_24] : memref<2x10240x8xf32, #tpu.memory_space<hbm>> -> memref<1x10240x8xf32, #tpu.memory_space<hbm>>
      %dma_wait3A_26 = tpu.memref_squeeze %dma_wait3A_25 : memref<1x10240x8xf32, #tpu.memory_space<hbm>> -> memref<10240x8xf32, #tpu.memory_space<hbm>>
      %dma_wait3A_27 = arith.constant 0 : i32
      %dma_wait3A_28 = tpu.memref_slice %dma_wait3A_26[%mul3A_16, %dma_wait3A_27] : memref<10240x8xf32, #tpu.memory_space<hbm>> -> memref<640x8xf32, #tpu.memory_space<hbm>>
      %dma_wait3A_29 = arith.constant 0 : i32
      %dma_wait3A_30 = tpu.memref_slice %arg9[%mul3A_14, %dma_wait3A_29] : memref<10240x8xf32, #tpu.memory_space<vmem_shared>> -> memref<640x8xf32, #tpu.memory_space<vmem_shared>>
      tpu.wait_dma2 semaphore(%run_scoped3A : memref<!tpu.dma_semaphore, #tpu.memory_space<semaphore_mem>>) src(%dma_wait3A_30 : memref<640x8xf32, #tpu.memory_space<vmem_shared>>) dst(%dma_wait3A_28 : memref<640x8xf32, #tpu.memory_space<hbm>>)
      tpu.yield
    }) : () -> ()
    return
  }
}

#map = affine_map<(d0, d1) -> (0, 0)>
#map1 = affine_map<(d0, d1) -> (0, 0, 0)>
module attributes {stable_mosaic.version = 14 : i64} {
  func.func @prop_kernel(%arg0: i32, %arg1: i32, %arg2: memref<10240x16xf32, #tpu.memory_space<hbm>>, %arg3: memref<32x80x125xi32, #tpu.memory_space<hbm>>, %arg4: memref<32x80x125xi32, #tpu.memory_space<hbm>>, %arg5: memref<2x10240x16xf32, #tpu.memory_space<hbm>>, %arg6: memref<80x125xi32, #tpu.memory_space<vmem>>, %arg7: memref<4x125xi32, #tpu.memory_space<vmem>>, %arg8: memref<4x125xi32, #tpu.memory_space<vmem>>, %arg9: memref<500x16xf32, #tpu.memory_space<vmem>>, %arg10: memref<500x16xf32, #tpu.memory_space<vmem>>, %arg11: memref<10240x16xf32, #tpu.memory_space<vmem_shared>>, %arg12: memref<10240x16xf32, #tpu.memory_space<vmem_shared>>, %arg13: memref<!tpu.dma_semaphore, #tpu.memory_space<semaphore_mem>>, %arg14: memref<!tpu.dma_semaphore, #tpu.memory_space<semaphore_mem>>, %arg15: memref<!tpu.dma_semaphore, #tpu.memory_space<semaphore_mem>>, %arg16: memref<!tpu.dma_semaphore, #tpu.memory_space<semaphore_mem>>, %arg17: memref<!tpu.dma_semaphore, #tpu.memory_space<semaphore_mem>>) attributes {dimension_semantics = [#tpu.dimension_semantics<core_parallel>, #tpu.dimension_semantics<subcore_parallel>], iteration_bounds = array<i64: 2, 16>, scalar_prefetch = 0 : i64, scratch_operands = 12 : i64, tpu.core_type = #tpu.core_type<sc_vector_subcore>, window_params = [{transform_indices = #map}, {transform_indices = #map1}, {transform_indices = #map1}, {transform_indices = #map1}]} {
    %mul3A = arith.constant 2 : i32
    %mul3A_0 = arith.muli %arg1, %mul3A : i32
    %add3A = arith.addi %mul3A_0, %arg0 : i32
    "tpu.region"() ({
      %run_scoped3A = tpu.sem_alloc : memref<!tpu.dma_semaphore, #tpu.memory_space<semaphore_mem>>
      %dma_start3A_106 = arith.constant 0 : i32
      %dma_start3A_107 = arith.constant 0 : i32
      %dma_start3A_108 = tpu.memref_slice %arg3[%add3A, %dma_start3A_106, %dma_start3A_107] : memref<32x80x125xi32, #tpu.memory_space<hbm>> -> memref<1x80x125xi32, #tpu.memory_space<hbm>>
      %dma_start3A_109 = tpu.memref_squeeze %dma_start3A_108 : memref<1x80x125xi32, #tpu.memory_space<hbm>> -> memref<80x125xi32, #tpu.memory_space<hbm>>
      %dma_start3A_110 = arith.constant 0 : i32
      %dma_start3A_111 = arith.constant 0 : i32
      %dma_start3A_112 = tpu.memref_slice %arg3[%add3A, %dma_start3A_110, %dma_start3A_111] : memref<32x80x125xi32, #tpu.memory_space<hbm>> -> memref<1x80x125xi32, #tpu.memory_space<hbm>>
      %dma_start3A_113 = tpu.memref_squeeze %dma_start3A_112 : memref<1x80x125xi32, #tpu.memory_space<hbm>> -> memref<80x125xi32, #tpu.memory_space<hbm>>
      tpu.enqueue_dma source(%dma_start3A_113 : memref<80x125xi32, #tpu.memory_space<hbm>>) target(%arg6 : memref<80x125xi32, #tpu.memory_space<vmem>>) target_semaphore(%run_scoped3A : memref<!tpu.dma_semaphore, #tpu.memory_space<semaphore_mem>>)
      %dma_wait3A = arith.constant 0 : i32
      %dma_wait3A_114 = arith.constant 0 : i32
      %dma_wait3A_115 = tpu.memref_slice %arg3[%add3A, %dma_wait3A, %dma_wait3A_114] : memref<32x80x125xi32, #tpu.memory_space<hbm>> -> memref<1x80x125xi32, #tpu.memory_space<hbm>>
      %dma_wait3A_116 = tpu.memref_squeeze %dma_wait3A_115 : memref<1x80x125xi32, #tpu.memory_space<hbm>> -> memref<80x125xi32, #tpu.memory_space<hbm>>
      %dma_wait3A_117 = arith.constant 0 : i32
      %dma_wait3A_118 = arith.constant 0 : i32
      %dma_wait3A_119 = tpu.memref_slice %arg3[%add3A, %dma_wait3A_117, %dma_wait3A_118] : memref<32x80x125xi32, #tpu.memory_space<hbm>> -> memref<1x80x125xi32, #tpu.memory_space<hbm>>
      %dma_wait3A_120 = tpu.memref_squeeze %dma_wait3A_119 : memref<1x80x125xi32, #tpu.memory_space<hbm>> -> memref<80x125xi32, #tpu.memory_space<hbm>>
      tpu.wait_dma2 semaphore(%run_scoped3A : memref<!tpu.dma_semaphore, #tpu.memory_space<semaphore_mem>>) src(%dma_wait3A_120 : memref<80x125xi32, #tpu.memory_space<hbm>>) dst(%arg6 : memref<80x125xi32, #tpu.memory_space<vmem>>)
      tpu.yield
    }) : () -> ()
    %mul3A_1 = arith.constant 640 : i32
    %mul3A_2 = arith.muli %arg1, %mul3A_1 : i32
    %mul3A_3 = arith.constant 640 : i32
    %mul3A_4 = arith.muli %arg1, %mul3A_3 : i32
    "tpu.region"() ({
      %run_scoped3A = tpu.sem_alloc : memref<!tpu.dma_semaphore, #tpu.memory_space<semaphore_mem>>
      %dma_start3A_106 = arith.constant 0 : i32
      %dma_start3A_107 = tpu.memref_slice %arg12[%mul3A_4, %dma_start3A_106] : memref<10240x16xf32, #tpu.memory_space<vmem_shared>> -> memref<640x16xf32, #tpu.memory_space<vmem_shared>>
      %dma_start3A_108 = arith.constant 0 : i32
      %dma_start3A_109 = tpu.memref_slice %arg2[%mul3A_2, %dma_start3A_108] : memref<10240x16xf32, #tpu.memory_space<hbm>> -> memref<640x16xf32, #tpu.memory_space<hbm>>
      tpu.enqueue_dma source(%dma_start3A_109 : memref<640x16xf32, #tpu.memory_space<hbm>>) target(%dma_start3A_107 : memref<640x16xf32, #tpu.memory_space<vmem_shared>>) target_semaphore(%run_scoped3A : memref<!tpu.dma_semaphore, #tpu.memory_space<semaphore_mem>>)
      %dma_wait3A = arith.constant 0 : i32
      %dma_wait3A_110 = tpu.memref_slice %arg12[%mul3A_4, %dma_wait3A] : memref<10240x16xf32, #tpu.memory_space<vmem_shared>> -> memref<640x16xf32, #tpu.memory_space<vmem_shared>>
      %dma_wait3A_111 = arith.constant 0 : i32
      %dma_wait3A_112 = tpu.memref_slice %arg2[%mul3A_2, %dma_wait3A_111] : memref<10240x16xf32, #tpu.memory_space<hbm>> -> memref<640x16xf32, #tpu.memory_space<hbm>>
      tpu.wait_dma2 semaphore(%run_scoped3A : memref<!tpu.dma_semaphore, #tpu.memory_space<semaphore_mem>>) src(%dma_wait3A_112 : memref<640x16xf32, #tpu.memory_space<hbm>>) dst(%dma_wait3A_110 : memref<640x16xf32, #tpu.memory_space<vmem_shared>>)
      tpu.yield
    }) : () -> ()
    %scan3A = arith.constant 0 : i32
    %scan3A_5 = arith.constant 0 : i32
    %scan3A_6 = arith.constant 128 : i32
    %scan3A_7 = arith.addi %scan3A_5, %scan3A_6 : i32
    %scan3A_8 = arith.constant 1 : i32
    scf.for %scan3A_106 = %scan3A_5 to %scan3A_7 step %scan3A_8  : i32 {
      %broadcast_in_dim3A = arith.constant 0.000000e+00 : f32
      %broadcast_in_dim3A_107 = vector.broadcast %broadcast_in_dim3A : f32 to vector<16xf32>
      %swap3A = arith.index_cast %scan3A_106 : i32 to index
      %swap3A_108 = arith.constant 0 : index
      %swap3A_109 = tpu.vector_load %arg9[%swap3A, %swap3A_108] {strides = array<i32>} : memref<500x16xf32, #tpu.memory_space<vmem>>, vector<1x16xf32>,
      %swap3A_110 = vector.shape_cast %swap3A_109 : vector<1x16xf32> to vector<16xf32>
      %swap3A_111 = vector.shape_cast %broadcast_in_dim3A_107 : vector<16xf32> to vector<1x16xf32>
      tpu.vector_store %arg9[%swap3A, %swap3A_108], %swap3A_111 {strides = array<i32>} : memref<500x16xf32, #tpu.memory_space<vmem>>, vector<1x16xf32>,
    }
    %scan3A_9 = arith.constant 128 : i32
    %scan3A_10 = arith.constant 0 : i32
    %scan3A_11 = arith.constant 0 : i32
    %scan3A_12 = arith.constant 5 : i32
    %scan3A_13 = arith.addi %scan3A_11, %scan3A_12 : i32
    %scan3A_14 = arith.constant 1 : i32
    scf.for %scan3A_106 = %scan3A_11 to %scan3A_13 step %scan3A_14  : i32 {
      %mul3A_107 = arith.constant 5 : i32
      %mul3A_108 = arith.muli %arg1, %mul3A_107 : i32
      %add3A_109 = arith.addi %mul3A_108, %scan3A_106 : i32
      %mul3A_110 = arith.constant 128 : i32
      %mul3A_111 = arith.muli %add3A_109, %mul3A_110 : i32
      "tpu.region"() ({
        %run_scoped3A = tpu.sem_alloc : memref<!tpu.dma_semaphore, #tpu.memory_space<semaphore_mem>>
        %dma_start3A_112 = arith.constant 0 : i32
        %dma_start3A_113 = arith.constant 0 : i32
        %dma_start3A_114 = tpu.memref_slice %arg9[%dma_start3A_112, %dma_start3A_113] : memref<500x16xf32, #tpu.memory_space<vmem>> -> memref<128x16xf32, #tpu.memory_space<vmem>>
        %dma_start3A_115 = arith.constant 0 : i32
        %dma_start3A_116 = tpu.memref_slice %arg11[%mul3A_111, %dma_start3A_115] : memref<10240x16xf32, #tpu.memory_space<vmem_shared>> -> memref<128x16xf32, #tpu.memory_space<vmem_shared>>
        %dma_start3A_117 = arith.constant 0 : i32
        %dma_start3A_118 = tpu.memref_slice %arg11[%mul3A_111, %dma_start3A_117] : memref<10240x16xf32, #tpu.memory_space<vmem_shared>> -> memref<128x16xf32, #tpu.memory_space<vmem_shared>>
        %dma_start3A_119 = arith.constant 0 : i32
        %dma_start3A_120 = arith.constant 0 : i32
        %dma_start3A_121 = tpu.memref_slice %arg9[%dma_start3A_119, %dma_start3A_120] : memref<500x16xf32, #tpu.memory_space<vmem>> -> memref<128x16xf32, #tpu.memory_space<vmem>>
        tpu.enqueue_dma source(%dma_start3A_121 : memref<128x16xf32, #tpu.memory_space<vmem>>) target(%dma_start3A_118 : memref<128x16xf32, #tpu.memory_space<vmem_shared>>) target_semaphore(%run_scoped3A : memref<!tpu.dma_semaphore, #tpu.memory_space<semaphore_mem>>)
        %dma_wait3A = arith.constant 0 : i32
        %dma_wait3A_122 = arith.constant 0 : i32
        %dma_wait3A_123 = tpu.memref_slice %arg9[%dma_wait3A, %dma_wait3A_122] : memref<500x16xf32, #tpu.memory_space<vmem>> -> memref<128x16xf32, #tpu.memory_space<vmem>>
        %dma_wait3A_124 = arith.constant 0 : i32
        %dma_wait3A_125 = tpu.memref_slice %arg11[%mul3A_111, %dma_wait3A_124] : memref<10240x16xf32, #tpu.memory_space<vmem_shared>> -> memref<128x16xf32, #tpu.memory_space<vmem_shared>>
        %dma_wait3A_126 = arith.constant 0 : i32
        %dma_wait3A_127 = tpu.memref_slice %arg11[%mul3A_111, %dma_wait3A_126] : memref<10240x16xf32, #tpu.memory_space<vmem_shared>> -> memref<128x16xf32, #tpu.memory_space<vmem_shared>>
        %dma_wait3A_128 = arith.constant 0 : i32
        %dma_wait3A_129 = arith.constant 0 : i32
        %dma_wait3A_130 = tpu.memref_slice %arg9[%dma_wait3A_128, %dma_wait3A_129] : memref<500x16xf32, #tpu.memory_space<vmem>> -> memref<128x16xf32, #tpu.memory_space<vmem>>
        tpu.wait_dma2 semaphore(%run_scoped3A : memref<!tpu.dma_semaphore, #tpu.memory_space<semaphore_mem>>) src(%dma_wait3A_130 : memref<128x16xf32, #tpu.memory_space<vmem>>) dst(%dma_wait3A_127 : memref<128x16xf32, #tpu.memory_space<vmem_shared>>)
        tpu.yield
      }) : () -> ()
    }
    %scan3A_15 = arith.constant 5 : i32
    %barrier3A = arith.constant 0 : index
    tpu.barrier barrier_id(%barrier3A)
    "tpu.region"() ({
      %run_scoped3A = tpu.sem_alloc : memref<!tpu.dma_semaphore, #tpu.memory_space<semaphore_mem>>
      %dma_start3A_106 = arith.constant 0 : i32
      %dma_start3A_107 = arith.constant 0 : i32
      %dma_start3A_108 = tpu.memref_slice %arg4[%add3A, %dma_start3A_106, %dma_start3A_107] : memref<32x80x125xi32, #tpu.memory_space<hbm>> -> memref<1x80x125xi32, #tpu.memory_space<hbm>>
      %dma_start3A_109 = tpu.memref_squeeze %dma_start3A_108 : memref<1x80x125xi32, #tpu.memory_space<hbm>> -> memref<80x125xi32, #tpu.memory_space<hbm>>
      %dma_start3A_110 = arith.constant 0 : i32
      %dma_start3A_111 = arith.constant 0 : i32
      %dma_start3A_112 = tpu.memref_slice %dma_start3A_109[%dma_start3A_110, %dma_start3A_111] : memref<80x125xi32, #tpu.memory_space<hbm>> -> memref<4x125xi32, #tpu.memory_space<hbm>>
      %dma_start3A_113 = arith.constant 0 : i32
      %dma_start3A_114 = arith.constant 0 : i32
      %dma_start3A_115 = tpu.memref_slice %arg4[%add3A, %dma_start3A_113, %dma_start3A_114] : memref<32x80x125xi32, #tpu.memory_space<hbm>> -> memref<1x80x125xi32, #tpu.memory_space<hbm>>
      %dma_start3A_116 = tpu.memref_squeeze %dma_start3A_115 : memref<1x80x125xi32, #tpu.memory_space<hbm>> -> memref<80x125xi32, #tpu.memory_space<hbm>>
      %dma_start3A_117 = arith.constant 0 : i32
      %dma_start3A_118 = arith.constant 0 : i32
      %dma_start3A_119 = tpu.memref_slice %dma_start3A_116[%dma_start3A_117, %dma_start3A_118] : memref<80x125xi32, #tpu.memory_space<hbm>> -> memref<4x125xi32, #tpu.memory_space<hbm>>
      tpu.enqueue_dma source(%dma_start3A_119 : memref<4x125xi32, #tpu.memory_space<hbm>>) target(%arg7 : memref<4x125xi32, #tpu.memory_space<vmem>>) target_semaphore(%run_scoped3A : memref<!tpu.dma_semaphore, #tpu.memory_space<semaphore_mem>>)
      %dma_wait3A = arith.constant 0 : i32
      %dma_wait3A_120 = arith.constant 0 : i32
      %dma_wait3A_121 = tpu.memref_slice %arg4[%add3A, %dma_wait3A, %dma_wait3A_120] : memref<32x80x125xi32, #tpu.memory_space<hbm>> -> memref<1x80x125xi32, #tpu.memory_space<hbm>>
      %dma_wait3A_122 = tpu.memref_squeeze %dma_wait3A_121 : memref<1x80x125xi32, #tpu.memory_space<hbm>> -> memref<80x125xi32, #tpu.memory_space<hbm>>
      %dma_wait3A_123 = arith.constant 0 : i32
      %dma_wait3A_124 = arith.constant 0 : i32
      %dma_wait3A_125 = tpu.memref_slice %dma_wait3A_122[%dma_wait3A_123, %dma_wait3A_124] : memref<80x125xi32, #tpu.memory_space<hbm>> -> memref<4x125xi32, #tpu.memory_space<hbm>>
      %dma_wait3A_126 = arith.constant 0 : i32
      %dma_wait3A_127 = arith.constant 0 : i32
      %dma_wait3A_128 = tpu.memref_slice %arg4[%add3A, %dma_wait3A_126, %dma_wait3A_127] : memref<32x80x125xi32, #tpu.memory_space<hbm>> -> memref<1x80x125xi32, #tpu.memory_space<hbm>>
      %dma_wait3A_129 = tpu.memref_squeeze %dma_wait3A_128 : memref<1x80x125xi32, #tpu.memory_space<hbm>> -> memref<80x125xi32, #tpu.memory_space<hbm>>
      %dma_wait3A_130 = arith.constant 0 : i32
      %dma_wait3A_131 = arith.constant 0 : i32
      %dma_wait3A_132 = tpu.memref_slice %dma_wait3A_129[%dma_wait3A_130, %dma_wait3A_131] : memref<80x125xi32, #tpu.memory_space<hbm>> -> memref<4x125xi32, #tpu.memory_space<hbm>>
      tpu.wait_dma2 semaphore(%run_scoped3A : memref<!tpu.dma_semaphore, #tpu.memory_space<semaphore_mem>>) src(%dma_wait3A_132 : memref<4x125xi32, #tpu.memory_space<hbm>>) dst(%arg7 : memref<4x125xi32, #tpu.memory_space<vmem>>)
      tpu.yield
    }) : () -> ()
    %dma_start3A = arith.constant 0 : i32
    %dma_start3A_16 = arith.constant 0 : i32
    %dma_start3A_17 = arith.constant 0 : i32
    %dma_start3A_18 = tpu.memref_slice %arg9[%dma_start3A_16, %dma_start3A_17] : memref<500x16xf32, #tpu.memory_space<vmem>> -> memref<125x16xf32, #tpu.memory_space<vmem>>
    %dma_start3A_19 = arith.constant 0 : i32
    %dma_start3A_20 = tpu.memref_slice %arg6[%dma_start3A, %dma_start3A_19] : memref<80x125xi32, #tpu.memory_space<vmem>> -> memref<1x125xi32, #tpu.memory_space<vmem>>
    %dma_start3A_21 = tpu.memref_squeeze %dma_start3A_20 : memref<1x125xi32, #tpu.memory_space<vmem>> -> memref<125xi32, #tpu.memory_space<vmem>>
    %dma_start3A_22 = arith.constant 0 : i32
    %dma_start3A_23 = arith.constant 0 : i32
    %dma_start3A_24 = tpu.memref_slice %arg12[%dma_start3A_22, %dma_start3A_23] : memref<10240x16xf32, #tpu.memory_space<vmem_shared>> -> memref<10240x16xf32, #tpu.memory_space<vmem_shared>>
    tpu.enqueue_indirect_dma source(%dma_start3A_24 : memref<10240x16xf32, #tpu.memory_space<vmem_shared>>) target(%dma_start3A_18 : memref<125x16xf32, #tpu.memory_space<vmem>>) offsets(%dma_start3A_21 : memref<125xi32, #tpu.memory_space<vmem>>) semaphore(%arg13 : memref<!tpu.dma_semaphore, #tpu.memory_space<semaphore_mem>>)
    %dma_start3A_25 = arith.constant 1 : i32
    %dma_start3A_26 = arith.constant 125 : i32
    %dma_start3A_27 = arith.constant 0 : i32
    %dma_start3A_28 = tpu.memref_slice %arg9[%dma_start3A_26, %dma_start3A_27] : memref<500x16xf32, #tpu.memory_space<vmem>> -> memref<125x16xf32, #tpu.memory_space<vmem>>
    %dma_start3A_29 = arith.constant 0 : i32
    %dma_start3A_30 = tpu.memref_slice %arg6[%dma_start3A_25, %dma_start3A_29] : memref<80x125xi32, #tpu.memory_space<vmem>> -> memref<1x125xi32, #tpu.memory_space<vmem>>
    %dma_start3A_31 = tpu.memref_squeeze %dma_start3A_30 : memref<1x125xi32, #tpu.memory_space<vmem>> -> memref<125xi32, #tpu.memory_space<vmem>>
    %dma_start3A_32 = arith.constant 0 : i32
    %dma_start3A_33 = arith.constant 0 : i32
    %dma_start3A_34 = tpu.memref_slice %arg12[%dma_start3A_32, %dma_start3A_33] : memref<10240x16xf32, #tpu.memory_space<vmem_shared>> -> memref<10240x16xf32, #tpu.memory_space<vmem_shared>>
    tpu.enqueue_indirect_dma source(%dma_start3A_34 : memref<10240x16xf32, #tpu.memory_space<vmem_shared>>) target(%dma_start3A_28 : memref<125x16xf32, #tpu.memory_space<vmem>>) offsets(%dma_start3A_31 : memref<125xi32, #tpu.memory_space<vmem>>) semaphore(%arg13 : memref<!tpu.dma_semaphore, #tpu.memory_space<semaphore_mem>>)
    %dma_start3A_35 = arith.constant 2 : i32
    %dma_start3A_36 = arith.constant 250 : i32
    %dma_start3A_37 = arith.constant 0 : i32
    %dma_start3A_38 = tpu.memref_slice %arg9[%dma_start3A_36, %dma_start3A_37] : memref<500x16xf32, #tpu.memory_space<vmem>> -> memref<125x16xf32, #tpu.memory_space<vmem>>
    %dma_start3A_39 = arith.constant 0 : i32
    %dma_start3A_40 = tpu.memref_slice %arg6[%dma_start3A_35, %dma_start3A_39] : memref<80x125xi32, #tpu.memory_space<vmem>> -> memref<1x125xi32, #tpu.memory_space<vmem>>
    %dma_start3A_41 = tpu.memref_squeeze %dma_start3A_40 : memref<1x125xi32, #tpu.memory_space<vmem>> -> memref<125xi32, #tpu.memory_space<vmem>>
    %dma_start3A_42 = arith.constant 0 : i32
    %dma_start3A_43 = arith.constant 0 : i32
    %dma_start3A_44 = tpu.memref_slice %arg12[%dma_start3A_42, %dma_start3A_43] : memref<10240x16xf32, #tpu.memory_space<vmem_shared>> -> memref<10240x16xf32, #tpu.memory_space<vmem_shared>>
    tpu.enqueue_indirect_dma source(%dma_start3A_44 : memref<10240x16xf32, #tpu.memory_space<vmem_shared>>) target(%dma_start3A_38 : memref<125x16xf32, #tpu.memory_space<vmem>>) offsets(%dma_start3A_41 : memref<125xi32, #tpu.memory_space<vmem>>) semaphore(%arg13 : memref<!tpu.dma_semaphore, #tpu.memory_space<semaphore_mem>>)
    %dma_start3A_45 = arith.constant 3 : i32
    %dma_start3A_46 = arith.constant 375 : i32
    %dma_start3A_47 = arith.constant 0 : i32
    %dma_start3A_48 = tpu.memref_slice %arg9[%dma_start3A_46, %dma_start3A_47] : memref<500x16xf32, #tpu.memory_space<vmem>> -> memref<125x16xf32, #tpu.memory_space<vmem>>
    %dma_start3A_49 = arith.constant 0 : i32
    %dma_start3A_50 = tpu.memref_slice %arg6[%dma_start3A_45, %dma_start3A_49] : memref<80x125xi32, #tpu.memory_space<vmem>> -> memref<1x125xi32, #tpu.memory_space<vmem>>
    %dma_start3A_51 = tpu.memref_squeeze %dma_start3A_50 : memref<1x125xi32, #tpu.memory_space<vmem>> -> memref<125xi32, #tpu.memory_space<vmem>>
    %dma_start3A_52 = arith.constant 0 : i32
    %dma_start3A_53 = arith.constant 0 : i32
    %dma_start3A_54 = tpu.memref_slice %arg12[%dma_start3A_52, %dma_start3A_53] : memref<10240x16xf32, #tpu.memory_space<vmem_shared>> -> memref<10240x16xf32, #tpu.memory_space<vmem_shared>>
    tpu.enqueue_indirect_dma source(%dma_start3A_54 : memref<10240x16xf32, #tpu.memory_space<vmem_shared>>) target(%dma_start3A_48 : memref<125x16xf32, #tpu.memory_space<vmem>>) offsets(%dma_start3A_51 : memref<125xi32, #tpu.memory_space<vmem>>) semaphore(%arg13 : memref<!tpu.dma_semaphore, #tpu.memory_space<semaphore_mem>>)
    %dma_start3A_55 = arith.constant 4 : i32
    %dma_start3A_56 = arith.constant 0 : i32
    %dma_start3A_57 = arith.constant 0 : i32
    %dma_start3A_58 = tpu.memref_slice %arg10[%dma_start3A_56, %dma_start3A_57] : memref<500x16xf32, #tpu.memory_space<vmem>> -> memref<125x16xf32, #tpu.memory_space<vmem>>
    %dma_start3A_59 = arith.constant 0 : i32
    %dma_start3A_60 = tpu.memref_slice %arg6[%dma_start3A_55, %dma_start3A_59] : memref<80x125xi32, #tpu.memory_space<vmem>> -> memref<1x125xi32, #tpu.memory_space<vmem>>
    %dma_start3A_61 = tpu.memref_squeeze %dma_start3A_60 : memref<1x125xi32, #tpu.memory_space<vmem>> -> memref<125xi32, #tpu.memory_space<vmem>>
    %dma_start3A_62 = arith.constant 0 : i32
    %dma_start3A_63 = arith.constant 0 : i32
    %dma_start3A_64 = tpu.memref_slice %arg12[%dma_start3A_62, %dma_start3A_63] : memref<10240x16xf32, #tpu.memory_space<vmem_shared>> -> memref<10240x16xf32, #tpu.memory_space<vmem_shared>>
    tpu.enqueue_indirect_dma source(%dma_start3A_64 : memref<10240x16xf32, #tpu.memory_space<vmem_shared>>) target(%dma_start3A_58 : memref<125x16xf32, #tpu.memory_space<vmem>>) offsets(%dma_start3A_61 : memref<125xi32, #tpu.memory_space<vmem>>) semaphore(%arg14 : memref<!tpu.dma_semaphore, #tpu.memory_space<semaphore_mem>>)
    %dma_start3A_65 = arith.constant 5 : i32
    %dma_start3A_66 = arith.constant 125 : i32
    %dma_start3A_67 = arith.constant 0 : i32
    %dma_start3A_68 = tpu.memref_slice %arg10[%dma_start3A_66, %dma_start3A_67] : memref<500x16xf32, #tpu.memory_space<vmem>> -> memref<125x16xf32, #tpu.memory_space<vmem>>
    %dma_start3A_69 = arith.constant 0 : i32
    %dma_start3A_70 = tpu.memref_slice %arg6[%dma_start3A_65, %dma_start3A_69] : memref<80x125xi32, #tpu.memory_space<vmem>> -> memref<1x125xi32, #tpu.memory_space<vmem>>
    %dma_start3A_71 = tpu.memref_squeeze %dma_start3A_70 : memref<1x125xi32, #tpu.memory_space<vmem>> -> memref<125xi32, #tpu.memory_space<vmem>>
    %dma_start3A_72 = arith.constant 0 : i32
    %dma_start3A_73 = arith.constant 0 : i32
    %dma_start3A_74 = tpu.memref_slice %arg12[%dma_start3A_72, %dma_start3A_73] : memref<10240x16xf32, #tpu.memory_space<vmem_shared>> -> memref<10240x16xf32, #tpu.memory_space<vmem_shared>>
    tpu.enqueue_indirect_dma source(%dma_start3A_74 : memref<10240x16xf32, #tpu.memory_space<vmem_shared>>) target(%dma_start3A_68 : memref<125x16xf32, #tpu.memory_space<vmem>>) offsets(%dma_start3A_71 : memref<125xi32, #tpu.memory_space<vmem>>) semaphore(%arg14 : memref<!tpu.dma_semaphore, #tpu.memory_space<semaphore_mem>>)
    %dma_start3A_75 = arith.constant 6 : i32
    %dma_start3A_76 = arith.constant 250 : i32
    %dma_start3A_77 = arith.constant 0 : i32
    %dma_start3A_78 = tpu.memref_slice %arg10[%dma_start3A_76, %dma_start3A_77] : memref<500x16xf32, #tpu.memory_space<vmem>> -> memref<125x16xf32, #tpu.memory_space<vmem>>
    %dma_start3A_79 = arith.constant 0 : i32
    %dma_start3A_80 = tpu.memref_slice %arg6[%dma_start3A_75, %dma_start3A_79] : memref<80x125xi32, #tpu.memory_space<vmem>> -> memref<1x125xi32, #tpu.memory_space<vmem>>
    %dma_start3A_81 = tpu.memref_squeeze %dma_start3A_80 : memref<1x125xi32, #tpu.memory_space<vmem>> -> memref<125xi32, #tpu.memory_space<vmem>>
    %dma_start3A_82 = arith.constant 0 : i32
    %dma_start3A_83 = arith.constant 0 : i32
    %dma_start3A_84 = tpu.memref_slice %arg12[%dma_start3A_82, %dma_start3A_83] : memref<10240x16xf32, #tpu.memory_space<vmem_shared>> -> memref<10240x16xf32, #tpu.memory_space<vmem_shared>>
    tpu.enqueue_indirect_dma source(%dma_start3A_84 : memref<10240x16xf32, #tpu.memory_space<vmem_shared>>) target(%dma_start3A_78 : memref<125x16xf32, #tpu.memory_space<vmem>>) offsets(%dma_start3A_81 : memref<125xi32, #tpu.memory_space<vmem>>) semaphore(%arg14 : memref<!tpu.dma_semaphore, #tpu.memory_space<semaphore_mem>>)
    %dma_start3A_85 = arith.constant 7 : i32
    %dma_start3A_86 = arith.constant 375 : i32
    %dma_start3A_87 = arith.constant 0 : i32
    %dma_start3A_88 = tpu.memref_slice %arg10[%dma_start3A_86, %dma_start3A_87] : memref<500x16xf32, #tpu.memory_space<vmem>> -> memref<125x16xf32, #tpu.memory_space<vmem>>
    %dma_start3A_89 = arith.constant 0 : i32
    %dma_start3A_90 = tpu.memref_slice %arg6[%dma_start3A_85, %dma_start3A_89] : memref<80x125xi32, #tpu.memory_space<vmem>> -> memref<1x125xi32, #tpu.memory_space<vmem>>
    %dma_start3A_91 = tpu.memref_squeeze %dma_start3A_90 : memref<1x125xi32, #tpu.memory_space<vmem>> -> memref<125xi32, #tpu.memory_space<vmem>>
    %dma_start3A_92 = arith.constant 0 : i32
    %dma_start3A_93 = arith.constant 0 : i32
    %dma_start3A_94 = tpu.memref_slice %arg12[%dma_start3A_92, %dma_start3A_93] : memref<10240x16xf32, #tpu.memory_space<vmem_shared>> -> memref<10240x16xf32, #tpu.memory_space<vmem_shared>>
    tpu.enqueue_indirect_dma source(%dma_start3A_94 : memref<10240x16xf32, #tpu.memory_space<vmem_shared>>) target(%dma_start3A_88 : memref<125x16xf32, #tpu.memory_space<vmem>>) offsets(%dma_start3A_91 : memref<125xi32, #tpu.memory_space<vmem>>) semaphore(%arg14 : memref<!tpu.dma_semaphore, #tpu.memory_space<semaphore_mem>>)
    %scan3A_95 = arith.constant 0 : i32
    %scan3A_96 = arith.constant 0 : i32
    %scan3A_97 = arith.constant 10 : i32
    %scan3A_98 = arith.addi %scan3A_96, %scan3A_97 : i32
    %scan3A_99 = arith.constant 1 : i32
    scf.for %scan3A_106 = %scan3A_96 to %scan3A_98 step %scan3A_99  : i32 {
      %mul3A_107 = arith.constant 2 : i32
      %mul3A_108 = arith.muli %mul3A_107, %scan3A_106 : i32
      %add3A_109 = arith.constant 1 : i32
      %add3A_110 = arith.addi %mul3A_108, %add3A_109 : i32
      %mul3A_111 = arith.constant 4 : i32
      %mul3A_112 = arith.muli %add3A_110, %mul3A_111 : i32
      %dma_start3A_113 = arith.constant 0 : i32
      %dma_start3A_114 = arith.constant 0 : i32
      %dma_start3A_115 = tpu.memref_slice %arg4[%add3A, %dma_start3A_113, %dma_start3A_114] : memref<32x80x125xi32, #tpu.memory_space<hbm>> -> memref<1x80x125xi32, #tpu.memory_space<hbm>>
      %dma_start3A_116 = tpu.memref_squeeze %dma_start3A_115 : memref<1x80x125xi32, #tpu.memory_space<hbm>> -> memref<80x125xi32, #tpu.memory_space<hbm>>
      %dma_start3A_117 = arith.constant 0 : i32
      %dma_start3A_118 = tpu.memref_slice %dma_start3A_116[%mul3A_112, %dma_start3A_117] : memref<80x125xi32, #tpu.memory_space<hbm>> -> memref<4x125xi32, #tpu.memory_space<hbm>>
      %dma_start3A_119 = arith.constant 0 : i32
      %dma_start3A_120 = arith.constant 0 : i32
      %dma_start3A_121 = tpu.memref_slice %arg4[%add3A, %dma_start3A_119, %dma_start3A_120] : memref<32x80x125xi32, #tpu.memory_space<hbm>> -> memref<1x80x125xi32, #tpu.memory_space<hbm>>
      %dma_start3A_122 = tpu.memref_squeeze %dma_start3A_121 : memref<1x80x125xi32, #tpu.memory_space<hbm>> -> memref<80x125xi32, #tpu.memory_space<hbm>>
      %dma_start3A_123 = arith.constant 0 : i32
      %dma_start3A_124 = tpu.memref_slice %dma_start3A_122[%mul3A_112, %dma_start3A_123] : memref<80x125xi32, #tpu.memory_space<hbm>> -> memref<4x125xi32, #tpu.memory_space<hbm>>
      tpu.enqueue_dma source(%dma_start3A_124 : memref<4x125xi32, #tpu.memory_space<hbm>>) target(%arg8 : memref<4x125xi32, #tpu.memory_space<vmem>>) target_semaphore(%arg17 : memref<!tpu.dma_semaphore, #tpu.memory_space<semaphore_mem>>)
      %dma_wait3A = arith.constant 0 : i32
      %dma_wait3A_125 = arith.constant 0 : i32
      %dma_wait3A_126 = arith.constant 0 : i32
      %dma_wait3A_127 = tpu.memref_slice %arg9[%dma_wait3A_125, %dma_wait3A_126] : memref<500x16xf32, #tpu.memory_space<vmem>> -> memref<125x16xf32, #tpu.memory_space<vmem>>
      %dma_wait3A_128 = arith.constant 0 : i32
      %dma_wait3A_129 = tpu.memref_slice %arg6[%dma_wait3A, %dma_wait3A_128] : memref<80x125xi32, #tpu.memory_space<vmem>> -> memref<1x125xi32, #tpu.memory_space<vmem>>
      %dma_wait3A_130 = tpu.memref_squeeze %dma_wait3A_129 : memref<1x125xi32, #tpu.memory_space<vmem>> -> memref<125xi32, #tpu.memory_space<vmem>>
      %dma_wait3A_131 = arith.constant 0 : i32
      %dma_wait3A_132 = arith.constant 0 : i32
      %dma_wait3A_133 = tpu.memref_slice %arg12[%dma_wait3A_131, %dma_wait3A_132] : memref<10240x16xf32, #tpu.memory_space<vmem_shared>> -> memref<10240x16xf32, #tpu.memory_space<vmem_shared>>
      tpu.wait_indirect_dma semaphore(%arg13 : memref<!tpu.dma_semaphore, #tpu.memory_space<semaphore_mem>>) src(%dma_wait3A_133 : memref<10240x16xf32, #tpu.memory_space<vmem_shared>>) dst(%dma_wait3A_127 : memref<125x16xf32, #tpu.memory_space<vmem>>)
      %dma_wait3A_134 = arith.constant 0 : i32
      %dma_wait3A_135 = arith.constant 125 : i32
      %dma_wait3A_136 = arith.constant 0 : i32
      %dma_wait3A_137 = tpu.memref_slice %arg9[%dma_wait3A_135, %dma_wait3A_136] : memref<500x16xf32, #tpu.memory_space<vmem>> -> memref<125x16xf32, #tpu.memory_space<vmem>>
      %dma_wait3A_138 = arith.constant 0 : i32
      %dma_wait3A_139 = tpu.memref_slice %arg6[%dma_wait3A_134, %dma_wait3A_138] : memref<80x125xi32, #tpu.memory_space<vmem>> -> memref<1x125xi32, #tpu.memory_space<vmem>>
      %dma_wait3A_140 = tpu.memref_squeeze %dma_wait3A_139 : memref<1x125xi32, #tpu.memory_space<vmem>> -> memref<125xi32, #tpu.memory_space<vmem>>
      %dma_wait3A_141 = arith.constant 0 : i32
      %dma_wait3A_142 = arith.constant 0 : i32
      %dma_wait3A_143 = tpu.memref_slice %arg12[%dma_wait3A_141, %dma_wait3A_142] : memref<10240x16xf32, #tpu.memory_space<vmem_shared>> -> memref<10240x16xf32, #tpu.memory_space<vmem_shared>>
      tpu.wait_indirect_dma semaphore(%arg13 : memref<!tpu.dma_semaphore, #tpu.memory_space<semaphore_mem>>) src(%dma_wait3A_143 : memref<10240x16xf32, #tpu.memory_space<vmem_shared>>) dst(%dma_wait3A_137 : memref<125x16xf32, #tpu.memory_space<vmem>>)
      %dma_wait3A_144 = arith.constant 0 : i32
      %dma_wait3A_145 = arith.constant 250 : i32
      %dma_wait3A_146 = arith.constant 0 : i32
      %dma_wait3A_147 = tpu.memref_slice %arg9[%dma_wait3A_145, %dma_wait3A_146] : memref<500x16xf32, #tpu.memory_space<vmem>> -> memref<125x16xf32, #tpu.memory_space<vmem>>
      %dma_wait3A_148 = arith.constant 0 : i32
      %dma_wait3A_149 = tpu.memref_slice %arg6[%dma_wait3A_144, %dma_wait3A_148] : memref<80x125xi32, #tpu.memory_space<vmem>> -> memref<1x125xi32, #tpu.memory_space<vmem>>
      %dma_wait3A_150 = tpu.memref_squeeze %dma_wait3A_149 : memref<1x125xi32, #tpu.memory_space<vmem>> -> memref<125xi32, #tpu.memory_space<vmem>>
      %dma_wait3A_151 = arith.constant 0 : i32
      %dma_wait3A_152 = arith.constant 0 : i32
      %dma_wait3A_153 = tpu.memref_slice %arg12[%dma_wait3A_151, %dma_wait3A_152] : memref<10240x16xf32, #tpu.memory_space<vmem_shared>> -> memref<10240x16xf32, #tpu.memory_space<vmem_shared>>
      tpu.wait_indirect_dma semaphore(%arg13 : memref<!tpu.dma_semaphore, #tpu.memory_space<semaphore_mem>>) src(%dma_wait3A_153 : memref<10240x16xf32, #tpu.memory_space<vmem_shared>>) dst(%dma_wait3A_147 : memref<125x16xf32, #tpu.memory_space<vmem>>)
      %dma_wait3A_154 = arith.constant 0 : i32
      %dma_wait3A_155 = arith.constant 375 : i32
      %dma_wait3A_156 = arith.constant 0 : i32
      %dma_wait3A_157 = tpu.memref_slice %arg9[%dma_wait3A_155, %dma_wait3A_156] : memref<500x16xf32, #tpu.memory_space<vmem>> -> memref<125x16xf32, #tpu.memory_space<vmem>>
      %dma_wait3A_158 = arith.constant 0 : i32
      %dma_wait3A_159 = tpu.memref_slice %arg6[%dma_wait3A_154, %dma_wait3A_158] : memref<80x125xi32, #tpu.memory_space<vmem>> -> memref<1x125xi32, #tpu.memory_space<vmem>>
      %dma_wait3A_160 = tpu.memref_squeeze %dma_wait3A_159 : memref<1x125xi32, #tpu.memory_space<vmem>> -> memref<125xi32, #tpu.memory_space<vmem>>
      %dma_wait3A_161 = arith.constant 0 : i32
      %dma_wait3A_162 = arith.constant 0 : i32
      %dma_wait3A_163 = tpu.memref_slice %arg12[%dma_wait3A_161, %dma_wait3A_162] : memref<10240x16xf32, #tpu.memory_space<vmem_shared>> -> memref<10240x16xf32, #tpu.memory_space<vmem_shared>>
      tpu.wait_indirect_dma semaphore(%arg13 : memref<!tpu.dma_semaphore, #tpu.memory_space<semaphore_mem>>) src(%dma_wait3A_163 : memref<10240x16xf32, #tpu.memory_space<vmem_shared>>) dst(%dma_wait3A_157 : memref<125x16xf32, #tpu.memory_space<vmem>>)
      %dma_start3A_164 = arith.constant 0 : i32
      %dma_start3A_165 = arith.constant 0 : i32
      %dma_start3A_166 = arith.constant 0 : i32
      %dma_start3A_167 = tpu.memref_slice %arg9[%dma_start3A_165, %dma_start3A_166] : memref<500x16xf32, #tpu.memory_space<vmem>> -> memref<125x16xf32, #tpu.memory_space<vmem>>
      %dma_start3A_168 = arith.constant 0 : i32
      %dma_start3A_169 = tpu.memref_slice %arg7[%dma_start3A_164, %dma_start3A_168] : memref<4x125xi32, #tpu.memory_space<vmem>> -> memref<1x125xi32, #tpu.memory_space<vmem>>
      %dma_start3A_170 = tpu.memref_squeeze %dma_start3A_169 : memref<1x125xi32, #tpu.memory_space<vmem>> -> memref<125xi32, #tpu.memory_space<vmem>>
      %dma_start3A_171 = arith.constant 0 : i32
      %dma_start3A_172 = arith.constant 0 : i32
      %dma_start3A_173 = tpu.memref_slice %arg11[%dma_start3A_171, %dma_start3A_172] : memref<10240x16xf32, #tpu.memory_space<vmem_shared>> -> memref<10240x16xf32, #tpu.memory_space<vmem_shared>>
      tpu.enqueue_indirect_dma source(%dma_start3A_167 : memref<125x16xf32, #tpu.memory_space<vmem>>) target(%dma_start3A_173 : memref<10240x16xf32, #tpu.memory_space<vmem_shared>>) offsets(%dma_start3A_170 : memref<125xi32, #tpu.memory_space<vmem>>) semaphore(%arg15 : memref<!tpu.dma_semaphore, #tpu.memory_space<semaphore_mem>>) {add = true}
      %dma_start3A_174 = arith.constant 1 : i32
      %dma_start3A_175 = arith.constant 125 : i32
      %dma_start3A_176 = arith.constant 0 : i32
      %dma_start3A_177 = tpu.memref_slice %arg9[%dma_start3A_175, %dma_start3A_176] : memref<500x16xf32, #tpu.memory_space<vmem>> -> memref<125x16xf32, #tpu.memory_space<vmem>>
      %dma_start3A_178 = arith.constant 0 : i32
      %dma_start3A_179 = tpu.memref_slice %arg7[%dma_start3A_174, %dma_start3A_178] : memref<4x125xi32, #tpu.memory_space<vmem>> -> memref<1x125xi32, #tpu.memory_space<vmem>>
      %dma_start3A_180 = tpu.memref_squeeze %dma_start3A_179 : memref<1x125xi32, #tpu.memory_space<vmem>> -> memref<125xi32, #tpu.memory_space<vmem>>
      %dma_start3A_181 = arith.constant 0 : i32
      %dma_start3A_182 = arith.constant 0 : i32
      %dma_start3A_183 = tpu.memref_slice %arg11[%dma_start3A_181, %dma_start3A_182] : memref<10240x16xf32, #tpu.memory_space<vmem_shared>> -> memref<10240x16xf32, #tpu.memory_space<vmem_shared>>
      tpu.enqueue_indirect_dma source(%dma_start3A_177 : memref<125x16xf32, #tpu.memory_space<vmem>>) target(%dma_start3A_183 : memref<10240x16xf32, #tpu.memory_space<vmem_shared>>) offsets(%dma_start3A_180 : memref<125xi32, #tpu.memory_space<vmem>>) semaphore(%arg15 : memref<!tpu.dma_semaphore, #tpu.memory_space<semaphore_mem>>) {add = true}
      %dma_start3A_184 = arith.constant 2 : i32
      %dma_start3A_185 = arith.constant 250 : i32
      %dma_start3A_186 = arith.constant 0 : i32
      %dma_start3A_187 = tpu.memref_slice %arg9[%dma_start3A_185, %dma_start3A_186] : memref<500x16xf32, #tpu.memory_space<vmem>> -> memref<125x16xf32, #tpu.memory_space<vmem>>
      %dma_start3A_188 = arith.constant 0 : i32
      %dma_start3A_189 = tpu.memref_slice %arg7[%dma_start3A_184, %dma_start3A_188] : memref<4x125xi32, #tpu.memory_space<vmem>> -> memref<1x125xi32, #tpu.memory_space<vmem>>
      %dma_start3A_190 = tpu.memref_squeeze %dma_start3A_189 : memref<1x125xi32, #tpu.memory_space<vmem>> -> memref<125xi32, #tpu.memory_space<vmem>>
      %dma_start3A_191 = arith.constant 0 : i32
      %dma_start3A_192 = arith.constant 0 : i32
      %dma_start3A_193 = tpu.memref_slice %arg11[%dma_start3A_191, %dma_start3A_192] : memref<10240x16xf32, #tpu.memory_space<vmem_shared>> -> memref<10240x16xf32, #tpu.memory_space<vmem_shared>>
      tpu.enqueue_indirect_dma source(%dma_start3A_187 : memref<125x16xf32, #tpu.memory_space<vmem>>) target(%dma_start3A_193 : memref<10240x16xf32, #tpu.memory_space<vmem_shared>>) offsets(%dma_start3A_190 : memref<125xi32, #tpu.memory_space<vmem>>) semaphore(%arg15 : memref<!tpu.dma_semaphore, #tpu.memory_space<semaphore_mem>>) {add = true}
      %dma_start3A_194 = arith.constant 3 : i32
      %dma_start3A_195 = arith.constant 375 : i32
      %dma_start3A_196 = arith.constant 0 : i32
      %dma_start3A_197 = tpu.memref_slice %arg9[%dma_start3A_195, %dma_start3A_196] : memref<500x16xf32, #tpu.memory_space<vmem>> -> memref<125x16xf32, #tpu.memory_space<vmem>>
      %dma_start3A_198 = arith.constant 0 : i32
      %dma_start3A_199 = tpu.memref_slice %arg7[%dma_start3A_194, %dma_start3A_198] : memref<4x125xi32, #tpu.memory_space<vmem>> -> memref<1x125xi32, #tpu.memory_space<vmem>>
      %dma_start3A_200 = tpu.memref_squeeze %dma_start3A_199 : memref<1x125xi32, #tpu.memory_space<vmem>> -> memref<125xi32, #tpu.memory_space<vmem>>
      %dma_start3A_201 = arith.constant 0 : i32
      %dma_start3A_202 = arith.constant 0 : i32
      %dma_start3A_203 = tpu.memref_slice %arg11[%dma_start3A_201, %dma_start3A_202] : memref<10240x16xf32, #tpu.memory_space<vmem_shared>> -> memref<10240x16xf32, #tpu.memory_space<vmem_shared>>
      tpu.enqueue_indirect_dma source(%dma_start3A_197 : memref<125x16xf32, #tpu.memory_space<vmem>>) target(%dma_start3A_203 : memref<10240x16xf32, #tpu.memory_space<vmem_shared>>) offsets(%dma_start3A_200 : memref<125xi32, #tpu.memory_space<vmem>>) semaphore(%arg15 : memref<!tpu.dma_semaphore, #tpu.memory_space<semaphore_mem>>) {add = true}
      %dma_wait3A_204 = arith.constant 0 : i32
      %dma_wait3A_205 = arith.constant 0 : i32
      %dma_wait3A_206 = arith.constant 0 : i32
      %dma_wait3A_207 = tpu.memref_slice %arg9[%dma_wait3A_205, %dma_wait3A_206] : memref<500x16xf32, #tpu.memory_space<vmem>> -> memref<125x16xf32, #tpu.memory_space<vmem>>
      %dma_wait3A_208 = arith.constant 0 : i32
      %dma_wait3A_209 = tpu.memref_slice %arg7[%dma_wait3A_204, %dma_wait3A_208] : memref<4x125xi32, #tpu.memory_space<vmem>> -> memref<1x125xi32, #tpu.memory_space<vmem>>
      %dma_wait3A_210 = tpu.memref_squeeze %dma_wait3A_209 : memref<1x125xi32, #tpu.memory_space<vmem>> -> memref<125xi32, #tpu.memory_space<vmem>>
      %dma_wait3A_211 = arith.constant 0 : i32
      %dma_wait3A_212 = arith.constant 0 : i32
      %dma_wait3A_213 = tpu.memref_slice %arg11[%dma_wait3A_211, %dma_wait3A_212] : memref<10240x16xf32, #tpu.memory_space<vmem_shared>> -> memref<10240x16xf32, #tpu.memory_space<vmem_shared>>
      tpu.wait_indirect_dma semaphore(%arg15 : memref<!tpu.dma_semaphore, #tpu.memory_space<semaphore_mem>>) src(%dma_wait3A_207 : memref<125x16xf32, #tpu.memory_space<vmem>>) dst(%dma_wait3A_213 : memref<10240x16xf32, #tpu.memory_space<vmem_shared>>)
      %dma_wait3A_214 = arith.constant 1 : i32
      %dma_wait3A_215 = arith.constant 125 : i32
      %dma_wait3A_216 = arith.constant 0 : i32
      %dma_wait3A_217 = tpu.memref_slice %arg9[%dma_wait3A_215, %dma_wait3A_216] : memref<500x16xf32, #tpu.memory_space<vmem>> -> memref<125x16xf32, #tpu.memory_space<vmem>>
      %dma_wait3A_218 = arith.constant 0 : i32
      %dma_wait3A_219 = tpu.memref_slice %arg7[%dma_wait3A_214, %dma_wait3A_218] : memref<4x125xi32, #tpu.memory_space<vmem>> -> memref<1x125xi32, #tpu.memory_space<vmem>>
      %dma_wait3A_220 = tpu.memref_squeeze %dma_wait3A_219 : memref<1x125xi32, #tpu.memory_space<vmem>> -> memref<125xi32, #tpu.memory_space<vmem>>
      %dma_wait3A_221 = arith.constant 0 : i32
      %dma_wait3A_222 = arith.constant 0 : i32
      %dma_wait3A_223 = tpu.memref_slice %arg11[%dma_wait3A_221, %dma_wait3A_222] : memref<10240x16xf32, #tpu.memory_space<vmem_shared>> -> memref<10240x16xf32, #tpu.memory_space<vmem_shared>>
      tpu.wait_indirect_dma semaphore(%arg15 : memref<!tpu.dma_semaphore, #tpu.memory_space<semaphore_mem>>) src(%dma_wait3A_217 : memref<125x16xf32, #tpu.memory_space<vmem>>) dst(%dma_wait3A_223 : memref<10240x16xf32, #tpu.memory_space<vmem_shared>>)
      %dma_wait3A_224 = arith.constant 2 : i32
      %dma_wait3A_225 = arith.constant 250 : i32
      %dma_wait3A_226 = arith.constant 0 : i32
      %dma_wait3A_227 = tpu.memref_slice %arg9[%dma_wait3A_225, %dma_wait3A_226] : memref<500x16xf32, #tpu.memory_space<vmem>> -> memref<125x16xf32, #tpu.memory_space<vmem>>
      %dma_wait3A_228 = arith.constant 0 : i32
      %dma_wait3A_229 = tpu.memref_slice %arg7[%dma_wait3A_224, %dma_wait3A_228] : memref<4x125xi32, #tpu.memory_space<vmem>> -> memref<1x125xi32, #tpu.memory_space<vmem>>
      %dma_wait3A_230 = tpu.memref_squeeze %dma_wait3A_229 : memref<1x125xi32, #tpu.memory_space<vmem>> -> memref<125xi32, #tpu.memory_space<vmem>>
      %dma_wait3A_231 = arith.constant 0 : i32
      %dma_wait3A_232 = arith.constant 0 : i32
      %dma_wait3A_233 = tpu.memref_slice %arg11[%dma_wait3A_231, %dma_wait3A_232] : memref<10240x16xf32, #tpu.memory_space<vmem_shared>> -> memref<10240x16xf32, #tpu.memory_space<vmem_shared>>
      tpu.wait_indirect_dma semaphore(%arg15 : memref<!tpu.dma_semaphore, #tpu.memory_space<semaphore_mem>>) src(%dma_wait3A_227 : memref<125x16xf32, #tpu.memory_space<vmem>>) dst(%dma_wait3A_233 : memref<10240x16xf32, #tpu.memory_space<vmem_shared>>)
      %dma_wait3A_234 = arith.constant 3 : i32
      %dma_wait3A_235 = arith.constant 375 : i32
      %dma_wait3A_236 = arith.constant 0 : i32
      %dma_wait3A_237 = tpu.memref_slice %arg9[%dma_wait3A_235, %dma_wait3A_236] : memref<500x16xf32, #tpu.memory_space<vmem>> -> memref<125x16xf32, #tpu.memory_space<vmem>>
      %dma_wait3A_238 = arith.constant 0 : i32
      %dma_wait3A_239 = tpu.memref_slice %arg7[%dma_wait3A_234, %dma_wait3A_238] : memref<4x125xi32, #tpu.memory_space<vmem>> -> memref<1x125xi32, #tpu.memory_space<vmem>>
      %dma_wait3A_240 = tpu.memref_squeeze %dma_wait3A_239 : memref<1x125xi32, #tpu.memory_space<vmem>> -> memref<125xi32, #tpu.memory_space<vmem>>
      %dma_wait3A_241 = arith.constant 0 : i32
      %dma_wait3A_242 = arith.constant 0 : i32
      %dma_wait3A_243 = tpu.memref_slice %arg11[%dma_wait3A_241, %dma_wait3A_242] : memref<10240x16xf32, #tpu.memory_space<vmem_shared>> -> memref<10240x16xf32, #tpu.memory_space<vmem_shared>>
      tpu.wait_indirect_dma semaphore(%arg15 : memref<!tpu.dma_semaphore, #tpu.memory_space<semaphore_mem>>) src(%dma_wait3A_237 : memref<125x16xf32, #tpu.memory_space<vmem>>) dst(%dma_wait3A_243 : memref<10240x16xf32, #tpu.memory_space<vmem_shared>>)
      %add3A_244 = arith.constant 2 : i32
      %add3A_245 = arith.addi %mul3A_108, %add3A_244 : i32
      %lt3A = arith.constant 20 : i32
      %lt3A_246 = arith.cmpi slt, %add3A_245, %lt3A : i32
      %convert_element_type3A = arith.extui %lt3A_246 : i1 to i32
      %cond3A = arith.constant 0 : i32
      %cond3A_247 = arith.cmpi ne, %convert_element_type3A, %cond3A : i32
      scf.if %cond3A_247 {
        %add3A_398 = arith.constant 2 : i32
        %add3A_399 = arith.addi %mul3A_108, %add3A_398 : i32
        %mul3A_400 = arith.constant 4 : i32
        %mul3A_401 = arith.muli %add3A_399, %mul3A_400 : i32
        %add3A_402 = arith.constant 0 : i32
        %add3A_403 = arith.addi %mul3A_401, %add3A_402 : i32
        %dma_start3A_404 = arith.constant 0 : i32
        %dma_start3A_405 = arith.constant 0 : i32
        %dma_start3A_406 = tpu.memref_slice %arg9[%dma_start3A_404, %dma_start3A_405] : memref<500x16xf32, #tpu.memory_space<vmem>> -> memref<125x16xf32, #tpu.memory_space<vmem>>
        %dma_start3A_407 = arith.constant 0 : i32
        %dma_start3A_408 = tpu.memref_slice %arg6[%add3A_403, %dma_start3A_407] : memref<80x125xi32, #tpu.memory_space<vmem>> -> memref<1x125xi32, #tpu.memory_space<vmem>>
        %dma_start3A_409 = tpu.memref_squeeze %dma_start3A_408 : memref<1x125xi32, #tpu.memory_space<vmem>> -> memref<125xi32, #tpu.memory_space<vmem>>
        %dma_start3A_410 = arith.constant 0 : i32
        %dma_start3A_411 = arith.constant 0 : i32
        %dma_start3A_412 = tpu.memref_slice %arg12[%dma_start3A_410, %dma_start3A_411] : memref<10240x16xf32, #tpu.memory_space<vmem_shared>> -> memref<10240x16xf32, #tpu.memory_space<vmem_shared>>
        tpu.enqueue_indirect_dma source(%dma_start3A_412 : memref<10240x16xf32, #tpu.memory_space<vmem_shared>>) target(%dma_start3A_406 : memref<125x16xf32, #tpu.memory_space<vmem>>) offsets(%dma_start3A_409 : memref<125xi32, #tpu.memory_space<vmem>>) semaphore(%arg13 : memref<!tpu.dma_semaphore, #tpu.memory_space<semaphore_mem>>)
        %mul3A_413 = arith.constant 4 : i32
        %mul3A_414 = arith.muli %add3A_399, %mul3A_413 : i32
        %add3A_415 = arith.constant 1 : i32
        %add3A_416 = arith.addi %mul3A_414, %add3A_415 : i32
        %dma_start3A_417 = arith.constant 125 : i32
        %dma_start3A_418 = arith.constant 0 : i32
        %dma_start3A_419 = tpu.memref_slice %arg9[%dma_start3A_417, %dma_start3A_418] : memref<500x16xf32, #tpu.memory_space<vmem>> -> memref<125x16xf32, #tpu.memory_space<vmem>>
        %dma_start3A_420 = arith.constant 0 : i32
        %dma_start3A_421 = tpu.memref_slice %arg6[%add3A_416, %dma_start3A_420] : memref<80x125xi32, #tpu.memory_space<vmem>> -> memref<1x125xi32, #tpu.memory_space<vmem>>
        %dma_start3A_422 = tpu.memref_squeeze %dma_start3A_421 : memref<1x125xi32, #tpu.memory_space<vmem>> -> memref<125xi32, #tpu.memory_space<vmem>>
        %dma_start3A_423 = arith.constant 0 : i32
        %dma_start3A_424 = arith.constant 0 : i32
        %dma_start3A_425 = tpu.memref_slice %arg12[%dma_start3A_423, %dma_start3A_424] : memref<10240x16xf32, #tpu.memory_space<vmem_shared>> -> memref<10240x16xf32, #tpu.memory_space<vmem_shared>>
        tpu.enqueue_indirect_dma source(%dma_start3A_425 : memref<10240x16xf32, #tpu.memory_space<vmem_shared>>) target(%dma_start3A_419 : memref<125x16xf32, #tpu.memory_space<vmem>>) offsets(%dma_start3A_422 : memref<125xi32, #tpu.memory_space<vmem>>) semaphore(%arg13 : memref<!tpu.dma_semaphore, #tpu.memory_space<semaphore_mem>>)
        %mul3A_426 = arith.constant 4 : i32
        %mul3A_427 = arith.muli %add3A_399, %mul3A_426 : i32
        %add3A_428 = arith.constant 2 : i32
        %add3A_429 = arith.addi %mul3A_427, %add3A_428 : i32
        %dma_start3A_430 = arith.constant 250 : i32
        %dma_start3A_431 = arith.constant 0 : i32
        %dma_start3A_432 = tpu.memref_slice %arg9[%dma_start3A_430, %dma_start3A_431] : memref<500x16xf32, #tpu.memory_space<vmem>> -> memref<125x16xf32, #tpu.memory_space<vmem>>
        %dma_start3A_433 = arith.constant 0 : i32
        %dma_start3A_434 = tpu.memref_slice %arg6[%add3A_429, %dma_start3A_433] : memref<80x125xi32, #tpu.memory_space<vmem>> -> memref<1x125xi32, #tpu.memory_space<vmem>>
        %dma_start3A_435 = tpu.memref_squeeze %dma_start3A_434 : memref<1x125xi32, #tpu.memory_space<vmem>> -> memref<125xi32, #tpu.memory_space<vmem>>
        %dma_start3A_436 = arith.constant 0 : i32
        %dma_start3A_437 = arith.constant 0 : i32
        %dma_start3A_438 = tpu.memref_slice %arg12[%dma_start3A_436, %dma_start3A_437] : memref<10240x16xf32, #tpu.memory_space<vmem_shared>> -> memref<10240x16xf32, #tpu.memory_space<vmem_shared>>
        tpu.enqueue_indirect_dma source(%dma_start3A_438 : memref<10240x16xf32, #tpu.memory_space<vmem_shared>>) target(%dma_start3A_432 : memref<125x16xf32, #tpu.memory_space<vmem>>) offsets(%dma_start3A_435 : memref<125xi32, #tpu.memory_space<vmem>>) semaphore(%arg13 : memref<!tpu.dma_semaphore, #tpu.memory_space<semaphore_mem>>)
        %mul3A_439 = arith.constant 4 : i32
        %mul3A_440 = arith.muli %add3A_399, %mul3A_439 : i32
        %add3A_441 = arith.constant 3 : i32
        %add3A_442 = arith.addi %mul3A_440, %add3A_441 : i32
        %dma_start3A_443 = arith.constant 375 : i32
        %dma_start3A_444 = arith.constant 0 : i32
        %dma_start3A_445 = tpu.memref_slice %arg9[%dma_start3A_443, %dma_start3A_444] : memref<500x16xf32, #tpu.memory_space<vmem>> -> memref<125x16xf32, #tpu.memory_space<vmem>>
        %dma_start3A_446 = arith.constant 0 : i32
        %dma_start3A_447 = tpu.memref_slice %arg6[%add3A_442, %dma_start3A_446] : memref<80x125xi32, #tpu.memory_space<vmem>> -> memref<1x125xi32, #tpu.memory_space<vmem>>
        %dma_start3A_448 = tpu.memref_squeeze %dma_start3A_447 : memref<1x125xi32, #tpu.memory_space<vmem>> -> memref<125xi32, #tpu.memory_space<vmem>>
        %dma_start3A_449 = arith.constant 0 : i32
        %dma_start3A_450 = arith.constant 0 : i32
        %dma_start3A_451 = tpu.memref_slice %arg12[%dma_start3A_449, %dma_start3A_450] : memref<10240x16xf32, #tpu.memory_space<vmem_shared>> -> memref<10240x16xf32, #tpu.memory_space<vmem_shared>>
        tpu.enqueue_indirect_dma source(%dma_start3A_451 : memref<10240x16xf32, #tpu.memory_space<vmem_shared>>) target(%dma_start3A_445 : memref<125x16xf32, #tpu.memory_space<vmem>>) offsets(%dma_start3A_448 : memref<125xi32, #tpu.memory_space<vmem>>) semaphore(%arg13 : memref<!tpu.dma_semaphore, #tpu.memory_space<semaphore_mem>>)
      } else {
      }
      %dma_wait3A_248 = arith.constant 0 : i32
      %dma_wait3A_249 = arith.constant 0 : i32
      %dma_wait3A_250 = tpu.memref_slice %arg4[%add3A, %dma_wait3A_248, %dma_wait3A_249] : memref<32x80x125xi32, #tpu.memory_space<hbm>> -> memref<1x80x125xi32, #tpu.memory_space<hbm>>
      %dma_wait3A_251 = tpu.memref_squeeze %dma_wait3A_250 : memref<1x80x125xi32, #tpu.memory_space<hbm>> -> memref<80x125xi32, #tpu.memory_space<hbm>>
      %dma_wait3A_252 = arith.constant 0 : i32
      %dma_wait3A_253 = arith.constant 0 : i32
      %dma_wait3A_254 = tpu.memref_slice %dma_wait3A_251[%dma_wait3A_252, %dma_wait3A_253] : memref<80x125xi32, #tpu.memory_space<hbm>> -> memref<4x125xi32, #tpu.memory_space<hbm>>
      %dma_wait3A_255 = arith.constant 0 : i32
      %dma_wait3A_256 = arith.constant 0 : i32
      %dma_wait3A_257 = tpu.memref_slice %arg4[%add3A, %dma_wait3A_255, %dma_wait3A_256] : memref<32x80x125xi32, #tpu.memory_space<hbm>> -> memref<1x80x125xi32, #tpu.memory_space<hbm>>
      %dma_wait3A_258 = tpu.memref_squeeze %dma_wait3A_257 : memref<1x80x125xi32, #tpu.memory_space<hbm>> -> memref<80x125xi32, #tpu.memory_space<hbm>>
      %dma_wait3A_259 = arith.constant 0 : i32
      %dma_wait3A_260 = arith.constant 0 : i32
      %dma_wait3A_261 = tpu.memref_slice %dma_wait3A_258[%dma_wait3A_259, %dma_wait3A_260] : memref<80x125xi32, #tpu.memory_space<hbm>> -> memref<4x125xi32, #tpu.memory_space<hbm>>
      tpu.wait_dma2 semaphore(%arg17 : memref<!tpu.dma_semaphore, #tpu.memory_space<semaphore_mem>>) src(%dma_wait3A_261 : memref<4x125xi32, #tpu.memory_space<hbm>>) dst(%arg8 : memref<4x125xi32, #tpu.memory_space<vmem>>)
      %dma_wait3A_262 = arith.constant 0 : i32
      %dma_wait3A_263 = arith.constant 0 : i32
      %dma_wait3A_264 = arith.constant 0 : i32
      %dma_wait3A_265 = tpu.memref_slice %arg10[%dma_wait3A_263, %dma_wait3A_264] : memref<500x16xf32, #tpu.memory_space<vmem>> -> memref<125x16xf32, #tpu.memory_space<vmem>>
      %dma_wait3A_266 = arith.constant 0 : i32
      %dma_wait3A_267 = tpu.memref_slice %arg6[%dma_wait3A_262, %dma_wait3A_266] : memref<80x125xi32, #tpu.memory_space<vmem>> -> memref<1x125xi32, #tpu.memory_space<vmem>>
      %dma_wait3A_268 = tpu.memref_squeeze %dma_wait3A_267 : memref<1x125xi32, #tpu.memory_space<vmem>> -> memref<125xi32, #tpu.memory_space<vmem>>
      %dma_wait3A_269 = arith.constant 0 : i32
      %dma_wait3A_270 = arith.constant 0 : i32
      %dma_wait3A_271 = tpu.memref_slice %arg12[%dma_wait3A_269, %dma_wait3A_270] : memref<10240x16xf32, #tpu.memory_space<vmem_shared>> -> memref<10240x16xf32, #tpu.memory_space<vmem_shared>>
      tpu.wait_indirect_dma semaphore(%arg14 : memref<!tpu.dma_semaphore, #tpu.memory_space<semaphore_mem>>) src(%dma_wait3A_271 : memref<10240x16xf32, #tpu.memory_space<vmem_shared>>) dst(%dma_wait3A_265 : memref<125x16xf32, #tpu.memory_space<vmem>>)
      %dma_wait3A_272 = arith.constant 0 : i32
      %dma_wait3A_273 = arith.constant 125 : i32
      %dma_wait3A_274 = arith.constant 0 : i32
      %dma_wait3A_275 = tpu.memref_slice %arg10[%dma_wait3A_273, %dma_wait3A_274] : memref<500x16xf32, #tpu.memory_space<vmem>> -> memref<125x16xf32, #tpu.memory_space<vmem>>
      %dma_wait3A_276 = arith.constant 0 : i32
      %dma_wait3A_277 = tpu.memref_slice %arg6[%dma_wait3A_272, %dma_wait3A_276] : memref<80x125xi32, #tpu.memory_space<vmem>> -> memref<1x125xi32, #tpu.memory_space<vmem>>
      %dma_wait3A_278 = tpu.memref_squeeze %dma_wait3A_277 : memref<1x125xi32, #tpu.memory_space<vmem>> -> memref<125xi32, #tpu.memory_space<vmem>>
      %dma_wait3A_279 = arith.constant 0 : i32
      %dma_wait3A_280 = arith.constant 0 : i32
      %dma_wait3A_281 = tpu.memref_slice %arg12[%dma_wait3A_279, %dma_wait3A_280] : memref<10240x16xf32, #tpu.memory_space<vmem_shared>> -> memref<10240x16xf32, #tpu.memory_space<vmem_shared>>
      tpu.wait_indirect_dma semaphore(%arg14 : memref<!tpu.dma_semaphore, #tpu.memory_space<semaphore_mem>>) src(%dma_wait3A_281 : memref<10240x16xf32, #tpu.memory_space<vmem_shared>>) dst(%dma_wait3A_275 : memref<125x16xf32, #tpu.memory_space<vmem>>)
      %dma_wait3A_282 = arith.constant 0 : i32
      %dma_wait3A_283 = arith.constant 250 : i32
      %dma_wait3A_284 = arith.constant 0 : i32
      %dma_wait3A_285 = tpu.memref_slice %arg10[%dma_wait3A_283, %dma_wait3A_284] : memref<500x16xf32, #tpu.memory_space<vmem>> -> memref<125x16xf32, #tpu.memory_space<vmem>>
      %dma_wait3A_286 = arith.constant 0 : i32
      %dma_wait3A_287 = tpu.memref_slice %arg6[%dma_wait3A_282, %dma_wait3A_286] : memref<80x125xi32, #tpu.memory_space<vmem>> -> memref<1x125xi32, #tpu.memory_space<vmem>>
      %dma_wait3A_288 = tpu.memref_squeeze %dma_wait3A_287 : memref<1x125xi32, #tpu.memory_space<vmem>> -> memref<125xi32, #tpu.memory_space<vmem>>
      %dma_wait3A_289 = arith.constant 0 : i32
      %dma_wait3A_290 = arith.constant 0 : i32
      %dma_wait3A_291 = tpu.memref_slice %arg12[%dma_wait3A_289, %dma_wait3A_290] : memref<10240x16xf32, #tpu.memory_space<vmem_shared>> -> memref<10240x16xf32, #tpu.memory_space<vmem_shared>>
      tpu.wait_indirect_dma semaphore(%arg14 : memref<!tpu.dma_semaphore, #tpu.memory_space<semaphore_mem>>) src(%dma_wait3A_291 : memref<10240x16xf32, #tpu.memory_space<vmem_shared>>) dst(%dma_wait3A_285 : memref<125x16xf32, #tpu.memory_space<vmem>>)
      %dma_wait3A_292 = arith.constant 0 : i32
      %dma_wait3A_293 = arith.constant 375 : i32
      %dma_wait3A_294 = arith.constant 0 : i32
      %dma_wait3A_295 = tpu.memref_slice %arg10[%dma_wait3A_293, %dma_wait3A_294] : memref<500x16xf32, #tpu.memory_space<vmem>> -> memref<125x16xf32, #tpu.memory_space<vmem>>
      %dma_wait3A_296 = arith.constant 0 : i32
      %dma_wait3A_297 = tpu.memref_slice %arg6[%dma_wait3A_292, %dma_wait3A_296] : memref<80x125xi32, #tpu.memory_space<vmem>> -> memref<1x125xi32, #tpu.memory_space<vmem>>
      %dma_wait3A_298 = tpu.memref_squeeze %dma_wait3A_297 : memref<1x125xi32, #tpu.memory_space<vmem>> -> memref<125xi32, #tpu.memory_space<vmem>>
      %dma_wait3A_299 = arith.constant 0 : i32
      %dma_wait3A_300 = arith.constant 0 : i32
      %dma_wait3A_301 = tpu.memref_slice %arg12[%dma_wait3A_299, %dma_wait3A_300] : memref<10240x16xf32, #tpu.memory_space<vmem_shared>> -> memref<10240x16xf32, #tpu.memory_space<vmem_shared>>
      tpu.wait_indirect_dma semaphore(%arg14 : memref<!tpu.dma_semaphore, #tpu.memory_space<semaphore_mem>>) src(%dma_wait3A_301 : memref<10240x16xf32, #tpu.memory_space<vmem_shared>>) dst(%dma_wait3A_295 : memref<125x16xf32, #tpu.memory_space<vmem>>)
      %add3A_302 = arith.constant 1 : i32
      %add3A_303 = arith.addi %mul3A_108, %add3A_302 : i32
      %dma_start3A_304 = arith.constant 0 : i32
      %dma_start3A_305 = arith.constant 0 : i32
      %dma_start3A_306 = arith.constant 0 : i32
      %dma_start3A_307 = tpu.memref_slice %arg10[%dma_start3A_305, %dma_start3A_306] : memref<500x16xf32, #tpu.memory_space<vmem>> -> memref<125x16xf32, #tpu.memory_space<vmem>>
      %dma_start3A_308 = arith.constant 0 : i32
      %dma_start3A_309 = tpu.memref_slice %arg8[%dma_start3A_304, %dma_start3A_308] : memref<4x125xi32, #tpu.memory_space<vmem>> -> memref<1x125xi32, #tpu.memory_space<vmem>>
      %dma_start3A_310 = tpu.memref_squeeze %dma_start3A_309 : memref<1x125xi32, #tpu.memory_space<vmem>> -> memref<125xi32, #tpu.memory_space<vmem>>
      %dma_start3A_311 = arith.constant 0 : i32
      %dma_start3A_312 = arith.constant 0 : i32
      %dma_start3A_313 = tpu.memref_slice %arg11[%dma_start3A_311, %dma_start3A_312] : memref<10240x16xf32, #tpu.memory_space<vmem_shared>> -> memref<10240x16xf32, #tpu.memory_space<vmem_shared>>
      tpu.enqueue_indirect_dma source(%dma_start3A_307 : memref<125x16xf32, #tpu.memory_space<vmem>>) target(%dma_start3A_313 : memref<10240x16xf32, #tpu.memory_space<vmem_shared>>) offsets(%dma_start3A_310 : memref<125xi32, #tpu.memory_space<vmem>>) semaphore(%arg16 : memref<!tpu.dma_semaphore, #tpu.memory_space<semaphore_mem>>) {add = true}
      %dma_start3A_314 = arith.constant 1 : i32
      %dma_start3A_315 = arith.constant 125 : i32
      %dma_start3A_316 = arith.constant 0 : i32
      %dma_start3A_317 = tpu.memref_slice %arg10[%dma_start3A_315, %dma_start3A_316] : memref<500x16xf32, #tpu.memory_space<vmem>> -> memref<125x16xf32, #tpu.memory_space<vmem>>
      %dma_start3A_318 = arith.constant 0 : i32
      %dma_start3A_319 = tpu.memref_slice %arg8[%dma_start3A_314, %dma_start3A_318] : memref<4x125xi32, #tpu.memory_space<vmem>> -> memref<1x125xi32, #tpu.memory_space<vmem>>
      %dma_start3A_320 = tpu.memref_squeeze %dma_start3A_319 : memref<1x125xi32, #tpu.memory_space<vmem>> -> memref<125xi32, #tpu.memory_space<vmem>>
      %dma_start3A_321 = arith.constant 0 : i32
      %dma_start3A_322 = arith.constant 0 : i32
      %dma_start3A_323 = tpu.memref_slice %arg11[%dma_start3A_321, %dma_start3A_322] : memref<10240x16xf32, #tpu.memory_space<vmem_shared>> -> memref<10240x16xf32, #tpu.memory_space<vmem_shared>>
      tpu.enqueue_indirect_dma source(%dma_start3A_317 : memref<125x16xf32, #tpu.memory_space<vmem>>) target(%dma_start3A_323 : memref<10240x16xf32, #tpu.memory_space<vmem_shared>>) offsets(%dma_start3A_320 : memref<125xi32, #tpu.memory_space<vmem>>) semaphore(%arg16 : memref<!tpu.dma_semaphore, #tpu.memory_space<semaphore_mem>>) {add = true}
      %dma_start3A_324 = arith.constant 2 : i32
      %dma_start3A_325 = arith.constant 250 : i32
      %dma_start3A_326 = arith.constant 0 : i32
      %dma_start3A_327 = tpu.memref_slice %arg10[%dma_start3A_325, %dma_start3A_326] : memref<500x16xf32, #tpu.memory_space<vmem>> -> memref<125x16xf32, #tpu.memory_space<vmem>>
      %dma_start3A_328 = arith.constant 0 : i32
      %dma_start3A_329 = tpu.memref_slice %arg8[%dma_start3A_324, %dma_start3A_328] : memref<4x125xi32, #tpu.memory_space<vmem>> -> memref<1x125xi32, #tpu.memory_space<vmem>>
      %dma_start3A_330 = tpu.memref_squeeze %dma_start3A_329 : memref<1x125xi32, #tpu.memory_space<vmem>> -> memref<125xi32, #tpu.memory_space<vmem>>
      %dma_start3A_331 = arith.constant 0 : i32
      %dma_start3A_332 = arith.constant 0 : i32
      %dma_start3A_333 = tpu.memref_slice %arg11[%dma_start3A_331, %dma_start3A_332] : memref<10240x16xf32, #tpu.memory_space<vmem_shared>> -> memref<10240x16xf32, #tpu.memory_space<vmem_shared>>
      tpu.enqueue_indirect_dma source(%dma_start3A_327 : memref<125x16xf32, #tpu.memory_space<vmem>>) target(%dma_start3A_333 : memref<10240x16xf32, #tpu.memory_space<vmem_shared>>) offsets(%dma_start3A_330 : memref<125xi32, #tpu.memory_space<vmem>>) semaphore(%arg16 : memref<!tpu.dma_semaphore, #tpu.memory_space<semaphore_mem>>) {add = true}
      %dma_start3A_334 = arith.constant 3 : i32
      %dma_start3A_335 = arith.constant 375 : i32
      %dma_start3A_336 = arith.constant 0 : i32
      %dma_start3A_337 = tpu.memref_slice %arg10[%dma_start3A_335, %dma_start3A_336] : memref<500x16xf32, #tpu.memory_space<vmem>> -> memref<125x16xf32, #tpu.memory_space<vmem>>
      %dma_start3A_338 = arith.constant 0 : i32
      %dma_start3A_339 = tpu.memref_slice %arg8[%dma_start3A_334, %dma_start3A_338] : memref<4x125xi32, #tpu.memory_space<vmem>> -> memref<1x125xi32, #tpu.memory_space<vmem>>
      %dma_start3A_340 = tpu.memref_squeeze %dma_start3A_339 : memref<1x125xi32, #tpu.memory_space<vmem>> -> memref<125xi32, #tpu.memory_space<vmem>>
      %dma_start3A_341 = arith.constant 0 : i32
      %dma_start3A_342 = arith.constant 0 : i32
      %dma_start3A_343 = tpu.memref_slice %arg11[%dma_start3A_341, %dma_start3A_342] : memref<10240x16xf32, #tpu.memory_space<vmem_shared>> -> memref<10240x16xf32, #tpu.memory_space<vmem_shared>>
      tpu.enqueue_indirect_dma source(%dma_start3A_337 : memref<125x16xf32, #tpu.memory_space<vmem>>) target(%dma_start3A_343 : memref<10240x16xf32, #tpu.memory_space<vmem_shared>>) offsets(%dma_start3A_340 : memref<125xi32, #tpu.memory_space<vmem>>) semaphore(%arg16 : memref<!tpu.dma_semaphore, #tpu.memory_space<semaphore_mem>>) {add = true}
      %dma_wait3A_344 = arith.constant 0 : i32
      %dma_wait3A_345 = arith.constant 0 : i32
      %dma_wait3A_346 = arith.constant 0 : i32
      %dma_wait3A_347 = tpu.memref_slice %arg10[%dma_wait3A_345, %dma_wait3A_346] : memref<500x16xf32, #tpu.memory_space<vmem>> -> memref<125x16xf32, #tpu.memory_space<vmem>>
      %dma_wait3A_348 = arith.constant 0 : i32
      %dma_wait3A_349 = tpu.memref_slice %arg8[%dma_wait3A_344, %dma_wait3A_348] : memref<4x125xi32, #tpu.memory_space<vmem>> -> memref<1x125xi32, #tpu.memory_space<vmem>>
      %dma_wait3A_350 = tpu.memref_squeeze %dma_wait3A_349 : memref<1x125xi32, #tpu.memory_space<vmem>> -> memref<125xi32, #tpu.memory_space<vmem>>
      %dma_wait3A_351 = arith.constant 0 : i32
      %dma_wait3A_352 = arith.constant 0 : i32
      %dma_wait3A_353 = tpu.memref_slice %arg11[%dma_wait3A_351, %dma_wait3A_352] : memref<10240x16xf32, #tpu.memory_space<vmem_shared>> -> memref<10240x16xf32, #tpu.memory_space<vmem_shared>>
      tpu.wait_indirect_dma semaphore(%arg16 : memref<!tpu.dma_semaphore, #tpu.memory_space<semaphore_mem>>) src(%dma_wait3A_347 : memref<125x16xf32, #tpu.memory_space<vmem>>) dst(%dma_wait3A_353 : memref<10240x16xf32, #tpu.memory_space<vmem_shared>>)
      %dma_wait3A_354 = arith.constant 1 : i32
      %dma_wait3A_355 = arith.constant 125 : i32
      %dma_wait3A_356 = arith.constant 0 : i32
      %dma_wait3A_357 = tpu.memref_slice %arg10[%dma_wait3A_355, %dma_wait3A_356] : memref<500x16xf32, #tpu.memory_space<vmem>> -> memref<125x16xf32, #tpu.memory_space<vmem>>
      %dma_wait3A_358 = arith.constant 0 : i32
      %dma_wait3A_359 = tpu.memref_slice %arg8[%dma_wait3A_354, %dma_wait3A_358] : memref<4x125xi32, #tpu.memory_space<vmem>> -> memref<1x125xi32, #tpu.memory_space<vmem>>
      %dma_wait3A_360 = tpu.memref_squeeze %dma_wait3A_359 : memref<1x125xi32, #tpu.memory_space<vmem>> -> memref<125xi32, #tpu.memory_space<vmem>>
      %dma_wait3A_361 = arith.constant 0 : i32
      %dma_wait3A_362 = arith.constant 0 : i32
      %dma_wait3A_363 = tpu.memref_slice %arg11[%dma_wait3A_361, %dma_wait3A_362] : memref<10240x16xf32, #tpu.memory_space<vmem_shared>> -> memref<10240x16xf32, #tpu.memory_space<vmem_shared>>
      tpu.wait_indirect_dma semaphore(%arg16 : memref<!tpu.dma_semaphore, #tpu.memory_space<semaphore_mem>>) src(%dma_wait3A_357 : memref<125x16xf32, #tpu.memory_space<vmem>>) dst(%dma_wait3A_363 : memref<10240x16xf32, #tpu.memory_space<vmem_shared>>)
      %dma_wait3A_364 = arith.constant 2 : i32
      %dma_wait3A_365 = arith.constant 250 : i32
      %dma_wait3A_366 = arith.constant 0 : i32
      %dma_wait3A_367 = tpu.memref_slice %arg10[%dma_wait3A_365, %dma_wait3A_366] : memref<500x16xf32, #tpu.memory_space<vmem>> -> memref<125x16xf32, #tpu.memory_space<vmem>>
      %dma_wait3A_368 = arith.constant 0 : i32
      %dma_wait3A_369 = tpu.memref_slice %arg8[%dma_wait3A_364, %dma_wait3A_368] : memref<4x125xi32, #tpu.memory_space<vmem>> -> memref<1x125xi32, #tpu.memory_space<vmem>>
      %dma_wait3A_370 = tpu.memref_squeeze %dma_wait3A_369 : memref<1x125xi32, #tpu.memory_space<vmem>> -> memref<125xi32, #tpu.memory_space<vmem>>
      %dma_wait3A_371 = arith.constant 0 : i32
      %dma_wait3A_372 = arith.constant 0 : i32
      %dma_wait3A_373 = tpu.memref_slice %arg11[%dma_wait3A_371, %dma_wait3A_372] : memref<10240x16xf32, #tpu.memory_space<vmem_shared>> -> memref<10240x16xf32, #tpu.memory_space<vmem_shared>>
      tpu.wait_indirect_dma semaphore(%arg16 : memref<!tpu.dma_semaphore, #tpu.memory_space<semaphore_mem>>) src(%dma_wait3A_367 : memref<125x16xf32, #tpu.memory_space<vmem>>) dst(%dma_wait3A_373 : memref<10240x16xf32, #tpu.memory_space<vmem_shared>>)
      %dma_wait3A_374 = arith.constant 3 : i32
      %dma_wait3A_375 = arith.constant 375 : i32
      %dma_wait3A_376 = arith.constant 0 : i32
      %dma_wait3A_377 = tpu.memref_slice %arg10[%dma_wait3A_375, %dma_wait3A_376] : memref<500x16xf32, #tpu.memory_space<vmem>> -> memref<125x16xf32, #tpu.memory_space<vmem>>
      %dma_wait3A_378 = arith.constant 0 : i32
      %dma_wait3A_379 = tpu.memref_slice %arg8[%dma_wait3A_374, %dma_wait3A_378] : memref<4x125xi32, #tpu.memory_space<vmem>> -> memref<1x125xi32, #tpu.memory_space<vmem>>
      %dma_wait3A_380 = tpu.memref_squeeze %dma_wait3A_379 : memref<1x125xi32, #tpu.memory_space<vmem>> -> memref<125xi32, #tpu.memory_space<vmem>>
      %dma_wait3A_381 = arith.constant 0 : i32
      %dma_wait3A_382 = arith.constant 0 : i32
      %dma_wait3A_383 = tpu.memref_slice %arg11[%dma_wait3A_381, %dma_wait3A_382] : memref<10240x16xf32, #tpu.memory_space<vmem_shared>> -> memref<10240x16xf32, #tpu.memory_space<vmem_shared>>
      tpu.wait_indirect_dma semaphore(%arg16 : memref<!tpu.dma_semaphore, #tpu.memory_space<semaphore_mem>>) src(%dma_wait3A_377 : memref<125x16xf32, #tpu.memory_space<vmem>>) dst(%dma_wait3A_383 : memref<10240x16xf32, #tpu.memory_space<vmem_shared>>)
      %add3A_384 = arith.constant 3 : i32
      %add3A_385 = arith.addi %mul3A_108, %add3A_384 : i32
      %lt3A_386 = arith.constant 20 : i32
      %lt3A_387 = arith.cmpi slt, %add3A_385, %lt3A_386 : i32
      %convert_element_type3A_388 = arith.extui %lt3A_387 : i1 to i32
      %cond3A_389 = arith.constant 0 : i32
      %cond3A_390 = arith.cmpi ne, %convert_element_type3A_388, %cond3A_389 : i32
      scf.if %cond3A_390 {
        %add3A_398 = arith.constant 3 : i32
        %add3A_399 = arith.addi %mul3A_108, %add3A_398 : i32
        %mul3A_400 = arith.constant 4 : i32
        %mul3A_401 = arith.muli %add3A_399, %mul3A_400 : i32
        %add3A_402 = arith.constant 0 : i32
        %add3A_403 = arith.addi %mul3A_401, %add3A_402 : i32
        %dma_start3A_404 = arith.constant 0 : i32
        %dma_start3A_405 = arith.constant 0 : i32
        %dma_start3A_406 = tpu.memref_slice %arg10[%dma_start3A_404, %dma_start3A_405] : memref<500x16xf32, #tpu.memory_space<vmem>> -> memref<125x16xf32, #tpu.memory_space<vmem>>
        %dma_start3A_407 = arith.constant 0 : i32
        %dma_start3A_408 = tpu.memref_slice %arg6[%add3A_403, %dma_start3A_407] : memref<80x125xi32, #tpu.memory_space<vmem>> -> memref<1x125xi32, #tpu.memory_space<vmem>>
        %dma_start3A_409 = tpu.memref_squeeze %dma_start3A_408 : memref<1x125xi32, #tpu.memory_space<vmem>> -> memref<125xi32, #tpu.memory_space<vmem>>
        %dma_start3A_410 = arith.constant 0 : i32
        %dma_start3A_411 = arith.constant 0 : i32
        %dma_start3A_412 = tpu.memref_slice %arg12[%dma_start3A_410, %dma_start3A_411] : memref<10240x16xf32, #tpu.memory_space<vmem_shared>> -> memref<10240x16xf32, #tpu.memory_space<vmem_shared>>
        tpu.enqueue_indirect_dma source(%dma_start3A_412 : memref<10240x16xf32, #tpu.memory_space<vmem_shared>>) target(%dma_start3A_406 : memref<125x16xf32, #tpu.memory_space<vmem>>) offsets(%dma_start3A_409 : memref<125xi32, #tpu.memory_space<vmem>>) semaphore(%arg14 : memref<!tpu.dma_semaphore, #tpu.memory_space<semaphore_mem>>)
        %mul3A_413 = arith.constant 4 : i32
        %mul3A_414 = arith.muli %add3A_399, %mul3A_413 : i32
        %add3A_415 = arith.constant 1 : i32
        %add3A_416 = arith.addi %mul3A_414, %add3A_415 : i32
        %dma_start3A_417 = arith.constant 125 : i32
        %dma_start3A_418 = arith.constant 0 : i32
        %dma_start3A_419 = tpu.memref_slice %arg10[%dma_start3A_417, %dma_start3A_418] : memref<500x16xf32, #tpu.memory_space<vmem>> -> memref<125x16xf32, #tpu.memory_space<vmem>>
        %dma_start3A_420 = arith.constant 0 : i32
        %dma_start3A_421 = tpu.memref_slice %arg6[%add3A_416, %dma_start3A_420] : memref<80x125xi32, #tpu.memory_space<vmem>> -> memref<1x125xi32, #tpu.memory_space<vmem>>
        %dma_start3A_422 = tpu.memref_squeeze %dma_start3A_421 : memref<1x125xi32, #tpu.memory_space<vmem>> -> memref<125xi32, #tpu.memory_space<vmem>>
        %dma_start3A_423 = arith.constant 0 : i32
        %dma_start3A_424 = arith.constant 0 : i32
        %dma_start3A_425 = tpu.memref_slice %arg12[%dma_start3A_423, %dma_start3A_424] : memref<10240x16xf32, #tpu.memory_space<vmem_shared>> -> memref<10240x16xf32, #tpu.memory_space<vmem_shared>>
        tpu.enqueue_indirect_dma source(%dma_start3A_425 : memref<10240x16xf32, #tpu.memory_space<vmem_shared>>) target(%dma_start3A_419 : memref<125x16xf32, #tpu.memory_space<vmem>>) offsets(%dma_start3A_422 : memref<125xi32, #tpu.memory_space<vmem>>) semaphore(%arg14 : memref<!tpu.dma_semaphore, #tpu.memory_space<semaphore_mem>>)
        %mul3A_426 = arith.constant 4 : i32
        %mul3A_427 = arith.muli %add3A_399, %mul3A_426 : i32
        %add3A_428 = arith.constant 2 : i32
        %add3A_429 = arith.addi %mul3A_427, %add3A_428 : i32
        %dma_start3A_430 = arith.constant 250 : i32
        %dma_start3A_431 = arith.constant 0 : i32
        %dma_start3A_432 = tpu.memref_slice %arg10[%dma_start3A_430, %dma_start3A_431] : memref<500x16xf32, #tpu.memory_space<vmem>> -> memref<125x16xf32, #tpu.memory_space<vmem>>
        %dma_start3A_433 = arith.constant 0 : i32
        %dma_start3A_434 = tpu.memref_slice %arg6[%add3A_429, %dma_start3A_433] : memref<80x125xi32, #tpu.memory_space<vmem>> -> memref<1x125xi32, #tpu.memory_space<vmem>>
        %dma_start3A_435 = tpu.memref_squeeze %dma_start3A_434 : memref<1x125xi32, #tpu.memory_space<vmem>> -> memref<125xi32, #tpu.memory_space<vmem>>
        %dma_start3A_436 = arith.constant 0 : i32
        %dma_start3A_437 = arith.constant 0 : i32
        %dma_start3A_438 = tpu.memref_slice %arg12[%dma_start3A_436, %dma_start3A_437] : memref<10240x16xf32, #tpu.memory_space<vmem_shared>> -> memref<10240x16xf32, #tpu.memory_space<vmem_shared>>
        tpu.enqueue_indirect_dma source(%dma_start3A_438 : memref<10240x16xf32, #tpu.memory_space<vmem_shared>>) target(%dma_start3A_432 : memref<125x16xf32, #tpu.memory_space<vmem>>) offsets(%dma_start3A_435 : memref<125xi32, #tpu.memory_space<vmem>>) semaphore(%arg14 : memref<!tpu.dma_semaphore, #tpu.memory_space<semaphore_mem>>)
        %mul3A_439 = arith.constant 4 : i32
        %mul3A_440 = arith.muli %add3A_399, %mul3A_439 : i32
        %add3A_441 = arith.constant 3 : i32
        %add3A_442 = arith.addi %mul3A_440, %add3A_441 : i32
        %dma_start3A_443 = arith.constant 375 : i32
        %dma_start3A_444 = arith.constant 0 : i32
        %dma_start3A_445 = tpu.memref_slice %arg10[%dma_start3A_443, %dma_start3A_444] : memref<500x16xf32, #tpu.memory_space<vmem>> -> memref<125x16xf32, #tpu.memory_space<vmem>>
        %dma_start3A_446 = arith.constant 0 : i32
        %dma_start3A_447 = tpu.memref_slice %arg6[%add3A_442, %dma_start3A_446] : memref<80x125xi32, #tpu.memory_space<vmem>> -> memref<1x125xi32, #tpu.memory_space<vmem>>
        %dma_start3A_448 = tpu.memref_squeeze %dma_start3A_447 : memref<1x125xi32, #tpu.memory_space<vmem>> -> memref<125xi32, #tpu.memory_space<vmem>>
        %dma_start3A_449 = arith.constant 0 : i32
        %dma_start3A_450 = arith.constant 0 : i32
        %dma_start3A_451 = tpu.memref_slice %arg12[%dma_start3A_449, %dma_start3A_450] : memref<10240x16xf32, #tpu.memory_space<vmem_shared>> -> memref<10240x16xf32, #tpu.memory_space<vmem_shared>>
        tpu.enqueue_indirect_dma source(%dma_start3A_451 : memref<10240x16xf32, #tpu.memory_space<vmem_shared>>) target(%dma_start3A_445 : memref<125x16xf32, #tpu.memory_space<vmem>>) offsets(%dma_start3A_448 : memref<125xi32, #tpu.memory_space<vmem>>) semaphore(%arg14 : memref<!tpu.dma_semaphore, #tpu.memory_space<semaphore_mem>>)
      } else {
      }
      %add3A_391 = arith.constant 2 : i32
      %add3A_392 = arith.addi %mul3A_108, %add3A_391 : i32
      %lt3A_393 = arith.constant 20 : i32
      %lt3A_394 = arith.cmpi slt, %add3A_392, %lt3A_393 : i32
      %convert_element_type3A_395 = arith.extui %lt3A_394 : i1 to i32
      %cond3A_396 = arith.constant 0 : i32
      %cond3A_397 = arith.cmpi ne, %convert_element_type3A_395, %cond3A_396 : i32
      scf.if %cond3A_397 {
        %add3A_398 = arith.constant 2 : i32
        %add3A_399 = arith.addi %mul3A_108, %add3A_398 : i32
        %mul3A_400 = arith.constant 4 : i32
        %mul3A_401 = arith.muli %add3A_399, %mul3A_400 : i32
        "tpu.region"() ({
          %run_scoped3A = tpu.sem_alloc : memref<!tpu.dma_semaphore, #tpu.memory_space<semaphore_mem>>
          %dma_start3A_402 = arith.constant 0 : i32
          %dma_start3A_403 = arith.constant 0 : i32
          %dma_start3A_404 = tpu.memref_slice %arg4[%add3A, %dma_start3A_402, %dma_start3A_403] : memref<32x80x125xi32, #tpu.memory_space<hbm>> -> memref<1x80x125xi32, #tpu.memory_space<hbm>>
          %dma_start3A_405 = tpu.memref_squeeze %dma_start3A_404 : memref<1x80x125xi32, #tpu.memory_space<hbm>> -> memref<80x125xi32, #tpu.memory_space<hbm>>
          %dma_start3A_406 = arith.constant 0 : i32
          %dma_start3A_407 = tpu.memref_slice %dma_start3A_405[%mul3A_401, %dma_start3A_406] : memref<80x125xi32, #tpu.memory_space<hbm>> -> memref<4x125xi32, #tpu.memory_space<hbm>>
          %dma_start3A_408 = arith.constant 0 : i32
          %dma_start3A_409 = arith.constant 0 : i32
          %dma_start3A_410 = tpu.memref_slice %arg4[%add3A, %dma_start3A_408, %dma_start3A_409] : memref<32x80x125xi32, #tpu.memory_space<hbm>> -> memref<1x80x125xi32, #tpu.memory_space<hbm>>
          %dma_start3A_411 = tpu.memref_squeeze %dma_start3A_410 : memref<1x80x125xi32, #tpu.memory_space<hbm>> -> memref<80x125xi32, #tpu.memory_space<hbm>>
          %dma_start3A_412 = arith.constant 0 : i32
          %dma_start3A_413 = tpu.memref_slice %dma_start3A_411[%mul3A_401, %dma_start3A_412] : memref<80x125xi32, #tpu.memory_space<hbm>> -> memref<4x125xi32, #tpu.memory_space<hbm>>
          tpu.enqueue_dma source(%dma_start3A_413 : memref<4x125xi32, #tpu.memory_space<hbm>>) target(%arg7 : memref<4x125xi32, #tpu.memory_space<vmem>>) target_semaphore(%run_scoped3A : memref<!tpu.dma_semaphore, #tpu.memory_space<semaphore_mem>>)
          %dma_wait3A_414 = arith.constant 0 : i32
          %dma_wait3A_415 = arith.constant 0 : i32
          %dma_wait3A_416 = tpu.memref_slice %arg4[%add3A, %dma_wait3A_414, %dma_wait3A_415] : memref<32x80x125xi32, #tpu.memory_space<hbm>> -> memref<1x80x125xi32, #tpu.memory_space<hbm>>
          %dma_wait3A_417 = tpu.memref_squeeze %dma_wait3A_416 : memref<1x80x125xi32, #tpu.memory_space<hbm>> -> memref<80x125xi32, #tpu.memory_space<hbm>>
          %dma_wait3A_418 = arith.constant 0 : i32
          %dma_wait3A_419 = tpu.memref_slice %dma_wait3A_417[%mul3A_401, %dma_wait3A_418] : memref<80x125xi32, #tpu.memory_space<hbm>> -> memref<4x125xi32, #tpu.memory_space<hbm>>
          %dma_wait3A_420 = arith.constant 0 : i32
          %dma_wait3A_421 = arith.constant 0 : i32
          %dma_wait3A_422 = tpu.memref_slice %arg4[%add3A, %dma_wait3A_420, %dma_wait3A_421] : memref<32x80x125xi32, #tpu.memory_space<hbm>> -> memref<1x80x125xi32, #tpu.memory_space<hbm>>
          %dma_wait3A_423 = tpu.memref_squeeze %dma_wait3A_422 : memref<1x80x125xi32, #tpu.memory_space<hbm>> -> memref<80x125xi32, #tpu.memory_space<hbm>>
          %dma_wait3A_424 = arith.constant 0 : i32
          %dma_wait3A_425 = tpu.memref_slice %dma_wait3A_423[%mul3A_401, %dma_wait3A_424] : memref<80x125xi32, #tpu.memory_space<hbm>> -> memref<4x125xi32, #tpu.memory_space<hbm>>
          tpu.wait_dma2 semaphore(%run_scoped3A : memref<!tpu.dma_semaphore, #tpu.memory_space<semaphore_mem>>) src(%dma_wait3A_425 : memref<4x125xi32, #tpu.memory_space<hbm>>) dst(%arg7 : memref<4x125xi32, #tpu.memory_space<vmem>>)
          tpu.yield
        }) : () -> ()
      } else {
      }
    }
    %scan3A_100 = arith.constant 10 : i32
    %barrier3A_101 = arith.constant 0 : index
    tpu.barrier barrier_id(%barrier3A_101)
    %mul3A_102 = arith.constant 640 : i32
    %mul3A_103 = arith.muli %arg1, %mul3A_102 : i32
    %mul3A_104 = arith.constant 640 : i32
    %mul3A_105 = arith.muli %arg1, %mul3A_104 : i32
    "tpu.region"() ({
      %run_scoped3A = tpu.sem_alloc : memref<!tpu.dma_semaphore, #tpu.memory_space<semaphore_mem>>
      %dma_start3A_106 = arith.constant 0 : i32
      %dma_start3A_107 = arith.constant 0 : i32
      %dma_start3A_108 = tpu.memref_slice %arg5[%arg0, %dma_start3A_106, %dma_start3A_107] : memref<2x10240x16xf32, #tpu.memory_space<hbm>> -> memref<1x10240x16xf32, #tpu.memory_space<hbm>>
      %dma_start3A_109 = tpu.memref_squeeze %dma_start3A_108 : memref<1x10240x16xf32, #tpu.memory_space<hbm>> -> memref<10240x16xf32, #tpu.memory_space<hbm>>
      %dma_start3A_110 = arith.constant 0 : i32
      %dma_start3A_111 = tpu.memref_slice %dma_start3A_109[%mul3A_105, %dma_start3A_110] : memref<10240x16xf32, #tpu.memory_space<hbm>> -> memref<640x16xf32, #tpu.memory_space<hbm>>
      %dma_start3A_112 = arith.constant 0 : i32
      %dma_start3A_113 = tpu.memref_slice %arg11[%mul3A_103, %dma_start3A_112] : memref<10240x16xf32, #tpu.memory_space<vmem_shared>> -> memref<640x16xf32, #tpu.memory_space<vmem_shared>>
      tpu.enqueue_dma source(%dma_start3A_113 : memref<640x16xf32, #tpu.memory_space<vmem_shared>>) target(%dma_start3A_111 : memref<640x16xf32, #tpu.memory_space<hbm>>) target_semaphore(%run_scoped3A : memref<!tpu.dma_semaphore, #tpu.memory_space<semaphore_mem>>)
      %dma_wait3A = arith.constant 0 : i32
      %dma_wait3A_114 = arith.constant 0 : i32
      %dma_wait3A_115 = tpu.memref_slice %arg5[%arg0, %dma_wait3A, %dma_wait3A_114] : memref<2x10240x16xf32, #tpu.memory_space<hbm>> -> memref<1x10240x16xf32, #tpu.memory_space<hbm>>
      %dma_wait3A_116 = tpu.memref_squeeze %dma_wait3A_115 : memref<1x10240x16xf32, #tpu.memory_space<hbm>> -> memref<10240x16xf32, #tpu.memory_space<hbm>>
      %dma_wait3A_117 = arith.constant 0 : i32
      %dma_wait3A_118 = tpu.memref_slice %dma_wait3A_116[%mul3A_105, %dma_wait3A_117] : memref<10240x16xf32, #tpu.memory_space<hbm>> -> memref<640x16xf32, #tpu.memory_space<hbm>>
      %dma_wait3A_119 = arith.constant 0 : i32
      %dma_wait3A_120 = tpu.memref_slice %arg11[%mul3A_103, %dma_wait3A_119] : memref<10240x16xf32, #tpu.memory_space<vmem_shared>> -> memref<640x16xf32, #tpu.memory_space<vmem_shared>>
      tpu.wait_dma2 semaphore(%run_scoped3A : memref<!tpu.dma_semaphore, #tpu.memory_space<semaphore_mem>>) src(%dma_wait3A_120 : memref<640x16xf32, #tpu.memory_space<vmem_shared>>) dst(%dma_wait3A_118 : memref<640x16xf32, #tpu.memory_space<hbm>>)
      tpu.yield
    }) : () -> ()
    return
  }
}

#map = affine_map<(d0, d1) -> (0, 0)>
#map1 = affine_map<(d0, d1) -> (0, 0, 0)>
module attributes {stable_mosaic.version = 14 : i64} {
  func.func @prop_kernel(%arg0: i32, %arg1: i32, %arg2: memref<10240x64xf32, #tpu.memory_space<hbm>>, %arg3: memref<32x80x125xi32, #tpu.memory_space<hbm>>, %arg4: memref<32x80x125xi32, #tpu.memory_space<hbm>>, %arg5: memref<2x10240x64xf32, #tpu.memory_space<hbm>>, %arg6: memref<80x125xi32, #tpu.memory_space<vmem>>, %arg7: memref<2x125xi32, #tpu.memory_space<vmem>>, %arg8: memref<2x125xi32, #tpu.memory_space<vmem>>, %arg9: memref<250x64xf32, #tpu.memory_space<vmem>>, %arg10: memref<250x64xf32, #tpu.memory_space<vmem>>, %arg11: memref<10240x64xf32, #tpu.memory_space<vmem_shared>>, %arg12: memref<10240x64xf32, #tpu.memory_space<vmem_shared>>, %arg13: memref<!tpu.dma_semaphore, #tpu.memory_space<semaphore_mem>>, %arg14: memref<!tpu.dma_semaphore, #tpu.memory_space<semaphore_mem>>, %arg15: memref<!tpu.dma_semaphore, #tpu.memory_space<semaphore_mem>>, %arg16: memref<!tpu.dma_semaphore, #tpu.memory_space<semaphore_mem>>, %arg17: memref<!tpu.dma_semaphore, #tpu.memory_space<semaphore_mem>>) attributes {dimension_semantics = [#tpu.dimension_semantics<core_parallel>, #tpu.dimension_semantics<subcore_parallel>], iteration_bounds = array<i64: 2, 16>, scalar_prefetch = 0 : i64, scratch_operands = 12 : i64, tpu.core_type = #tpu.core_type<sc_vector_subcore>, window_params = [{transform_indices = #map}, {transform_indices = #map1}, {transform_indices = #map1}, {transform_indices = #map1}]} {
    %mul3A = arith.constant 2 : i32
    %mul3A_0 = arith.muli %arg1, %mul3A : i32
    %add3A = arith.addi %mul3A_0, %arg0 : i32
    "tpu.region"() ({
      %run_scoped3A = tpu.sem_alloc : memref<!tpu.dma_semaphore, #tpu.memory_space<semaphore_mem>>
      %dma_start3A_66 = arith.constant 0 : i32
      %dma_start3A_67 = arith.constant 0 : i32
      %dma_start3A_68 = tpu.memref_slice %arg3[%add3A, %dma_start3A_66, %dma_start3A_67] : memref<32x80x125xi32, #tpu.memory_space<hbm>> -> memref<1x80x125xi32, #tpu.memory_space<hbm>>
      %dma_start3A_69 = tpu.memref_squeeze %dma_start3A_68 : memref<1x80x125xi32, #tpu.memory_space<hbm>> -> memref<80x125xi32, #tpu.memory_space<hbm>>
      %dma_start3A_70 = arith.constant 0 : i32
      %dma_start3A_71 = arith.constant 0 : i32
      %dma_start3A_72 = tpu.memref_slice %arg3[%add3A, %dma_start3A_70, %dma_start3A_71] : memref<32x80x125xi32, #tpu.memory_space<hbm>> -> memref<1x80x125xi32, #tpu.memory_space<hbm>>
      %dma_start3A_73 = tpu.memref_squeeze %dma_start3A_72 : memref<1x80x125xi32, #tpu.memory_space<hbm>> -> memref<80x125xi32, #tpu.memory_space<hbm>>
      tpu.enqueue_dma source(%dma_start3A_73 : memref<80x125xi32, #tpu.memory_space<hbm>>) target(%arg6 : memref<80x125xi32, #tpu.memory_space<vmem>>) target_semaphore(%run_scoped3A : memref<!tpu.dma_semaphore, #tpu.memory_space<semaphore_mem>>)
      %dma_wait3A = arith.constant 0 : i32
      %dma_wait3A_74 = arith.constant 0 : i32
      %dma_wait3A_75 = tpu.memref_slice %arg3[%add3A, %dma_wait3A, %dma_wait3A_74] : memref<32x80x125xi32, #tpu.memory_space<hbm>> -> memref<1x80x125xi32, #tpu.memory_space<hbm>>
      %dma_wait3A_76 = tpu.memref_squeeze %dma_wait3A_75 : memref<1x80x125xi32, #tpu.memory_space<hbm>> -> memref<80x125xi32, #tpu.memory_space<hbm>>
      %dma_wait3A_77 = arith.constant 0 : i32
      %dma_wait3A_78 = arith.constant 0 : i32
      %dma_wait3A_79 = tpu.memref_slice %arg3[%add3A, %dma_wait3A_77, %dma_wait3A_78] : memref<32x80x125xi32, #tpu.memory_space<hbm>> -> memref<1x80x125xi32, #tpu.memory_space<hbm>>
      %dma_wait3A_80 = tpu.memref_squeeze %dma_wait3A_79 : memref<1x80x125xi32, #tpu.memory_space<hbm>> -> memref<80x125xi32, #tpu.memory_space<hbm>>
      tpu.wait_dma2 semaphore(%run_scoped3A : memref<!tpu.dma_semaphore, #tpu.memory_space<semaphore_mem>>) src(%dma_wait3A_80 : memref<80x125xi32, #tpu.memory_space<hbm>>) dst(%arg6 : memref<80x125xi32, #tpu.memory_space<vmem>>)
      tpu.yield
    }) : () -> ()
    %mul3A_1 = arith.constant 640 : i32
    %mul3A_2 = arith.muli %arg1, %mul3A_1 : i32
    %mul3A_3 = arith.constant 640 : i32
    %mul3A_4 = arith.muli %arg1, %mul3A_3 : i32
    "tpu.region"() ({
      %run_scoped3A = tpu.sem_alloc : memref<!tpu.dma_semaphore, #tpu.memory_space<semaphore_mem>>
      %dma_start3A_66 = arith.constant 0 : i32
      %dma_start3A_67 = tpu.memref_slice %arg12[%mul3A_4, %dma_start3A_66] : memref<10240x64xf32, #tpu.memory_space<vmem_shared>> -> memref<640x64xf32, #tpu.memory_space<vmem_shared>>
      %dma_start3A_68 = arith.constant 0 : i32
      %dma_start3A_69 = tpu.memref_slice %arg2[%mul3A_2, %dma_start3A_68] : memref<10240x64xf32, #tpu.memory_space<hbm>> -> memref<640x64xf32, #tpu.memory_space<hbm>>
      tpu.enqueue_dma source(%dma_start3A_69 : memref<640x64xf32, #tpu.memory_space<hbm>>) target(%dma_start3A_67 : memref<640x64xf32, #tpu.memory_space<vmem_shared>>) target_semaphore(%run_scoped3A : memref<!tpu.dma_semaphore, #tpu.memory_space<semaphore_mem>>)
      %dma_wait3A = arith.constant 0 : i32
      %dma_wait3A_70 = tpu.memref_slice %arg12[%mul3A_4, %dma_wait3A] : memref<10240x64xf32, #tpu.memory_space<vmem_shared>> -> memref<640x64xf32, #tpu.memory_space<vmem_shared>>
      %dma_wait3A_71 = arith.constant 0 : i32
      %dma_wait3A_72 = tpu.memref_slice %arg2[%mul3A_2, %dma_wait3A_71] : memref<10240x64xf32, #tpu.memory_space<hbm>> -> memref<640x64xf32, #tpu.memory_space<hbm>>
      tpu.wait_dma2 semaphore(%run_scoped3A : memref<!tpu.dma_semaphore, #tpu.memory_space<semaphore_mem>>) src(%dma_wait3A_72 : memref<640x64xf32, #tpu.memory_space<hbm>>) dst(%dma_wait3A_70 : memref<640x64xf32, #tpu.memory_space<vmem_shared>>)
      tpu.yield
    }) : () -> ()
    %scan3A = arith.constant 0 : i32
    %scan3A_5 = arith.constant 0 : i32
    %scan3A_6 = arith.constant 128 : i32
    %scan3A_7 = arith.addi %scan3A_5, %scan3A_6 : i32
    %scan3A_8 = arith.constant 1 : i32
    scf.for %scan3A_66 = %scan3A_5 to %scan3A_7 step %scan3A_8  : i32 {
      %broadcast_in_dim3A = arith.constant 0.000000e+00 : f32
      %broadcast_in_dim3A_67 = vector.broadcast %broadcast_in_dim3A : f32 to vector<16xf32>
      %swap3A = arith.index_cast %scan3A_66 : i32 to index
      %swap3A_68 = arith.constant 0 : index
      %swap3A_69 = tpu.vector_load %arg9[%swap3A, %swap3A_68] {strides = array<i32>} : memref<250x64xf32, #tpu.memory_space<vmem>>, vector<1x16xf32>,
      %swap3A_70 = vector.shape_cast %swap3A_69 : vector<1x16xf32> to vector<16xf32>
      %swap3A_71 = vector.shape_cast %broadcast_in_dim3A_67 : vector<16xf32> to vector<1x16xf32>
      tpu.vector_store %arg9[%swap3A, %swap3A_68], %swap3A_71 {strides = array<i32>} : memref<250x64xf32, #tpu.memory_space<vmem>>, vector<1x16xf32>,
      %broadcast_in_dim3A_72 = arith.constant 0.000000e+00 : f32
      %broadcast_in_dim3A_73 = vector.broadcast %broadcast_in_dim3A_72 : f32 to vector<16xf32>
      %swap3A_74 = arith.index_cast %scan3A_66 : i32 to index
      %swap3A_75 = arith.constant 16 : index
      %swap3A_76 = tpu.vector_load %arg9[%swap3A_74, %swap3A_75] {strides = array<i32>} : memref<250x64xf32, #tpu.memory_space<vmem>>, vector<1x16xf32>,
      %swap3A_77 = vector.shape_cast %swap3A_76 : vector<1x16xf32> to vector<16xf32>
      %swap3A_78 = vector.shape_cast %broadcast_in_dim3A_73 : vector<16xf32> to vector<1x16xf32>
      tpu.vector_store %arg9[%swap3A_74, %swap3A_75], %swap3A_78 {strides = array<i32>} : memref<250x64xf32, #tpu.memory_space<vmem>>, vector<1x16xf32>,
      %broadcast_in_dim3A_79 = arith.constant 0.000000e+00 : f32
      %broadcast_in_dim3A_80 = vector.broadcast %broadcast_in_dim3A_79 : f32 to vector<16xf32>
      %swap3A_81 = arith.index_cast %scan3A_66 : i32 to index
      %swap3A_82 = arith.constant 32 : index
      %swap3A_83 = tpu.vector_load %arg9[%swap3A_81, %swap3A_82] {strides = array<i32>} : memref<250x64xf32, #tpu.memory_space<vmem>>, vector<1x16xf32>,
      %swap3A_84 = vector.shape_cast %swap3A_83 : vector<1x16xf32> to vector<16xf32>
      %swap3A_85 = vector.shape_cast %broadcast_in_dim3A_80 : vector<16xf32> to vector<1x16xf32>
      tpu.vector_store %arg9[%swap3A_81, %swap3A_82], %swap3A_85 {strides = array<i32>} : memref<250x64xf32, #tpu.memory_space<vmem>>, vector<1x16xf32>,
      %broadcast_in_dim3A_86 = arith.constant 0.000000e+00 : f32
      %broadcast_in_dim3A_87 = vector.broadcast %broadcast_in_dim3A_86 : f32 to vector<16xf32>
      %swap3A_88 = arith.index_cast %scan3A_66 : i32 to index
      %swap3A_89 = arith.constant 48 : index
      %swap3A_90 = tpu.vector_load %arg9[%swap3A_88, %swap3A_89] {strides = array<i32>} : memref<250x64xf32, #tpu.memory_space<vmem>>, vector<1x16xf32>,
      %swap3A_91 = vector.shape_cast %swap3A_90 : vector<1x16xf32> to vector<16xf32>
      %swap3A_92 = vector.shape_cast %broadcast_in_dim3A_87 : vector<16xf32> to vector<1x16xf32>
      tpu.vector_store %arg9[%swap3A_88, %swap3A_89], %swap3A_92 {strides = array<i32>} : memref<250x64xf32, #tpu.memory_space<vmem>>, vector<1x16xf32>,
    }
    %scan3A_9 = arith.constant 128 : i32
    %scan3A_10 = arith.constant 0 : i32
    %scan3A_11 = arith.constant 0 : i32
    %scan3A_12 = arith.constant 5 : i32
    %scan3A_13 = arith.addi %scan3A_11, %scan3A_12 : i32
    %scan3A_14 = arith.constant 1 : i32
    scf.for %scan3A_66 = %scan3A_11 to %scan3A_13 step %scan3A_14  : i32 {
      %mul3A_67 = arith.constant 5 : i32
      %mul3A_68 = arith.muli %arg1, %mul3A_67 : i32
      %add3A_69 = arith.addi %mul3A_68, %scan3A_66 : i32
      %mul3A_70 = arith.constant 128 : i32
      %mul3A_71 = arith.muli %add3A_69, %mul3A_70 : i32
      "tpu.region"() ({
        %run_scoped3A = tpu.sem_alloc : memref<!tpu.dma_semaphore, #tpu.memory_space<semaphore_mem>>
        %dma_start3A_72 = arith.constant 0 : i32
        %dma_start3A_73 = arith.constant 0 : i32
        %dma_start3A_74 = tpu.memref_slice %arg9[%dma_start3A_72, %dma_start3A_73] : memref<250x64xf32, #tpu.memory_space<vmem>> -> memref<128x64xf32, #tpu.memory_space<vmem>>
        %dma_start3A_75 = arith.constant 0 : i32
        %dma_start3A_76 = tpu.memref_slice %arg11[%mul3A_71, %dma_start3A_75] : memref<10240x64xf32, #tpu.memory_space<vmem_shared>> -> memref<128x64xf32, #tpu.memory_space<vmem_shared>>
        %dma_start3A_77 = arith.constant 0 : i32
        %dma_start3A_78 = tpu.memref_slice %arg11[%mul3A_71, %dma_start3A_77] : memref<10240x64xf32, #tpu.memory_space<vmem_shared>> -> memref<128x64xf32, #tpu.memory_space<vmem_shared>>
        %dma_start3A_79 = arith.constant 0 : i32
        %dma_start3A_80 = arith.constant 0 : i32
        %dma_start3A_81 = tpu.memref_slice %arg9[%dma_start3A_79, %dma_start3A_80] : memref<250x64xf32, #tpu.memory_space<vmem>> -> memref<128x64xf32, #tpu.memory_space<vmem>>
        tpu.enqueue_dma source(%dma_start3A_81 : memref<128x64xf32, #tpu.memory_space<vmem>>) target(%dma_start3A_78 : memref<128x64xf32, #tpu.memory_space<vmem_shared>>) target_semaphore(%run_scoped3A : memref<!tpu.dma_semaphore, #tpu.memory_space<semaphore_mem>>)
        %dma_wait3A = arith.constant 0 : i32
        %dma_wait3A_82 = arith.constant 0 : i32
        %dma_wait3A_83 = tpu.memref_slice %arg9[%dma_wait3A, %dma_wait3A_82] : memref<250x64xf32, #tpu.memory_space<vmem>> -> memref<128x64xf32, #tpu.memory_space<vmem>>
        %dma_wait3A_84 = arith.constant 0 : i32
        %dma_wait3A_85 = tpu.memref_slice %arg11[%mul3A_71, %dma_wait3A_84] : memref<10240x64xf32, #tpu.memory_space<vmem_shared>> -> memref<128x64xf32, #tpu.memory_space<vmem_shared>>
        %dma_wait3A_86 = arith.constant 0 : i32
        %dma_wait3A_87 = tpu.memref_slice %arg11[%mul3A_71, %dma_wait3A_86] : memref<10240x64xf32, #tpu.memory_space<vmem_shared>> -> memref<128x64xf32, #tpu.memory_space<vmem_shared>>
        %dma_wait3A_88 = arith.constant 0 : i32
        %dma_wait3A_89 = arith.constant 0 : i32
        %dma_wait3A_90 = tpu.memref_slice %arg9[%dma_wait3A_88, %dma_wait3A_89] : memref<250x64xf32, #tpu.memory_space<vmem>> -> memref<128x64xf32, #tpu.memory_space<vmem>>
        tpu.wait_dma2 semaphore(%run_scoped3A : memref<!tpu.dma_semaphore, #tpu.memory_space<semaphore_mem>>) src(%dma_wait3A_90 : memref<128x64xf32, #tpu.memory_space<vmem>>) dst(%dma_wait3A_87 : memref<128x64xf32, #tpu.memory_space<vmem_shared>>)
        tpu.yield
      }) : () -> ()
    }
    %scan3A_15 = arith.constant 5 : i32
    %barrier3A = arith.constant 0 : index
    tpu.barrier barrier_id(%barrier3A)
    "tpu.region"() ({
      %run_scoped3A = tpu.sem_alloc : memref<!tpu.dma_semaphore, #tpu.memory_space<semaphore_mem>>
      %dma_start3A_66 = arith.constant 0 : i32
      %dma_start3A_67 = arith.constant 0 : i32
      %dma_start3A_68 = tpu.memref_slice %arg4[%add3A, %dma_start3A_66, %dma_start3A_67] : memref<32x80x125xi32, #tpu.memory_space<hbm>> -> memref<1x80x125xi32, #tpu.memory_space<hbm>>
      %dma_start3A_69 = tpu.memref_squeeze %dma_start3A_68 : memref<1x80x125xi32, #tpu.memory_space<hbm>> -> memref<80x125xi32, #tpu.memory_space<hbm>>
      %dma_start3A_70 = arith.constant 0 : i32
      %dma_start3A_71 = arith.constant 0 : i32
      %dma_start3A_72 = tpu.memref_slice %dma_start3A_69[%dma_start3A_70, %dma_start3A_71] : memref<80x125xi32, #tpu.memory_space<hbm>> -> memref<2x125xi32, #tpu.memory_space<hbm>>
      %dma_start3A_73 = arith.constant 0 : i32
      %dma_start3A_74 = arith.constant 0 : i32
      %dma_start3A_75 = tpu.memref_slice %arg4[%add3A, %dma_start3A_73, %dma_start3A_74] : memref<32x80x125xi32, #tpu.memory_space<hbm>> -> memref<1x80x125xi32, #tpu.memory_space<hbm>>
      %dma_start3A_76 = tpu.memref_squeeze %dma_start3A_75 : memref<1x80x125xi32, #tpu.memory_space<hbm>> -> memref<80x125xi32, #tpu.memory_space<hbm>>
      %dma_start3A_77 = arith.constant 0 : i32
      %dma_start3A_78 = arith.constant 0 : i32
      %dma_start3A_79 = tpu.memref_slice %dma_start3A_76[%dma_start3A_77, %dma_start3A_78] : memref<80x125xi32, #tpu.memory_space<hbm>> -> memref<2x125xi32, #tpu.memory_space<hbm>>
      tpu.enqueue_dma source(%dma_start3A_79 : memref<2x125xi32, #tpu.memory_space<hbm>>) target(%arg7 : memref<2x125xi32, #tpu.memory_space<vmem>>) target_semaphore(%run_scoped3A : memref<!tpu.dma_semaphore, #tpu.memory_space<semaphore_mem>>)
      %dma_wait3A = arith.constant 0 : i32
      %dma_wait3A_80 = arith.constant 0 : i32
      %dma_wait3A_81 = tpu.memref_slice %arg4[%add3A, %dma_wait3A, %dma_wait3A_80] : memref<32x80x125xi32, #tpu.memory_space<hbm>> -> memref<1x80x125xi32, #tpu.memory_space<hbm>>
      %dma_wait3A_82 = tpu.memref_squeeze %dma_wait3A_81 : memref<1x80x125xi32, #tpu.memory_space<hbm>> -> memref<80x125xi32, #tpu.memory_space<hbm>>
      %dma_wait3A_83 = arith.constant 0 : i32
      %dma_wait3A_84 = arith.constant 0 : i32
      %dma_wait3A_85 = tpu.memref_slice %dma_wait3A_82[%dma_wait3A_83, %dma_wait3A_84] : memref<80x125xi32, #tpu.memory_space<hbm>> -> memref<2x125xi32, #tpu.memory_space<hbm>>
      %dma_wait3A_86 = arith.constant 0 : i32
      %dma_wait3A_87 = arith.constant 0 : i32
      %dma_wait3A_88 = tpu.memref_slice %arg4[%add3A, %dma_wait3A_86, %dma_wait3A_87] : memref<32x80x125xi32, #tpu.memory_space<hbm>> -> memref<1x80x125xi32, #tpu.memory_space<hbm>>
      %dma_wait3A_89 = tpu.memref_squeeze %dma_wait3A_88 : memref<1x80x125xi32, #tpu.memory_space<hbm>> -> memref<80x125xi32, #tpu.memory_space<hbm>>
      %dma_wait3A_90 = arith.constant 0 : i32
      %dma_wait3A_91 = arith.constant 0 : i32
      %dma_wait3A_92 = tpu.memref_slice %dma_wait3A_89[%dma_wait3A_90, %dma_wait3A_91] : memref<80x125xi32, #tpu.memory_space<hbm>> -> memref<2x125xi32, #tpu.memory_space<hbm>>
      tpu.wait_dma2 semaphore(%run_scoped3A : memref<!tpu.dma_semaphore, #tpu.memory_space<semaphore_mem>>) src(%dma_wait3A_92 : memref<2x125xi32, #tpu.memory_space<hbm>>) dst(%arg7 : memref<2x125xi32, #tpu.memory_space<vmem>>)
      tpu.yield
    }) : () -> ()
    %dma_start3A = arith.constant 0 : i32
    %dma_start3A_16 = arith.constant 0 : i32
    %dma_start3A_17 = arith.constant 0 : i32
    %dma_start3A_18 = tpu.memref_slice %arg9[%dma_start3A_16, %dma_start3A_17] : memref<250x64xf32, #tpu.memory_space<vmem>> -> memref<125x64xf32, #tpu.memory_space<vmem>>
    %dma_start3A_19 = arith.constant 0 : i32
    %dma_start3A_20 = tpu.memref_slice %arg6[%dma_start3A, %dma_start3A_19] : memref<80x125xi32, #tpu.memory_space<vmem>> -> memref<1x125xi32, #tpu.memory_space<vmem>>
    %dma_start3A_21 = tpu.memref_squeeze %dma_start3A_20 : memref<1x125xi32, #tpu.memory_space<vmem>> -> memref<125xi32, #tpu.memory_space<vmem>>
    %dma_start3A_22 = arith.constant 0 : i32
    %dma_start3A_23 = arith.constant 0 : i32
    %dma_start3A_24 = tpu.memref_slice %arg12[%dma_start3A_22, %dma_start3A_23] : memref<10240x64xf32, #tpu.memory_space<vmem_shared>> -> memref<10240x64xf32, #tpu.memory_space<vmem_shared>>
    tpu.enqueue_indirect_dma source(%dma_start3A_24 : memref<10240x64xf32, #tpu.memory_space<vmem_shared>>) target(%dma_start3A_18 : memref<125x64xf32, #tpu.memory_space<vmem>>) offsets(%dma_start3A_21 : memref<125xi32, #tpu.memory_space<vmem>>) semaphore(%arg13 : memref<!tpu.dma_semaphore, #tpu.memory_space<semaphore_mem>>)
    %dma_start3A_25 = arith.constant 1 : i32
    %dma_start3A_26 = arith.constant 125 : i32
    %dma_start3A_27 = arith.constant 0 : i32
    %dma_start3A_28 = tpu.memref_slice %arg9[%dma_start3A_26, %dma_start3A_27] : memref<250x64xf32, #tpu.memory_space<vmem>> -> memref<125x64xf32, #tpu.memory_space<vmem>>
    %dma_start3A_29 = arith.constant 0 : i32
    %dma_start3A_30 = tpu.memref_slice %arg6[%dma_start3A_25, %dma_start3A_29] : memref<80x125xi32, #tpu.memory_space<vmem>> -> memref<1x125xi32, #tpu.memory_space<vmem>>
    %dma_start3A_31 = tpu.memref_squeeze %dma_start3A_30 : memref<1x125xi32, #tpu.memory_space<vmem>> -> memref<125xi32, #tpu.memory_space<vmem>>
    %dma_start3A_32 = arith.constant 0 : i32
    %dma_start3A_33 = arith.constant 0 : i32
    %dma_start3A_34 = tpu.memref_slice %arg12[%dma_start3A_32, %dma_start3A_33] : memref<10240x64xf32, #tpu.memory_space<vmem_shared>> -> memref<10240x64xf32, #tpu.memory_space<vmem_shared>>
    tpu.enqueue_indirect_dma source(%dma_start3A_34 : memref<10240x64xf32, #tpu.memory_space<vmem_shared>>) target(%dma_start3A_28 : memref<125x64xf32, #tpu.memory_space<vmem>>) offsets(%dma_start3A_31 : memref<125xi32, #tpu.memory_space<vmem>>) semaphore(%arg13 : memref<!tpu.dma_semaphore, #tpu.memory_space<semaphore_mem>>)
    %dma_start3A_35 = arith.constant 2 : i32
    %dma_start3A_36 = arith.constant 0 : i32
    %dma_start3A_37 = arith.constant 0 : i32
    %dma_start3A_38 = tpu.memref_slice %arg10[%dma_start3A_36, %dma_start3A_37] : memref<250x64xf32, #tpu.memory_space<vmem>> -> memref<125x64xf32, #tpu.memory_space<vmem>>
    %dma_start3A_39 = arith.constant 0 : i32
    %dma_start3A_40 = tpu.memref_slice %arg6[%dma_start3A_35, %dma_start3A_39] : memref<80x125xi32, #tpu.memory_space<vmem>> -> memref<1x125xi32, #tpu.memory_space<vmem>>
    %dma_start3A_41 = tpu.memref_squeeze %dma_start3A_40 : memref<1x125xi32, #tpu.memory_space<vmem>> -> memref<125xi32, #tpu.memory_space<vmem>>
    %dma_start3A_42 = arith.constant 0 : i32
    %dma_start3A_43 = arith.constant 0 : i32
    %dma_start3A_44 = tpu.memref_slice %arg12[%dma_start3A_42, %dma_start3A_43] : memref<10240x64xf32, #tpu.memory_space<vmem_shared>> -> memref<10240x64xf32, #tpu.memory_space<vmem_shared>>
    tpu.enqueue_indirect_dma source(%dma_start3A_44 : memref<10240x64xf32, #tpu.memory_space<vmem_shared>>) target(%dma_start3A_38 : memref<125x64xf32, #tpu.memory_space<vmem>>) offsets(%dma_start3A_41 : memref<125xi32, #tpu.memory_space<vmem>>) semaphore(%arg14 : memref<!tpu.dma_semaphore, #tpu.memory_space<semaphore_mem>>)
    %dma_start3A_45 = arith.constant 3 : i32
    %dma_start3A_46 = arith.constant 125 : i32
    %dma_start3A_47 = arith.constant 0 : i32
    %dma_start3A_48 = tpu.memref_slice %arg10[%dma_start3A_46, %dma_start3A_47] : memref<250x64xf32, #tpu.memory_space<vmem>> -> memref<125x64xf32, #tpu.memory_space<vmem>>
    %dma_start3A_49 = arith.constant 0 : i32
    %dma_start3A_50 = tpu.memref_slice %arg6[%dma_start3A_45, %dma_start3A_49] : memref<80x125xi32, #tpu.memory_space<vmem>> -> memref<1x125xi32, #tpu.memory_space<vmem>>
    %dma_start3A_51 = tpu.memref_squeeze %dma_start3A_50 : memref<1x125xi32, #tpu.memory_space<vmem>> -> memref<125xi32, #tpu.memory_space<vmem>>
    %dma_start3A_52 = arith.constant 0 : i32
    %dma_start3A_53 = arith.constant 0 : i32
    %dma_start3A_54 = tpu.memref_slice %arg12[%dma_start3A_52, %dma_start3A_53] : memref<10240x64xf32, #tpu.memory_space<vmem_shared>> -> memref<10240x64xf32, #tpu.memory_space<vmem_shared>>
    tpu.enqueue_indirect_dma source(%dma_start3A_54 : memref<10240x64xf32, #tpu.memory_space<vmem_shared>>) target(%dma_start3A_48 : memref<125x64xf32, #tpu.memory_space<vmem>>) offsets(%dma_start3A_51 : memref<125xi32, #tpu.memory_space<vmem>>) semaphore(%arg14 : memref<!tpu.dma_semaphore, #tpu.memory_space<semaphore_mem>>)
    %scan3A_55 = arith.constant 0 : i32
    %scan3A_56 = arith.constant 0 : i32
    %scan3A_57 = arith.constant 20 : i32
    %scan3A_58 = arith.addi %scan3A_56, %scan3A_57 : i32
    %scan3A_59 = arith.constant 1 : i32
    scf.for %scan3A_66 = %scan3A_56 to %scan3A_58 step %scan3A_59  : i32 {
      %mul3A_67 = arith.constant 2 : i32
      %mul3A_68 = arith.muli %mul3A_67, %scan3A_66 : i32
      %add3A_69 = arith.constant 1 : i32
      %add3A_70 = arith.addi %mul3A_68, %add3A_69 : i32
      %mul3A_71 = arith.constant 2 : i32
      %mul3A_72 = arith.muli %add3A_70, %mul3A_71 : i32
      %dma_start3A_73 = arith.constant 0 : i32
      %dma_start3A_74 = arith.constant 0 : i32
      %dma_start3A_75 = tpu.memref_slice %arg4[%add3A, %dma_start3A_73, %dma_start3A_74] : memref<32x80x125xi32, #tpu.memory_space<hbm>> -> memref<1x80x125xi32, #tpu.memory_space<hbm>>
      %dma_start3A_76 = tpu.memref_squeeze %dma_start3A_75 : memref<1x80x125xi32, #tpu.memory_space<hbm>> -> memref<80x125xi32, #tpu.memory_space<hbm>>
      %dma_start3A_77 = arith.constant 0 : i32
      %dma_start3A_78 = tpu.memref_slice %dma_start3A_76[%mul3A_72, %dma_start3A_77] : memref<80x125xi32, #tpu.memory_space<hbm>> -> memref<2x125xi32, #tpu.memory_space<hbm>>
      %dma_start3A_79 = arith.constant 0 : i32
      %dma_start3A_80 = arith.constant 0 : i32
      %dma_start3A_81 = tpu.memref_slice %arg4[%add3A, %dma_start3A_79, %dma_start3A_80] : memref<32x80x125xi32, #tpu.memory_space<hbm>> -> memref<1x80x125xi32, #tpu.memory_space<hbm>>
      %dma_start3A_82 = tpu.memref_squeeze %dma_start3A_81 : memref<1x80x125xi32, #tpu.memory_space<hbm>> -> memref<80x125xi32, #tpu.memory_space<hbm>>
      %dma_start3A_83 = arith.constant 0 : i32
      %dma_start3A_84 = tpu.memref_slice %dma_start3A_82[%mul3A_72, %dma_start3A_83] : memref<80x125xi32, #tpu.memory_space<hbm>> -> memref<2x125xi32, #tpu.memory_space<hbm>>
      tpu.enqueue_dma source(%dma_start3A_84 : memref<2x125xi32, #tpu.memory_space<hbm>>) target(%arg8 : memref<2x125xi32, #tpu.memory_space<vmem>>) target_semaphore(%arg17 : memref<!tpu.dma_semaphore, #tpu.memory_space<semaphore_mem>>)
      %dma_wait3A = arith.constant 0 : i32
      %dma_wait3A_85 = arith.constant 0 : i32
      %dma_wait3A_86 = arith.constant 0 : i32
      %dma_wait3A_87 = tpu.memref_slice %arg9[%dma_wait3A_85, %dma_wait3A_86] : memref<250x64xf32, #tpu.memory_space<vmem>> -> memref<125x64xf32, #tpu.memory_space<vmem>>
      %dma_wait3A_88 = arith.constant 0 : i32
      %dma_wait3A_89 = tpu.memref_slice %arg6[%dma_wait3A, %dma_wait3A_88] : memref<80x125xi32, #tpu.memory_space<vmem>> -> memref<1x125xi32, #tpu.memory_space<vmem>>
      %dma_wait3A_90 = tpu.memref_squeeze %dma_wait3A_89 : memref<1x125xi32, #tpu.memory_space<vmem>> -> memref<125xi32, #tpu.memory_space<vmem>>
      %dma_wait3A_91 = arith.constant 0 : i32
      %dma_wait3A_92 = arith.constant 0 : i32
      %dma_wait3A_93 = tpu.memref_slice %arg12[%dma_wait3A_91, %dma_wait3A_92] : memref<10240x64xf32, #tpu.memory_space<vmem_shared>> -> memref<10240x64xf32, #tpu.memory_space<vmem_shared>>
      tpu.wait_indirect_dma semaphore(%arg13 : memref<!tpu.dma_semaphore, #tpu.memory_space<semaphore_mem>>) src(%dma_wait3A_93 : memref<10240x64xf32, #tpu.memory_space<vmem_shared>>) dst(%dma_wait3A_87 : memref<125x64xf32, #tpu.memory_space<vmem>>)
      %dma_wait3A_94 = arith.constant 0 : i32
      %dma_wait3A_95 = arith.constant 125 : i32
      %dma_wait3A_96 = arith.constant 0 : i32
      %dma_wait3A_97 = tpu.memref_slice %arg9[%dma_wait3A_95, %dma_wait3A_96] : memref<250x64xf32, #tpu.memory_space<vmem>> -> memref<125x64xf32, #tpu.memory_space<vmem>>
      %dma_wait3A_98 = arith.constant 0 : i32
      %dma_wait3A_99 = tpu.memref_slice %arg6[%dma_wait3A_94, %dma_wait3A_98] : memref<80x125xi32, #tpu.memory_space<vmem>> -> memref<1x125xi32, #tpu.memory_space<vmem>>
      %dma_wait3A_100 = tpu.memref_squeeze %dma_wait3A_99 : memref<1x125xi32, #tpu.memory_space<vmem>> -> memref<125xi32, #tpu.memory_space<vmem>>
      %dma_wait3A_101 = arith.constant 0 : i32
      %dma_wait3A_102 = arith.constant 0 : i32
      %dma_wait3A_103 = tpu.memref_slice %arg12[%dma_wait3A_101, %dma_wait3A_102] : memref<10240x64xf32, #tpu.memory_space<vmem_shared>> -> memref<10240x64xf32, #tpu.memory_space<vmem_shared>>
      tpu.wait_indirect_dma semaphore(%arg13 : memref<!tpu.dma_semaphore, #tpu.memory_space<semaphore_mem>>) src(%dma_wait3A_103 : memref<10240x64xf32, #tpu.memory_space<vmem_shared>>) dst(%dma_wait3A_97 : memref<125x64xf32, #tpu.memory_space<vmem>>)
      %dma_start3A_104 = arith.constant 0 : i32
      %dma_start3A_105 = arith.constant 0 : i32
      %dma_start3A_106 = arith.constant 0 : i32
      %dma_start3A_107 = tpu.memref_slice %arg9[%dma_start3A_105, %dma_start3A_106] : memref<250x64xf32, #tpu.memory_space<vmem>> -> memref<125x64xf32, #tpu.memory_space<vmem>>
      %dma_start3A_108 = arith.constant 0 : i32
      %dma_start3A_109 = tpu.memref_slice %arg7[%dma_start3A_104, %dma_start3A_108] : memref<2x125xi32, #tpu.memory_space<vmem>> -> memref<1x125xi32, #tpu.memory_space<vmem>>
      %dma_start3A_110 = tpu.memref_squeeze %dma_start3A_109 : memref<1x125xi32, #tpu.memory_space<vmem>> -> memref<125xi32, #tpu.memory_space<vmem>>
      %dma_start3A_111 = arith.constant 0 : i32
      %dma_start3A_112 = arith.constant 0 : i32
      %dma_start3A_113 = tpu.memref_slice %arg11[%dma_start3A_111, %dma_start3A_112] : memref<10240x64xf32, #tpu.memory_space<vmem_shared>> -> memref<10240x64xf32, #tpu.memory_space<vmem_shared>>
      tpu.enqueue_indirect_dma source(%dma_start3A_107 : memref<125x64xf32, #tpu.memory_space<vmem>>) target(%dma_start3A_113 : memref<10240x64xf32, #tpu.memory_space<vmem_shared>>) offsets(%dma_start3A_110 : memref<125xi32, #tpu.memory_space<vmem>>) semaphore(%arg15 : memref<!tpu.dma_semaphore, #tpu.memory_space<semaphore_mem>>) {add = true}
      %dma_start3A_114 = arith.constant 1 : i32
      %dma_start3A_115 = arith.constant 125 : i32
      %dma_start3A_116 = arith.constant 0 : i32
      %dma_start3A_117 = tpu.memref_slice %arg9[%dma_start3A_115, %dma_start3A_116] : memref<250x64xf32, #tpu.memory_space<vmem>> -> memref<125x64xf32, #tpu.memory_space<vmem>>
      %dma_start3A_118 = arith.constant 0 : i32
      %dma_start3A_119 = tpu.memref_slice %arg7[%dma_start3A_114, %dma_start3A_118] : memref<2x125xi32, #tpu.memory_space<vmem>> -> memref<1x125xi32, #tpu.memory_space<vmem>>
      %dma_start3A_120 = tpu.memref_squeeze %dma_start3A_119 : memref<1x125xi32, #tpu.memory_space<vmem>> -> memref<125xi32, #tpu.memory_space<vmem>>
      %dma_start3A_121 = arith.constant 0 : i32
      %dma_start3A_122 = arith.constant 0 : i32
      %dma_start3A_123 = tpu.memref_slice %arg11[%dma_start3A_121, %dma_start3A_122] : memref<10240x64xf32, #tpu.memory_space<vmem_shared>> -> memref<10240x64xf32, #tpu.memory_space<vmem_shared>>
      tpu.enqueue_indirect_dma source(%dma_start3A_117 : memref<125x64xf32, #tpu.memory_space<vmem>>) target(%dma_start3A_123 : memref<10240x64xf32, #tpu.memory_space<vmem_shared>>) offsets(%dma_start3A_120 : memref<125xi32, #tpu.memory_space<vmem>>) semaphore(%arg15 : memref<!tpu.dma_semaphore, #tpu.memory_space<semaphore_mem>>) {add = true}
      %dma_wait3A_124 = arith.constant 0 : i32
      %dma_wait3A_125 = arith.constant 0 : i32
      %dma_wait3A_126 = arith.constant 0 : i32
      %dma_wait3A_127 = tpu.memref_slice %arg9[%dma_wait3A_125, %dma_wait3A_126] : memref<250x64xf32, #tpu.memory_space<vmem>> -> memref<125x64xf32, #tpu.memory_space<vmem>>
      %dma_wait3A_128 = arith.constant 0 : i32
      %dma_wait3A_129 = tpu.memref_slice %arg7[%dma_wait3A_124, %dma_wait3A_128] : memref<2x125xi32, #tpu.memory_space<vmem>> -> memref<1x125xi32, #tpu.memory_space<vmem>>
      %dma_wait3A_130 = tpu.memref_squeeze %dma_wait3A_129 : memref<1x125xi32, #tpu.memory_space<vmem>> -> memref<125xi32, #tpu.memory_space<vmem>>
      %dma_wait3A_131 = arith.constant 0 : i32
      %dma_wait3A_132 = arith.constant 0 : i32
      %dma_wait3A_133 = tpu.memref_slice %arg11[%dma_wait3A_131, %dma_wait3A_132] : memref<10240x64xf32, #tpu.memory_space<vmem_shared>> -> memref<10240x64xf32, #tpu.memory_space<vmem_shared>>
      tpu.wait_indirect_dma semaphore(%arg15 : memref<!tpu.dma_semaphore, #tpu.memory_space<semaphore_mem>>) src(%dma_wait3A_127 : memref<125x64xf32, #tpu.memory_space<vmem>>) dst(%dma_wait3A_133 : memref<10240x64xf32, #tpu.memory_space<vmem_shared>>)
      %dma_wait3A_134 = arith.constant 1 : i32
      %dma_wait3A_135 = arith.constant 125 : i32
      %dma_wait3A_136 = arith.constant 0 : i32
      %dma_wait3A_137 = tpu.memref_slice %arg9[%dma_wait3A_135, %dma_wait3A_136] : memref<250x64xf32, #tpu.memory_space<vmem>> -> memref<125x64xf32, #tpu.memory_space<vmem>>
      %dma_wait3A_138 = arith.constant 0 : i32
      %dma_wait3A_139 = tpu.memref_slice %arg7[%dma_wait3A_134, %dma_wait3A_138] : memref<2x125xi32, #tpu.memory_space<vmem>> -> memref<1x125xi32, #tpu.memory_space<vmem>>
      %dma_wait3A_140 = tpu.memref_squeeze %dma_wait3A_139 : memref<1x125xi32, #tpu.memory_space<vmem>> -> memref<125xi32, #tpu.memory_space<vmem>>
      %dma_wait3A_141 = arith.constant 0 : i32
      %dma_wait3A_142 = arith.constant 0 : i32
      %dma_wait3A_143 = tpu.memref_slice %arg11[%dma_wait3A_141, %dma_wait3A_142] : memref<10240x64xf32, #tpu.memory_space<vmem_shared>> -> memref<10240x64xf32, #tpu.memory_space<vmem_shared>>
      tpu.wait_indirect_dma semaphore(%arg15 : memref<!tpu.dma_semaphore, #tpu.memory_space<semaphore_mem>>) src(%dma_wait3A_137 : memref<125x64xf32, #tpu.memory_space<vmem>>) dst(%dma_wait3A_143 : memref<10240x64xf32, #tpu.memory_space<vmem_shared>>)
      %add3A_144 = arith.constant 2 : i32
      %add3A_145 = arith.addi %mul3A_68, %add3A_144 : i32
      %lt3A = arith.constant 40 : i32
      %lt3A_146 = arith.cmpi slt, %add3A_145, %lt3A : i32
      %convert_element_type3A = arith.extui %lt3A_146 : i1 to i32
      %cond3A = arith.constant 0 : i32
      %cond3A_147 = arith.cmpi ne, %convert_element_type3A, %cond3A : i32
      scf.if %cond3A_147 {
        %add3A_238 = arith.constant 2 : i32
        %add3A_239 = arith.addi %mul3A_68, %add3A_238 : i32
        %mul3A_240 = arith.constant 2 : i32
        %mul3A_241 = arith.muli %add3A_239, %mul3A_240 : i32
        %add3A_242 = arith.constant 0 : i32
        %add3A_243 = arith.addi %mul3A_241, %add3A_242 : i32
        %dma_start3A_244 = arith.constant 0 : i32
        %dma_start3A_245 = arith.constant 0 : i32
        %dma_start3A_246 = tpu.memref_slice %arg9[%dma_start3A_244, %dma_start3A_245] : memref<250x64xf32, #tpu.memory_space<vmem>> -> memref<125x64xf32, #tpu.memory_space<vmem>>
        %dma_start3A_247 = arith.constant 0 : i32
        %dma_start3A_248 = tpu.memref_slice %arg6[%add3A_243, %dma_start3A_247] : memref<80x125xi32, #tpu.memory_space<vmem>> -> memref<1x125xi32, #tpu.memory_space<vmem>>
        %dma_start3A_249 = tpu.memref_squeeze %dma_start3A_248 : memref<1x125xi32, #tpu.memory_space<vmem>> -> memref<125xi32, #tpu.memory_space<vmem>>
        %dma_start3A_250 = arith.constant 0 : i32
        %dma_start3A_251 = arith.constant 0 : i32
        %dma_start3A_252 = tpu.memref_slice %arg12[%dma_start3A_250, %dma_start3A_251] : memref<10240x64xf32, #tpu.memory_space<vmem_shared>> -> memref<10240x64xf32, #tpu.memory_space<vmem_shared>>
        tpu.enqueue_indirect_dma source(%dma_start3A_252 : memref<10240x64xf32, #tpu.memory_space<vmem_shared>>) target(%dma_start3A_246 : memref<125x64xf32, #tpu.memory_space<vmem>>) offsets(%dma_start3A_249 : memref<125xi32, #tpu.memory_space<vmem>>) semaphore(%arg13 : memref<!tpu.dma_semaphore, #tpu.memory_space<semaphore_mem>>)
        %mul3A_253 = arith.constant 2 : i32
        %mul3A_254 = arith.muli %add3A_239, %mul3A_253 : i32
        %add3A_255 = arith.constant 1 : i32
        %add3A_256 = arith.addi %mul3A_254, %add3A_255 : i32
        %dma_start3A_257 = arith.constant 125 : i32
        %dma_start3A_258 = arith.constant 0 : i32
        %dma_start3A_259 = tpu.memref_slice %arg9[%dma_start3A_257, %dma_start3A_258] : memref<250x64xf32, #tpu.memory_space<vmem>> -> memref<125x64xf32, #tpu.memory_space<vmem>>
        %dma_start3A_260 = arith.constant 0 : i32
        %dma_start3A_261 = tpu.memref_slice %arg6[%add3A_256, %dma_start3A_260] : memref<80x125xi32, #tpu.memory_space<vmem>> -> memref<1x125xi32, #tpu.memory_space<vmem>>
        %dma_start3A_262 = tpu.memref_squeeze %dma_start3A_261 : memref<1x125xi32, #tpu.memory_space<vmem>> -> memref<125xi32, #tpu.memory_space<vmem>>
        %dma_start3A_263 = arith.constant 0 : i32
        %dma_start3A_264 = arith.constant 0 : i32
        %dma_start3A_265 = tpu.memref_slice %arg12[%dma_start3A_263, %dma_start3A_264] : memref<10240x64xf32, #tpu.memory_space<vmem_shared>> -> memref<10240x64xf32, #tpu.memory_space<vmem_shared>>
        tpu.enqueue_indirect_dma source(%dma_start3A_265 : memref<10240x64xf32, #tpu.memory_space<vmem_shared>>) target(%dma_start3A_259 : memref<125x64xf32, #tpu.memory_space<vmem>>) offsets(%dma_start3A_262 : memref<125xi32, #tpu.memory_space<vmem>>) semaphore(%arg13 : memref<!tpu.dma_semaphore, #tpu.memory_space<semaphore_mem>>)
      } else {
      }
      %dma_wait3A_148 = arith.constant 0 : i32
      %dma_wait3A_149 = arith.constant 0 : i32
      %dma_wait3A_150 = tpu.memref_slice %arg4[%add3A, %dma_wait3A_148, %dma_wait3A_149] : memref<32x80x125xi32, #tpu.memory_space<hbm>> -> memref<1x80x125xi32, #tpu.memory_space<hbm>>
      %dma_wait3A_151 = tpu.memref_squeeze %dma_wait3A_150 : memref<1x80x125xi32, #tpu.memory_space<hbm>> -> memref<80x125xi32, #tpu.memory_space<hbm>>
      %dma_wait3A_152 = arith.constant 0 : i32
      %dma_wait3A_153 = arith.constant 0 : i32
      %dma_wait3A_154 = tpu.memref_slice %dma_wait3A_151[%dma_wait3A_152, %dma_wait3A_153] : memref<80x125xi32, #tpu.memory_space<hbm>> -> memref<2x125xi32, #tpu.memory_space<hbm>>
      %dma_wait3A_155 = arith.constant 0 : i32
      %dma_wait3A_156 = arith.constant 0 : i32
      %dma_wait3A_157 = tpu.memref_slice %arg4[%add3A, %dma_wait3A_155, %dma_wait3A_156] : memref<32x80x125xi32, #tpu.memory_space<hbm>> -> memref<1x80x125xi32, #tpu.memory_space<hbm>>
      %dma_wait3A_158 = tpu.memref_squeeze %dma_wait3A_157 : memref<1x80x125xi32, #tpu.memory_space<hbm>> -> memref<80x125xi32, #tpu.memory_space<hbm>>
      %dma_wait3A_159 = arith.constant 0 : i32
      %dma_wait3A_160 = arith.constant 0 : i32
      %dma_wait3A_161 = tpu.memref_slice %dma_wait3A_158[%dma_wait3A_159, %dma_wait3A_160] : memref<80x125xi32, #tpu.memory_space<hbm>> -> memref<2x125xi32, #tpu.memory_space<hbm>>
      tpu.wait_dma2 semaphore(%arg17 : memref<!tpu.dma_semaphore, #tpu.memory_space<semaphore_mem>>) src(%dma_wait3A_161 : memref<2x125xi32, #tpu.memory_space<hbm>>) dst(%arg8 : memref<2x125xi32, #tpu.memory_space<vmem>>)
      %dma_wait3A_162 = arith.constant 0 : i32
      %dma_wait3A_163 = arith.constant 0 : i32
      %dma_wait3A_164 = arith.constant 0 : i32
      %dma_wait3A_165 = tpu.memref_slice %arg10[%dma_wait3A_163, %dma_wait3A_164] : memref<250x64xf32, #tpu.memory_space<vmem>> -> memref<125x64xf32, #tpu.memory_space<vmem>>
      %dma_wait3A_166 = arith.constant 0 : i32
      %dma_wait3A_167 = tpu.memref_slice %arg6[%dma_wait3A_162, %dma_wait3A_166] : memref<80x125xi32, #tpu.memory_space<vmem>> -> memref<1x125xi32, #tpu.memory_space<vmem>>
      %dma_wait3A_168 = tpu.memref_squeeze %dma_wait3A_167 : memref<1x125xi32, #tpu.memory_space<vmem>> -> memref<125xi32, #tpu.memory_space<vmem>>
      %dma_wait3A_169 = arith.constant 0 : i32
      %dma_wait3A_170 = arith.constant 0 : i32
      %dma_wait3A_171 = tpu.memref_slice %arg12[%dma_wait3A_169, %dma_wait3A_170] : memref<10240x64xf32, #tpu.memory_space<vmem_shared>> -> memref<10240x64xf32, #tpu.memory_space<vmem_shared>>
      tpu.wait_indirect_dma semaphore(%arg14 : memref<!tpu.dma_semaphore, #tpu.memory_space<semaphore_mem>>) src(%dma_wait3A_171 : memref<10240x64xf32, #tpu.memory_space<vmem_shared>>) dst(%dma_wait3A_165 : memref<125x64xf32, #tpu.memory_space<vmem>>)
      %dma_wait3A_172 = arith.constant 0 : i32
      %dma_wait3A_173 = arith.constant 125 : i32
      %dma_wait3A_174 = arith.constant 0 : i32
      %dma_wait3A_175 = tpu.memref_slice %arg10[%dma_wait3A_173, %dma_wait3A_174] : memref<250x64xf32, #tpu.memory_space<vmem>> -> memref<125x64xf32, #tpu.memory_space<vmem>>
      %dma_wait3A_176 = arith.constant 0 : i32
      %dma_wait3A_177 = tpu.memref_slice %arg6[%dma_wait3A_172, %dma_wait3A_176] : memref<80x125xi32, #tpu.memory_space<vmem>> -> memref<1x125xi32, #tpu.memory_space<vmem>>
      %dma_wait3A_178 = tpu.memref_squeeze %dma_wait3A_177 : memref<1x125xi32, #tpu.memory_space<vmem>> -> memref<125xi32, #tpu.memory_space<vmem>>
      %dma_wait3A_179 = arith.constant 0 : i32
      %dma_wait3A_180 = arith.constant 0 : i32
      %dma_wait3A_181 = tpu.memref_slice %arg12[%dma_wait3A_179, %dma_wait3A_180] : memref<10240x64xf32, #tpu.memory_space<vmem_shared>> -> memref<10240x64xf32, #tpu.memory_space<vmem_shared>>
      tpu.wait_indirect_dma semaphore(%arg14 : memref<!tpu.dma_semaphore, #tpu.memory_space<semaphore_mem>>) src(%dma_wait3A_181 : memref<10240x64xf32, #tpu.memory_space<vmem_shared>>) dst(%dma_wait3A_175 : memref<125x64xf32, #tpu.memory_space<vmem>>)
      %add3A_182 = arith.constant 1 : i32
      %add3A_183 = arith.addi %mul3A_68, %add3A_182 : i32
      %dma_start3A_184 = arith.constant 0 : i32
      %dma_start3A_185 = arith.constant 0 : i32
      %dma_start3A_186 = arith.constant 0 : i32
      %dma_start3A_187 = tpu.memref_slice %arg10[%dma_start3A_185, %dma_start3A_186] : memref<250x64xf32, #tpu.memory_space<vmem>> -> memref<125x64xf32, #tpu.memory_space<vmem>>
      %dma_start3A_188 = arith.constant 0 : i32
      %dma_start3A_189 = tpu.memref_slice %arg8[%dma_start3A_184, %dma_start3A_188] : memref<2x125xi32, #tpu.memory_space<vmem>> -> memref<1x125xi32, #tpu.memory_space<vmem>>
      %dma_start3A_190 = tpu.memref_squeeze %dma_start3A_189 : memref<1x125xi32, #tpu.memory_space<vmem>> -> memref<125xi32, #tpu.memory_space<vmem>>
      %dma_start3A_191 = arith.constant 0 : i32
      %dma_start3A_192 = arith.constant 0 : i32
      %dma_start3A_193 = tpu.memref_slice %arg11[%dma_start3A_191, %dma_start3A_192] : memref<10240x64xf32, #tpu.memory_space<vmem_shared>> -> memref<10240x64xf32, #tpu.memory_space<vmem_shared>>
      tpu.enqueue_indirect_dma source(%dma_start3A_187 : memref<125x64xf32, #tpu.memory_space<vmem>>) target(%dma_start3A_193 : memref<10240x64xf32, #tpu.memory_space<vmem_shared>>) offsets(%dma_start3A_190 : memref<125xi32, #tpu.memory_space<vmem>>) semaphore(%arg16 : memref<!tpu.dma_semaphore, #tpu.memory_space<semaphore_mem>>) {add = true}
      %dma_start3A_194 = arith.constant 1 : i32
      %dma_start3A_195 = arith.constant 125 : i32
      %dma_start3A_196 = arith.constant 0 : i32
      %dma_start3A_197 = tpu.memref_slice %arg10[%dma_start3A_195, %dma_start3A_196] : memref<250x64xf32, #tpu.memory_space<vmem>> -> memref<125x64xf32, #tpu.memory_space<vmem>>
      %dma_start3A_198 = arith.constant 0 : i32
      %dma_start3A_199 = tpu.memref_slice %arg8[%dma_start3A_194, %dma_start3A_198] : memref<2x125xi32, #tpu.memory_space<vmem>> -> memref<1x125xi32, #tpu.memory_space<vmem>>
      %dma_start3A_200 = tpu.memref_squeeze %dma_start3A_199 : memref<1x125xi32, #tpu.memory_space<vmem>> -> memref<125xi32, #tpu.memory_space<vmem>>
      %dma_start3A_201 = arith.constant 0 : i32
      %dma_start3A_202 = arith.constant 0 : i32
      %dma_start3A_203 = tpu.memref_slice %arg11[%dma_start3A_201, %dma_start3A_202] : memref<10240x64xf32, #tpu.memory_space<vmem_shared>> -> memref<10240x64xf32, #tpu.memory_space<vmem_shared>>
      tpu.enqueue_indirect_dma source(%dma_start3A_197 : memref<125x64xf32, #tpu.memory_space<vmem>>) target(%dma_start3A_203 : memref<10240x64xf32, #tpu.memory_space<vmem_shared>>) offsets(%dma_start3A_200 : memref<125xi32, #tpu.memory_space<vmem>>) semaphore(%arg16 : memref<!tpu.dma_semaphore, #tpu.memory_space<semaphore_mem>>) {add = true}
      %dma_wait3A_204 = arith.constant 0 : i32
      %dma_wait3A_205 = arith.constant 0 : i32
      %dma_wait3A_206 = arith.constant 0 : i32
      %dma_wait3A_207 = tpu.memref_slice %arg10[%dma_wait3A_205, %dma_wait3A_206] : memref<250x64xf32, #tpu.memory_space<vmem>> -> memref<125x64xf32, #tpu.memory_space<vmem>>
      %dma_wait3A_208 = arith.constant 0 : i32
      %dma_wait3A_209 = tpu.memref_slice %arg8[%dma_wait3A_204, %dma_wait3A_208] : memref<2x125xi32, #tpu.memory_space<vmem>> -> memref<1x125xi32, #tpu.memory_space<vmem>>
      %dma_wait3A_210 = tpu.memref_squeeze %dma_wait3A_209 : memref<1x125xi32, #tpu.memory_space<vmem>> -> memref<125xi32, #tpu.memory_space<vmem>>
      %dma_wait3A_211 = arith.constant 0 : i32
      %dma_wait3A_212 = arith.constant 0 : i32
      %dma_wait3A_213 = tpu.memref_slice %arg11[%dma_wait3A_211, %dma_wait3A_212] : memref<10240x64xf32, #tpu.memory_space<vmem_shared>> -> memref<10240x64xf32, #tpu.memory_space<vmem_shared>>
      tpu.wait_indirect_dma semaphore(%arg16 : memref<!tpu.dma_semaphore, #tpu.memory_space<semaphore_mem>>) src(%dma_wait3A_207 : memref<125x64xf32, #tpu.memory_space<vmem>>) dst(%dma_wait3A_213 : memref<10240x64xf32, #tpu.memory_space<vmem_shared>>)
      %dma_wait3A_214 = arith.constant 1 : i32
      %dma_wait3A_215 = arith.constant 125 : i32
      %dma_wait3A_216 = arith.constant 0 : i32
      %dma_wait3A_217 = tpu.memref_slice %arg10[%dma_wait3A_215, %dma_wait3A_216] : memref<250x64xf32, #tpu.memory_space<vmem>> -> memref<125x64xf32, #tpu.memory_space<vmem>>
      %dma_wait3A_218 = arith.constant 0 : i32
      %dma_wait3A_219 = tpu.memref_slice %arg8[%dma_wait3A_214, %dma_wait3A_218] : memref<2x125xi32, #tpu.memory_space<vmem>> -> memref<1x125xi32, #tpu.memory_space<vmem>>
      %dma_wait3A_220 = tpu.memref_squeeze %dma_wait3A_219 : memref<1x125xi32, #tpu.memory_space<vmem>> -> memref<125xi32, #tpu.memory_space<vmem>>
      %dma_wait3A_221 = arith.constant 0 : i32
      %dma_wait3A_222 = arith.constant 0 : i32
      %dma_wait3A_223 = tpu.memref_slice %arg11[%dma_wait3A_221, %dma_wait3A_222] : memref<10240x64xf32, #tpu.memory_space<vmem_shared>> -> memref<10240x64xf32, #tpu.memory_space<vmem_shared>>
      tpu.wait_indirect_dma semaphore(%arg16 : memref<!tpu.dma_semaphore, #tpu.memory_space<semaphore_mem>>) src(%dma_wait3A_217 : memref<125x64xf32, #tpu.memory_space<vmem>>) dst(%dma_wait3A_223 : memref<10240x64xf32, #tpu.memory_space<vmem_shared>>)
      %add3A_224 = arith.constant 3 : i32
      %add3A_225 = arith.addi %mul3A_68, %add3A_224 : i32
      %lt3A_226 = arith.constant 40 : i32
      %lt3A_227 = arith.cmpi slt, %add3A_225, %lt3A_226 : i32
      %convert_element_type3A_228 = arith.extui %lt3A_227 : i1 to i32
      %cond3A_229 = arith.constant 0 : i32
      %cond3A_230 = arith.cmpi ne, %convert_element_type3A_228, %cond3A_229 : i32
      scf.if %cond3A_230 {
        %add3A_238 = arith.constant 3 : i32
        %add3A_239 = arith.addi %mul3A_68, %add3A_238 : i32
        %mul3A_240 = arith.constant 2 : i32
        %mul3A_241 = arith.muli %add3A_239, %mul3A_240 : i32
        %add3A_242 = arith.constant 0 : i32
        %add3A_243 = arith.addi %mul3A_241, %add3A_242 : i32
        %dma_start3A_244 = arith.constant 0 : i32
        %dma_start3A_245 = arith.constant 0 : i32
        %dma_start3A_246 = tpu.memref_slice %arg10[%dma_start3A_244, %dma_start3A_245] : memref<250x64xf32, #tpu.memory_space<vmem>> -> memref<125x64xf32, #tpu.memory_space<vmem>>
        %dma_start3A_247 = arith.constant 0 : i32
        %dma_start3A_248 = tpu.memref_slice %arg6[%add3A_243, %dma_start3A_247] : memref<80x125xi32, #tpu.memory_space<vmem>> -> memref<1x125xi32, #tpu.memory_space<vmem>>
        %dma_start3A_249 = tpu.memref_squeeze %dma_start3A_248 : memref<1x125xi32, #tpu.memory_space<vmem>> -> memref<125xi32, #tpu.memory_space<vmem>>
        %dma_start3A_250 = arith.constant 0 : i32
        %dma_start3A_251 = arith.constant 0 : i32
        %dma_start3A_252 = tpu.memref_slice %arg12[%dma_start3A_250, %dma_start3A_251] : memref<10240x64xf32, #tpu.memory_space<vmem_shared>> -> memref<10240x64xf32, #tpu.memory_space<vmem_shared>>
        tpu.enqueue_indirect_dma source(%dma_start3A_252 : memref<10240x64xf32, #tpu.memory_space<vmem_shared>>) target(%dma_start3A_246 : memref<125x64xf32, #tpu.memory_space<vmem>>) offsets(%dma_start3A_249 : memref<125xi32, #tpu.memory_space<vmem>>) semaphore(%arg14 : memref<!tpu.dma_semaphore, #tpu.memory_space<semaphore_mem>>)
        %mul3A_253 = arith.constant 2 : i32
        %mul3A_254 = arith.muli %add3A_239, %mul3A_253 : i32
        %add3A_255 = arith.constant 1 : i32
        %add3A_256 = arith.addi %mul3A_254, %add3A_255 : i32
        %dma_start3A_257 = arith.constant 125 : i32
        %dma_start3A_258 = arith.constant 0 : i32
        %dma_start3A_259 = tpu.memref_slice %arg10[%dma_start3A_257, %dma_start3A_258] : memref<250x64xf32, #tpu.memory_space<vmem>> -> memref<125x64xf32, #tpu.memory_space<vmem>>
        %dma_start3A_260 = arith.constant 0 : i32
        %dma_start3A_261 = tpu.memref_slice %arg6[%add3A_256, %dma_start3A_260] : memref<80x125xi32, #tpu.memory_space<vmem>> -> memref<1x125xi32, #tpu.memory_space<vmem>>
        %dma_start3A_262 = tpu.memref_squeeze %dma_start3A_261 : memref<1x125xi32, #tpu.memory_space<vmem>> -> memref<125xi32, #tpu.memory_space<vmem>>
        %dma_start3A_263 = arith.constant 0 : i32
        %dma_start3A_264 = arith.constant 0 : i32
        %dma_start3A_265 = tpu.memref_slice %arg12[%dma_start3A_263, %dma_start3A_264] : memref<10240x64xf32, #tpu.memory_space<vmem_shared>> -> memref<10240x64xf32, #tpu.memory_space<vmem_shared>>
        tpu.enqueue_indirect_dma source(%dma_start3A_265 : memref<10240x64xf32, #tpu.memory_space<vmem_shared>>) target(%dma_start3A_259 : memref<125x64xf32, #tpu.memory_space<vmem>>) offsets(%dma_start3A_262 : memref<125xi32, #tpu.memory_space<vmem>>) semaphore(%arg14 : memref<!tpu.dma_semaphore, #tpu.memory_space<semaphore_mem>>)
      } else {
      }
      %add3A_231 = arith.constant 2 : i32
      %add3A_232 = arith.addi %mul3A_68, %add3A_231 : i32
      %lt3A_233 = arith.constant 40 : i32
      %lt3A_234 = arith.cmpi slt, %add3A_232, %lt3A_233 : i32
      %convert_element_type3A_235 = arith.extui %lt3A_234 : i1 to i32
      %cond3A_236 = arith.constant 0 : i32
      %cond3A_237 = arith.cmpi ne, %convert_element_type3A_235, %cond3A_236 : i32
      scf.if %cond3A_237 {
        %add3A_238 = arith.constant 2 : i32
        %add3A_239 = arith.addi %mul3A_68, %add3A_238 : i32
        %mul3A_240 = arith.constant 2 : i32
        %mul3A_241 = arith.muli %add3A_239, %mul3A_240 : i32
        "tpu.region"() ({
          %run_scoped3A = tpu.sem_alloc : memref<!tpu.dma_semaphore, #tpu.memory_space<semaphore_mem>>
          %dma_start3A_242 = arith.constant 0 : i32
          %dma_start3A_243 = arith.constant 0 : i32
          %dma_start3A_244 = tpu.memref_slice %arg4[%add3A, %dma_start3A_242, %dma_start3A_243] : memref<32x80x125xi32, #tpu.memory_space<hbm>> -> memref<1x80x125xi32, #tpu.memory_space<hbm>>
          %dma_start3A_245 = tpu.memref_squeeze %dma_start3A_244 : memref<1x80x125xi32, #tpu.memory_space<hbm>> -> memref<80x125xi32, #tpu.memory_space<hbm>>
          %dma_start3A_246 = arith.constant 0 : i32
          %dma_start3A_247 = tpu.memref_slice %dma_start3A_245[%mul3A_241, %dma_start3A_246] : memref<80x125xi32, #tpu.memory_space<hbm>> -> memref<2x125xi32, #tpu.memory_space<hbm>>
          %dma_start3A_248 = arith.constant 0 : i32
          %dma_start3A_249 = arith.constant 0 : i32
          %dma_start3A_250 = tpu.memref_slice %arg4[%add3A, %dma_start3A_248, %dma_start3A_249] : memref<32x80x125xi32, #tpu.memory_space<hbm>> -> memref<1x80x125xi32, #tpu.memory_space<hbm>>
          %dma_start3A_251 = tpu.memref_squeeze %dma_start3A_250 : memref<1x80x125xi32, #tpu.memory_space<hbm>> -> memref<80x125xi32, #tpu.memory_space<hbm>>
          %dma_start3A_252 = arith.constant 0 : i32
          %dma_start3A_253 = tpu.memref_slice %dma_start3A_251[%mul3A_241, %dma_start3A_252] : memref<80x125xi32, #tpu.memory_space<hbm>> -> memref<2x125xi32, #tpu.memory_space<hbm>>
          tpu.enqueue_dma source(%dma_start3A_253 : memref<2x125xi32, #tpu.memory_space<hbm>>) target(%arg7 : memref<2x125xi32, #tpu.memory_space<vmem>>) target_semaphore(%run_scoped3A : memref<!tpu.dma_semaphore, #tpu.memory_space<semaphore_mem>>)
          %dma_wait3A_254 = arith.constant 0 : i32
          %dma_wait3A_255 = arith.constant 0 : i32
          %dma_wait3A_256 = tpu.memref_slice %arg4[%add3A, %dma_wait3A_254, %dma_wait3A_255] : memref<32x80x125xi32, #tpu.memory_space<hbm>> -> memref<1x80x125xi32, #tpu.memory_space<hbm>>
          %dma_wait3A_257 = tpu.memref_squeeze %dma_wait3A_256 : memref<1x80x125xi32, #tpu.memory_space<hbm>> -> memref<80x125xi32, #tpu.memory_space<hbm>>
          %dma_wait3A_258 = arith.constant 0 : i32
          %dma_wait3A_259 = tpu.memref_slice %dma_wait3A_257[%mul3A_241, %dma_wait3A_258] : memref<80x125xi32, #tpu.memory_space<hbm>> -> memref<2x125xi32, #tpu.memory_space<hbm>>
          %dma_wait3A_260 = arith.constant 0 : i32
          %dma_wait3A_261 = arith.constant 0 : i32
          %dma_wait3A_262 = tpu.memref_slice %arg4[%add3A, %dma_wait3A_260, %dma_wait3A_261] : memref<32x80x125xi32, #tpu.memory_space<hbm>> -> memref<1x80x125xi32, #tpu.memory_space<hbm>>
          %dma_wait3A_263 = tpu.memref_squeeze %dma_wait3A_262 : memref<1x80x125xi32, #tpu.memory_space<hbm>> -> memref<80x125xi32, #tpu.memory_space<hbm>>
          %dma_wait3A_264 = arith.constant 0 : i32
          %dma_wait3A_265 = tpu.memref_slice %dma_wait3A_263[%mul3A_241, %dma_wait3A_264] : memref<80x125xi32, #tpu.memory_space<hbm>> -> memref<2x125xi32, #tpu.memory_space<hbm>>
          tpu.wait_dma2 semaphore(%run_scoped3A : memref<!tpu.dma_semaphore, #tpu.memory_space<semaphore_mem>>) src(%dma_wait3A_265 : memref<2x125xi32, #tpu.memory_space<hbm>>) dst(%arg7 : memref<2x125xi32, #tpu.memory_space<vmem>>)
          tpu.yield
        }) : () -> ()
      } else {
      }
    }
    %scan3A_60 = arith.constant 20 : i32
    %barrier3A_61 = arith.constant 0 : index
    tpu.barrier barrier_id(%barrier3A_61)
    %mul3A_62 = arith.constant 640 : i32
    %mul3A_63 = arith.muli %arg1, %mul3A_62 : i32
    %mul3A_64 = arith.constant 640 : i32
    %mul3A_65 = arith.muli %arg1, %mul3A_64 : i32
    "tpu.region"() ({
      %run_scoped3A = tpu.sem_alloc : memref<!tpu.dma_semaphore, #tpu.memory_space<semaphore_mem>>
      %dma_start3A_66 = arith.constant 0 : i32
      %dma_start3A_67 = arith.constant 0 : i32
      %dma_start3A_68 = tpu.memref_slice %arg5[%arg0, %dma_start3A_66, %dma_start3A_67] : memref<2x10240x64xf32, #tpu.memory_space<hbm>> -> memref<1x10240x64xf32, #tpu.memory_space<hbm>>
      %dma_start3A_69 = tpu.memref_squeeze %dma_start3A_68 : memref<1x10240x64xf32, #tpu.memory_space<hbm>> -> memref<10240x64xf32, #tpu.memory_space<hbm>>
      %dma_start3A_70 = arith.constant 0 : i32
      %dma_start3A_71 = tpu.memref_slice %dma_start3A_69[%mul3A_65, %dma_start3A_70] : memref<10240x64xf32, #tpu.memory_space<hbm>> -> memref<640x64xf32, #tpu.memory_space<hbm>>
      %dma_start3A_72 = arith.constant 0 : i32
      %dma_start3A_73 = tpu.memref_slice %arg11[%mul3A_63, %dma_start3A_72] : memref<10240x64xf32, #tpu.memory_space<vmem_shared>> -> memref<640x64xf32, #tpu.memory_space<vmem_shared>>
      tpu.enqueue_dma source(%dma_start3A_73 : memref<640x64xf32, #tpu.memory_space<vmem_shared>>) target(%dma_start3A_71 : memref<640x64xf32, #tpu.memory_space<hbm>>) target_semaphore(%run_scoped3A : memref<!tpu.dma_semaphore, #tpu.memory_space<semaphore_mem>>)
      %dma_wait3A = arith.constant 0 : i32
      %dma_wait3A_74 = arith.constant 0 : i32
      %dma_wait3A_75 = tpu.memref_slice %arg5[%arg0, %dma_wait3A, %dma_wait3A_74] : memref<2x10240x64xf32, #tpu.memory_space<hbm>> -> memref<1x10240x64xf32, #tpu.memory_space<hbm>>
      %dma_wait3A_76 = tpu.memref_squeeze %dma_wait3A_75 : memref<1x10240x64xf32, #tpu.memory_space<hbm>> -> memref<10240x64xf32, #tpu.memory_space<hbm>>
      %dma_wait3A_77 = arith.constant 0 : i32
      %dma_wait3A_78 = tpu.memref_slice %dma_wait3A_76[%mul3A_65, %dma_wait3A_77] : memref<10240x64xf32, #tpu.memory_space<hbm>> -> memref<640x64xf32, #tpu.memory_space<hbm>>
      %dma_wait3A_79 = arith.constant 0 : i32
      %dma_wait3A_80 = tpu.memref_slice %arg11[%mul3A_63, %dma_wait3A_79] : memref<10240x64xf32, #tpu.memory_space<vmem_shared>> -> memref<640x64xf32, #tpu.memory_space<vmem_shared>>
      tpu.wait_dma2 semaphore(%run_scoped3A : memref<!tpu.dma_semaphore, #tpu.memory_space<semaphore_mem>>) src(%dma_wait3A_80 : memref<640x64xf32, #tpu.memory_space<vmem_shared>>) dst(%dma_wait3A_78 : memref<640x64xf32, #tpu.memory_space<hbm>>)
      tpu.yield
    }) : () -> ()
    return
  }
}

module attributes {stable_mosaic.version = 14 : i64} {
  func.func @body(%arg0: memref<10000x128xf32, #tpu.memory_space<vmem>>, %arg1: memref<128x64xf32, #tpu.memory_space<vmem>>, %arg2: memref<2x10240x8xf32, #tpu.memory_space<vmem>>, %arg3: memref<10240x64xf32, #tpu.memory_space<vmem>>, %arg4: memref<10000x1xf32, #tpu.memory_space<vmem>>) attributes {dimension_semantics = [], scalar_prefetch = 0 : i64, scratch_operands = 0 : i64, tpu.core_type = #tpu.core_type<tc>} {
    %get3A = arith.constant 0 : index
    %get3A_0 = arith.constant 0 : index
    %get3A_1 = arith.constant 0 : index
    %get3A_2 = vector.load %arg2[%get3A, %get3A_0, %get3A_1] : memref<2x10240x8xf32, #tpu.memory_space<vmem>>, vector<1x10000x1xf32>
    %get3A_3 = vector.shape_cast %get3A_2 : vector<1x10000x1xf32> to vector<10000x1xf32>
    %get3A_4 = arith.constant 1 : index
    %get3A_5 = arith.constant 0 : index
    %get3A_6 = arith.constant 0 : index
    %get3A_7 = vector.load %arg2[%get3A_4, %get3A_5, %get3A_6] : memref<2x10240x8xf32, #tpu.memory_space<vmem>>, vector<1x10000x1xf32>
    %get3A_8 = vector.shape_cast %get3A_7 : vector<1x10000x1xf32> to vector<10000x1xf32>
    %add3A = arith.addf %get3A_3, %get3A_8 : vector<10000x1xf32>
    %add3A_9 = arith.constant 1.000000e+00 : f32
    %add3A_10 = vector.broadcast %add3A_9 : f32 to vector<10000x1xf32>
    %add3A_11 = arith.addf %add3A, %add3A_10 : vector<10000x1xf32>
    %rsqrt3A = math.rsqrt %add3A_11 : vector<10000x1xf32>
    %get3A_12 = arith.constant 0 : index
    %get3A_13 = arith.constant 0 : index
    %get3A_14 = vector.load %arg0[%get3A_12, %get3A_13] : memref<10000x128xf32, #tpu.memory_space<vmem>>, vector<10000x128xf32>
    %get3A_15 = arith.constant 0 : index
    %get3A_16 = arith.constant 0 : index
    %get3A_17 = vector.load %arg1[%get3A_15, %get3A_16] : memref<128x64xf32, #tpu.memory_space<vmem>>, vector<128x64xf32>
    %dot_general3A = arith.constant dense<0.000000e+00> : vector<10000x64xf32>
    %dot_general3A_18 = tpu.matmul %get3A_14, %get3A_17, %dot_general3A {dimension_numbers = #tpu.dot_dimension_numbers<[1], [0], [0], [1], [0, 0, 1, 1], [], []>, transpose_lhs_hint = false} : vector<10000x128xf32>, vector<128x64xf32>, vector<10000x64xf32> -> vector<10000x64xf32>
    %mul3A = vector.broadcast %rsqrt3A : vector<10000x1xf32> to vector<10000x64xf32>
    %mul3A_19 = arith.mulf %dot_general3A_18, %mul3A : vector<10000x64xf32>
    %swap3A = arith.constant 0 : index
    %swap3A_20 = arith.constant 0 : index
    %swap3A_21 = vector.load %arg3[%swap3A, %swap3A_20] : memref<10240x64xf32, #tpu.memory_space<vmem>>, vector<10000x64xf32>
    tpu.vector_store %arg3[%swap3A, %swap3A_20], %mul3A_19 {strides = array<i32>} : memref<10240x64xf32, #tpu.memory_space<vmem>>, vector<10000x64xf32>,
    %broadcast_in_dim3A = arith.constant 0.000000e+00 : f32
    %broadcast_in_dim3A_22 = vector.broadcast %broadcast_in_dim3A : f32 to vector<240x64xf32>
    %swap3A_23 = arith.constant 10000 : index
    %swap3A_24 = arith.constant 0 : index
    %swap3A_25 = vector.load %arg3[%swap3A_23, %swap3A_24] : memref<10240x64xf32, #tpu.memory_space<vmem>>, vector<240x64xf32>
    tpu.vector_store %arg3[%swap3A_23, %swap3A_24], %broadcast_in_dim3A_22 {strides = array<i32>} : memref<10240x64xf32, #tpu.memory_space<vmem>>, vector<240x64xf32>,
    %swap3A_26 = arith.constant 0 : index
    %swap3A_27 = arith.constant 0 : index
    %swap3A_28 = vector.load %arg4[%swap3A_26, %swap3A_27] : memref<10000x1xf32, #tpu.memory_space<vmem>>, vector<10000x1xf32>
    tpu.vector_store %arg4[%swap3A_26, %swap3A_27], %rsqrt3A {strides = array<i32>} : memref<10000x1xf32, #tpu.memory_space<vmem>>, vector<10000x1xf32>,
    return
  }
}

module attributes {stable_mosaic.version = 14 : i64} {
  func.func @body(%arg0: memref<2x10240x64xf32, #tpu.memory_space<vmem>>, %arg1: memref<10240x64xf32, #tpu.memory_space<vmem>>, %arg2: memref<10000x1xf32, #tpu.memory_space<vmem>>, %arg3: memref<1x64xf32, #tpu.memory_space<vmem>>, %arg4: memref<64x32xf32, #tpu.memory_space<vmem>>, %arg5: memref<10240x32xf32, #tpu.memory_space<vmem>>) attributes {dimension_semantics = [], scalar_prefetch = 0 : i64, scratch_operands = 0 : i64, tpu.core_type = #tpu.core_type<tc>} {
    %get3A = arith.constant 0 : index
    %get3A_0 = arith.constant 0 : index
    %get3A_1 = vector.load %arg2[%get3A, %get3A_0] : memref<10000x1xf32, #tpu.memory_space<vmem>>, vector<10000x1xf32>
    %get3A_2 = arith.constant 0 : index
    %get3A_3 = arith.constant 0 : index
    %get3A_4 = arith.constant 0 : index
    %get3A_5 = vector.load %arg0[%get3A_2, %get3A_3, %get3A_4] : memref<2x10240x64xf32, #tpu.memory_space<vmem>>, vector<1x10000x64xf32>
    %get3A_6 = vector.shape_cast %get3A_5 : vector<1x10000x64xf32> to vector<10000x64xf32>
    %get3A_7 = arith.constant 1 : index
    %get3A_8 = arith.constant 0 : index
    %get3A_9 = arith.constant 0 : index
    %get3A_10 = vector.load %arg0[%get3A_7, %get3A_8, %get3A_9] : memref<2x10240x64xf32, #tpu.memory_space<vmem>>, vector<1x10000x64xf32>
    %get3A_11 = vector.shape_cast %get3A_10 : vector<1x10000x64xf32> to vector<10000x64xf32>
    %add3A = arith.addf %get3A_6, %get3A_11 : vector<10000x64xf32>
    %get3A_12 = arith.constant 0 : index
    %get3A_13 = arith.constant 0 : index
    %get3A_14 = vector.load %arg1[%get3A_12, %get3A_13] : memref<10240x64xf32, #tpu.memory_space<vmem>>, vector<10000x64xf32>
    %add3A_15 = arith.addf %add3A, %get3A_14 : vector<10000x64xf32>
    %mul3A = vector.broadcast %get3A_1 : vector<10000x1xf32> to vector<10000x64xf32>
    %mul3A_16 = arith.mulf %add3A_15, %mul3A : vector<10000x64xf32>
    %get3A_17 = arith.constant 0 : index
    %get3A_18 = arith.constant 0 : index
    %get3A_19 = vector.load %arg3[%get3A_17, %get3A_18] : memref<1x64xf32, #tpu.memory_space<vmem>>, vector<1x64xf32>
    %add3A_20 = vector.broadcast %get3A_19 : vector<1x64xf32> to vector<10000x64xf32>
    %add3A_21 = arith.addf %mul3A_16, %add3A_20 : vector<10000x64xf32>
    %max3A = arith.constant 0.000000e+00 : f32
    %max3A_22 = vector.broadcast %max3A : f32 to vector<10000x64xf32>
    %max3A_23 = arith.maximumf %add3A_21, %max3A_22 : vector<10000x64xf32>
    %get3A_24 = arith.constant 0 : index
    %get3A_25 = arith.constant 0 : index
    %get3A_26 = vector.load %arg4[%get3A_24, %get3A_25] : memref<64x32xf32, #tpu.memory_space<vmem>>, vector<64x32xf32>
    %dot_general3A = arith.constant dense<0.000000e+00> : vector<10000x32xf32>
    %dot_general3A_27 = tpu.matmul %max3A_23, %get3A_26, %dot_general3A {dimension_numbers = #tpu.dot_dimension_numbers<[1], [0], [0], [1], [0, 0, 1, 1], [], []>, transpose_lhs_hint = false} : vector<10000x64xf32>, vector<64x32xf32>, vector<10000x32xf32> -> vector<10000x32xf32>
    %mul3A_28 = vector.broadcast %get3A_1 : vector<10000x1xf32> to vector<10000x32xf32>
    %mul3A_29 = arith.mulf %dot_general3A_27, %mul3A_28 : vector<10000x32xf32>
    %swap3A = arith.constant 0 : index
    %swap3A_30 = arith.constant 0 : index
    %swap3A_31 = vector.load %arg5[%swap3A, %swap3A_30] : memref<10240x32xf32, #tpu.memory_space<vmem>>, vector<10000x32xf32>
    tpu.vector_store %arg5[%swap3A, %swap3A_30], %mul3A_29 {strides = array<i32>} : memref<10240x32xf32, #tpu.memory_space<vmem>>, vector<10000x32xf32>,
    %broadcast_in_dim3A = arith.constant 0.000000e+00 : f32
    %broadcast_in_dim3A_32 = vector.broadcast %broadcast_in_dim3A : f32 to vector<240x32xf32>
    %swap3A_33 = arith.constant 10000 : index
    %swap3A_34 = arith.constant 0 : index
    %swap3A_35 = vector.load %arg5[%swap3A_33, %swap3A_34] : memref<10240x32xf32, #tpu.memory_space<vmem>>, vector<240x32xf32>
    tpu.vector_store %arg5[%swap3A_33, %swap3A_34], %broadcast_in_dim3A_32 {strides = array<i32>} : memref<10240x32xf32, #tpu.memory_space<vmem>>, vector<240x32xf32>,
    return
  }
}

module attributes {stable_mosaic.version = 14 : i64} {
  func.func @body(%arg0: memref<2x10240x32xf32, #tpu.memory_space<vmem>>, %arg1: memref<10240x32xf32, #tpu.memory_space<vmem>>, %arg2: memref<10000x1xf32, #tpu.memory_space<vmem>>, %arg3: memref<1x32xf32, #tpu.memory_space<vmem>>, %arg4: memref<32x16xf32, #tpu.memory_space<vmem>>, %arg5: memref<10240x16xf32, #tpu.memory_space<vmem>>) attributes {dimension_semantics = [], scalar_prefetch = 0 : i64, scratch_operands = 0 : i64, tpu.core_type = #tpu.core_type<tc>} {
    %get3A = arith.constant 0 : index
    %get3A_0 = arith.constant 0 : index
    %get3A_1 = vector.load %arg2[%get3A, %get3A_0] : memref<10000x1xf32, #tpu.memory_space<vmem>>, vector<10000x1xf32>
    %get3A_2 = arith.constant 0 : index
    %get3A_3 = arith.constant 0 : index
    %get3A_4 = arith.constant 0 : index
    %get3A_5 = vector.load %arg0[%get3A_2, %get3A_3, %get3A_4] : memref<2x10240x32xf32, #tpu.memory_space<vmem>>, vector<1x10000x32xf32>
    %get3A_6 = vector.shape_cast %get3A_5 : vector<1x10000x32xf32> to vector<10000x32xf32>
    %get3A_7 = arith.constant 1 : index
    %get3A_8 = arith.constant 0 : index
    %get3A_9 = arith.constant 0 : index
    %get3A_10 = vector.load %arg0[%get3A_7, %get3A_8, %get3A_9] : memref<2x10240x32xf32, #tpu.memory_space<vmem>>, vector<1x10000x32xf32>
    %get3A_11 = vector.shape_cast %get3A_10 : vector<1x10000x32xf32> to vector<10000x32xf32>
    %add3A = arith.addf %get3A_6, %get3A_11 : vector<10000x32xf32>
    %get3A_12 = arith.constant 0 : index
    %get3A_13 = arith.constant 0 : index
    %get3A_14 = vector.load %arg1[%get3A_12, %get3A_13] : memref<10240x32xf32, #tpu.memory_space<vmem>>, vector<10000x32xf32>
    %add3A_15 = arith.addf %add3A, %get3A_14 : vector<10000x32xf32>
    %mul3A = vector.broadcast %get3A_1 : vector<10000x1xf32> to vector<10000x32xf32>
    %mul3A_16 = arith.mulf %add3A_15, %mul3A : vector<10000x32xf32>
    %get3A_17 = arith.constant 0 : index
    %get3A_18 = arith.constant 0 : index
    %get3A_19 = vector.load %arg3[%get3A_17, %get3A_18] : memref<1x32xf32, #tpu.memory_space<vmem>>, vector<1x32xf32>
    %add3A_20 = vector.broadcast %get3A_19 : vector<1x32xf32> to vector<10000x32xf32>
    %add3A_21 = arith.addf %mul3A_16, %add3A_20 : vector<10000x32xf32>
    %max3A = arith.constant 0.000000e+00 : f32
    %max3A_22 = vector.broadcast %max3A : f32 to vector<10000x32xf32>
    %max3A_23 = arith.maximumf %add3A_21, %max3A_22 : vector<10000x32xf32>
    %get3A_24 = arith.constant 0 : index
    %get3A_25 = arith.constant 0 : index
    %get3A_26 = vector.load %arg4[%get3A_24, %get3A_25] : memref<32x16xf32, #tpu.memory_space<vmem>>, vector<32x16xf32>
    %dot_general3A = arith.constant dense<0.000000e+00> : vector<10000x16xf32>
    %dot_general3A_27 = tpu.matmul %max3A_23, %get3A_26, %dot_general3A {dimension_numbers = #tpu.dot_dimension_numbers<[1], [0], [0], [1], [0, 0, 1, 1], [], []>, transpose_lhs_hint = false} : vector<10000x32xf32>, vector<32x16xf32>, vector<10000x16xf32> -> vector<10000x16xf32>
    %mul3A_28 = vector.broadcast %get3A_1 : vector<10000x1xf32> to vector<10000x16xf32>
    %mul3A_29 = arith.mulf %dot_general3A_27, %mul3A_28 : vector<10000x16xf32>
    %swap3A = arith.constant 0 : index
    %swap3A_30 = arith.constant 0 : index
    %swap3A_31 = vector.load %arg5[%swap3A, %swap3A_30] : memref<10240x16xf32, #tpu.memory_space<vmem>>, vector<10000x16xf32>
    tpu.vector_store %arg5[%swap3A, %swap3A_30], %mul3A_29 {strides = array<i32>} : memref<10240x16xf32, #tpu.memory_space<vmem>>, vector<10000x16xf32>,
    %broadcast_in_dim3A = arith.constant 0.000000e+00 : f32
    %broadcast_in_dim3A_32 = vector.broadcast %broadcast_in_dim3A : f32 to vector<240x16xf32>
    %swap3A_33 = arith.constant 10000 : index
    %swap3A_34 = arith.constant 0 : index
    %swap3A_35 = vector.load %arg5[%swap3A_33, %swap3A_34] : memref<10240x16xf32, #tpu.memory_space<vmem>>, vector<240x16xf32>
    tpu.vector_store %arg5[%swap3A_33, %swap3A_34], %broadcast_in_dim3A_32 {strides = array<i32>} : memref<10240x16xf32, #tpu.memory_space<vmem>>, vector<240x16xf32>,
    return
  }
}

module attributes {stable_mosaic.version = 14 : i64} {
  func.func @body(%arg0: memref<2x10240x16xf32, #tpu.memory_space<vmem>>, %arg1: memref<10240x16xf32, #tpu.memory_space<vmem>>, %arg2: memref<10000x1xf32, #tpu.memory_space<vmem>>, %arg3: memref<1x16xf32, #tpu.memory_space<vmem>>, %arg4: memref<16x16xf32, #tpu.memory_space<vmem>>, %arg5: memref<10000x16xf32, #tpu.memory_space<vmem>>, %arg6: memref<1x16xf32, #tpu.memory_space<vmem>>) attributes {dimension_semantics = [], scalar_prefetch = 0 : i64, scratch_operands = 0 : i64, tpu.core_type = #tpu.core_type<tc>} {
    %get3A = arith.constant 0 : index
    %get3A_0 = arith.constant 0 : index
    %get3A_1 = arith.constant 0 : index
    %get3A_2 = vector.load %arg0[%get3A, %get3A_0, %get3A_1] : memref<2x10240x16xf32, #tpu.memory_space<vmem>>, vector<1x10000x16xf32>
    %get3A_3 = vector.shape_cast %get3A_2 : vector<1x10000x16xf32> to vector<10000x16xf32>
    %get3A_4 = arith.constant 1 : index
    %get3A_5 = arith.constant 0 : index
    %get3A_6 = arith.constant 0 : index
    %get3A_7 = vector.load %arg0[%get3A_4, %get3A_5, %get3A_6] : memref<2x10240x16xf32, #tpu.memory_space<vmem>>, vector<1x10000x16xf32>
    %get3A_8 = vector.shape_cast %get3A_7 : vector<1x10000x16xf32> to vector<10000x16xf32>
    %add3A = arith.addf %get3A_3, %get3A_8 : vector<10000x16xf32>
    %get3A_9 = arith.constant 0 : index
    %get3A_10 = arith.constant 0 : index
    %get3A_11 = vector.load %arg1[%get3A_9, %get3A_10] : memref<10240x16xf32, #tpu.memory_space<vmem>>, vector<10000x16xf32>
    %add3A_12 = arith.addf %add3A, %get3A_11 : vector<10000x16xf32>
    %get3A_13 = arith.constant 0 : index
    %get3A_14 = arith.constant 0 : index
    %get3A_15 = vector.load %arg2[%get3A_13, %get3A_14] : memref<10000x1xf32, #tpu.memory_space<vmem>>, vector<10000x1xf32>
    %mul3A = vector.broadcast %get3A_15 : vector<10000x1xf32> to vector<10000x16xf32>
    %mul3A_16 = arith.mulf %add3A_12, %mul3A : vector<10000x16xf32>
    %get3A_17 = arith.constant 0 : index
    %get3A_18 = arith.constant 0 : index
    %get3A_19 = vector.load %arg3[%get3A_17, %get3A_18] : memref<1x16xf32, #tpu.memory_space<vmem>>, vector<1x16xf32>
    %add3A_20 = vector.broadcast %get3A_19 : vector<1x16xf32> to vector<10000x16xf32>
    %add3A_21 = arith.addf %mul3A_16, %add3A_20 : vector<10000x16xf32>
    %swap3A = arith.constant 0 : index
    %swap3A_22 = arith.constant 0 : index
    %swap3A_23 = vector.load %arg5[%swap3A, %swap3A_22] : memref<10000x16xf32, #tpu.memory_space<vmem>>, vector<10000x16xf32>
    tpu.vector_store %arg5[%swap3A, %swap3A_22], %add3A_21 {strides = array<i32>} : memref<10000x16xf32, #tpu.memory_space<vmem>>, vector<10000x16xf32>,
    %get3A_24 = arith.constant 0 : index
    %get3A_25 = arith.constant 0 : index
    %get3A_26 = vector.load %arg4[%get3A_24, %get3A_25] : memref<16x16xf32, #tpu.memory_space<vmem>>, vector<16x16xf32>
    %dot_general3A = arith.constant dense<0.000000e+00> : vector<10000x16xf32>
    %dot_general3A_27 = tpu.matmul %add3A_21, %get3A_26, %dot_general3A {dimension_numbers = #tpu.dot_dimension_numbers<[1], [0], [0], [1], [0, 0, 1, 1], [], []>, transpose_lhs_hint = false} : vector<10000x16xf32>, vector<16x16xf32>, vector<10000x16xf32> -> vector<10000x16xf32>
    %reduce_sum3A = arith.constant dense<0.000000e+00> : vector<16xf32>
    %reduce_sum3A_28 = vector.multi_reduction <add>, %dot_general3A_27, %reduce_sum3A [0] : vector<10000x16xf32> to vector<16xf32>
    %broadcast_in_dim3A = vector.shape_cast %reduce_sum3A_28 : vector<16xf32> to vector<1x16xf32>
    %div3A = arith.constant 1.000000e+04 : f32
    %div3A_29 = vector.broadcast %div3A : f32 to vector<1x16xf32>
    %div3A_30 = arith.divf %broadcast_in_dim3A, %div3A_29 : vector<1x16xf32>
    %tanh3A = math.tanh %div3A_30 : vector<1x16xf32>
    %mul3A_31 = vector.broadcast %tanh3A : vector<1x16xf32> to vector<10000x16xf32>
    %mul3A_32 = arith.mulf %add3A_21, %mul3A_31 : vector<10000x16xf32>
    %reduce_sum3A_33 = arith.constant dense<0.000000e+00> : vector<10000xf32>
    %reduce_sum3A_34 = vector.multi_reduction <add>, %mul3A_32, %reduce_sum3A_33 [1] : vector<10000x16xf32> to vector<10000xf32>
    %broadcast_in_dim3A_35 = vector.shape_cast %reduce_sum3A_34 : vector<10000xf32> to vector<10000x1xf32>
    %logistic3A = arith.negf %broadcast_in_dim3A_35 : vector<10000x1xf32>
    %logistic3A_36 = math.exp %logistic3A : vector<10000x1xf32>
    %logistic3A_37 = arith.constant 1.000000e+00 : f32
    %logistic3A_38 = vector.broadcast %logistic3A_37 : f32 to vector<10000x1xf32>
    %logistic3A_39 = arith.addf %logistic3A_38, %logistic3A_36 : vector<10000x1xf32>
    %logistic3A_40 = arith.divf %logistic3A_38, %logistic3A_39 : vector<10000x1xf32>
    %mul3A_41 = vector.broadcast %logistic3A_40 : vector<10000x1xf32> to vector<10000x16xf32>
    %mul3A_42 = arith.mulf %add3A_21, %mul3A_41 : vector<10000x16xf32>
    %reduce_sum3A_43 = arith.constant dense<0.000000e+00> : vector<16xf32>
    %reduce_sum3A_44 = vector.multi_reduction <add>, %mul3A_42, %reduce_sum3A_43 [0] : vector<10000x16xf32> to vector<16xf32>
    %broadcast_in_dim3A_45 = vector.shape_cast %reduce_sum3A_44 : vector<16xf32> to vector<1x16xf32>
    %swap3A_46 = arith.constant 0 : index
    %swap3A_47 = arith.constant 0 : index
    %swap3A_48 = vector.load %arg6[%swap3A_46, %swap3A_47] : memref<1x16xf32, #tpu.memory_space<vmem>>, vector<1x16xf32>
    tpu.vector_store %arg6[%swap3A_46, %swap3A_47], %broadcast_in_dim3A_45 {strides = array<i32>} : memref<1x16xf32, #tpu.memory_space<vmem>>, vector<1x16xf32>,
    return
  }
}

</mosaic_0001>

<sc_bundles>
// kernel: kernel.10.cloned.1.call-start
scs
__scs_entry_jumppad:
0x0: {  	(pc) =	sbr.rel $0x88, $3  }
0x1: {  	(tag) =	ssettag $0x0;
	lr =	simm.s32 $0x1  }
0x2: {  	[smem:$0x3F98] =	sst lr;
	_ =	strace $0xD0000000  }
0x3: {  	_ = 	snop  }
0x4: {  	_ = 	snop  }
0x5: {  	_ = 	snop  }
0x6: {  	_ = 	snop  }
0x7: {  	_ = 	snop  }
__scs_overlays_trampoline_lowered:
0x8: {  	[smem:$0x3FA7] =	sst s0  }
0x9: {  	[smem:$0x3FA8] =	sst s1  }
0xa: {  	[smem:$0x3FA9] =	sst s2  }
0xb: {  	[smem:$0x3FAA] =	sst s3  }
0xc: {  	[smem:$0x3FAB] =	sst s4  }
0xd: {  	[smem:$0x3FAC] =	sst s5  }
0xe: {  	[smem:$0x3FAD] =	sst s6  }
0xf: {  	[smem:$0x3FAE] =	sst s7  }
0x10: {  	[smem:$0x3FAF] =	sst s8  }
0x11: {  	[smem:$0x3FB0] =	sst s9;
	s0 =	simm.s32 @!p0 $0x0  }
0x12: {  	s1 =	sld [smem:$0x3F96];
	s0 =	simm.s32 @p0 $0x1  }
0x13: {  	[smem:$0x3FB1] =	sst s0;
	s0 =	simm.s32 @!p1 $0x0  }
0x14: {  	s2 =	sld [smem:$0x3F95];
	s0 =	simm.s32 @p1 $0x1  }
0x15: {  	[smem:$0x3FB2] =	sst s0;
	s0 =	simm.s32 @!p2 $0x0  }
0x16: {  	s3 =	sld [smem:$0x3FDB];
	s0 =	simm.s32 @p2 $0x1  }
0x17: {  	s4 =	simm.s32 $0x1BF5;
	[smem:$0x3FB4] =	sst s0  }
0x18: {  	s0 =	sld [smem:$0x3F97];
	_ =	swait.ge [sflag:s4], $0x0  }
0x19: {  	s7 =	sld [smem:$0x3F98]  }
0x1a: {  	s8 =	sadd.s32 $0xFFFFE003, lr  }
0x1b: {  	s9 =	sadd.s32 $0xFFFFFEF7, lr;
	s5 =	simm.s32 $0xFFFFFFFF;
	p2 =	slt.u32 s8, $0xFFFFF086  }
0x1c: {  	p1 =	slt.u32 s9, $0xF7A;
	s5 =	simm.s32 @!p2 $0x0  }
0x1d: {  	s5 =	simm.s32 @p1 $0x1;
	p0 =	seq.s32 s7, s2  }
0x1e: {  	s7 =	smul.u32 @!p0 $0xF7A, s2;
	p2 =	seq.s32 @!p0 s5, $0x0  }
0x1f: {  	s9 =	smul.u32 $0xF7A, s1;
	s8 =	simm.s32 @!p0 $0x1BF5;
	p2 =	por !p2, p0  }
0x20: {  	[sflag:s8] =	ssyncset.s32 @!p0 $0xFFFFF086;
	s6 =	sadd.s32 @!p0 s3, s7;
	s7 =	simm.s32 @!p0 $0x108  }
0x21: {  	s3 =	sadd.s32 s3, s9;
	s6 =	sadd.s32 @!p0 $0x88, s6;
	s7 =	simm.s32 @p2 $0x1082  }
0x22: {  	[simem:s7], [sflag:s8] =	dma.local @!p0 [hbm:s6], $0xF7A  }
0x23: {  	s9 =	sor.u32 $0xD0000000, s2;
	s6 =	simm.s32 $0x108;
	_ =	swait.ge @!p0 [sflag:s8], $0x0  }
0x24: {  	s3 =	sadd.s32 $0x88, s3;
	s6 =	simm.s32 @!p1 $0x1082;
	[sflag:s4] =	ssyncset.s32 $0xFFFFF086  }
0x25: {  	[simem:s6], [sflag:s4] =	dma.local [hbm:s3], $0xF7A  }
0x26: {  	[smem:$0x3F98] =	sst s1;
	(tag) =	ssettag s2;
	_ =	strace s9  }
0x27: {  	s1 =	sld [smem:$0x3FA8]  }
0x28: {  	s2 =	sld [smem:$0x3FA9]  }
0x29: {  	s4 =	sld [smem:$0x3FAB]  }
0x2a: {  	p0 =	seq.s32 s5, $0x0;
	s5 =	sld [smem:$0x3FAC]  }
0x2b: {  	s6 =	sld [smem:$0x3FAD]  }
0x2c: {  	s7 =	sld [smem:$0x3FAE]  }
0x2d: {  	s3 =	simm.s32 $0x108;
	s8 =	sld [smem:$0x3FAF]  }
0x2e: {  	s3 =	simm.s32 @!p0 $0x1082;
	s9 =	sld [smem:$0x3FB0]  }
0x2f: {  	lr =	sadd.s32 s0, s3;
	s0 =	sld [smem:$0x3FA7]  }
0x30: {  	s3 =	sld [smem:$0x3FAA]  }
0x31: {  	[smem:$0x3FB3] =	sst s10  }
0x32: {  	s10 =	sld [smem:$0x3FB1];
	_ =	sdelay $0x3  }
0x33: {  	p0 =	seq.s32 s10, $0x1;
	s10 =	sld [smem:$0x3FB3];
	_ =	sdelay $0x3  }
0x34: {  	[smem:$0x3FB3] =	sst s10  }
0x35: {  	s10 =	sld [smem:$0x3FB2];
	_ =	sdelay $0x3  }
0x36: {  	p1 =	seq.s32 s10, $0x1;
	s10 =	sld [smem:$0x3FB3];
	_ =	sdelay $0x3  }
0x37: {  	[smem:$0x3FB3] =	sst s10  }
0x38: {  	s10 =	sld [smem:$0x3FB4]  }
0x39: {  	_ = 	snop;
	(pc) =	sbr.ind lr, $3  }
0x3a: {  	_ = 	snop  }
0x3b: {  	_ = 	snop  }
0x3c: {  	p2 =	seq.s32 s10, $0x1;
	s10 =	sld [smem:$0x3FB3]  }
0x3d: {  	_ =	shalt  }
0x3e: {  	_ =	shalt  }
0x3f: {  	_ =	shalt  }
0x40: {  	_ =	shalt  }
0x41: {  	_ =	shalt  }
0x42: {  	_ =	shalt  }
0x43: {  	_ =	shalt  }
0x44: {  	_ =	shalt  }
0x45: {  	_ =	shalt  }
0x46: {  	_ =	shalt  }
0x47: {  	_ =	shalt  }
0x48: {  	_ =	shalt  }
0x49: {  	_ =	shalt  }
0x4a: {  	_ =	shalt  }
0x4b: {  	_ =	shalt  }
0x4c: {  	_ =	shalt  }
0x4d: {  	_ =	shalt  }
0x4e: {  	_ =	shalt  }
0x4f: {  	_ =	shalt  }
0x50: {  	_ =	shalt  }
0x51: {  	_ =	shalt  }
0x52: {  	_ =	shalt  }
0x53: {  	_ =	shalt  }
0x54: {  	_ =	shalt  }
0x55: {  	_ =	shalt  }
0x56: {  	_ =	shalt  }
0x57: {  	_ =	shalt  }
0x58: {  	_ =	shalt  }
0x59: {  	_ =	shalt  }
0x5a: {  	_ =	shalt  }
0x5b: {  	_ =	shalt  }
0x5c: {  	_ =	shalt  }
0x5d: {  	_ =	shalt  }
0x5e: {  	_ =	shalt  }
0x5f: {  	_ =	shalt  }
0x60: {  	_ =	shalt  }
0x61: {  	_ =	shalt  }
0x62: {  	_ =	shalt  }
0x63: {  	_ =	shalt  }
0x64: {  	_ =	shalt  }
0x65: {  	_ =	shalt  }
0x66: {  	_ =	shalt  }
0x67: {  	_ =	shalt  }
0x68: {  	_ =	shalt  }
0x69: {  	_ =	shalt  }
0x6a: {  	_ =	shalt  }
0x6b: {  	_ =	shalt  }
0x6c: {  	_ =	shalt  }
0x6d: {  	_ =	shalt  }
0x6e: {  	_ =	shalt  }
0x6f: {  	_ =	shalt  }
0x70: {  	_ =	shalt  }
0x71: {  	_ =	shalt  }
0x72: {  	_ =	shalt  }
0x73: {  	_ =	shalt  }
0x74: {  	_ =	shalt  }
0x75: {  	_ =	shalt  }
0x76: {  	_ =	shalt  }
0x77: {  	_ =	shalt  }
0x78: {  	_ =	shalt  }
0x79: {  	_ =	shalt  }
0x7a: {  	_ =	shalt  }
0x7b: {  	_ =	shalt  }
0x7c: {  	_ =	shalt  }
0x7d: {  	_ =	shalt  }
0x7e: {  	_ =	shalt  }
0x7f: {  	_ =	shalt  }
0x80: {  	_ =	shalt  }
0x81: {  	_ =	shalt  }
0x82: {  	_ =	shalt  }
0x83: {  	_ =	shalt  }
0x84: {  	_ =	shalt  }
0x85: {  	_ =	shalt  }
0x86: {  	_ =	shalt  }
0x87: {  	_ =	shalt  }
.Lfunc_end0:
.L_simem_size_0:
called_computation_lowered:
.L_overlay_start_0:
0x88: {  	s2 =	sld [smem:$0x3FD9]  }
0x89: {  	s3 =	sld [smem:$0x3FFE];
	_ =	sdelay $0x1  }
0x8a: {  	s1 =	srdreg.scid  }
0x8b: {  	s0 =	sand.u32 $0x1, s1  }
0x8c: {  	s14 =	sshll.u32 s0, $0xA;
	s2 =	sadd.s32 s3, s2  }
0x8d: {  	s2 =	sadd.s32 s2, s14  }
0x8e: {  	[smem:$0x3FBF] =	sst s2  }
0x8f: {  	_ = 	snop  }
0x90: {  	s2 =	sld [smem:$0x3FD0];
	_ =	sdelay $0x2  }
0x91: {  	s15 =	simm.s32 $0xA;
	s4 =	simm.s32 $0x10  }
0x92: {  	[smem:s4], [sflag:s15] =	dma.local [hbm:s2], $0x1  }
0x93: {  	_ =	swait.eq [sflag:s15], $0x1  }
0x94: {  	[sflag:s15] =	ssyncset.done $0x0  }
0x95: {  	[sflag:s15] =	ssyncadd.s32 $0xFFFFFFFF  }
0x96: {  	s16 =	sld [smem:$0x10];
	(tm) =	ssettm $0x1  }
0x97: {  	s17 =	sld [smem:$0x3FFB];
	_ =	sdelay $0x3  }
0x98: {  	_ =	strace s17  }
0x99: {  	s3 =	sld [smem:$0x3FFC];
	_ =	sdelay $0x3  }
0x9a: {  	_ =	strace s3  }
0x9b: {  	s3 =	sld [smem:$0x3FFD];
	_ =	sdelay $0x3  }
0x9c: {  	_ =	strace s3  }
0x9d: {  	_ =	strace $0x8FFFFFFF  }
0x9e: {  	s18 =	sld [smem:$0x3FDB];
	_ =	sdelay $0x1  }
0x9f: {  	s19 =	simm.s32 $_scs_section_size  }
0xa0: {  	s5 =	simm.s32 $_size__tile_overlayer_lowered;
	s6 =	simm.s32 $_tile_overlayer_lowered  }
0xa1: {  	s22 =	simm.s32 $0x1BFF;
	s21 =	sshll.u32 s6, $0x1;
	s3 =	sadd.s32 s19, s18  }
0xa2: {  	s7 =	simm.s32 $0x0;
	s20 =	sshll.u32 s5, $0x1;
	s5 =	sadd.s32 s21, s3  }
0xa3: {  	[timem:s7], [sflag:s22] =	dma.local [hbm:s5], s20  }
0xa4: {  	_ =	swait.ge [sflag:s22], s20  }
0xa5: {  	s4 =	ssub.s32 $0x0, s20;
	[sflag:s22] =	ssyncset.done $0x0  }
0xa6: {  	[sflag:s22] =	ssyncadd.s32 s4;
	_ =	sdelay $0x1  }
0xa7: {  	s23 =	simm.s32 $0x1B8B  }
0xa8: {  	_ =	swait.ge [sflag:s23], $0x1  }
0xa9: {  	[sflag:s23] =	ssyncset.done $0x0  }
0xaa: {  	s25 =	simm.s32 $0x1B8E;
	s24 =	sld [smem:$0x3FFE];
	[sflag:s23] =	ssyncadd.s32 $0xFFFFFFFF  }
0xab: {  	s26 =	simm.s32 $execute0_lowered;
	[smem:$0x3FD2] =	sst s25  }
0xac: {  	s5 =	sshll.u32 s26, $0x1;
	_ =	strace $0x80000046;
	[dreg:$0x1] =	wrdreg $0xFFFFFFFF  }
0xad: {  	s28 =	simm.s32 $_size_execute0_lowered;
	s3 =	sadd.s32 s3, s5;
	[dreg:$0x0] =	wrdreg $0x0  }
0xae: {  	s5 =	sshll.u32 s28, $0x1;
	[dreg:$0x2] =	wrdreg s3  }
0xaf: {  	[dreg:$0x3] =	wrdreg s5  }
0xb0: {  	[dreg:$0x4] =	wrdreg $0xC0  }
0xb1: {  	_ =	task [dreg:s7], $0x5FFFF  }
0xb2: {  	[dreg:$0x1] =	wrdreg $0xFFFFFFFF  }
0xb3: {  	[dreg:$0x0] =	wrdreg $0x60  }
0xb4: {  	[dreg:$0x2] =	wrdreg s16  }
0xb5: {  	[dreg:$0x3] =	wrdreg s24  }
0xb6: {  	[dreg:$0x4] =	wrdreg $0x2FE80  }
0xb7: {  	[dreg:$0x5] =	wrdreg $0x9  }
0xb8: {  	_ =	task.clear_ibuf [dreg:s7], $0x6FFFF;
	_ =	strace $0x90000046  }
0xb9: {  	s29 =	simm.s32 $0x9;
	_ =	strace $0x80000048  }
0xba: {  	_ =	swait.ge [sflag:s29], $0x1  }
0xbb: {  	[sflag:s29] =	ssyncadd.s32 $0xFFFFFFFF  }
0xbc: {  	_ =	strace $0x90000048  }
0xbd: {  	_ =	sfence  }
0xbe: {  	s30 =	sld [smem:$0x0];
	_ =	sdelay $0x2  }
0xbf: {  	s31 =	sshll.u32 s1, $0xD;
	s1 =	sshrl.u32 s1, $0x2  }
0xc0: {  	s3 =	sand.u32 $0x4000, s31;
	s1 =	sadd.s32 s1, s30  }
0xc1: {  	s0 =	sor.u32 s3, s0;
	s1 =	sshll.u32 s1, $0x11  }
0xc2: {  	s0 =	sor.u32 s1, s0  }
0xc3: {  	s0 =	sadd.s32 $0x8F2B, s0  }
0xc4: {  	[sflag:s0] =	ssyncadd.remote.s32 $0x1  }
0xc5: {  	_ =	sfence.sel $0xFFFF  }
0xc6: {  	[dreg:$0x0] =	wrdreg $0xFFFFFFFF;
	(pc) =	sbr.abs _section_cstart, $3  }
0xc7: {  	[dreg:$0x1] =	wrdreg $0xFFFFFFFF  }
0xc8: {  	_ =	task.clear_ibuf [dreg:s7], $0x2FFFF;
	_ =	strace $0x9FFFFFFF  }
0xc9: {  	(tm) =	ssettm $0x7FFFFFFF  }
tec
execute0_lowered:
.L_overlay_start_1:
0x0: {  	(tag) =	ssettag $0x1  }
0x1: {  	s1 =	rddreg [dreg:$0x0]  }
0x2: {  	s6 =	rddreg [dreg:$0x1]  }
0x3: {  	s3 =	rddreg [dreg:$0x2]  }
0x4: {  	s0 =	rddreg [dreg:$0x3]  }
0x5: {  	s5 =	srdreg.scid;
	s2 =	stileid.u32;
	s4 =	simm.s32 $0x0  }
0x6: {  	s13 =	simm.s32 $0x2;
	s14 =	simm.s32 $0x2BE8;
	s15 =	simm.s32 $0x2800  }
0x7: {  	s16 =	simm.s32 $0x7D;
	s17 =	simm.s32 $0x1;
	s21 =	simm.s32 $0x0  }
0x8: {  	s7 =	sand.u32 $0x1, s5;
	s28 =	sshll.u32 s2, $0x1;
	s11 =	smul.u32 $0x5000, s2  }
0x9: {  	[smem:$0x7FF] =	sst s4;
	s29 =	smul.u32 $0x1400, s2;
	s31 =	sshll.u32 s2, $0x6  }
0xa: {  	s5 =	sor.u32 s7, s28;
	_ =	strace $0x80000047;
	s9 =	smul.u32 $0x2800, s7  }
0xb: {  	s7 =	ssub.s32 $0x2, s7;
	s8 =	smul.u32 $0x500, s5;
	s5 =	sadd.s32 $0xC200, s6  }
0xc: {  	s10 =	sshrl.u32 s7, $0x1;
	s30 =	sshrl.u32 s11, $0x2;
	s19 =	sshrl.u32 s29, $0x3  }
0xd: {  	s20 =	sadd.s32 s29, s3;
	s9 =	sadd.s32 s9, s6;
	s10 =	ssub.s32 s7, s10  }
0xe: {  	s7 =	sadd.s32 s30, s3;
	s20 =	sshrl.u32 s20, $0x3;
	s8 =	sadd.s32 s8, s6  }
0xf: {  	s18 =	sadd.s32 $0xC400, s9;
	s9 =	sadd.s32 $0x400, s7;
	s11 =	sadd.s32 $0xC00, s7  }
0x10: {  	s12 =	sadd.s32 $0x1000, s7;
	s6 =	sadd.s32 $0x2200, s8;
	s8 =	smax.u32 s10, $0x1  }
0x11: {  	s10 =	sadd.s32 $0x800, s7;
	s18 =	sadd.s32 s19, s18;
	s19 =	sor.u32 $0x1C02, s31  }
.LBB2_1:
0x12: {  	[tilespmem:s4], [sflag:$0x2] =	stream.linear.gather [hbm4b:s6+s4], $0x2800, $0x38;
	[tilespmem:$0x43E8] =	vst v63  }
0x13: {  	_ =	swait.ge [sflag:s13], $0x2800  }
0x14: {  	[sflag:s13] =	ssyncset.done $0x0  }
0x15: {  	[sflag:s13] =	ssyncadd.s32 $0xFFFFD800  }
0x16: {  	[tilespmem:s14], [sflag:$0x2] =	stream.linear.gather [hbm4b:s1+s4], $0x400, $0x38;
	[tilespmem:$0x43E8] =	vst v63  }
0x17: {  	_ =	swait.ge [sflag:s13], $0x400  }
0x18: {  	[sflag:s13] =	ssyncset.done $0x0  }
0x19: {  	[sflag:s13] =	ssyncadd.s32 $0xFFFFFC00  }
0x1a: {  	[tilespmem:s15], [sflag:$0x2] =	stream.linear.gather [hbm4b:s5+s4], $0x3E8, $0x38;
	[tilespmem:$0x43E8] =	vst v63  }
0x1b: {  	_ =	swait.ge [sflag:s13], $0x3E8  }
0x1c: {  	[sflag:s13] =	ssyncset.done $0x0  }
0x1d: {  	[sflag:s13] =	ssyncadd.s32 $0xFFFFFC18  }
0x1e: {  	[spmem:s7] =	stream.linear.scatter [tilespmem:s14], [sflag:$0x2], $0x400, $0x38;
	[tilespmem:$0x43E8] =	vst v63  }
0x1f: {  	_ =	swait.ge [sflag:s13], $0x400  }
0x20: {  	[sflag:s13] =	ssyncset.done $0x0  }
0x21: {  	[sflag:s13] =	ssyncadd.s32 $0xFFFFFC00  }
0x22: {  	[spmem:s9] =	stream.linear.scatter [tilespmem:s14], [sflag:$0x2], $0x400, $0x38;
	[tilespmem:$0x43E8] =	vst v63  }
0x23: {  	_ =	swait.ge [sflag:s13], $0x400  }
0x24: {  	[sflag:s13] =	ssyncset.done $0x0  }
0x25: {  	[sflag:s13] =	ssyncadd.s32 $0xFFFFFC00  }
0x26: {  	[spmem:s10] =	stream.linear.scatter [tilespmem:s14], [sflag:$0x2], $0x400, $0x38;
	[tilespmem:$0x43E8] =	vst v63  }
0x27: {  	_ =	swait.ge [sflag:s13], $0x400  }
0x28: {  	[sflag:s13] =	ssyncset.done $0x0  }
0x29: {  	[sflag:s13] =	ssyncadd.s32 $0xFFFFFC00  }
0x2a: {  	[spmem:s11] =	stream.linear.scatter [tilespmem:s14], [sflag:$0x2], $0x400, $0x38;
	[tilespmem:$0x43E8] =	vst v63  }
0x2b: {  	_ =	swait.ge [sflag:s13], $0x400  }
0x2c: {  	[sflag:s13] =	ssyncset.done $0x0  }
0x2d: {  	[sflag:s13] =	ssyncadd.s32 $0xFFFFFC00  }
0x2e: {  	[spmem:s12] =	stream.linear.scatter [tilespmem:s14], [sflag:$0x2], $0x400, $0x38;
	[tilespmem:$0x43E8] =	vst v63  }
0x2f: {  	_ =	swait.ge [sflag:s13], $0x400  }
0x30: {  	[sflag:s13] =	ssyncset.done $0x0  }
0x31: {  	[sflag:s13] =	ssyncadd.s32 $0xFFFFFC00  }
0x32: {  	s22 =	simm.s32 $0x0;
	[bflag:$0x0] =	sbarrier.arrive $0xFFFF  }
0x33: {  	[spmem:s3] =	stream.indirect.scatter.add.f32 [tilespmem:s15], [sflag:$0x1], $0x8, s22, s16, $0xb8;
	[tilespmem:$0x43E8] =	vst v63  }
0x34: {  	s29 =	simm.s32 $0x80  }
0x35: {  	[spmem:s3] =	stream.indirect.scatter.add.f32 [tilespmem:s15], [sflag:$0x1], $0x8, s29, s16, $0xb8;
	[tilespmem:$0x43E8] =	vst v63  }
0x36: {  	s30 =	simm.s32 $0x100  }
0x37: {  	[spmem:s3] =	stream.indirect.scatter.add.f32 [tilespmem:s15], [sflag:$0x1], $0x8, s30, s16, $0xb8;
	[tilespmem:$0x43E8] =	vst v63  }
0x38: {  	s31 =	simm.s32 $0x180  }
0x39: {  	[spmem:s3] =	stream.indirect.scatter.add.f32 [tilespmem:s15], [sflag:$0x1], $0x8, s31, s16, $0xb8;
	[tilespmem:$0x43E8] =	vst v63  }
0x3a: {  	_ =	swait.ge [sflag:s17], $0x3E8  }
0x3b: {  	[sflag:s17] =	ssyncset.done $0x0  }
0x3c: {  	[sflag:s17] =	ssyncadd.s32 $0xFFFFFC18  }
0x3d: {  	_ =	swait.ge [sflag:s17], $0x3E8  }
0x3e: {  	[sflag:s17] =	ssyncset.done $0x0  }
0x3f: {  	[sflag:s17] =	ssyncadd.s32 $0xFFFFFC18  }
0x40: {  	_ =	swait.ge [sflag:s17], $0x3E8  }
0x41: {  	[sflag:s17] =	ssyncset.done $0x0  }
0x42: {  	[sflag:s17] =	ssyncadd.s32 $0xFFFFFC18  }
0x43: {  	_ =	swait.ge [sflag:s17], $0x3E8  }
0x44: {  	s23 =	simm.s32 $0x1000;
	s22 =	simm.s32 $0x800;
	[sflag:s17] =	ssyncset.done $0x0  }
.LBB2_2:
0x45: {  	s24 =	sshra.s32 s22, $0x2  }
0x46: {  	[sflag:s17] =	ssyncadd.s32 $0xFFFFFC18;
	s22 =	smov.u32 s23;
	s25 =	sadd.s32 $0x800, s23  }
0x47: {  	[spmem:s3] =	stream.indirect.scatter.add.f32 [tilespmem:s15], [sflag:$0x1], $0x8, s24, s16, $0xb8;
	[tilespmem:$0x43E8] =	vst v63  }
0x48: {  	p0 =	sne.s32 s23, $0x9800;
	s23 =	sadd.s32 $0x80, s24  }
0x49: {  	[spmem:s3] =	stream.indirect.scatter.add.f32 [tilespmem:s15], [sflag:$0x1], $0x8, s23, s16, $0xb8;
	[tilespmem:$0x43E8] =	vst v63  }
0x4a: {  	s23 =	sadd.s32 $0x100, s24  }
0x4b: {  	[spmem:s3] =	stream.indirect.scatter.add.f32 [tilespmem:s15], [sflag:$0x1], $0x8, s23, s16, $0xb8;
	[tilespmem:$0x43E8] =	vst v63  }
0x4c: {  	s23 =	sadd.s32 $0x180, s24  }
0x4d: {  	[spmem:s3] =	stream.indirect.scatter.add.f32 [tilespmem:s15], [sflag:$0x1], $0x8, s23, s16, $0xb8;
	[tilespmem:$0x43E8] =	vst v63  }
0x4e: {  	_ =	swait.ge [sflag:s17], $0x3E8  }
0x4f: {  	[sflag:s17] =	ssyncset.done $0x0  }
0x50: {  	[sflag:s17] =	ssyncadd.s32 $0xFFFFFC18  }
0x51: {  	_ =	swait.ge [sflag:s17], $0x3E8  }
0x52: {  	[sflag:s17] =	ssyncset.done $0x0  }
0x53: {  	[sflag:s17] =	ssyncadd.s32 $0xFFFFFC18  }
.Ltmp0:
0x54: {  	_ =	swait.ge [sflag:s17], $0x3E8;
	(pc) =	sbr.rel @p0 .LBB2_2-.Ltmp0, $4  }
0x55: {  	[sflag:s17] =	ssyncset.done $0x0  }
0x56: {  	[sflag:s17] =	ssyncadd.s32 $0xFFFFFC18  }
0x57: {  	_ =	swait.ge [sflag:s17], $0x3E8  }
0x58: {  	s23 =	smov.u32 s25;
	[sflag:s17] =	ssyncset.done $0x0  }
0x59: {  	s22 =	sshra.s32 s22, $0x2;
	[sflag:s17] =	ssyncadd.s32 $0xFFFFFC18  }
0x5a: {  	[spmem:s3] =	stream.indirect.scatter.add.f32 [tilespmem:s15], [sflag:$0x1], $0x8, s22, s16, $0xb8;
	[tilespmem:$0x43E8] =	vst v63  }
0x5b: {  	s23 =	sadd.s32 $0x80, s22  }
0x5c: {  	[spmem:s3] =	stream.indirect.scatter.add.f32 [tilespmem:s15], [sflag:$0x1], $0x8, s23, s16, $0xb8;
	[tilespmem:$0x43E8] =	vst v63  }
0x5d: {  	s31 =	sadd.s32 $0x100, s22  }
0x5e: {  	[spmem:s3] =	stream.indirect.scatter.add.f32 [tilespmem:s15], [sflag:$0x1], $0x8, s31, s16, $0xb8;
	[tilespmem:$0x43E8] =	vst v63  }
0x5f: {  	s22 =	sadd.s32 $0x180, s22  }
0x60: {  	[spmem:s3] =	stream.indirect.scatter.add.f32 [tilespmem:s15], [sflag:$0x1], $0x8, s22, s16, $0xb8;
	[tilespmem:$0x43E8] =	vst v63  }
0x61: {  	_ =	swait.ge [sflag:s17], $0x3E8  }
0x62: {  	[sflag:s17] =	ssyncset.done $0x0  }
0x63: {  	[sflag:s17] =	ssyncadd.s32 $0xFFFFFC18  }
0x64: {  	_ =	swait.ge [sflag:s17], $0x3E8  }
0x65: {  	[sflag:s17] =	ssyncset.done $0x0  }
0x66: {  	[sflag:s17] =	ssyncadd.s32 $0xFFFFFC18  }
0x67: {  	_ =	swait.ge [sflag:s17], $0x3E8  }
0x68: {  	[sflag:s17] =	ssyncset.done $0x0  }
0x69: {  	[sflag:s17] =	ssyncadd.s32 $0xFFFFFC18  }
0x6a: {  	_ =	swait.ge [sflag:s17], $0x3E8  }
0x6b: {  	s21 =	sadd.s32 $0x1, s21;
	[sflag:s17] =	ssyncset.done $0x0  }
0x6c: {  	p0 =	sne.s32 s21, s8;
	[sflag:s17] =	ssyncadd.s32 $0xFFFFFC18  }
.Ltmp1:
0x6d: {  	[bflag:$0x0] =	sbarrier.arrive $0xFFFF;
	(pc) =	sbr.rel @p0 .LBB2_1-.Ltmp1, $4  }
0x6e: {  	[hbm:s18], [sflag:s19] =	dma.local [spmem:s20], $0x280  }
0x6f: {  	_ =	swait.ge [sflag:s13], $0x280  }
0x70: {  	[sflag:s13] =	ssyncset.done $0x0  }
0x71: {  	[sflag:s13] =	ssyncadd.s32 $0xFFFFFD80  }
0x72: {  	_ =	sfence.sel $0x180000  }
0x73: {  	[bflag:$0x0] =	sbarrier.arrive $0xFFFF  }
0x74: {  	p0 =	sne.s32 s2, $0x0;
	_ =	strace $0x90000047  }
0x75: {  	s0 =	sadd.s32 @!p0 $0x100000, s0;
	[bflag:$0x2] =	sbarrier.arrive $0xFFFF  }
0x76: {  	[sflag:s0] =	ssyncadd.tile.s32 @!p0 $0x1;
	_ =	shalt  }
.Lfunc_end2:
_tile_overlayer_lowered:
.L_overlay_start_2:
0x77: {  	(tag) =	ssettag $0x2  }
0x78: {  	s0 =	rddreg [dreg:$0x0];
	s2 =	stileid.u32  }
0x79: {  	s1 =	rddreg [dreg:$0x1];
	p0 =	sne.s32 s2, $0x0  }
0x7a: {  	s3 =	rddreg [dreg:$0x2];
	[bflag:$0x3] =	sbarrier.arrive $0xFFFF;
	s2 =	simm.s32 @!p0 $0x1C02  }
0x7b: {  	[timem:s3], [sflag:s2] =	dma.local @!p0 [hbm:s0], s1  }
0x7c: {  	s0 =	simm.s32 @!p0 $0x2  }
0x7d: {  	_ =	swait.ge @!p0 [sflag:s0], s1  }
0x7e: {  	s1 =	ssub.s32 @!p0 $0x0, s1;
	[sflag:s0] =	ssyncset.done @!p0 $0x0  }
0x7f: {  	[sflag:s0] =	ssyncadd.s32 @!p0 s1  }
0x80: {  	[bflag:$0x3] =	sbarrier.arrive $0xFFFF  }
0x81: {  	_ =	shalt  }

// kernel: kernel.13.cloned.1.call-start
scs
__scs_entry_jumppad:
0x0: {  	(pc) =	sbr.rel $0x88, $3  }
0x1: {  	(tag) =	ssettag $0x0;
	lr =	simm.s32 $0x1  }
0x2: {  	[smem:$0x3F98] =	sst lr;
	_ =	strace $0xD0000000  }
0x3: {  	_ = 	snop  }
0x4: {  	_ = 	snop  }
0x5: {  	_ = 	snop  }
0x6: {  	_ = 	snop  }
0x7: {  	_ = 	snop  }
__scs_overlays_trampoline_lowered:
0x8: {  	[smem:$0x3FA7] =	sst s0  }
0x9: {  	[smem:$0x3FA8] =	sst s1  }
0xa: {  	[smem:$0x3FA9] =	sst s2  }
0xb: {  	[smem:$0x3FAA] =	sst s3  }
0xc: {  	[smem:$0x3FAB] =	sst s4  }
0xd: {  	[smem:$0x3FAC] =	sst s5  }
0xe: {  	[smem:$0x3FAD] =	sst s6  }
0xf: {  	[smem:$0x3FAE] =	sst s7  }
0x10: {  	[smem:$0x3FAF] =	sst s8  }
0x11: {  	[smem:$0x3FB0] =	sst s9;
	s0 =	simm.s32 @!p0 $0x0  }
0x12: {  	s1 =	sld [smem:$0x3F96];
	s0 =	simm.s32 @p0 $0x1  }
0x13: {  	[smem:$0x3FB1] =	sst s0;
	s0 =	simm.s32 @!p1 $0x0  }
0x14: {  	s2 =	sld [smem:$0x3F95];
	s0 =	simm.s32 @p1 $0x1  }
0x15: {  	[smem:$0x3FB2] =	sst s0;
	s0 =	simm.s32 @!p2 $0x0  }
0x16: {  	s3 =	sld [smem:$0x3FDB];
	s0 =	simm.s32 @p2 $0x1  }
0x17: {  	s4 =	simm.s32 $0x1BF5;
	[smem:$0x3FB4] =	sst s0  }
0x18: {  	s0 =	sld [smem:$0x3F97];
	_ =	swait.ge [sflag:s4], $0x0  }
0x19: {  	s7 =	sld [smem:$0x3F98]  }
0x1a: {  	s8 =	sadd.s32 $0xFFFFE003, lr  }
0x1b: {  	s9 =	sadd.s32 $0xFFFFFEF7, lr;
	s5 =	simm.s32 $0xFFFFFFFF;
	p2 =	slt.u32 s8, $0xFFFFF086  }
0x1c: {  	p1 =	slt.u32 s9, $0xF7A;
	s5 =	simm.s32 @!p2 $0x0  }
0x1d: {  	s5 =	simm.s32 @p1 $0x1;
	p0 =	seq.s32 s7, s2  }
0x1e: {  	s7 =	smul.u32 @!p0 $0xF7A, s2;
	p2 =	seq.s32 @!p0 s5, $0x0  }
0x1f: {  	s9 =	smul.u32 $0xF7A, s1;
	s8 =	simm.s32 @!p0 $0x1BF5;
	p2 =	por !p2, p0  }
0x20: {  	[sflag:s8] =	ssyncset.s32 @!p0 $0xFFFFF086;
	s6 =	sadd.s32 @!p0 s3, s7;
	s7 =	simm.s32 @!p0 $0x108  }
0x21: {  	s3 =	sadd.s32 s3, s9;
	s6 =	sadd.s32 @!p0 $0x88, s6;
	s7 =	simm.s32 @p2 $0x1082  }
0x22: {  	[simem:s7], [sflag:s8] =	dma.local @!p0 [hbm:s6], $0xF7A  }
0x23: {  	s9 =	sor.u32 $0xD0000000, s2;
	s6 =	simm.s32 $0x108;
	_ =	swait.ge @!p0 [sflag:s8], $0x0  }
0x24: {  	s3 =	sadd.s32 $0x88, s3;
	s6 =	simm.s32 @!p1 $0x1082;
	[sflag:s4] =	ssyncset.s32 $0xFFFFF086  }
0x25: {  	[simem:s6], [sflag:s4] =	dma.local [hbm:s3], $0xF7A  }
0x26: {  	[smem:$0x3F98] =	sst s1;
	(tag) =	ssettag s2;
	_ =	strace s9  }
0x27: {  	s1 =	sld [smem:$0x3FA8]  }
0x28: {  	s2 =	sld [smem:$0x3FA9]  }
0x29: {  	s4 =	sld [smem:$0x3FAB]  }
0x2a: {  	p0 =	seq.s32 s5, $0x0;
	s5 =	sld [smem:$0x3FAC]  }
0x2b: {  	s6 =	sld [smem:$0x3FAD]  }
0x2c: {  	s7 =	sld [smem:$0x3FAE]  }
0x2d: {  	s3 =	simm.s32 $0x108;
	s8 =	sld [smem:$0x3FAF]  }
0x2e: {  	s3 =	simm.s32 @!p0 $0x1082;
	s9 =	sld [smem:$0x3FB0]  }
0x2f: {  	lr =	sadd.s32 s0, s3;
	s0 =	sld [smem:$0x3FA7]  }
0x30: {  	s3 =	sld [smem:$0x3FAA]  }
0x31: {  	[smem:$0x3FB3] =	sst s10  }
0x32: {  	s10 =	sld [smem:$0x3FB1];
	_ =	sdelay $0x3  }
0x33: {  	p0 =	seq.s32 s10, $0x1;
	s10 =	sld [smem:$0x3FB3];
	_ =	sdelay $0x3  }
0x34: {  	[smem:$0x3FB3] =	sst s10  }
0x35: {  	s10 =	sld [smem:$0x3FB2];
	_ =	sdelay $0x3  }
0x36: {  	p1 =	seq.s32 s10, $0x1;
	s10 =	sld [smem:$0x3FB3];
	_ =	sdelay $0x3  }
0x37: {  	[smem:$0x3FB3] =	sst s10  }
0x38: {  	s10 =	sld [smem:$0x3FB4]  }
0x39: {  	_ = 	snop;
	(pc) =	sbr.ind lr, $3  }
0x3a: {  	_ = 	snop  }
0x3b: {  	_ = 	snop  }
0x3c: {  	p2 =	seq.s32 s10, $0x1;
	s10 =	sld [smem:$0x3FB3]  }
0x3d: {  	_ =	shalt  }
0x3e: {  	_ =	shalt  }
0x3f: {  	_ =	shalt  }
0x40: {  	_ =	shalt  }
0x41: {  	_ =	shalt  }
0x42: {  	_ =	shalt  }
0x43: {  	_ =	shalt  }
0x44: {  	_ =	shalt  }
0x45: {  	_ =	shalt  }
0x46: {  	_ =	shalt  }
0x47: {  	_ =	shalt  }
0x48: {  	_ =	shalt  }
0x49: {  	_ =	shalt  }
0x4a: {  	_ =	shalt  }
0x4b: {  	_ =	shalt  }
0x4c: {  	_ =	shalt  }
0x4d: {  	_ =	shalt  }
0x4e: {  	_ =	shalt  }
0x4f: {  	_ =	shalt  }
0x50: {  	_ =	shalt  }
0x51: {  	_ =	shalt  }
0x52: {  	_ =	shalt  }
0x53: {  	_ =	shalt  }
0x54: {  	_ =	shalt  }
0x55: {  	_ =	shalt  }
0x56: {  	_ =	shalt  }
0x57: {  	_ =	shalt  }
0x58: {  	_ =	shalt  }
0x59: {  	_ =	shalt  }
0x5a: {  	_ =	shalt  }
0x5b: {  	_ =	shalt  }
0x5c: {  	_ =	shalt  }
0x5d: {  	_ =	shalt  }
0x5e: {  	_ =	shalt  }
0x5f: {  	_ =	shalt  }
0x60: {  	_ =	shalt  }
0x61: {  	_ =	shalt  }
0x62: {  	_ =	shalt  }
0x63: {  	_ =	shalt  }
0x64: {  	_ =	shalt  }
0x65: {  	_ =	shalt  }
0x66: {  	_ =	shalt  }
0x67: {  	_ =	shalt  }
0x68: {  	_ =	shalt  }
0x69: {  	_ =	shalt  }
0x6a: {  	_ =	shalt  }
0x6b: {  	_ =	shalt  }
0x6c: {  	_ =	shalt  }
0x6d: {  	_ =	shalt  }
0x6e: {  	_ =	shalt  }
0x6f: {  	_ =	shalt  }
0x70: {  	_ =	shalt  }
0x71: {  	_ =	shalt  }
0x72: {  	_ =	shalt  }
0x73: {  	_ =	shalt  }
0x74: {  	_ =	shalt  }
0x75: {  	_ =	shalt  }
0x76: {  	_ =	shalt  }
0x77: {  	_ =	shalt  }
0x78: {  	_ =	shalt  }
0x79: {  	_ =	shalt  }
0x7a: {  	_ =	shalt  }
0x7b: {  	_ =	shalt  }
0x7c: {  	_ =	shalt  }
0x7d: {  	_ =	shalt  }
0x7e: {  	_ =	shalt  }
0x7f: {  	_ =	shalt  }
0x80: {  	_ =	shalt  }
0x81: {  	_ =	shalt  }
0x82: {  	_ =	shalt  }
0x83: {  	_ =	shalt  }
0x84: {  	_ =	shalt  }
0x85: {  	_ =	shalt  }
0x86: {  	_ =	shalt  }
0x87: {  	_ =	shalt  }
.Lfunc_end0:
.L_simem_size_0:
called_computation.1_lowered:
.L_overlay_start_0:
0x88: {  	s2 =	sld [smem:$0x3FD9]  }
0x89: {  	s3 =	sld [smem:$0x3FFE];
	_ =	sdelay $0x1  }
0x8a: {  	s1 =	srdreg.scid  }
0x8b: {  	s0 =	sand.u32 $0x1, s1  }
0x8c: {  	s16 =	sshll.u32 s0, $0xA;
	s2 =	sadd.s32 s3, s2  }
0x8d: {  	s2 =	sadd.s32 s2, s16  }
0x8e: {  	[smem:$0x3FBF] =	sst s2  }
0x8f: {  	_ = 	snop  }
0x90: {  	(tm) =	ssettm $0x1  }
0x91: {  	s17 =	sld [smem:$0x3FFB];
	_ =	sdelay $0x3  }
0x92: {  	_ =	strace s17  }
0x93: {  	s2 =	sld [smem:$0x3FFC];
	_ =	sdelay $0x3  }
0x94: {  	_ =	strace s2  }
0x95: {  	s2 =	sld [smem:$0x3FFD];
	_ =	sdelay $0x3  }
0x96: {  	_ =	strace s2  }
0x97: {  	_ =	strace $0x8FFFFFFF  }
0x98: {  	s18 =	sld [smem:$0x3FDB];
	_ =	sdelay $0x1  }
0x99: {  	s19 =	simm.s32 $_scs_section_size  }
0x9a: {  	s4 =	simm.s32 $_size__tile_overlayer_lowered;
	s5 =	simm.s32 $_tile_overlayer_lowered  }
0x9b: {  	s22 =	simm.s32 $0x1BFF;
	s21 =	sshll.u32 s5, $0x1;
	s2 =	sadd.s32 s19, s18  }
0x9c: {  	s6 =	simm.s32 $0x0;
	s20 =	sshll.u32 s4, $0x1;
	s4 =	sadd.s32 s21, s2  }
0x9d: {  	[timem:s6], [sflag:s22] =	dma.local [hbm:s4], s20  }
0x9e: {  	_ =	swait.ge [sflag:s22], s20  }
0x9f: {  	s3 =	ssub.s32 $0x0, s20;
	[sflag:s22] =	ssyncset.done $0x0  }
0xa0: {  	[sflag:s22] =	ssyncadd.s32 s3;
	_ =	sdelay $0x1  }
0xa1: {  	s23 =	simm.s32 $0x1B8B  }
0xa2: {  	_ =	swait.ge [sflag:s23], $0x1  }
0xa3: {  	[sflag:s23] =	ssyncset.done $0x0  }
0xa4: {  	s25 =	simm.s32 $0x1B8E;
	s24 =	sld [smem:$0x3FFE];
	[sflag:s23] =	ssyncadd.s32 $0xFFFFFFFF  }
0xa5: {  	s26 =	simm.s32 $execute0_lowered;
	[smem:$0x3FD2] =	sst s25  }
0xa6: {  	s4 =	sshll.u32 s26, $0x1;
	_ =	strace $0x80000049;
	[dreg:$0x1] =	wrdreg $0xFFFFFFFF  }
0xa7: {  	s28 =	simm.s32 $_size_execute0_lowered;
	s2 =	sadd.s32 s2, s4;
	[dreg:$0x0] =	wrdreg $0x0  }
0xa8: {  	s4 =	sshll.u32 s28, $0x1;
	[dreg:$0x2] =	wrdreg s2  }
0xa9: {  	[dreg:$0x3] =	wrdreg s4  }
0xaa: {  	[dreg:$0x4] =	wrdreg $0xC0  }
0xab: {  	_ =	task [dreg:s6], $0x5FFFF  }
0xac: {  	[dreg:$0x1] =	wrdreg $0xFFFFFFFF  }
0xad: {  	[dreg:$0x0] =	wrdreg $0x60  }
0xae: {  	[dreg:$0x2] =	wrdreg s24  }
0xaf: {  	[dreg:$0x3] =	wrdreg $0x147000  }
0xb0: {  	[dreg:$0x4] =	wrdreg $0xA7000  }
0xb1: {  	[dreg:$0x5] =	wrdreg $0x9  }
0xb2: {  	_ =	task.clear_ibuf [dreg:s6], $0x6FFFF;
	_ =	strace $0x90000049  }
0xb3: {  	s29 =	simm.s32 $0x9;
	_ =	strace $0x8000004B  }
0xb4: {  	_ =	swait.ge [sflag:s29], $0x1  }
0xb5: {  	[sflag:s29] =	ssyncadd.s32 $0xFFFFFFFF  }
0xb6: {  	_ =	strace $0x9000004B  }
0xb7: {  	_ =	sfence  }
0xb8: {  	s30 =	sld [smem:$0x0];
	_ =	sdelay $0x2  }
0xb9: {  	s31 =	sshll.u32 s1, $0xD;
	s1 =	sshrl.u32 s1, $0x2  }
0xba: {  	s3 =	sand.u32 $0x4000, s31;
	s1 =	sadd.s32 s1, s30  }
0xbb: {  	s0 =	sor.u32 s3, s0;
	s1 =	sshll.u32 s1, $0x11  }
0xbc: {  	s0 =	sor.u32 s1, s0  }
0xbd: {  	s0 =	sadd.s32 $0x8F2B, s0  }
0xbe: {  	[sflag:s0] =	ssyncadd.remote.s32 $0x1  }
0xbf: {  	_ =	sfence.sel $0xFFFF  }
0xc0: {  	[dreg:$0x0] =	wrdreg $0xFFFFFFFF;
	(pc) =	sbr.abs _section_cstart, $3  }
0xc1: {  	[dreg:$0x1] =	wrdreg $0xFFFFFFFF  }
0xc2: {  	_ =	task.clear_ibuf [dreg:s6], $0x2FFFF;
	_ =	strace $0x9FFFFFFF  }
0xc3: {  	(tm) =	ssettm $0x7FFFFFFF  }
tec
execute0_lowered:
.L_overlay_start_1:
0x0: {  	(tag) =	ssettag $0x1  }
0x1: {  	s0 =	rddreg [dreg:$0x0]  }
0x2: {  	s2 =	rddreg [dreg:$0x1]  }
0x3: {  	s3 =	rddreg [dreg:$0x2];
	s4 =	simm.s32 $0x0  }
0x4: {  	s13 =	stileid.u32;
	s1 =	srdreg.scid;
	s14 =	simm.s32 $0x6  }
0x5: {  	s17 =	simm.s32 $0x2A00;
	s18 =	simm.s32 $0x2800;
	s19 =	simm.s32 $0x7D  }
0x6: {  	s21 =	simm.s32 $0x4940;
	s28 =	simm.s32 $0x87C0;
	s29 =	simm.s32 $0x2900  }
0x7: {  	s30 =	simm.s32 $0x1;
	s31 =	simm.s32 $0x2880;
	s20 =	simm.s32 $0x2  }
0x8: {  	s5 =	smul.u32 $0xA000, s13;
	s1 =	sand.u32 $0x1, s1;
	s6 =	sshll.u32 s13, $0x1  }
0x9: {  	[smem:$0x7FF] =	sst s4;
	s11 =	smul.u32 $0x28000, s13;
	s26 =	sshll.u32 s13, $0x6  }
0xa: {  	s6 =	sor.u32 s1, s6;
	_ =	strace $0x8000004A;
	s8 =	smul.u32 $0x14000, s1  }
0xb: {  	s1 =	ssub.s32 $0x2, s1;
	s15 =	sor.u32 $0x1C06, s26;
	s26 =	simm.s32 $0x4  }
0xc: {  	s9 =	sshrl.u32 s5, $0x3;
	s6 =	smul.u32 $0x500, s6;
	s10 =	sshrl.u32 s1, $0x1  }
0xd: {  	s16 =	sadd.s32 s5, s2;
	s23 =	sshrl.u32 s11, $0x2;
	s5 =	sadd.s32 s5, s3  }
0xe: {  	s7 =	sadd.s32 s9, s0;
	s1 =	ssub.s32 s1, s10;
	s16 =	sshrl.u32 s16, $0x3  }
0xf: {  	s6 =	sadd.s32 s6, s0;
	s0 =	sadd.s32 s8, s0;
	s7 =	sadd.s32 $0x1B400, s7  }
0x10: {  	s8 =	sadd.s32 s23, s3;
	s1 =	smax.u32 s1, $0x1;
	[dreg:$0x5] =	wrdreg s7  }
0x11: {  	s22 =	sadd.s32 $0x11400, s6;
	s7 =	sadd.s32 $0x2200, s6;
	[dreg:$0x6] =	wrdreg s1  }
0x12: {  	s0 =	sadd.s32 $0x2F400, s0;
	s24 =	sadd.s32 $0x2000, s8;
	[dreg:$0x4] =	wrdreg s22  }
0x13: {  	s25 =	sadd.s32 $0x4000, s8;
	s12 =	sadd.s32 $0x6000, s8;
	[dreg:$0x7] =	wrdreg s24  }
0x14: {  	s13 =	sadd.s32 $0x8000, s8;
	s1 =	simm.s32 $0x5;
	[dreg:$0x8] =	wrdreg s25  }
0x15: {  	s23 =	sadd.s32 s9, s0;
	s24 =	simm.s32 $0x6880;
	s25 =	sshrl.u32 s5, $0x3  }
0x16: {  	v0 =	vimm.f32 $0.0e+00;
	s0 =	simm.s32 $0x3;
	s22 =	simm.s32 $0x2980;
	s5 =	simm.s32 $0x0  }
.LBB2_1:
0x17: {  	s6 =	rddreg [dreg:$0x4]  }
0x18: {  	[tilespmem:s4], [sflag:$0x6] =	stream.linear.gather [hbm4b:s6+s4], $0x2800, $0x38;
	[tilespmem:$0x1E700] =	vst v63  }
0x19: {  	_ =	swait.ge [sflag:s14], $0x2800  }
0x1a: {  	[sflag:s14] =	ssyncset.done $0x0  }
0x1b: {  	s11 =	rddreg [dreg:$0x5];
	[sflag:s14] =	ssyncadd.s32 $0xFFFFD800  }
0x1c: {  	[spmem:s16], [sflag:s15] =	dma.local [hbm:s11], $0x1400  }
0x1d: {  	_ =	swait.ge [sflag:s14], $0x1400  }
0x1e: {  	[sflag:s14] =	ssyncset.done $0x0  }
0x1f: {  	s9 =	simm.s32 $0x100;
	s6 =	simm.s32 $0x0;
	[sflag:s14] =	ssyncadd.s32 $0xFFFFEC00  }
.LBB2_2:
0x20: {  	p0 =	sne.s32 s9, $0x7F00;
	[tilespmem:s6+$0x2A30] =	vst v0;
	s10 =	smov.u32 s9;
	s9 =	sadd.s32 $0x100, s9  }
.Ltmp0:
0x21: {  	[tilespmem:s6+$0x2A20] =	vst v0;
	(pc) =	sbr.rel @p0 .LBB2_2-.Ltmp0, $3  }
0x22: {  	[tilespmem:s6+$0x2A00] =	vst v0  }
0x23: {  	[tilespmem:s6+$0x2A10] =	vst v0;
	_ =	sdelay $0x1  }
0x24: {  	s6 =	sshra.s32 s10, $0x2  }
0x25: {  	[tilespmem:s6+$0x2A30] =	vst v0  }
0x26: {  	[tilespmem:s6+$0x2A20] =	vst v0  }
0x27: {  	[tilespmem:s6+$0x2A00] =	vst v0  }
0x28: {  	[tilespmem:s6+$0x2A10] =	vst v0  }
0x29: {  	[spmem:s8] =	stream.linear.scatter [tilespmem:s17], [sflag:$0x6], $0x2000, $0x38;
	[tilespmem:$0x1E700] =	vst v63  }
0x2a: {  	_ =	swait.ge [sflag:s14], $0x2000  }
0x2b: {  	[sflag:s14] =	ssyncset.done $0x0  }
0x2c: {  	s10 =	rddreg [dreg:$0x7];
	[sflag:s14] =	ssyncadd.s32 $0xFFFFE000  }
0x2d: {  	[spmem:s10] =	stream.linear.scatter [tilespmem:s17], [sflag:$0x6], $0x2000, $0x38;
	[tilespmem:$0x1E700] =	vst v63  }
0x2e: {  	_ =	swait.ge [sflag:s14], $0x2000  }
0x2f: {  	[sflag:s14] =	ssyncset.done $0x0  }
0x30: {  	s11 =	rddreg [dreg:$0x8];
	[sflag:s14] =	ssyncadd.s32 $0xFFFFE000  }
0x31: {  	[spmem:s11] =	stream.linear.scatter [tilespmem:s17], [sflag:$0x6], $0x2000, $0x38;
	[tilespmem:$0x1E700] =	vst v63  }
0x32: {  	_ =	swait.ge [sflag:s14], $0x2000  }
0x33: {  	[sflag:s14] =	ssyncset.done $0x0  }
0x34: {  	[sflag:s14] =	ssyncadd.s32 $0xFFFFE000  }
0x35: {  	[spmem:s12] =	stream.linear.scatter [tilespmem:s17], [sflag:$0x6], $0x2000, $0x38;
	[tilespmem:$0x1E700] =	vst v63  }
0x36: {  	_ =	swait.ge [sflag:s14], $0x2000  }
0x37: {  	[sflag:s14] =	ssyncset.done $0x0  }
0x38: {  	[sflag:s14] =	ssyncadd.s32 $0xFFFFE000  }
0x39: {  	[spmem:s13] =	stream.linear.scatter [tilespmem:s17], [sflag:$0x6], $0x2000, $0x38;
	[tilespmem:$0x1E700] =	vst v63  }
0x3a: {  	_ =	swait.ge [sflag:s14], $0x2000  }
0x3b: {  	[sflag:s14] =	ssyncset.done $0x0  }
0x3c: {  	[sflag:s14] =	ssyncadd.s32 $0xFFFFE000  }
0x3d: {  	s9 =	simm.s32 $0x0;
	[bflag:$0x0] =	sbarrier.arrive $0xFFFF  }
0x3e: {  	[tilespmem:s18], [sflag:$0x6] =	stream.linear.gather [hbm4b:s7+s9], $0x100, $0x38;
	[tilespmem:$0x1E700] =	vst v63  }
0x3f: {  	_ =	swait.ge [sflag:s14], $0x100  }
0x40: {  	[sflag:s14] =	ssyncset.done $0x0  }
0x41: {  	[sflag:s14] =	ssyncadd.s32 $0xFFFFFF00  }
0x42: {  	[tilespmem:s17], [sflag:$0x1] =	stream.indirect.gather [spmem:s2], $0x40, s9, s19, $0xb8;
	[tilespmem:$0x1E700] =	vst v63  }
0x43: {  	s10 =	simm.s32 $0x80  }
0x44: {  	[tilespmem:s21], [sflag:$0x1] =	stream.indirect.gather [spmem:s2], $0x40, s10, s19, $0xb8;
	[tilespmem:$0x1E700] =	vst v63  }
0x45: {  	s11 =	simm.s32 $0x100  }
0x46: {  	[tilespmem:s24], [sflag:$0x2] =	stream.indirect.gather [spmem:s2], $0x40, s11, s19, $0xb8;
	[tilespmem:$0x1E700] =	vst v63  }
0x47: {  	s9 =	simm.s32 $0x180  }
0x48: {  	[tilespmem:s28], [sflag:$0x2] =	stream.indirect.gather [spmem:s2], $0x40, s9, s19, $0xb8;
	[tilespmem:$0x1E700] =	vst v63  }
0x49: {  	s6 =	sadd.s32 $0x20, s7  }
0x4a: {  	[tilespmem:s29], [sflag:$0x5] =	stream.linear.gather [hbm4b:s6+s4], $0x100, $0x38;
	[tilespmem:$0x1E700] =	vst v63  }
0x4b: {  	_ =	swait.ge [sflag:s30], $0x1F40  }
0x4c: {  	[sflag:s30] =	ssyncset.done $0x0  }
0x4d: {  	[sflag:s30] =	ssyncadd.s32 $0xFFFFE0C0  }
0x4e: {  	_ =	swait.ge [sflag:s30], $0x1F40  }
0x4f: {  	[sflag:s30] =	ssyncset.done $0x0  }
0x50: {  	[sflag:s30] =	ssyncadd.s32 $0xFFFFE0C0  }
0x51: {  	[spmem:s3] =	stream.indirect.scatter.add.f32 [tilespmem:s17], [sflag:$0x3], $0x40, s18, s19, $0xb8;
	[tilespmem:$0x1E700] =	vst v63  }
0x52: {  	_ = 	snop  }
0x53: {  	[spmem:s3] =	stream.indirect.scatter.add.f32 [tilespmem:s21], [sflag:$0x3], $0x40, s31, s19, $0xb8;
	[tilespmem:$0x1E700] =	vst v63  }
0x54: {  	_ =	swait.ge [sflag:s0], $0x1F40  }
0x55: {  	[sflag:s0] =	ssyncset.done $0x0  }
0x56: {  	[sflag:s0] =	ssyncadd.s32 $0xFFFFE0C0  }
0x57: {  	_ =	swait.ge [sflag:s0], $0x1F40  }
0x58: {  	[sflag:s0] =	ssyncset.done $0x0  }
0x59: {  	s9 =	simm.s32 $0x200;
	[sflag:s0] =	ssyncadd.s32 $0xFFFFE0C0  }
0x5a: {  	[tilespmem:s17], [sflag:$0x1] =	stream.indirect.gather [spmem:s2], $0x40, s9, s19, $0xb8;
	[tilespmem:$0x1E700] =	vst v63  }
0x5b: {  	s10 =	simm.s32 $0x280  }
0x5c: {  	[tilespmem:s21], [sflag:$0x1] =	stream.indirect.gather [spmem:s2], $0x40, s10, s19, $0xb8;
	[tilespmem:$0x1E700] =	vst v63  }
0x5d: {  	_ =	swait.ge [sflag:s1], $0x100  }
0x5e: {  	[sflag:s1] =	ssyncset.done $0x0  }
0x5f: {  	[sflag:s1] =	ssyncadd.s32 $0xFFFFFF00  }
0x60: {  	_ =	swait.ge [sflag:s20], $0x1F40  }
0x61: {  	[sflag:s20] =	ssyncset.done $0x0  }
0x62: {  	[sflag:s20] =	ssyncadd.s32 $0xFFFFE0C0  }
0x63: {  	_ =	swait.ge [sflag:s20], $0x1F40  }
0x64: {  	[sflag:s20] =	ssyncset.done $0x0  }
0x65: {  	[sflag:s20] =	ssyncadd.s32 $0xFFFFE0C0  }
0x66: {  	[spmem:s3] =	stream.indirect.scatter.add.f32 [tilespmem:s24], [sflag:$0x4], $0x40, s29, s19, $0xb8;
	[tilespmem:$0x1E700] =	vst v63  }
0x67: {  	_ = 	snop  }
0x68: {  	[spmem:s3] =	stream.indirect.scatter.add.f32 [tilespmem:s28], [sflag:$0x4], $0x40, s22, s19, $0xb8;
	[tilespmem:$0x1E700] =	vst v63  }
0x69: {  	_ =	swait.ge [sflag:s26], $0x1F40  }
0x6a: {  	[sflag:s26] =	ssyncset.done $0x0  }
0x6b: {  	[sflag:s26] =	ssyncadd.s32 $0xFFFFE0C0  }
0x6c: {  	_ =	swait.ge [sflag:s26], $0x1F40  }
0x6d: {  	[sflag:s26] =	ssyncset.done $0x0  }
0x6e: {  	s11 =	simm.s32 $0x300;
	[sflag:s26] =	ssyncadd.s32 $0xFFFFE0C0  }
0x6f: {  	[tilespmem:s24], [sflag:$0x2] =	stream.indirect.gather [spmem:s2], $0x40, s11, s19, $0xb8;
	[tilespmem:$0x1E700] =	vst v63  }
0x70: {  	s10 =	simm.s32 $0x380  }
0x71: {  	[tilespmem:s28], [sflag:$0x2] =	stream.indirect.gather [spmem:s2], $0x40, s10, s19, $0xb8;
	[tilespmem:$0x1E700] =	vst v63  }
0x72: {  	s11 =	sadd.s32 $0x20, s6  }
0x73: {  	[tilespmem:s18], [sflag:$0x6] =	stream.linear.gather [hbm4b:s11+s4], $0x100, $0x38;
	[tilespmem:$0x1E700] =	vst v63  }
0x74: {  	_ =	swait.ge [sflag:s14], $0x100  }
0x75: {  	s9 =	simm.s32 $0x800;
	[sflag:s14] =	ssyncset.done $0x0  }
.LBB2_4:
0x76: {  	p0 =	sne.s32 s9, $0x9000;
	[sflag:s14] =	ssyncadd.s32 $0xFFFFFF00;
	s6 =	sadd.s32 $0x40, s6  }
0x77: {  	s10 =	smov.u32 s9;
	s9 =	sadd.s32 $0x800, s9  }
0x78: {  	[tilespmem:s29], [sflag:$0x5] =	stream.linear.gather [hbm4b:s6+s4], $0x100, $0x38;
	[tilespmem:$0x1E700] =	vst v63  }
0x79: {  	_ =	swait.ge [sflag:s30], $0x1F40  }
0x7a: {  	[sflag:s30] =	ssyncset.done $0x0  }
0x7b: {  	[sflag:s30] =	ssyncadd.s32 $0xFFFFE0C0  }
0x7c: {  	_ =	swait.ge [sflag:s30], $0x1F40  }
0x7d: {  	[sflag:s30] =	ssyncset.done $0x0  }
0x7e: {  	[sflag:s30] =	ssyncadd.s32 $0xFFFFE0C0  }
0x7f: {  	[spmem:s3] =	stream.indirect.scatter.add.f32 [tilespmem:s17], [sflag:$0x3], $0x40, s18, s19, $0xb8;
	[tilespmem:$0x1E700] =	vst v63  }
0x80: {  	_ = 	snop  }
0x81: {  	[spmem:s3] =	stream.indirect.scatter.add.f32 [tilespmem:s21], [sflag:$0x3], $0x40, s31, s19, $0xb8;
	[tilespmem:$0x1E700] =	vst v63  }
0x82: {  	_ =	swait.ge [sflag:s0], $0x1F40  }
0x83: {  	[sflag:s0] =	ssyncset.done $0x0  }
0x84: {  	[sflag:s0] =	ssyncadd.s32 $0xFFFFE0C0  }
0x85: {  	_ =	swait.ge [sflag:s0], $0x1F40  }
0x86: {  	s10 =	sshra.s32 s10, $0x2;
	[sflag:s0] =	ssyncset.done $0x0  }
0x87: {  	s11 =	sadd.s32 $0x200, s10;
	[sflag:s0] =	ssyncadd.s32 $0xFFFFE0C0  }
0x88: {  	[tilespmem:s17], [sflag:$0x1] =	stream.indirect.gather [spmem:s2], $0x40, s11, s19, $0xb8;
	[tilespmem:$0x1E700] =	vst v63  }
0x89: {  	s11 =	sadd.s32 $0x280, s10  }
0x8a: {  	[tilespmem:s21], [sflag:$0x1] =	stream.indirect.gather [spmem:s2], $0x40, s11, s19, $0xb8;
	[tilespmem:$0x1E700] =	vst v63  }
0x8b: {  	_ =	swait.ge [sflag:s1], $0x100  }
0x8c: {  	[sflag:s1] =	ssyncset.done $0x0  }
0x8d: {  	[sflag:s1] =	ssyncadd.s32 $0xFFFFFF00  }
0x8e: {  	_ =	swait.ge [sflag:s20], $0x1F40  }
0x8f: {  	[sflag:s20] =	ssyncset.done $0x0  }
0x90: {  	[sflag:s20] =	ssyncadd.s32 $0xFFFFE0C0  }
0x91: {  	_ =	swait.ge [sflag:s20], $0x1F40  }
0x92: {  	[sflag:s20] =	ssyncset.done $0x0  }
0x93: {  	[sflag:s20] =	ssyncadd.s32 $0xFFFFE0C0  }
0x94: {  	[spmem:s3] =	stream.indirect.scatter.add.f32 [tilespmem:s24], [sflag:$0x4], $0x40, s29, s19, $0xb8;
	[tilespmem:$0x1E700] =	vst v63  }
0x95: {  	_ = 	snop  }
0x96: {  	[spmem:s3] =	stream.indirect.scatter.add.f32 [tilespmem:s28], [sflag:$0x4], $0x40, s22, s19, $0xb8;
	[tilespmem:$0x1E700] =	vst v63  }
0x97: {  	_ =	swait.ge [sflag:s26], $0x1F40  }
0x98: {  	[sflag:s26] =	ssyncset.done $0x0  }
0x99: {  	[sflag:s26] =	ssyncadd.s32 $0xFFFFE0C0  }
0x9a: {  	_ =	swait.ge [sflag:s26], $0x1F40  }
0x9b: {  	[sflag:s26] =	ssyncset.done $0x0  }
0x9c: {  	s11 =	sadd.s32 $0x300, s10;
	[sflag:s26] =	ssyncadd.s32 $0xFFFFE0C0  }
0x9d: {  	[tilespmem:s24], [sflag:$0x2] =	stream.indirect.gather [spmem:s2], $0x40, s11, s19, $0xb8;
	[tilespmem:$0x1E700] =	vst v63  }
0x9e: {  	s10 =	sadd.s32 $0x380, s10  }
0x9f: {  	[tilespmem:s28], [sflag:$0x2] =	stream.indirect.gather [spmem:s2], $0x40, s10, s19, $0xb8;
	[tilespmem:$0x1E700] =	vst v63  }
.Ltmp1:
0xa0: {  	_ = 	snop;
	(pc) =	sbr.rel @p0 .LBB2_4-.Ltmp1, $4  }
0xa1: {  	s10 =	sadd.s32 $0x20, s6  }
0xa2: {  	[tilespmem:s18], [sflag:$0x6] =	stream.linear.gather [hbm4b:s10+s4], $0x100, $0x38;
	[tilespmem:$0x1E700] =	vst v63  }
0xa3: {  	_ =	swait.ge [sflag:s14], $0x100  }
0xa4: {  	[sflag:s14] =	ssyncset.done $0x0  }
0xa5: {  	[sflag:s14] =	ssyncadd.s32 $0xFFFFFF00;
	s6 =	sadd.s32 $0x4E0, s7  }
0xa6: {  	[tilespmem:s29], [sflag:$0x5] =	stream.linear.gather [hbm4b:s6+s4], $0x100, $0x38;
	[tilespmem:$0x1E700] =	vst v63  }
0xa7: {  	_ =	swait.ge [sflag:s30], $0x1F40  }
0xa8: {  	[sflag:s30] =	ssyncset.done $0x0  }
0xa9: {  	[sflag:s30] =	ssyncadd.s32 $0xFFFFE0C0  }
0xaa: {  	_ =	swait.ge [sflag:s30], $0x1F40  }
0xab: {  	[sflag:s30] =	ssyncset.done $0x0  }
0xac: {  	[sflag:s30] =	ssyncadd.s32 $0xFFFFE0C0  }
0xad: {  	[spmem:s3] =	stream.indirect.scatter.add.f32 [tilespmem:s17], [sflag:$0x3], $0x40, s18, s19, $0xb8;
	[tilespmem:$0x1E700] =	vst v63  }
0xae: {  	_ = 	snop  }
0xaf: {  	[spmem:s3] =	stream.indirect.scatter.add.f32 [tilespmem:s21], [sflag:$0x3], $0x40, s31, s19, $0xb8;
	[tilespmem:$0x1E700] =	vst v63  }
0xb0: {  	_ =	swait.ge [sflag:s0], $0x1F40  }
0xb1: {  	[sflag:s0] =	ssyncset.done $0x0  }
0xb2: {  	[sflag:s0] =	ssyncadd.s32 $0xFFFFE0C0  }
0xb3: {  	_ =	swait.ge [sflag:s0], $0x1F40  }
0xb4: {  	[sflag:s0] =	ssyncset.done $0x0  }
0xb5: {  	[sflag:s0] =	ssyncadd.s32 $0xFFFFE0C0  }
0xb6: {  	_ =	swait.ge [sflag:s1], $0x100  }
0xb7: {  	[sflag:s1] =	ssyncset.done $0x0  }
0xb8: {  	[sflag:s1] =	ssyncadd.s32 $0xFFFFFF00  }
0xb9: {  	_ =	swait.ge [sflag:s20], $0x1F40  }
0xba: {  	[sflag:s20] =	ssyncset.done $0x0  }
0xbb: {  	[sflag:s20] =	ssyncadd.s32 $0xFFFFE0C0  }
0xbc: {  	_ =	swait.ge [sflag:s20], $0x1F40  }
0xbd: {  	[sflag:s20] =	ssyncset.done $0x0  }
0xbe: {  	[sflag:s20] =	ssyncadd.s32 $0xFFFFE0C0  }
0xbf: {  	[spmem:s3] =	stream.indirect.scatter.add.f32 [tilespmem:s24], [sflag:$0x4], $0x40, s29, s19, $0xb8;
	[tilespmem:$0x1E700] =	vst v63  }
0xc0: {  	_ = 	snop  }
0xc1: {  	[spmem:s3] =	stream.indirect.scatter.add.f32 [tilespmem:s28], [sflag:$0x4], $0x40, s22, s19, $0xb8;
	[tilespmem:$0x1E700] =	vst v63  }
0xc2: {  	_ =	swait.ge [sflag:s26], $0x1F40  }
0xc3: {  	[sflag:s26] =	ssyncset.done $0x0  }
0xc4: {  	[sflag:s26] =	ssyncadd.s32 $0xFFFFE0C0  }
0xc5: {  	_ =	swait.ge [sflag:s26], $0x1F40  }
0xc6: {  	[sflag:s26] =	ssyncset.done $0x0  }
0xc7: {  	[sflag:s26] =	ssyncadd.s32 $0xFFFFE0C0  }
0xc8: {  	[bflag:$0x0] =	sbarrier.arrive $0xFFFF  }
0xc9: {  	[hbm:s23], [sflag:s15] =	dma.local [spmem:s25], $0x1400  }
0xca: {  	_ =	swait.ge [sflag:s14], $0x1400  }
0xcb: {  	s5 =	sadd.s32 $0x1, s5;
	s11 =	rddreg [dreg:$0x6]  }
0xcc: {  	p0 =	sne.s32 s5, s11  }
.Ltmp2:
0xcd: {  	_ = 	snop;
	(pc) =	sbr.rel @p0 .LBB2_1-.Ltmp2, $3  }
0xce: {  	_ =	sdelay $0x1  }
0xcf: {  	[sflag:s14] =	ssyncset.done $0x0  }
0xd0: {  	[sflag:s14] =	ssyncadd.s32 $0xFFFFEC00  }
0xd1: {  	_ =	sfence.sel $0x180000  }
0xd2: {  	[bflag:$0x0] =	sbarrier.arrive $0xFFFF  }
0xd3: {  	_ =	strace $0x9000004A  }
0xd4: {  	s0 =	stileid.u32;
	[bflag:$0x2] =	sbarrier.arrive $0xFFFF  }
0xd5: {  	p0 =	sne.s32 s0, $0x0;
	s0 =	rddreg [dreg:$0x3]  }
0xd6: {  	s0 =	sadd.s32 @!p0 $0x100000, s0  }
0xd7: {  	[sflag:s0] =	ssyncadd.tile.s32 @!p0 $0x1;
	_ =	shalt  }
.Lfunc_end2:
_tile_overlayer_lowered:
.L_overlay_start_2:
0xd8: {  	(tag) =	ssettag $0x2  }
0xd9: {  	s0 =	rddreg [dreg:$0x0];
	s2 =	stileid.u32  }
0xda: {  	s1 =	rddreg [dreg:$0x1];
	p0 =	sne.s32 s2, $0x0  }
0xdb: {  	s3 =	rddreg [dreg:$0x2];
	[bflag:$0x3] =	sbarrier.arrive $0xFFFF;
	s2 =	simm.s32 @!p0 $0x1C06  }
0xdc: {  	[timem:s3], [sflag:s2] =	dma.local @!p0 [hbm:s0], s1  }
0xdd: {  	s0 =	simm.s32 @!p0 $0x6  }
0xde: {  	_ =	swait.ge @!p0 [sflag:s0], s1  }
0xdf: {  	s1 =	ssub.s32 @!p0 $0x0, s1;
	[sflag:s0] =	ssyncset.done @!p0 $0x0  }
0xe0: {  	[sflag:s0] =	ssyncadd.s32 @!p0 s1  }
0xe1: {  	[bflag:$0x3] =	sbarrier.arrive $0xFFFF  }
0xe2: {  	_ =	shalt  }

// kernel: kernel.16.cloned.1.call-start
scs
__scs_entry_jumppad:
0x0: {  	(pc) =	sbr.rel $0x88, $3  }
0x1: {  	(tag) =	ssettag $0x0;
	lr =	simm.s32 $0x1  }
0x2: {  	[smem:$0x3F98] =	sst lr;
	_ =	strace $0xD0000000  }
0x3: {  	_ = 	snop  }
0x4: {  	_ = 	snop  }
0x5: {  	_ = 	snop  }
0x6: {  	_ = 	snop  }
0x7: {  	_ = 	snop  }
__scs_overlays_trampoline_lowered:
0x8: {  	[smem:$0x3FA7] =	sst s0  }
0x9: {  	[smem:$0x3FA8] =	sst s1  }
0xa: {  	[smem:$0x3FA9] =	sst s2  }
0xb: {  	[smem:$0x3FAA] =	sst s3  }
0xc: {  	[smem:$0x3FAB] =	sst s4  }
0xd: {  	[smem:$0x3FAC] =	sst s5  }
0xe: {  	[smem:$0x3FAD] =	sst s6  }
0xf: {  	[smem:$0x3FAE] =	sst s7  }
0x10: {  	[smem:$0x3FAF] =	sst s8  }
0x11: {  	[smem:$0x3FB0] =	sst s9;
	s0 =	simm.s32 @!p0 $0x0  }
0x12: {  	s1 =	sld [smem:$0x3F96];
	s0 =	simm.s32 @p0 $0x1  }
0x13: {  	[smem:$0x3FB1] =	sst s0;
	s0 =	simm.s32 @!p1 $0x0  }
0x14: {  	s2 =	sld [smem:$0x3F95];
	s0 =	simm.s32 @p1 $0x1  }
0x15: {  	[smem:$0x3FB2] =	sst s0;
	s0 =	simm.s32 @!p2 $0x0  }
0x16: {  	s3 =	sld [smem:$0x3FDB];
	s0 =	simm.s32 @p2 $0x1  }
0x17: {  	s4 =	simm.s32 $0x1BF5;
	[smem:$0x3FB4] =	sst s0  }
0x18: {  	s0 =	sld [smem:$0x3F97];
	_ =	swait.ge [sflag:s4], $0x0  }
0x19: {  	s7 =	sld [smem:$0x3F98]  }
0x1a: {  	s8 =	sadd.s32 $0xFFFFE003, lr  }
0x1b: {  	s9 =	sadd.s32 $0xFFFFFEF7, lr;
	s5 =	simm.s32 $0xFFFFFFFF;
	p2 =	slt.u32 s8, $0xFFFFF086  }
0x1c: {  	p1 =	slt.u32 s9, $0xF7A;
	s5 =	simm.s32 @!p2 $0x0  }
0x1d: {  	s5 =	simm.s32 @p1 $0x1;
	p0 =	seq.s32 s7, s2  }
0x1e: {  	s7 =	smul.u32 @!p0 $0xF7A, s2;
	p2 =	seq.s32 @!p0 s5, $0x0  }
0x1f: {  	s9 =	smul.u32 $0xF7A, s1;
	s8 =	simm.s32 @!p0 $0x1BF5;
	p2 =	por !p2, p0  }
0x20: {  	[sflag:s8] =	ssyncset.s32 @!p0 $0xFFFFF086;
	s6 =	sadd.s32 @!p0 s3, s7;
	s7 =	simm.s32 @!p0 $0x108  }
0x21: {  	s3 =	sadd.s32 s3, s9;
	s6 =	sadd.s32 @!p0 $0x88, s6;
	s7 =	simm.s32 @p2 $0x1082  }
0x22: {  	[simem:s7], [sflag:s8] =	dma.local @!p0 [hbm:s6], $0xF7A  }
0x23: {  	s9 =	sor.u32 $0xD0000000, s2;
	s6 =	simm.s32 $0x108;
	_ =	swait.ge @!p0 [sflag:s8], $0x0  }
0x24: {  	s3 =	sadd.s32 $0x88, s3;
	s6 =	simm.s32 @!p1 $0x1082;
	[sflag:s4] =	ssyncset.s32 $0xFFFFF086  }
0x25: {  	[simem:s6], [sflag:s4] =	dma.local [hbm:s3], $0xF7A  }
0x26: {  	[smem:$0x3F98] =	sst s1;
	(tag) =	ssettag s2;
	_ =	strace s9  }
0x27: {  	s1 =	sld [smem:$0x3FA8]  }
0x28: {  	s2 =	sld [smem:$0x3FA9]  }
0x29: {  	s4 =	sld [smem:$0x3FAB]  }
0x2a: {  	p0 =	seq.s32 s5, $0x0;
	s5 =	sld [smem:$0x3FAC]  }
0x2b: {  	s6 =	sld [smem:$0x3FAD]  }
0x2c: {  	s7 =	sld [smem:$0x3FAE]  }
0x2d: {  	s3 =	simm.s32 $0x108;
	s8 =	sld [smem:$0x3FAF]  }
0x2e: {  	s3 =	simm.s32 @!p0 $0x1082;
	s9 =	sld [smem:$0x3FB0]  }
0x2f: {  	lr =	sadd.s32 s0, s3;
	s0 =	sld [smem:$0x3FA7]  }
0x30: {  	s3 =	sld [smem:$0x3FAA]  }
0x31: {  	[smem:$0x3FB3] =	sst s10  }
0x32: {  	s10 =	sld [smem:$0x3FB1];
	_ =	sdelay $0x3  }
0x33: {  	p0 =	seq.s32 s10, $0x1;
	s10 =	sld [smem:$0x3FB3];
	_ =	sdelay $0x3  }
0x34: {  	[smem:$0x3FB3] =	sst s10  }
0x35: {  	s10 =	sld [smem:$0x3FB2];
	_ =	sdelay $0x3  }
0x36: {  	p1 =	seq.s32 s10, $0x1;
	s10 =	sld [smem:$0x3FB3];
	_ =	sdelay $0x3  }
0x37: {  	[smem:$0x3FB3] =	sst s10  }
0x38: {  	s10 =	sld [smem:$0x3FB4]  }
0x39: {  	_ = 	snop;
	(pc) =	sbr.ind lr, $3  }
0x3a: {  	_ = 	snop  }
0x3b: {  	_ = 	snop  }
0x3c: {  	p2 =	seq.s32 s10, $0x1;
	s10 =	sld [smem:$0x3FB3]  }
0x3d: {  	_ =	shalt  }
0x3e: {  	_ =	shalt  }
0x3f: {  	_ =	shalt  }
0x40: {  	_ =	shalt  }
0x41: {  	_ =	shalt  }
0x42: {  	_ =	shalt  }
0x43: {  	_ =	shalt  }
0x44: {  	_ =	shalt  }
0x45: {  	_ =	shalt  }
0x46: {  	_ =	shalt  }
0x47: {  	_ =	shalt  }
0x48: {  	_ =	shalt  }
0x49: {  	_ =	shalt  }
0x4a: {  	_ =	shalt  }
0x4b: {  	_ =	shalt  }
0x4c: {  	_ =	shalt  }
0x4d: {  	_ =	shalt  }
0x4e: {  	_ =	shalt  }
0x4f: {  	_ =	shalt  }
0x50: {  	_ =	shalt  }
0x51: {  	_ =	shalt  }
0x52: {  	_ =	shalt  }
0x53: {  	_ =	shalt  }
0x54: {  	_ =	shalt  }
0x55: {  	_ =	shalt  }
0x56: {  	_ =	shalt  }
0x57: {  	_ =	shalt  }
0x58: {  	_ =	shalt  }
0x59: {  	_ =	shalt  }
0x5a: {  	_ =	shalt  }
0x5b: {  	_ =	shalt  }
0x5c: {  	_ =	shalt  }
0x5d: {  	_ =	shalt  }
0x5e: {  	_ =	shalt  }
0x5f: {  	_ =	shalt  }
0x60: {  	_ =	shalt  }
0x61: {  	_ =	shalt  }
0x62: {  	_ =	shalt  }
0x63: {  	_ =	shalt  }
0x64: {  	_ =	shalt  }
0x65: {  	_ =	shalt  }
0x66: {  	_ =	shalt  }
0x67: {  	_ =	shalt  }
0x68: {  	_ =	shalt  }
0x69: {  	_ =	shalt  }
0x6a: {  	_ =	shalt  }
0x6b: {  	_ =	shalt  }
0x6c: {  	_ =	shalt  }
0x6d: {  	_ =	shalt  }
0x6e: {  	_ =	shalt  }
0x6f: {  	_ =	shalt  }
0x70: {  	_ =	shalt  }
0x71: {  	_ =	shalt  }
0x72: {  	_ =	shalt  }
0x73: {  	_ =	shalt  }
0x74: {  	_ =	shalt  }
0x75: {  	_ =	shalt  }
0x76: {  	_ =	shalt  }
0x77: {  	_ =	shalt  }
0x78: {  	_ =	shalt  }
0x79: {  	_ =	shalt  }
0x7a: {  	_ =	shalt  }
0x7b: {  	_ =	shalt  }
0x7c: {  	_ =	shalt  }
0x7d: {  	_ =	shalt  }
0x7e: {  	_ =	shalt  }
0x7f: {  	_ =	shalt  }
0x80: {  	_ =	shalt  }
0x81: {  	_ =	shalt  }
0x82: {  	_ =	shalt  }
0x83: {  	_ =	shalt  }
0x84: {  	_ =	shalt  }
0x85: {  	_ =	shalt  }
0x86: {  	_ =	shalt  }
0x87: {  	_ =	shalt  }
.Lfunc_end0:
.L_simem_size_0:
called_computation.2_lowered:
.L_overlay_start_0:
0x88: {  	s2 =	sld [smem:$0x3FD9]  }
0x89: {  	s3 =	sld [smem:$0x3FFE];
	_ =	sdelay $0x1  }
0x8a: {  	s1 =	srdreg.scid  }
0x8b: {  	s0 =	sand.u32 $0x1, s1  }
0x8c: {  	s16 =	sshll.u32 s0, $0xA;
	s2 =	sadd.s32 s3, s2  }
0x8d: {  	s2 =	sadd.s32 s2, s16  }
0x8e: {  	[smem:$0x3FBF] =	sst s2  }
0x8f: {  	_ = 	snop  }
0x90: {  	(tm) =	ssettm $0x1  }
0x91: {  	s17 =	sld [smem:$0x3FFB];
	_ =	sdelay $0x3  }
0x92: {  	_ =	strace s17  }
0x93: {  	s2 =	sld [smem:$0x3FFC];
	_ =	sdelay $0x3  }
0x94: {  	_ =	strace s2  }
0x95: {  	s2 =	sld [smem:$0x3FFD];
	_ =	sdelay $0x3  }
0x96: {  	_ =	strace s2  }
0x97: {  	_ =	strace $0x8FFFFFFF  }
0x98: {  	s18 =	sld [smem:$0x3FDB];
	_ =	sdelay $0x1  }
0x99: {  	s19 =	simm.s32 $_scs_section_size  }
0x9a: {  	s4 =	simm.s32 $_size__tile_overlayer_lowered;
	s5 =	simm.s32 $_tile_overlayer_lowered  }
0x9b: {  	s22 =	simm.s32 $0x1BFF;
	s21 =	sshll.u32 s5, $0x1;
	s2 =	sadd.s32 s19, s18  }
0x9c: {  	s6 =	simm.s32 $0x0;
	s20 =	sshll.u32 s4, $0x1;
	s4 =	sadd.s32 s21, s2  }
0x9d: {  	[timem:s6], [sflag:s22] =	dma.local [hbm:s4], s20  }
0x9e: {  	_ =	swait.ge [sflag:s22], s20  }
0x9f: {  	s3 =	ssub.s32 $0x0, s20;
	[sflag:s22] =	ssyncset.done $0x0  }
0xa0: {  	[sflag:s22] =	ssyncadd.s32 s3;
	_ =	sdelay $0x1  }
0xa1: {  	s23 =	simm.s32 $0x1B8B  }
0xa2: {  	_ =	swait.ge [sflag:s23], $0x1  }
0xa3: {  	[sflag:s23] =	ssyncset.done $0x0  }
0xa4: {  	s25 =	simm.s32 $0x1B8E;
	s24 =	sld [smem:$0x3FFE];
	[sflag:s23] =	ssyncadd.s32 $0xFFFFFFFF  }
0xa5: {  	s26 =	simm.s32 $execute0_lowered;
	[smem:$0x3FD2] =	sst s25  }
0xa6: {  	s4 =	sshll.u32 s26, $0x1;
	_ =	strace $0x8000004C;
	[dreg:$0x1] =	wrdreg $0xFFFFFFFF  }
0xa7: {  	s28 =	simm.s32 $_size_execute0_lowered;
	s2 =	sadd.s32 s2, s4;
	[dreg:$0x0] =	wrdreg $0x0  }
0xa8: {  	s4 =	sshll.u32 s28, $0x1;
	[dreg:$0x2] =	wrdreg s2  }
0xa9: {  	[dreg:$0x3] =	wrdreg s4  }
0xaa: {  	[dreg:$0x4] =	wrdreg $0xC0  }
0xab: {  	_ =	task [dreg:s6], $0x5FFFF  }
0xac: {  	[dreg:$0x1] =	wrdreg $0xFFFFFFFF  }
0xad: {  	[dreg:$0x0] =	wrdreg $0x60  }
0xae: {  	[dreg:$0x2] =	wrdreg s24  }
0xaf: {  	[dreg:$0x3] =	wrdreg $0xF9000  }
0xb0: {  	[dreg:$0x4] =	wrdreg $0xA9000  }
0xb1: {  	[dreg:$0x5] =	wrdreg $0x9  }
0xb2: {  	_ =	task.clear_ibuf [dreg:s6], $0x6FFFF;
	_ =	strace $0x9000004C  }
0xb3: {  	s29 =	simm.s32 $0x9;
	_ =	strace $0x8000004E  }
0xb4: {  	_ =	swait.ge [sflag:s29], $0x1  }
0xb5: {  	[sflag:s29] =	ssyncadd.s32 $0xFFFFFFFF  }
0xb6: {  	_ =	strace $0x9000004E  }
0xb7: {  	_ =	sfence  }
0xb8: {  	s30 =	sld [smem:$0x0];
	_ =	sdelay $0x2  }
0xb9: {  	s31 =	sshll.u32 s1, $0xD;
	s1 =	sshrl.u32 s1, $0x2  }
0xba: {  	s3 =	sand.u32 $0x4000, s31;
	s1 =	sadd.s32 s1, s30  }
0xbb: {  	s0 =	sor.u32 s3, s0;
	s1 =	sshll.u32 s1, $0x11  }
0xbc: {  	s0 =	sor.u32 s1, s0  }
0xbd: {  	s0 =	sadd.s32 $0x8F2B, s0  }
0xbe: {  	[sflag:s0] =	ssyncadd.remote.s32 $0x1  }
0xbf: {  	_ =	sfence.sel $0xFFFF  }
0xc0: {  	[dreg:$0x0] =	wrdreg $0xFFFFFFFF;
	(pc) =	sbr.abs _section_cstart, $3  }
0xc1: {  	[dreg:$0x1] =	wrdreg $0xFFFFFFFF  }
0xc2: {  	_ =	task.clear_ibuf [dreg:s6], $0x2FFFF;
	_ =	strace $0x9FFFFFFF  }
0xc3: {  	(tm) =	ssettm $0x7FFFFFFF  }
tec
execute0_lowered:
.L_overlay_start_1:
0x0: {  	(tag) =	ssettag $0x1  }
0x1: {  	s0 =	rddreg [dreg:$0x0]  }
0x2: {  	s2 =	rddreg [dreg:$0x1]  }
0x3: {  	s3 =	rddreg [dreg:$0x2];
	s4 =	simm.s32 $0x0;
	s12 =	stileid.u32  }
0x4: {  	s1 =	srdreg.scid;
	s14 =	simm.s32 $0x6;
	s28 =	simm.s32 $0x5AE0  }
0x5: {  	s30 =	simm.s32 $0x6A80;
	s29 =	simm.s32 $0x2A00;
	s31 =	simm.s32 $0x1  }
0x6: {  	s13 =	simm.s32 $0x2B80;
	s16 =	simm.s32 $0x4;
	s5 =	smul.u32 $0x5000, s12  }
0x7: {  	s1 =	sand.u32 $0x1, s1;
	s6 =	sshll.u32 s12, $0x1;
	[smem:$0x7FF] =	sst s4  }
0x8: {  	s11 =	smul.u32 $0x14000, s12;
	s24 =	sshll.u32 s12, $0x6;
	s12 =	simm.s32 $0x2B00  }
0x9: {  	s6 =	sor.u32 s1, s6;
	_ =	strace $0x8000004D;
	s9 =	smul.u32 $0xA000, s1  }
0xa: {  	s1 =	ssub.s32 $0x2, s1;
	s15 =	sor.u32 $0x1C06, s24;
	s24 =	simm.s32 $0x4B40  }
0xb: {  	s8 =	sshrl.u32 s5, $0x3;
	s6 =	smul.u32 $0x500, s6;
	s10 =	sshrl.u32 s1, $0x1  }
0xc: {  	s18 =	sadd.s32 s5, s2;
	s19 =	sshrl.u32 s11, $0x2;
	s5 =	sadd.s32 s5, s3  }
0xd: {  	s11 =	simm.s32 $0x2A80;
	[dreg:$0xd] =	wrdreg s15;
	s7 =	sadd.s32 s8, s0  }
0xe: {  	s1 =	ssub.s32 s1, s10;
	s20 =	sadd.s32 s19, s3;
	s25 =	sshrl.u32 s18, $0x3  }
0xf: {  	s18 =	simm.s32 $0x2800;
	s19 =	simm.s32 $0x7D;
	[dreg:$0x7] =	wrdreg s20  }
0x10: {  	s26 =	sshrl.u32 s5, $0x3;
	s5 =	simm.s32 $0x2980;
	[dreg:$0xe] =	wrdreg s25  }
0x11: {  	s10 =	simm.s32 $0x2;
	s7 =	sadd.s32 $0x1B400, s7;
	[dreg:$0x10] =	wrdreg s26  }
0x12: {  	s6 =	sadd.s32 s6, s0;
	s1 =	smax.u32 s1, $0x1;
	[dreg:$0x5] =	wrdreg s7  }
0x13: {  	s0 =	sadd.s32 s9, s0;
	s21 =	sadd.s32 $0x1000, s20;
	[dreg:$0x8] =	wrdreg s1  }
0x14: {  	s22 =	sadd.s32 $0x2000, s20;
	s23 =	sadd.s32 $0x3000, s20;
	[dreg:$0x9] =	wrdreg s21  }
0x15: {  	s26 =	simm.s32 $0x9960;
	s9 =	simm.s32 $0x5;
	[dreg:$0xa] =	wrdreg s22  }
0x16: {  	s17 =	sadd.s32 $0x11400, s6;
	s6 =	sadd.s32 $0x2200, s6;
	[dreg:$0xb] =	wrdreg s23  }
.Ltmp0:
0x17: {  	s0 =	sadd.s32 $0x25400, s0;
	[dreg:$0x4] =	wrdreg s17;
	(pc) =	sbr.rel .LBB2_1-.Ltmp0, $4  }
0x18: {  	s1 =	simm.s32 $0x2880;
	s22 =	simm.s32 $0x2900;
	[dreg:$0x6] =	wrdreg s6  }
0x19: {  	s6 =	sadd.s32 $0x4000, s20;
	s17 =	simm.s32 $0x2C00;
	s0 =	sadd.s32 s8, s0  }
0x1a: {  	s20 =	simm.s32 $0x89C0;
	s8 =	simm.s32 $0x0;
	[dreg:$0xc] =	wrdreg s6  }
0x1b: {  	v0 =	vimm.f32 $0.0e+00;
	[dreg:$0xf] =	wrdreg s0;
	s0 =	simm.s32 $0x7A20;
	s6 =	simm.s32 $0x3  }
.LBB2_6:
0x1c: {  	[bflag:$0x0] =	sbarrier.arrive $0xFFFF  }
0x1d: {  	s15 =	rddreg [dreg:$0xd]  }
0x1e: {  	s7 =	rddreg [dreg:$0xf]  }
0x1f: {  	s8 =	rddreg [dreg:$0x10]  }
0x20: {  	[hbm:s7], [sflag:s15] =	dma.local [spmem:s8], $0xA00  }
0x21: {  	_ =	swait.ge [sflag:s14], $0xA00  }
0x22: {  	s23 =	rddreg [dreg:$0x11]  }
0x23: {  	s25 =	rddreg [dreg:$0x8];
	s8 =	sadd.s32 $0x1, s23  }
0x24: {  	p0 =	sne.s32 s8, s25  }
.Ltmp1:
0x25: {  	_ = 	snop;
	(pc) =	sbr.rel @!p0 .LBB2_7-.Ltmp1, $3  }
0x26: {  	_ =	sdelay $0x1  }
0x27: {  	[sflag:s14] =	ssyncset.done $0x0  }
0x28: {  	[sflag:s14] =	ssyncadd.s32 $0xFFFFF600  }
.LBB2_1:
0x29: {  	[dreg:$0x11] =	wrdreg s8  }
0x2a: {  	s7 =	rddreg [dreg:$0x4]  }
0x2b: {  	[tilespmem:s4], [sflag:$0x6] =	stream.linear.gather [hbm4b:s7+s4], $0x2800, $0x38;
	[tilespmem:$0x14900] =	vst v63  }
0x2c: {  	_ =	swait.ge [sflag:s14], $0x2800  }
0x2d: {  	[sflag:s14] =	ssyncset.done $0x0;
	s23 =	rddreg [dreg:$0x5]  }
0x2e: {  	s25 =	rddreg [dreg:$0xe];
	[sflag:s14] =	ssyncadd.s32 $0xFFFFD800  }
0x2f: {  	[spmem:s25], [sflag:s15] =	dma.local [hbm:s23], $0xA00  }
0x30: {  	_ =	swait.ge [sflag:s14], $0xA00  }
0x31: {  	[sflag:s14] =	ssyncset.done $0x0  }
0x32: {  	s8 =	simm.s32 $0x80;
	s25 =	simm.s32 $0x0;
	[sflag:s14] =	ssyncadd.s32 $0xFFFFF600  }
.LBB2_2:
0x33: {  	p0 =	sne.s32 s8, $0x3F80;
	[tilespmem:s25+$0x2C00] =	vst v0;
	s7 =	smov.u32 s8;
	s8 =	sadd.s32 $0x80, s8  }
.Ltmp2:
0x34: {  	[tilespmem:s25+$0x2C10] =	vst v0;
	(pc) =	sbr.rel @p0 .LBB2_2-.Ltmp2, $2  }
0x35: {  	_ =	sdelay $0x2  }
0x36: {  	s25 =	sshra.s32 s7, $0x2  }
0x37: {  	[tilespmem:s25+$0x2C00] =	vst v0  }
0x38: {  	[tilespmem:s25+$0x2C10] =	vst v0;
	s7 =	rddreg [dreg:$0x7]  }
0x39: {  	[spmem:s7] =	stream.linear.scatter [tilespmem:s17], [sflag:$0x6], $0x1000, $0x38;
	[tilespmem:$0x14900] =	vst v63  }
0x3a: {  	_ =	swait.ge [sflag:s14], $0x1000  }
0x3b: {  	[sflag:s14] =	ssyncset.done $0x0  }
0x3c: {  	s21 =	rddreg [dreg:$0x9];
	[sflag:s14] =	ssyncadd.s32 $0xFFFFF000  }
0x3d: {  	[spmem:s21] =	stream.linear.scatter [tilespmem:s17], [sflag:$0x6], $0x1000, $0x38;
	[tilespmem:$0x14900] =	vst v63  }
0x3e: {  	_ =	swait.ge [sflag:s14], $0x1000  }
0x3f: {  	[sflag:s14] =	ssyncset.done $0x0  }
0x40: {  	s23 =	rddreg [dreg:$0xa];
	[sflag:s14] =	ssyncadd.s32 $0xFFFFF000  }
0x41: {  	[spmem:s23] =	stream.linear.scatter [tilespmem:s17], [sflag:$0x6], $0x1000, $0x38;
	[tilespmem:$0x14900] =	vst v63  }
0x42: {  	_ =	swait.ge [sflag:s14], $0x1000  }
0x43: {  	[sflag:s14] =	ssyncset.done $0x0  }
0x44: {  	s25 =	rddreg [dreg:$0xb];
	[sflag:s14] =	ssyncadd.s32 $0xFFFFF000  }
0x45: {  	[spmem:s25] =	stream.linear.scatter [tilespmem:s17], [sflag:$0x6], $0x1000, $0x38;
	[tilespmem:$0x14900] =	vst v63  }
0x46: {  	_ =	swait.ge [sflag:s14], $0x1000  }
0x47: {  	[sflag:s14] =	ssyncset.done $0x0  }
0x48: {  	s8 =	rddreg [dreg:$0xc];
	[sflag:s14] =	ssyncadd.s32 $0xFFFFF000  }
0x49: {  	[spmem:s8] =	stream.linear.scatter [tilespmem:s17], [sflag:$0x6], $0x1000, $0x38;
	[tilespmem:$0x14900] =	vst v63  }
0x4a: {  	_ =	swait.ge [sflag:s14], $0x1000  }
0x4b: {  	[sflag:s14] =	ssyncset.done $0x0  }
0x4c: {  	[sflag:s14] =	ssyncadd.s32 $0xFFFFF000  }
0x4d: {  	[bflag:$0x0] =	sbarrier.arrive $0xFFFF  }
0x4e: {  	s25 =	simm.s32 $0x0;
	s7 =	rddreg [dreg:$0x6]  }
0x4f: {  	[tilespmem:s18], [sflag:$0x6] =	stream.linear.gather [hbm4b:s7+s25], $0x200, $0x38;
	[tilespmem:$0x14900] =	vst v63  }
0x50: {  	_ =	swait.ge [sflag:s14], $0x200  }
0x51: {  	[sflag:s14] =	ssyncset.done $0x0  }
0x52: {  	[sflag:s14] =	ssyncadd.s32 $0xFFFFFE00  }
0x53: {  	[tilespmem:s17], [sflag:$0x1] =	stream.indirect.gather [spmem:s2], $0x20, s25, s19, $0xb8;
	[tilespmem:$0x14900] =	vst v63  }
0x54: {  	s15 =	simm.s32 $0x3BA0;
	s8 =	simm.s32 $0x80  }
0x55: {  	[tilespmem:s15], [sflag:$0x1] =	stream.indirect.gather [spmem:s2], $0x20, s8, s19, $0xb8;
	[tilespmem:$0x14900] =	vst v63  }
0x56: {  	s15 =	simm.s32 $0x100  }
0x57: {  	[tilespmem:s24], [sflag:$0x1] =	stream.indirect.gather [spmem:s2], $0x20, s15, s19, $0xb8;
	[tilespmem:$0x14900] =	vst v63  }
0x58: {  	s21 =	simm.s32 $0x180  }
0x59: {  	[tilespmem:s28], [sflag:$0x1] =	stream.indirect.gather [spmem:s2], $0x20, s21, s19, $0xb8;
	[tilespmem:$0x14900] =	vst v63  }
0x5a: {  	s23 =	simm.s32 $0x200  }
0x5b: {  	[tilespmem:s30], [sflag:$0x2] =	stream.indirect.gather [spmem:s2], $0x20, s23, s19, $0xb8;
	[tilespmem:$0x14900] =	vst v63  }
0x5c: {  	s15 =	simm.s32 $0x280  }
0x5d: {  	[tilespmem:s0], [sflag:$0x2] =	stream.indirect.gather [spmem:s2], $0x20, s15, s19, $0xb8;
	[tilespmem:$0x14900] =	vst v63  }
0x5e: {  	s21 =	simm.s32 $0x300  }
0x5f: {  	[tilespmem:s20], [sflag:$0x2] =	stream.indirect.gather [spmem:s2], $0x20, s21, s19, $0xb8;
	[tilespmem:$0x14900] =	vst v63  }
0x60: {  	s8 =	sadd.s32 $0x40, s7;
	s23 =	simm.s32 $0x380  }
0x61: {  	[tilespmem:s26], [sflag:$0x2] =	stream.indirect.gather [spmem:s2], $0x20, s23, s19, $0xb8;
	[tilespmem:$0x14900] =	vst v63  }
.LBB2_4:
0x62: {  	[tilespmem:s29], [sflag:$0x5] =	stream.linear.gather [hbm4b:s8+s4], $0x200, $0x38;
	[tilespmem:$0x14900] =	vst v63  }
0x63: {  	_ =	swait.ge [sflag:s31], $0xFA0  }
0x64: {  	[sflag:s31] =	ssyncset.done $0x0  }
0x65: {  	[sflag:s31] =	ssyncadd.s32 $0xFFFFF060  }
0x66: {  	_ =	swait.ge [sflag:s31], $0xFA0  }
0x67: {  	[sflag:s31] =	ssyncset.done $0x0  }
0x68: {  	[sflag:s31] =	ssyncadd.s32 $0xFFFFF060  }
0x69: {  	_ =	swait.ge [sflag:s31], $0xFA0  }
0x6a: {  	[sflag:s31] =	ssyncset.done $0x0  }
0x6b: {  	[sflag:s31] =	ssyncadd.s32 $0xFFFFF060  }
0x6c: {  	_ =	swait.ge [sflag:s31], $0xFA0  }
0x6d: {  	[sflag:s31] =	ssyncset.done $0x0  }
0x6e: {  	[sflag:s31] =	ssyncadd.s32 $0xFFFFF060  }
0x6f: {  	[spmem:s3] =	stream.indirect.scatter.add.f32 [tilespmem:s17], [sflag:$0x3], $0x20, s18, s19, $0xb8;
	[tilespmem:$0x14900] =	vst v63  }
0x70: {  	s7 =	simm.s32 $0x3BA0  }
0x71: {  	[spmem:s3] =	stream.indirect.scatter.add.f32 [tilespmem:s7], [sflag:$0x3], $0x20, s1, s19, $0xb8;
	[tilespmem:$0x14900] =	vst v63  }
0x72: {  	_ = 	snop  }
0x73: {  	[spmem:s3] =	stream.indirect.scatter.add.f32 [tilespmem:s24], [sflag:$0x3], $0x20, s22, s19, $0xb8;
	[tilespmem:$0x14900] =	vst v63  }
0x74: {  	_ = 	snop  }
0x75: {  	[spmem:s3] =	stream.indirect.scatter.add.f32 [tilespmem:s28], [sflag:$0x3], $0x20, s5, s19, $0xb8;
	[tilespmem:$0x14900] =	vst v63  }
0x76: {  	_ =	swait.ge [sflag:s6], $0xFA0  }
0x77: {  	[sflag:s6] =	ssyncset.done $0x0  }
0x78: {  	[sflag:s6] =	ssyncadd.s32 $0xFFFFF060  }
0x79: {  	_ =	swait.ge [sflag:s6], $0xFA0  }
0x7a: {  	[sflag:s6] =	ssyncset.done $0x0  }
0x7b: {  	[sflag:s6] =	ssyncadd.s32 $0xFFFFF060  }
0x7c: {  	_ =	swait.ge [sflag:s6], $0xFA0  }
0x7d: {  	[sflag:s6] =	ssyncset.done $0x0  }
0x7e: {  	[sflag:s6] =	ssyncadd.s32 $0xFFFFF060  }
0x7f: {  	p0 =	seq.s32 s25, $0x9000;
	_ =	swait.ge [sflag:s6], $0xFA0  }
0x80: {  	s23 =	simm.s32 @!p0 $0x7D;
	s7 =	sshra.s32 @!p0 s25, $0x2;
	[sflag:s6] =	ssyncset.done $0x0  }
0x81: {  	s21 =	simm.s32 @!p0 $0x2C00;
	s15 =	sadd.s32 @!p0 $0x400, s7;
	[sflag:s6] =	ssyncadd.s32 $0xFFFFF060  }
0x82: {  	[tilespmem:s21], [sflag:$0x1] =	stream.indirect.gather @!p0 [spmem:s2], $0x20, s15, s23, $0xb8;
	[tilespmem:$0x14900] =	vst v63  }
0x83: {  	s15 =	sadd.s32 @!p0 $0x480, s7;
	s21 =	simm.s32 @!p0 $0x3BA0  }
0x84: {  	[tilespmem:s21], [sflag:$0x1] =	stream.indirect.gather @!p0 [spmem:s2], $0x20, s15, s23, $0xb8;
	[tilespmem:$0x14900] =	vst v63  }
0x85: {  	s15 =	sadd.s32 @!p0 $0x500, s7;
	s21 =	simm.s32 @!p0 $0x4B40  }
0x86: {  	[tilespmem:s21], [sflag:$0x1] =	stream.indirect.gather @!p0 [spmem:s2], $0x20, s15, s23, $0xb8;
	[tilespmem:$0x14900] =	vst v63  }
0x87: {  	s7 =	sadd.s32 @!p0 $0x580, s7;
	s15 =	simm.s32 @!p0 $0x5AE0  }
0x88: {  	[tilespmem:s15], [sflag:$0x1] =	stream.indirect.gather @!p0 [spmem:s2], $0x20, s7, s23, $0xb8;
	[tilespmem:$0x14900] =	vst v63  }
0x89: {  	_ =	swait.ge [sflag:s9], $0x200  }
0x8a: {  	[sflag:s9] =	ssyncset.done $0x0  }
0x8b: {  	[sflag:s9] =	ssyncadd.s32 $0xFFFFFE00  }
0x8c: {  	_ =	swait.ge [sflag:s10], $0xFA0  }
0x8d: {  	[sflag:s10] =	ssyncset.done $0x0  }
0x8e: {  	[sflag:s10] =	ssyncadd.s32 $0xFFFFF060  }
0x8f: {  	_ =	swait.ge [sflag:s10], $0xFA0  }
0x90: {  	[sflag:s10] =	ssyncset.done $0x0  }
0x91: {  	[sflag:s10] =	ssyncadd.s32 $0xFFFFF060  }
0x92: {  	_ =	swait.ge [sflag:s10], $0xFA0  }
0x93: {  	[sflag:s10] =	ssyncset.done $0x0  }
0x94: {  	[sflag:s10] =	ssyncadd.s32 $0xFFFFF060  }
0x95: {  	_ =	swait.ge [sflag:s10], $0xFA0  }
0x96: {  	[sflag:s10] =	ssyncset.done $0x0  }
0x97: {  	[sflag:s10] =	ssyncadd.s32 $0xFFFFF060  }
0x98: {  	[spmem:s3] =	stream.indirect.scatter.add.f32 [tilespmem:s30], [sflag:$0x4], $0x20, s29, s19, $0xb8;
	[tilespmem:$0x14900] =	vst v63  }
0x99: {  	_ = 	snop  }
0x9a: {  	[spmem:s3] =	stream.indirect.scatter.add.f32 [tilespmem:s0], [sflag:$0x4], $0x20, s11, s19, $0xb8;
	[tilespmem:$0x14900] =	vst v63  }
0x9b: {  	_ = 	snop  }
0x9c: {  	[spmem:s3] =	stream.indirect.scatter.add.f32 [tilespmem:s20], [sflag:$0x4], $0x20, s12, s19, $0xb8;
	[tilespmem:$0x14900] =	vst v63  }
0x9d: {  	_ = 	snop  }
0x9e: {  	[spmem:s3] =	stream.indirect.scatter.add.f32 [tilespmem:s26], [sflag:$0x4], $0x20, s13, s19, $0xb8;
	[tilespmem:$0x14900] =	vst v63  }
0x9f: {  	_ =	swait.ge [sflag:s16], $0xFA0  }
0xa0: {  	[sflag:s16] =	ssyncset.done $0x0  }
0xa1: {  	[sflag:s16] =	ssyncadd.s32 $0xFFFFF060  }
0xa2: {  	_ =	swait.ge [sflag:s16], $0xFA0  }
0xa3: {  	[sflag:s16] =	ssyncset.done $0x0  }
0xa4: {  	[sflag:s16] =	ssyncadd.s32 $0xFFFFF060  }
0xa5: {  	_ =	swait.ge [sflag:s16], $0xFA0  }
.Ltmp3:
0xa6: {  	[sflag:s16] =	ssyncset.done $0x0;
	(pc) =	sbr.rel @p0 .LBB2_6-.Ltmp3, $4  }
0xa7: {  	[sflag:s16] =	ssyncadd.s32 $0xFFFFF060  }
0xa8: {  	_ =	swait.ge [sflag:s16], $0xFA0  }
0xa9: {  	[sflag:s16] =	ssyncset.done $0x0  }
0xaa: {  	[sflag:s16] =	ssyncadd.s32 $0xFFFFF060  }
0xab: {  	s7 =	sshra.s32 s25, $0x2  }
0xac: {  	s15 =	sadd.s32 $0x600, s7  }
0xad: {  	[tilespmem:s30], [sflag:$0x2] =	stream.indirect.gather [spmem:s2], $0x20, s15, s19, $0xb8;
	[tilespmem:$0x14900] =	vst v63  }
0xae: {  	s23 =	sadd.s32 $0x680, s7  }
0xaf: {  	[tilespmem:s0], [sflag:$0x2] =	stream.indirect.gather [spmem:s2], $0x20, s23, s19, $0xb8;
	[tilespmem:$0x14900] =	vst v63  }
0xb0: {  	s21 =	sadd.s32 $0x700, s7  }
0xb1: {  	[tilespmem:s20], [sflag:$0x2] =	stream.indirect.gather [spmem:s2], $0x20, s21, s19, $0xb8;
	[tilespmem:$0x14900] =	vst v63  }
0xb2: {  	s7 =	sadd.s32 $0x780, s7  }
0xb3: {  	[tilespmem:s26], [sflag:$0x2] =	stream.indirect.gather [spmem:s2], $0x20, s7, s19, $0xb8;
	[tilespmem:$0x14900] =	vst v63  }
.Ltmp4:
0xb4: {  	s23 =	sadd.s32 $0x40, s8;
	(pc) =	sbr.rel .LBB2_4-.Ltmp4, $4  }
0xb5: {  	[tilespmem:s18], [sflag:$0x6] =	stream.linear.gather [hbm4b:s23+s4], $0x200, $0x38;
	[tilespmem:$0x14900] =	vst v63  }
0xb6: {  	_ =	swait.ge [sflag:s14], $0x200  }
0xb7: {  	[sflag:s14] =	ssyncset.done $0x0  }
0xb8: {  	s25 =	sadd.s32 $0x1000, s25;
	s8 =	sadd.s32 $0x80, s8;
	[sflag:s14] =	ssyncadd.s32 $0xFFFFFE00  }
.LBB2_7:
0xb9: {  	_ =	sfence.sel $0x180000  }
0xba: {  	[bflag:$0x0] =	sbarrier.arrive $0xFFFF  }
0xbb: {  	_ =	strace $0x9000004D  }
0xbc: {  	s0 =	stileid.u32;
	[bflag:$0x2] =	sbarrier.arrive $0xFFFF  }
0xbd: {  	p0 =	sne.s32 s0, $0x0;
	s0 =	rddreg [dreg:$0x3]  }
0xbe: {  	s0 =	sadd.s32 @!p0 $0x100000, s0  }
0xbf: {  	[sflag:s0] =	ssyncadd.tile.s32 @!p0 $0x1;
	_ =	shalt  }
.Lfunc_end2:
_tile_overlayer_lowered:
.L_overlay_start_2:
0xc0: {  	(tag) =	ssettag $0x2  }
0xc1: {  	s0 =	rddreg [dreg:$0x0];
	s2 =	stileid.u32  }
0xc2: {  	s1 =	rddreg [dreg:$0x1];
	p0 =	sne.s32 s2, $0x0  }
0xc3: {  	s3 =	rddreg [dreg:$0x2];
	[bflag:$0x3] =	sbarrier.arrive $0xFFFF;
	s2 =	simm.s32 @!p0 $0x1C06  }
0xc4: {  	[timem:s3], [sflag:s2] =	dma.local @!p0 [hbm:s0], s1  }
0xc5: {  	s0 =	simm.s32 @!p0 $0x6  }
0xc6: {  	_ =	swait.ge @!p0 [sflag:s0], s1  }
0xc7: {  	s1 =	ssub.s32 @!p0 $0x0, s1;
	[sflag:s0] =	ssyncset.done @!p0 $0x0  }
0xc8: {  	[sflag:s0] =	ssyncadd.s32 @!p0 s1  }
0xc9: {  	[bflag:$0x3] =	sbarrier.arrive $0xFFFF  }
0xca: {  	_ =	shalt  }

// kernel: kernel.19.cloned.1.call-start
scs
__scs_entry_jumppad:
0x0: {  	(pc) =	sbr.rel $0x88, $3  }
0x1: {  	(tag) =	ssettag $0x0;
	lr =	simm.s32 $0x1  }
0x2: {  	[smem:$0x3F98] =	sst lr;
	_ =	strace $0xD0000000  }
0x3: {  	_ = 	snop  }
0x4: {  	_ = 	snop  }
0x5: {  	_ = 	snop  }
0x6: {  	_ = 	snop  }
0x7: {  	_ = 	snop  }
__scs_overlays_trampoline_lowered:
0x8: {  	[smem:$0x3FA7] =	sst s0  }
0x9: {  	[smem:$0x3FA8] =	sst s1  }
0xa: {  	[smem:$0x3FA9] =	sst s2  }
0xb: {  	[smem:$0x3FAA] =	sst s3  }
0xc: {  	[smem:$0x3FAB] =	sst s4  }
0xd: {  	[smem:$0x3FAC] =	sst s5  }
0xe: {  	[smem:$0x3FAD] =	sst s6  }
0xf: {  	[smem:$0x3FAE] =	sst s7  }
0x10: {  	[smem:$0x3FAF] =	sst s8  }
0x11: {  	[smem:$0x3FB0] =	sst s9;
	s0 =	simm.s32 @!p0 $0x0  }
0x12: {  	s1 =	sld [smem:$0x3F96];
	s0 =	simm.s32 @p0 $0x1  }
0x13: {  	[smem:$0x3FB1] =	sst s0;
	s0 =	simm.s32 @!p1 $0x0  }
0x14: {  	s2 =	sld [smem:$0x3F95];
	s0 =	simm.s32 @p1 $0x1  }
0x15: {  	[smem:$0x3FB2] =	sst s0;
	s0 =	simm.s32 @!p2 $0x0  }
0x16: {  	s3 =	sld [smem:$0x3FDB];
	s0 =	simm.s32 @p2 $0x1  }
0x17: {  	s4 =	simm.s32 $0x1BF5;
	[smem:$0x3FB4] =	sst s0  }
0x18: {  	s0 =	sld [smem:$0x3F97];
	_ =	swait.ge [sflag:s4], $0x0  }
0x19: {  	s7 =	sld [smem:$0x3F98]  }
0x1a: {  	s8 =	sadd.s32 $0xFFFFE003, lr  }
0x1b: {  	s9 =	sadd.s32 $0xFFFFFEF7, lr;
	s5 =	simm.s32 $0xFFFFFFFF;
	p2 =	slt.u32 s8, $0xFFFFF086  }
0x1c: {  	p1 =	slt.u32 s9, $0xF7A;
	s5 =	simm.s32 @!p2 $0x0  }
0x1d: {  	s5 =	simm.s32 @p1 $0x1;
	p0 =	seq.s32 s7, s2  }
0x1e: {  	s7 =	smul.u32 @!p0 $0xF7A, s2;
	p2 =	seq.s32 @!p0 s5, $0x0  }
0x1f: {  	s9 =	smul.u32 $0xF7A, s1;
	s8 =	simm.s32 @!p0 $0x1BF5;
	p2 =	por !p2, p0  }
0x20: {  	[sflag:s8] =	ssyncset.s32 @!p0 $0xFFFFF086;
	s6 =	sadd.s32 @!p0 s3, s7;
	s7 =	simm.s32 @!p0 $0x108  }
0x21: {  	s3 =	sadd.s32 s3, s9;
	s6 =	sadd.s32 @!p0 $0x88, s6;
	s7 =	simm.s32 @p2 $0x1082  }
0x22: {  	[simem:s7], [sflag:s8] =	dma.local @!p0 [hbm:s6], $0xF7A  }
0x23: {  	s9 =	sor.u32 $0xD0000000, s2;
	s6 =	simm.s32 $0x108;
	_ =	swait.ge @!p0 [sflag:s8], $0x0  }
0x24: {  	s3 =	sadd.s32 $0x88, s3;
	s6 =	simm.s32 @!p1 $0x1082;
	[sflag:s4] =	ssyncset.s32 $0xFFFFF086  }
0x25: {  	[simem:s6], [sflag:s4] =	dma.local [hbm:s3], $0xF7A  }
0x26: {  	[smem:$0x3F98] =	sst s1;
	(tag) =	ssettag s2;
	_ =	strace s9  }
0x27: {  	s1 =	sld [smem:$0x3FA8]  }
0x28: {  	s2 =	sld [smem:$0x3FA9]  }
0x29: {  	s4 =	sld [smem:$0x3FAB]  }
0x2a: {  	p0 =	seq.s32 s5, $0x0;
	s5 =	sld [smem:$0x3FAC]  }
0x2b: {  	s6 =	sld [smem:$0x3FAD]  }
0x2c: {  	s7 =	sld [smem:$0x3FAE]  }
0x2d: {  	s3 =	simm.s32 $0x108;
	s8 =	sld [smem:$0x3FAF]  }
0x2e: {  	s3 =	simm.s32 @!p0 $0x1082;
	s9 =	sld [smem:$0x3FB0]  }
0x2f: {  	lr =	sadd.s32 s0, s3;
	s0 =	sld [smem:$0x3FA7]  }
0x30: {  	s3 =	sld [smem:$0x3FAA]  }
0x31: {  	[smem:$0x3FB3] =	sst s10  }
0x32: {  	s10 =	sld [smem:$0x3FB1];
	_ =	sdelay $0x3  }
0x33: {  	p0 =	seq.s32 s10, $0x1;
	s10 =	sld [smem:$0x3FB3];
	_ =	sdelay $0x3  }
0x34: {  	[smem:$0x3FB3] =	sst s10  }
0x35: {  	s10 =	sld [smem:$0x3FB2];
	_ =	sdelay $0x3  }
0x36: {  	p1 =	seq.s32 s10, $0x1;
	s10 =	sld [smem:$0x3FB3];
	_ =	sdelay $0x3  }
0x37: {  	[smem:$0x3FB3] =	sst s10  }
0x38: {  	s10 =	sld [smem:$0x3FB4]  }
0x39: {  	_ = 	snop;
	(pc) =	sbr.ind lr, $3  }
0x3a: {  	_ = 	snop  }
0x3b: {  	_ = 	snop  }
0x3c: {  	p2 =	seq.s32 s10, $0x1;
	s10 =	sld [smem:$0x3FB3]  }
0x3d: {  	_ =	shalt  }
0x3e: {  	_ =	shalt  }
0x3f: {  	_ =	shalt  }
0x40: {  	_ =	shalt  }
0x41: {  	_ =	shalt  }
0x42: {  	_ =	shalt  }
0x43: {  	_ =	shalt  }
0x44: {  	_ =	shalt  }
0x45: {  	_ =	shalt  }
0x46: {  	_ =	shalt  }
0x47: {  	_ =	shalt  }
0x48: {  	_ =	shalt  }
0x49: {  	_ =	shalt  }
0x4a: {  	_ =	shalt  }
0x4b: {  	_ =	shalt  }
0x4c: {  	_ =	shalt  }
0x4d: {  	_ =	shalt  }
0x4e: {  	_ =	shalt  }
0x4f: {  	_ =	shalt  }
0x50: {  	_ =	shalt  }
0x51: {  	_ =	shalt  }
0x52: {  	_ =	shalt  }
0x53: {  	_ =	shalt  }
0x54: {  	_ =	shalt  }
0x55: {  	_ =	shalt  }
0x56: {  	_ =	shalt  }
0x57: {  	_ =	shalt  }
0x58: {  	_ =	shalt  }
0x59: {  	_ =	shalt  }
0x5a: {  	_ =	shalt  }
0x5b: {  	_ =	shalt  }
0x5c: {  	_ =	shalt  }
0x5d: {  	_ =	shalt  }
0x5e: {  	_ =	shalt  }
0x5f: {  	_ =	shalt  }
0x60: {  	_ =	shalt  }
0x61: {  	_ =	shalt  }
0x62: {  	_ =	shalt  }
0x63: {  	_ =	shalt  }
0x64: {  	_ =	shalt  }
0x65: {  	_ =	shalt  }
0x66: {  	_ =	shalt  }
0x67: {  	_ =	shalt  }
0x68: {  	_ =	shalt  }
0x69: {  	_ =	shalt  }
0x6a: {  	_ =	shalt  }
0x6b: {  	_ =	shalt  }
0x6c: {  	_ =	shalt  }
0x6d: {  	_ =	shalt  }
0x6e: {  	_ =	shalt  }
0x6f: {  	_ =	shalt  }
0x70: {  	_ =	shalt  }
0x71: {  	_ =	shalt  }
0x72: {  	_ =	shalt  }
0x73: {  	_ =	shalt  }
0x74: {  	_ =	shalt  }
0x75: {  	_ =	shalt  }
0x76: {  	_ =	shalt  }
0x77: {  	_ =	shalt  }
0x78: {  	_ =	shalt  }
0x79: {  	_ =	shalt  }
0x7a: {  	_ =	shalt  }
0x7b: {  	_ =	shalt  }
0x7c: {  	_ =	shalt  }
0x7d: {  	_ =	shalt  }
0x7e: {  	_ =	shalt  }
0x7f: {  	_ =	shalt  }
0x80: {  	_ =	shalt  }
0x81: {  	_ =	shalt  }
0x82: {  	_ =	shalt  }
0x83: {  	_ =	shalt  }
0x84: {  	_ =	shalt  }
0x85: {  	_ =	shalt  }
0x86: {  	_ =	shalt  }
0x87: {  	_ =	shalt  }
.Lfunc_end0:
.L_simem_size_0:
called_computation.3_lowered:
.L_overlay_start_0:
0x88: {  	s2 =	sld [smem:$0x3FD9]  }
0x89: {  	s3 =	sld [smem:$0x3FFE];
	_ =	sdelay $0x1  }
0x8a: {  	s1 =	srdreg.scid  }
0x8b: {  	s0 =	sand.u32 $0x1, s1  }
0x8c: {  	s16 =	sshll.u32 s0, $0xA;
	s2 =	sadd.s32 s3, s2  }
0x8d: {  	s2 =	sadd.s32 s2, s16  }
0x8e: {  	[smem:$0x3FBF] =	sst s2  }
0x8f: {  	_ = 	snop  }
0x90: {  	(tm) =	ssettm $0x1  }
0x91: {  	s17 =	sld [smem:$0x3FFB];
	_ =	sdelay $0x3  }
0x92: {  	_ =	strace s17  }
0x93: {  	s2 =	sld [smem:$0x3FFC];
	_ =	sdelay $0x3  }
0x94: {  	_ =	strace s2  }
0x95: {  	s2 =	sld [smem:$0x3FFD];
	_ =	sdelay $0x3  }
0x96: {  	_ =	strace s2  }
0x97: {  	_ =	strace $0x8FFFFFFF  }
0x98: {  	s18 =	sld [smem:$0x3FDB];
	_ =	sdelay $0x1  }
0x99: {  	s19 =	simm.s32 $_scs_section_size  }
0x9a: {  	s4 =	simm.s32 $_size__tile_overlayer_lowered;
	s5 =	simm.s32 $_tile_overlayer_lowered  }
0x9b: {  	s22 =	simm.s32 $0x1BFF;
	s21 =	sshll.u32 s5, $0x1;
	s2 =	sadd.s32 s19, s18  }
0x9c: {  	s6 =	simm.s32 $0x0;
	s20 =	sshll.u32 s4, $0x1;
	s4 =	sadd.s32 s21, s2  }
0x9d: {  	[timem:s6], [sflag:s22] =	dma.local [hbm:s4], s20  }
0x9e: {  	_ =	swait.ge [sflag:s22], s20  }
0x9f: {  	s3 =	ssub.s32 $0x0, s20;
	[sflag:s22] =	ssyncset.done $0x0  }
0xa0: {  	[sflag:s22] =	ssyncadd.s32 s3;
	_ =	sdelay $0x1  }
0xa1: {  	s23 =	simm.s32 $0x1B8B  }
0xa2: {  	_ =	swait.ge [sflag:s23], $0x1  }
0xa3: {  	[sflag:s23] =	ssyncset.done $0x0  }
0xa4: {  	s25 =	simm.s32 $0x1B8E;
	s24 =	sld [smem:$0x3FFE];
	[sflag:s23] =	ssyncadd.s32 $0xFFFFFFFF  }
0xa5: {  	s26 =	simm.s32 $execute0_lowered;
	[smem:$0x3FD2] =	sst s25  }
0xa6: {  	s4 =	sshll.u32 s26, $0x1;
	_ =	strace $0x8000004F;
	[dreg:$0x1] =	wrdreg $0xFFFFFFFF  }
0xa7: {  	s28 =	simm.s32 $_size_execute0_lowered;
	s2 =	sadd.s32 s2, s4;
	[dreg:$0x0] =	wrdreg $0x0  }
0xa8: {  	s4 =	sshll.u32 s28, $0x1;
	[dreg:$0x2] =	wrdreg s2  }
0xa9: {  	[dreg:$0x3] =	wrdreg s4  }
0xaa: {  	[dreg:$0x4] =	wrdreg $0xC0  }
0xab: {  	_ =	task [dreg:s6], $0x5FFFF  }
0xac: {  	[dreg:$0x1] =	wrdreg $0xFFFFFFFF  }
0xad: {  	[dreg:$0x0] =	wrdreg $0x60  }
0xae: {  	[dreg:$0x2] =	wrdreg s24  }
0xaf: {  	[dreg:$0x3] =	wrdreg $0x92800  }
0xb0: {  	[dreg:$0x4] =	wrdreg $0x6A800  }
0xb1: {  	[dreg:$0x5] =	wrdreg $0x9  }
0xb2: {  	_ =	task.clear_ibuf [dreg:s6], $0x6FFFF;
	_ =	strace $0x9000004F  }
0xb3: {  	s29 =	simm.s32 $0x9;
	_ =	strace $0x80000051  }
0xb4: {  	_ =	swait.ge [sflag:s29], $0x1  }
0xb5: {  	[sflag:s29] =	ssyncadd.s32 $0xFFFFFFFF  }
0xb6: {  	_ =	strace $0x90000051  }
0xb7: {  	_ =	sfence  }
0xb8: {  	s30 =	sld [smem:$0x0];
	_ =	sdelay $0x2  }
0xb9: {  	s31 =	sshll.u32 s1, $0xD;
	s1 =	sshrl.u32 s1, $0x2  }
0xba: {  	s3 =	sand.u32 $0x4000, s31;
	s1 =	sadd.s32 s1, s30  }
0xbb: {  	s0 =	sor.u32 s3, s0;
	s1 =	sshll.u32 s1, $0x11  }
0xbc: {  	s0 =	sor.u32 s1, s0  }
0xbd: {  	s0 =	sadd.s32 $0x8F2B, s0  }
0xbe: {  	[sflag:s0] =	ssyncadd.remote.s32 $0x1  }
0xbf: {  	_ =	sfence.sel $0xFFFF  }
0xc0: {  	[dreg:$0x0] =	wrdreg $0xFFFFFFFF;
	(pc) =	sbr.abs _section_cstart, $3  }
0xc1: {  	[dreg:$0x1] =	wrdreg $0xFFFFFFFF  }
0xc2: {  	_ =	task.clear_ibuf [dreg:s6], $0x2FFFF;
	_ =	strace $0x9FFFFFFF  }
0xc3: {  	(tm) =	ssettm $0x7FFFFFFF  }
tec
execute0_lowered:
.L_overlay_start_1:
0x0: {  	(tag) =	ssettag $0x1  }
0x1: {  	s0 =	rddreg [dreg:$0x0]  }
0x2: {  	s2 =	rddreg [dreg:$0x1]  }
0x3: {  	s3 =	rddreg [dreg:$0x2];
	s4 =	simm.s32 $0x0;
	s12 =	stileid.u32  }
0x4: {  	s1 =	srdreg.scid;
	s14 =	simm.s32 $0x6;
	s28 =	simm.s32 $0x4370  }
0x5: {  	s30 =	simm.s32 $0x4B40;
	s29 =	simm.s32 $0x2A00;
	s31 =	simm.s32 $0x1  }
0x6: {  	s13 =	simm.s32 $0x2B80;
	s16 =	simm.s32 $0x4;
	s5 =	smul.u32 $0x2800, s12  }
0x7: {  	s1 =	sand.u32 $0x1, s1;
	s6 =	sshll.u32 s12, $0x1;
	[smem:$0x7FF] =	sst s4  }
0x8: {  	s11 =	smul.u32 $0xA000, s12;
	s24 =	sshll.u32 s12, $0x6;
	s12 =	simm.s32 $0x2B00  }
0x9: {  	s6 =	sor.u32 s1, s6;
	_ =	strace $0x80000050;
	s9 =	smul.u32 $0x5000, s1  }
0xa: {  	s1 =	ssub.s32 $0x2, s1;
	s15 =	sor.u32 $0x1C06, s24;
	s24 =	simm.s32 $0x3BA0  }
0xb: {  	s8 =	sshrl.u32 s5, $0x3;
	s6 =	smul.u32 $0x500, s6;
	s10 =	sshrl.u32 s1, $0x1  }
0xc: {  	s18 =	sadd.s32 s5, s2;
	s19 =	sshrl.u32 s11, $0x2;
	s5 =	sadd.s32 s5, s3  }
0xd: {  	s11 =	simm.s32 $0x2A80;
	[dreg:$0xd] =	wrdreg s15;
	s7 =	sadd.s32 s8, s0  }
0xe: {  	s1 =	ssub.s32 s1, s10;
	s20 =	sadd.s32 s19, s3;
	s25 =	sshrl.u32 s18, $0x3  }
0xf: {  	s18 =	simm.s32 $0x2800;
	s19 =	simm.s32 $0x7D;
	[dreg:$0x7] =	wrdreg s20  }
0x10: {  	s26 =	sshrl.u32 s5, $0x3;
	s5 =	simm.s32 $0x2980;
	[dreg:$0xe] =	wrdreg s25  }
0x11: {  	s10 =	simm.s32 $0x2;
	s7 =	sadd.s32 $0xC200, s7;
	[dreg:$0x10] =	wrdreg s26  }
0x12: {  	s6 =	sadd.s32 s6, s0;
	s1 =	smax.u32 s1, $0x1;
	[dreg:$0x5] =	wrdreg s7  }
0x13: {  	s0 =	sadd.s32 s9, s0;
	s21 =	sadd.s32 $0x800, s20;
	[dreg:$0x8] =	wrdreg s1  }
0x14: {  	s22 =	sadd.s32 $0x1000, s20;
	s23 =	sadd.s32 $0x1800, s20;
	[dreg:$0x9] =	wrdreg s21  }
0x15: {  	s26 =	simm.s32 $0x62B0;
	s9 =	simm.s32 $0x5;
	[dreg:$0xa] =	wrdreg s22  }
0x16: {  	s17 =	sadd.s32 $0x11400, s6;
	s6 =	sadd.s32 $0x2200, s6;
	[dreg:$0xb] =	wrdreg s23  }
.Ltmp0:
0x17: {  	s0 =	sadd.s32 $0x1B400, s0;
	[dreg:$0x4] =	wrdreg s17;
	(pc) =	sbr.rel .LBB2_1-.Ltmp0, $4  }
0x18: {  	s1 =	simm.s32 $0x2880;
	s22 =	simm.s32 $0x2900;
	[dreg:$0x6] =	wrdreg s6  }
0x19: {  	s6 =	sadd.s32 $0x2000, s20;
	s17 =	simm.s32 $0x2C00;
	s0 =	sadd.s32 s8, s0  }
0x1a: {  	s20 =	simm.s32 $0x5AE0;
	s8 =	simm.s32 $0x0;
	[dreg:$0xc] =	wrdreg s6  }
0x1b: {  	v0 =	vimm.f32 $0.0e+00;
	[dreg:$0xf] =	wrdreg s0;
	s0 =	simm.s32 $0x5310;
	s6 =	simm.s32 $0x3  }
.LBB2_6:
0x1c: {  	[bflag:$0x0] =	sbarrier.arrive $0xFFFF  }
0x1d: {  	s15 =	rddreg [dreg:$0xd]  }
0x1e: {  	s7 =	rddreg [dreg:$0xf]  }
0x1f: {  	s8 =	rddreg [dreg:$0x10]  }
0x20: {  	[hbm:s7], [sflag:s15] =	dma.local [spmem:s8], $0x500  }
0x21: {  	_ =	swait.ge [sflag:s14], $0x500  }
0x22: {  	s23 =	rddreg [dreg:$0x11]  }
0x23: {  	s25 =	rddreg [dreg:$0x8];
	s8 =	sadd.s32 $0x1, s23  }
0x24: {  	p0 =	sne.s32 s8, s25  }
.Ltmp1:
0x25: {  	_ = 	snop;
	(pc) =	sbr.rel @!p0 .LBB2_7-.Ltmp1, $3  }
0x26: {  	_ =	sdelay $0x1  }
0x27: {  	[sflag:s14] =	ssyncset.done $0x0  }
0x28: {  	[sflag:s14] =	ssyncadd.s32 $0xFFFFFB00  }
.LBB2_1:
0x29: {  	[dreg:$0x11] =	wrdreg s8  }
0x2a: {  	s7 =	rddreg [dreg:$0x4]  }
0x2b: {  	[tilespmem:s4], [sflag:$0x6] =	stream.linear.gather [hbm4b:s7+s4], $0x2800, $0x38;
	[tilespmem:$0xBA80] =	vst v63  }
0x2c: {  	_ =	swait.ge [sflag:s14], $0x2800  }
0x2d: {  	[sflag:s14] =	ssyncset.done $0x0;
	s23 =	rddreg [dreg:$0x5]  }
0x2e: {  	s25 =	rddreg [dreg:$0xe];
	[sflag:s14] =	ssyncadd.s32 $0xFFFFD800  }
0x2f: {  	[spmem:s25], [sflag:s15] =	dma.local [hbm:s23], $0x500  }
0x30: {  	_ =	swait.ge [sflag:s14], $0x500  }
0x31: {  	[sflag:s14] =	ssyncset.done $0x0  }
0x32: {  	s8 =	simm.s32 $0x40;
	s25 =	simm.s32 $0x0;
	[sflag:s14] =	ssyncadd.s32 $0xFFFFFB00  }
.LBB2_2:
0x33: {  	p0 =	sne.s32 s8, $0x1FC0;
	[tilespmem:s25+$0x2C00] =	vst v0;
	s25 =	smov.u32 s8;
	s8 =	sadd.s32 $0x40, s8  }
.Ltmp2:
0x34: {  	(pc) =	sbr.rel @p0 .LBB2_2-.Ltmp2, $2  }
0x35: {  	_ =	sdelay $0x2  }
0x36: {  	s25 =	sshra.s32 s25, $0x2  }
0x37: {  	[tilespmem:s25+$0x2C00] =	vst v0;
	s7 =	rddreg [dreg:$0x7]  }
0x38: {  	[spmem:s7] =	stream.linear.scatter [tilespmem:s17], [sflag:$0x6], $0x800, $0x38;
	[tilespmem:$0xBA80] =	vst v63  }
0x39: {  	_ =	swait.ge [sflag:s14], $0x800  }
0x3a: {  	[sflag:s14] =	ssyncset.done $0x0  }
0x3b: {  	s21 =	rddreg [dreg:$0x9];
	[sflag:s14] =	ssyncadd.s32 $0xFFFFF800  }
0x3c: {  	[spmem:s21] =	stream.linear.scatter [tilespmem:s17], [sflag:$0x6], $0x800, $0x38;
	[tilespmem:$0xBA80] =	vst v63  }
0x3d: {  	_ =	swait.ge [sflag:s14], $0x800  }
0x3e: {  	[sflag:s14] =	ssyncset.done $0x0  }
0x3f: {  	s23 =	rddreg [dreg:$0xa];
	[sflag:s14] =	ssyncadd.s32 $0xFFFFF800  }
0x40: {  	[spmem:s23] =	stream.linear.scatter [tilespmem:s17], [sflag:$0x6], $0x800, $0x38;
	[tilespmem:$0xBA80] =	vst v63  }
0x41: {  	_ =	swait.ge [sflag:s14], $0x800  }
0x42: {  	[sflag:s14] =	ssyncset.done $0x0  }
0x43: {  	s25 =	rddreg [dreg:$0xb];
	[sflag:s14] =	ssyncadd.s32 $0xFFFFF800  }
0x44: {  	[spmem:s25] =	stream.linear.scatter [tilespmem:s17], [sflag:$0x6], $0x800, $0x38;
	[tilespmem:$0xBA80] =	vst v63  }
0x45: {  	_ =	swait.ge [sflag:s14], $0x800  }
0x46: {  	[sflag:s14] =	ssyncset.done $0x0  }
0x47: {  	s8 =	rddreg [dreg:$0xc];
	[sflag:s14] =	ssyncadd.s32 $0xFFFFF800  }
0x48: {  	[spmem:s8] =	stream.linear.scatter [tilespmem:s17], [sflag:$0x6], $0x800, $0x38;
	[tilespmem:$0xBA80] =	vst v63  }
0x49: {  	_ =	swait.ge [sflag:s14], $0x800  }
0x4a: {  	[sflag:s14] =	ssyncset.done $0x0  }
0x4b: {  	[sflag:s14] =	ssyncadd.s32 $0xFFFFF800  }
0x4c: {  	[bflag:$0x0] =	sbarrier.arrive $0xFFFF  }
0x4d: {  	s25 =	simm.s32 $0x0;
	s7 =	rddreg [dreg:$0x6]  }
0x4e: {  	[tilespmem:s18], [sflag:$0x6] =	stream.linear.gather [hbm4b:s7+s25], $0x200, $0x38;
	[tilespmem:$0xBA80] =	vst v63  }
0x4f: {  	_ =	swait.ge [sflag:s14], $0x200  }
0x50: {  	[sflag:s14] =	ssyncset.done $0x0  }
0x51: {  	[sflag:s14] =	ssyncadd.s32 $0xFFFFFE00  }
0x52: {  	[tilespmem:s17], [sflag:$0x1] =	stream.indirect.gather [spmem:s2], $0x10, s25, s19, $0xb8;
	[tilespmem:$0xBA80] =	vst v63  }
0x53: {  	s15 =	simm.s32 $0x33D0;
	s8 =	simm.s32 $0x80  }
0x54: {  	[tilespmem:s15], [sflag:$0x1] =	stream.indirect.gather [spmem:s2], $0x10, s8, s19, $0xb8;
	[tilespmem:$0xBA80] =	vst v63  }
0x55: {  	s15 =	simm.s32 $0x100  }
0x56: {  	[tilespmem:s24], [sflag:$0x1] =	stream.indirect.gather [spmem:s2], $0x10, s15, s19, $0xb8;
	[tilespmem:$0xBA80] =	vst v63  }
0x57: {  	s21 =	simm.s32 $0x180  }
0x58: {  	[tilespmem:s28], [sflag:$0x1] =	stream.indirect.gather [spmem:s2], $0x10, s21, s19, $0xb8;
	[tilespmem:$0xBA80] =	vst v63  }
0x59: {  	s23 =	simm.s32 $0x200  }
0x5a: {  	[tilespmem:s30], [sflag:$0x2] =	stream.indirect.gather [spmem:s2], $0x10, s23, s19, $0xb8;
	[tilespmem:$0xBA80] =	vst v63  }
0x5b: {  	s15 =	simm.s32 $0x280  }
0x5c: {  	[tilespmem:s0], [sflag:$0x2] =	stream.indirect.gather [spmem:s2], $0x10, s15, s19, $0xb8;
	[tilespmem:$0xBA80] =	vst v63  }
0x5d: {  	s21 =	simm.s32 $0x300  }
0x5e: {  	[tilespmem:s20], [sflag:$0x2] =	stream.indirect.gather [spmem:s2], $0x10, s21, s19, $0xb8;
	[tilespmem:$0xBA80] =	vst v63  }
0x5f: {  	s8 =	sadd.s32 $0x40, s7;
	s23 =	simm.s32 $0x380  }
0x60: {  	[tilespmem:s26], [sflag:$0x2] =	stream.indirect.gather [spmem:s2], $0x10, s23, s19, $0xb8;
	[tilespmem:$0xBA80] =	vst v63  }
.LBB2_4:
0x61: {  	[tilespmem:s29], [sflag:$0x5] =	stream.linear.gather [hbm4b:s8+s4], $0x200, $0x38;
	[tilespmem:$0xBA80] =	vst v63  }
0x62: {  	_ =	swait.ge [sflag:s31], $0x7D0  }
0x63: {  	[sflag:s31] =	ssyncset.done $0x0  }
0x64: {  	[sflag:s31] =	ssyncadd.s32 $0xFFFFF830  }
0x65: {  	_ =	swait.ge [sflag:s31], $0x7D0  }
0x66: {  	[sflag:s31] =	ssyncset.done $0x0  }
0x67: {  	[sflag:s31] =	ssyncadd.s32 $0xFFFFF830  }
0x68: {  	_ =	swait.ge [sflag:s31], $0x7D0  }
0x69: {  	[sflag:s31] =	ssyncset.done $0x0  }
0x6a: {  	[sflag:s31] =	ssyncadd.s32 $0xFFFFF830  }
0x6b: {  	_ =	swait.ge [sflag:s31], $0x7D0  }
0x6c: {  	[sflag:s31] =	ssyncset.done $0x0  }
0x6d: {  	[sflag:s31] =	ssyncadd.s32 $0xFFFFF830  }
0x6e: {  	[spmem:s3] =	stream.indirect.scatter.add.f32 [tilespmem:s17], [sflag:$0x3], $0x10, s18, s19, $0xb8;
	[tilespmem:$0xBA80] =	vst v63  }
0x6f: {  	s7 =	simm.s32 $0x33D0  }
0x70: {  	[spmem:s3] =	stream.indirect.scatter.add.f32 [tilespmem:s7], [sflag:$0x3], $0x10, s1, s19, $0xb8;
	[tilespmem:$0xBA80] =	vst v63  }
0x71: {  	_ = 	snop  }
0x72: {  	[spmem:s3] =	stream.indirect.scatter.add.f32 [tilespmem:s24], [sflag:$0x3], $0x10, s22, s19, $0xb8;
	[tilespmem:$0xBA80] =	vst v63  }
0x73: {  	_ = 	snop  }
0x74: {  	[spmem:s3] =	stream.indirect.scatter.add.f32 [tilespmem:s28], [sflag:$0x3], $0x10, s5, s19, $0xb8;
	[tilespmem:$0xBA80] =	vst v63  }
0x75: {  	_ =	swait.ge [sflag:s6], $0x7D0  }
0x76: {  	[sflag:s6] =	ssyncset.done $0x0  }
0x77: {  	[sflag:s6] =	ssyncadd.s32 $0xFFFFF830  }
0x78: {  	_ =	swait.ge [sflag:s6], $0x7D0  }
0x79: {  	[sflag:s6] =	ssyncset.done $0x0  }
0x7a: {  	[sflag:s6] =	ssyncadd.s32 $0xFFFFF830  }
0x7b: {  	_ =	swait.ge [sflag:s6], $0x7D0  }
0x7c: {  	[sflag:s6] =	ssyncset.done $0x0  }
0x7d: {  	[sflag:s6] =	ssyncadd.s32 $0xFFFFF830  }
0x7e: {  	p0 =	seq.s32 s25, $0x9000;
	_ =	swait.ge [sflag:s6], $0x7D0  }
0x7f: {  	s23 =	simm.s32 @!p0 $0x7D;
	s7 =	sshra.s32 @!p0 s25, $0x2;
	[sflag:s6] =	ssyncset.done $0x0  }
0x80: {  	s21 =	simm.s32 @!p0 $0x2C00;
	s15 =	sadd.s32 @!p0 $0x400, s7;
	[sflag:s6] =	ssyncadd.s32 $0xFFFFF830  }
0x81: {  	[tilespmem:s21], [sflag:$0x1] =	stream.indirect.gather @!p0 [spmem:s2], $0x10, s15, s23, $0xb8;
	[tilespmem:$0xBA80] =	vst v63  }
0x82: {  	s15 =	sadd.s32 @!p0 $0x480, s7;
	s21 =	simm.s32 @!p0 $0x33D0  }
0x83: {  	[tilespmem:s21], [sflag:$0x1] =	stream.indirect.gather @!p0 [spmem:s2], $0x10, s15, s23, $0xb8;
	[tilespmem:$0xBA80] =	vst v63  }
0x84: {  	s15 =	sadd.s32 @!p0 $0x500, s7;
	s21 =	simm.s32 @!p0 $0x3BA0  }
0x85: {  	[tilespmem:s21], [sflag:$0x1] =	stream.indirect.gather @!p0 [spmem:s2], $0x10, s15, s23, $0xb8;
	[tilespmem:$0xBA80] =	vst v63  }
0x86: {  	s7 =	sadd.s32 @!p0 $0x580, s7;
	s15 =	simm.s32 @!p0 $0x4370  }
0x87: {  	[tilespmem:s15], [sflag:$0x1] =	stream.indirect.gather @!p0 [spmem:s2], $0x10, s7, s23, $0xb8;
	[tilespmem:$0xBA80] =	vst v63  }
0x88: {  	_ =	swait.ge [sflag:s9], $0x200  }
0x89: {  	[sflag:s9] =	ssyncset.done $0x0  }
0x8a: {  	[sflag:s9] =	ssyncadd.s32 $0xFFFFFE00  }
0x8b: {  	_ =	swait.ge [sflag:s10], $0x7D0  }
0x8c: {  	[sflag:s10] =	ssyncset.done $0x0  }
0x8d: {  	[sflag:s10] =	ssyncadd.s32 $0xFFFFF830  }
0x8e: {  	_ =	swait.ge [sflag:s10], $0x7D0  }
0x8f: {  	[sflag:s10] =	ssyncset.done $0x0  }
0x90: {  	[sflag:s10] =	ssyncadd.s32 $0xFFFFF830  }
0x91: {  	_ =	swait.ge [sflag:s10], $0x7D0  }
0x92: {  	[sflag:s10] =	ssyncset.done $0x0  }
0x93: {  	[sflag:s10] =	ssyncadd.s32 $0xFFFFF830  }
0x94: {  	_ =	swait.ge [sflag:s10], $0x7D0  }
0x95: {  	[sflag:s10] =	ssyncset.done $0x0  }
0x96: {  	[sflag:s10] =	ssyncadd.s32 $0xFFFFF830  }
0x97: {  	[spmem:s3] =	stream.indirect.scatter.add.f32 [tilespmem:s30], [sflag:$0x4], $0x10, s29, s19, $0xb8;
	[tilespmem:$0xBA80] =	vst v63  }
0x98: {  	_ = 	snop  }
0x99: {  	[spmem:s3] =	stream.indirect.scatter.add.f32 [tilespmem:s0], [sflag:$0x4], $0x10, s11, s19, $0xb8;
	[tilespmem:$0xBA80] =	vst v63  }
0x9a: {  	_ = 	snop  }
0x9b: {  	[spmem:s3] =	stream.indirect.scatter.add.f32 [tilespmem:s20], [sflag:$0x4], $0x10, s12, s19, $0xb8;
	[tilespmem:$0xBA80] =	vst v63  }
0x9c: {  	_ = 	snop  }
0x9d: {  	[spmem:s3] =	stream.indirect.scatter.add.f32 [tilespmem:s26], [sflag:$0x4], $0x10, s13, s19, $0xb8;
	[tilespmem:$0xBA80] =	vst v63  }
0x9e: {  	_ =	swait.ge [sflag:s16], $0x7D0  }
0x9f: {  	[sflag:s16] =	ssyncset.done $0x0  }
0xa0: {  	[sflag:s16] =	ssyncadd.s32 $0xFFFFF830  }
0xa1: {  	_ =	swait.ge [sflag:s16], $0x7D0  }
0xa2: {  	[sflag:s16] =	ssyncset.done $0x0  }
0xa3: {  	[sflag:s16] =	ssyncadd.s32 $0xFFFFF830  }
0xa4: {  	_ =	swait.ge [sflag:s16], $0x7D0  }
.Ltmp3:
0xa5: {  	[sflag:s16] =	ssyncset.done $0x0;
	(pc) =	sbr.rel @p0 .LBB2_6-.Ltmp3, $4  }
0xa6: {  	[sflag:s16] =	ssyncadd.s32 $0xFFFFF830  }
0xa7: {  	_ =	swait.ge [sflag:s16], $0x7D0  }
0xa8: {  	[sflag:s16] =	ssyncset.done $0x0  }
0xa9: {  	[sflag:s16] =	ssyncadd.s32 $0xFFFFF830  }
0xaa: {  	s7 =	sshra.s32 s25, $0x2  }
0xab: {  	s15 =	sadd.s32 $0x600, s7  }
0xac: {  	[tilespmem:s30], [sflag:$0x2] =	stream.indirect.gather [spmem:s2], $0x10, s15, s19, $0xb8;
	[tilespmem:$0xBA80] =	vst v63  }
0xad: {  	s23 =	sadd.s32 $0x680, s7  }
0xae: {  	[tilespmem:s0], [sflag:$0x2] =	stream.indirect.gather [spmem:s2], $0x10, s23, s19, $0xb8;
	[tilespmem:$0xBA80] =	vst v63  }
0xaf: {  	s21 =	sadd.s32 $0x700, s7  }
0xb0: {  	[tilespmem:s20], [sflag:$0x2] =	stream.indirect.gather [spmem:s2], $0x10, s21, s19, $0xb8;
	[tilespmem:$0xBA80] =	vst v63  }
0xb1: {  	s7 =	sadd.s32 $0x780, s7  }
0xb2: {  	[tilespmem:s26], [sflag:$0x2] =	stream.indirect.gather [spmem:s2], $0x10, s7, s19, $0xb8;
	[tilespmem:$0xBA80] =	vst v63  }
.Ltmp4:
0xb3: {  	s23 =	sadd.s32 $0x40, s8;
	(pc) =	sbr.rel .LBB2_4-.Ltmp4, $4  }
0xb4: {  	[tilespmem:s18], [sflag:$0x6] =	stream.linear.gather [hbm4b:s23+s4], $0x200, $0x38;
	[tilespmem:$0xBA80] =	vst v63  }
0xb5: {  	_ =	swait.ge [sflag:s14], $0x200  }
0xb6: {  	[sflag:s14] =	ssyncset.done $0x0  }
0xb7: {  	s25 =	sadd.s32 $0x1000, s25;
	s8 =	sadd.s32 $0x80, s8;
	[sflag:s14] =	ssyncadd.s32 $0xFFFFFE00  }
.LBB2_7:
0xb8: {  	_ =	sfence.sel $0x180000  }
0xb9: {  	[bflag:$0x0] =	sbarrier.arrive $0xFFFF  }
0xba: {  	_ =	strace $0x90000050  }
0xbb: {  	s0 =	stileid.u32;
	[bflag:$0x2] =	sbarrier.arrive $0xFFFF  }
0xbc: {  	p0 =	sne.s32 s0, $0x0;
	s0 =	rddreg [dreg:$0x3]  }
0xbd: {  	s0 =	sadd.s32 @!p0 $0x100000, s0  }
0xbe: {  	[sflag:s0] =	ssyncadd.tile.s32 @!p0 $0x1;
	_ =	shalt  }
.Lfunc_end2:
_tile_overlayer_lowered:
.L_overlay_start_2:
0xbf: {  	(tag) =	ssettag $0x2  }
0xc0: {  	s0 =	rddreg [dreg:$0x0];
	s2 =	stileid.u32  }
0xc1: {  	s1 =	rddreg [dreg:$0x1];
	p0 =	sne.s32 s2, $0x0  }
0xc2: {  	s3 =	rddreg [dreg:$0x2];
	[bflag:$0x3] =	sbarrier.arrive $0xFFFF;
	s2 =	simm.s32 @!p0 $0x1C06  }
0xc3: {  	[timem:s3], [sflag:s2] =	dma.local @!p0 [hbm:s0], s1  }
0xc4: {  	s0 =	simm.s32 @!p0 $0x6  }
0xc5: {  	_ =	swait.ge @!p0 [sflag:s0], s1  }
0xc6: {  	s1 =	ssub.s32 @!p0 $0x0, s1;
	[sflag:s0] =	ssyncset.done @!p0 $0x0  }
0xc7: {  	[sflag:s0] =	ssyncadd.s32 @!p0 s1  }
0xc8: {  	[bflag:$0x3] =	sbarrier.arrive $0xFFFF  }
0xc9: {  	_ =	shalt  }

</sc_bundles>
